<compile_context>
chip_gen: v7x
topology: tpu7x:2x2x1
jax: 0.10.2.dev20260603
libtpu: 0.0.44.dev20260713+nightly
codegen_flags: <defaults>
</compile_context>

<pallas_src>
import functools

import jax
import jax.numpy as jnp
from jax import lax
from jax.experimental import pallas as pl
from jax.experimental.pallas import tpu as pltpu
from jax.experimental.pallas import tpu_sc as plsc

N = 10000
E = 320000
D = 128
H = 20
C = 10

NPAD = 10112
WP = 32
DUMMY = 10016
NC = 2
NS = 16
NW = NC * NS
CK = 128
CHUNK = 1024
NCHUNK = 20
HALF = NCHUNK // 2
ROWS_PER_TILE = NPAD // NS



def _mm_body(x_ref, w_ref, o_ref):
    o_ref[...] = jnp.dot(x_ref[...], w_ref[...],
                         preferred_element_type=jnp.float32)


def _layer_body(p_ref, agg_ref, b_ref, w_ref, o_ref):
    h = p_ref[...] + agg_ref[0] + agg_ref[1] + b_ref[...]
    h = jnp.maximum(h, 0.0)
    row = lax.broadcasted_iota(jnp.int32, (NPAD, WP), 0)
    h = jnp.where(row < N, h, 0.0)
    o_ref[...] = jnp.dot(h, w_ref[...], preferred_element_type=jnp.float32)


def _final_body(p_ref, agg_ref, b_ref, wl_ref, bl_ref, o_ref):
    h = p_ref[...] + agg_ref[0] + agg_ref[1] + b_ref[...]
    h = jnp.maximum(h, 0.0)
    row = lax.broadcasted_iota(jnp.int32, (NPAD, WP), 0)
    h = jnp.where(row < N, h, 0.0)
    mx = jnp.max(h, axis=0, keepdims=True)
    mn = jnp.sum(h, axis=0, keepdims=True) / float(N)
    inp = jnp.concatenate([mx, mn], axis=1)
    o_ref[...] = jnp.dot(inp, wl_ref[...],
                         preferred_element_type=jnp.float32) + bl_ref[...]


_mm1 = pl.pallas_call(
    _mm_body, out_shape=jax.ShapeDtypeStruct((NPAD, WP), jnp.float32))

_layer = pl.pallas_call(
    _layer_body, out_shape=jax.ShapeDtypeStruct((NPAD, WP), jnp.float32))

_final = pl.pallas_call(
    _final_body, out_shape=jax.ShapeDtypeStruct((1, 128), jnp.float32))



def _sc_agg_body(p_hbm, src_hbm, dst_hbm, out_hbm,
                 src_v, dst_v, rows_v, acc_sh, tbl_sh, gsem):
    c = lax.axis_index("c")
    s = lax.axis_index("s")

    sl = pl.ds(s * ROWS_PER_TILE, ROWS_PER_TILE)
    hl = pl.ds(c * HALF, HALF)
    pltpu.async_copy(src_hbm.at[s].at[hl], src_v, gsem.at[0])
    pltpu.async_copy(dst_hbm.at[s].at[hl], dst_v, gsem.at[1])
    pltpu.async_copy(p_hbm.at[sl], tbl_sh.at[sl], gsem.at[2])

    def zrow(r, _):
        rows_v[0, r, pl.ds(0, 16)] = jnp.zeros((16,), jnp.float32)
        rows_v[0, r, pl.ds(WP - 16, 16)] = jnp.zeros((16,), jnp.float32)
        return 0
    lax.fori_loop(0, ROWS_PER_TILE, zrow, 0)
    pltpu.sync_copy(rows_v.at[0].at[pl.ds(0, ROWS_PER_TILE)],
                    acc_sh.at[sl])
    pltpu.make_async_copy(src_hbm.at[s].at[hl], src_v, gsem.at[0]).wait()
    pltpu.make_async_copy(dst_hbm.at[s].at[hl], dst_v, gsem.at[1]).wait()
    pltpu.make_async_copy(p_hbm.at[sl], tbl_sh.at[sl], gsem.at[2]).wait()
    plsc.subcore_barrier()

    def run_chunks(ids):
        pltpu.async_copy(tbl_sh.at[src_v.at[ids[0]]], rows_v.at[0],
                         gsem.at[0])
        for j, m in enumerate(ids):
            b = j % 2
            pltpu.make_async_copy(tbl_sh.at[src_v.at[m]], rows_v.at[b],
                                  gsem.at[b]).wait()
            if j + 1 < len(ids):
                pltpu.async_copy(tbl_sh.at[src_v.at[ids[j + 1]]],
                                 rows_v.at[1 - b], gsem.at[1 - b])
            pltpu.sync_copy(rows_v.at[b], acc_sh.at[dst_v.at[m]], add=True)

    run_chunks(list(range(HALF)))
    plsc.subcore_barrier()

    pltpu.sync_copy(acc_sh.at[sl], out_hbm.at[c].at[sl])


_sc_agg = pl.kernel(
    _sc_agg_body,
    out_type=jax.ShapeDtypeStruct((NC, NPAD, WP), jnp.float32),
    mesh=plsc.VectorSubcoreMesh(core_axis_name="c", subcore_axis_name="s"),
    scratch_types=[
        pltpu.VMEM((HALF, CHUNK), jnp.int32),
        pltpu.VMEM((HALF, CHUNK), jnp.int32),
        pltpu.VMEM((2, CHUNK, WP), jnp.float32),
        pltpu.VMEM_SHARED((NPAD, WP), jnp.float32),
        pltpu.VMEM_SHARED((NPAD, WP), jnp.float32),
        pltpu.SemaphoreType.DMA((3,)),
    ],
    compiler_params=pltpu.CompilerParams(use_tc_tiling_on_sc=False),
)



def kernel(x, edge_index, W1, b1, W2, b2, W3, b3, Wl, bl):
    f32 = jnp.float32

    x_pad = jnp.zeros((NPAD, D), f32).at[:N].set(x)
    W1p = jnp.zeros((D, WP), f32).at[:, :H].set(W1)
    W2p = jnp.zeros((WP, WP), f32).at[:H, :H].set(W2)
    W3p = jnp.zeros((WP, WP), f32).at[:H, :H].set(W3)
    b1p = jnp.zeros((1, WP), f32).at[0, :H].set(b1)
    b2p = jnp.zeros((1, WP), f32).at[0, :H].set(b2)
    b3p = jnp.zeros((1, WP), f32).at[0, :H].set(b3)
    Wlp = (jnp.zeros((2 * WP, 128), f32)
           .at[:H, :C].set(Wl[:H])
           .at[WP:WP + H, :C].set(Wl[H:]))
    blp = jnp.zeros((1, 128), f32).at[0, :C].set(bl)

    EP = NS * NCHUNK * CHUNK
    srcp = jnp.full((EP,), DUMMY, jnp.int32).at[:E].set(
        edge_index[0]).reshape(NS, NCHUNK, CHUNK)
    dfill = (N + (jnp.arange(EP, dtype=jnp.int32) % (NPAD - N)))
    dstp = dfill.at[:E].set(edge_index[1]).reshape(NS, NCHUNK, CHUNK)

    p1 = _mm1(x_pad, W1p)
    a1 = _sc_agg(p1, srcp, dstp)
    p2 = _layer(p1, a1, b1p, W2p)
    a2 = _sc_agg(p2, srcp, dstp)
    p3 = _layer(p2, a2, b2p, W3p)
    a3 = _sc_agg(p3, srcp, dstp)
    out = _final(p3, a3, b3p, Wlp, blp)
    return out[:, :C]

# --- scband reference (transcript-rebuilt; emitter-appended) ---
"""Pipeline reference for scband-graph-gin-49744311222604 (READ-ONLY COPY).

The authoritative reference and input builder live on the scoring server;
editing this copy changes nothing except your own understanding.
"""

import jax, jax.numpy as jnp
import numpy as np

N = 10000
E = 320000
D = 128
H = 20
C = 10


def setup_inputs(seed: int = 0) -> dict:
    key = jax.random.key(seed)
    ks = jax.random.split(key, 12)
    x = jax.random.normal(ks[0], (N, D), dtype=jnp.float32)
    edge_index = jax.random.randint(ks[1], (2, E), 0, N, dtype=jnp.int32)
    def lin_init(k, fan_in, fan_out):
        k1, k2 = jax.random.split(k)
        bound = 1.0 / np.sqrt(fan_in)
        W = jax.random.uniform(k1, (fan_in, fan_out), minval=-bound, maxval=bound, dtype=jnp.float32)
        b = jax.random.uniform(k2, (fan_out,), minval=-bound, maxval=bound, dtype=jnp.float32)
        return W, b
    W1, b1 = lin_init(ks[2], D, H)
    W2, b2 = lin_init(ks[3], H, H)
    W3, b3 = lin_init(ks[4], H, H)
    Wl, bl = lin_init(ks[5], 2 * H, C)
    return {"x": x, "edge_index": edge_index, "W1": W1, "b1": b1, "W2": W2, "b2": b2, "W3": W3, "b3": b3, "Wl": Wl, "bl": bl}


def reference(x, edge_index, W1, b1, W2, b2, W3, b3, Wl, bl):
    src = edge_index[0]
    dst = edge_index[1]
    eps = 0.0

    def gin_conv(h, W, b):
        # sum-aggregate neighbor features at destination nodes (scatter-add)
        agg = jnp.zeros_like(h).at[dst].add(h[src])
        out = (1.0 + eps) * h + agg
        return out @ W + b

    h = jax.nn.relu(gin_conv(x, W1, b1))
    h = jax.nn.relu(gin_conv(h, W2, b2))
    h = jax.nn.relu(gin_conv(h, W3, b3))

    batch = jnp.zeros((h.shape[0],), dtype=jnp.int32)
    out_max = jax.ops.segment_max(h, batch, num_segments=1)
    out_mean = jax.ops.segment_sum(h, batch, num_segments=1) / jnp.asarray(h.shape[0], dtype=h.dtype)
    input_lin = jnp.concatenate([out_max, out_mean], axis=-1)
    return input_lin @ Wl + bl

if __name__ == "__main__":
    import jax
    _d = setup_inputs()
    print(jax.jit(kernel)(*tuple(_d.values())))

</pallas_src>

<mosaic_0001>
#map = affine_map<(d0, d1) -> (0, 0)>
#map1 = affine_map<(d0, d1) -> (0, 0, 0)>
module attributes {stable_mosaic.version = 14 : i64} {
  func.func @_sc_agg_body(%arg0: i32, %arg1: i32, %arg2: memref<10112x32xf32, #tpu.memory_space<hbm>>, %arg3: memref<16x20x1024xi32, #tpu.memory_space<hbm>>, %arg4: memref<16x20x1024xi32, #tpu.memory_space<hbm>>, %arg5: memref<2x10112x32xf32, #tpu.memory_space<hbm>>, %arg6: memref<10x1024xi32, #tpu.memory_space<vmem>>, %arg7: memref<10x1024xi32, #tpu.memory_space<vmem>>, %arg8: memref<2x1024x32xf32, #tpu.memory_space<vmem>>, %arg9: memref<10112x32xf32, #tpu.memory_space<vmem_shared>>, %arg10: memref<10112x32xf32, #tpu.memory_space<vmem_shared>>, %arg11: memref<3x!tpu.dma_semaphore, #tpu.memory_space<semaphore_mem>>) attributes {dimension_semantics = [#tpu.dimension_semantics<core_parallel>, #tpu.dimension_semantics<subcore_parallel>], iteration_bounds = array<i64: 2, 16>, scalar_prefetch = 0 : i64, scratch_operands = 6 : i64, tpu.core_type = #tpu.core_type<sc_vector_subcore>, window_params = [{transform_indices = #map}, {transform_indices = #map1}, {transform_indices = #map1}, {transform_indices = #map1}]} {
    %mul3A = arith.constant 632 : i32
    %mul3A_0 = arith.muli %arg1, %mul3A : i32
    %mul3A_1 = arith.constant 10 : i32
    %mul3A_2 = arith.muli %arg0, %mul3A_1 : i32
    %dma_start3A = arith.constant 0 : i32
    %dma_start3A_3 = arith.constant 0 : i32
    %dma_start3A_4 = arith.constant 0 : i32
    %dma_start3A_5 = tpu.memref_slice %arg3[%arg1, %dma_start3A_3, %dma_start3A_4] : memref<16x20x1024xi32, #tpu.memory_space<hbm>> -> memref<1x20x1024xi32, #tpu.memory_space<hbm>>
    %dma_start3A_6 = tpu.memref_squeeze %dma_start3A_5 : memref<1x20x1024xi32, #tpu.memory_space<hbm>> -> memref<20x1024xi32, #tpu.memory_space<hbm>>
    %dma_start3A_7 = arith.constant 0 : i32
    %dma_start3A_8 = tpu.memref_slice %dma_start3A_6[%mul3A_2, %dma_start3A_7] : memref<20x1024xi32, #tpu.memory_space<hbm>> -> memref<10x1024xi32, #tpu.memory_space<hbm>>
    %dma_start3A_9 = tpu.memref_slice %arg11[%dma_start3A] : memref<3x!tpu.dma_semaphore, #tpu.memory_space<semaphore_mem>> -> memref<1x!tpu.dma_semaphore, #tpu.memory_space<semaphore_mem>>
    %dma_start3A_10 = tpu.memref_squeeze %dma_start3A_9 : memref<1x!tpu.dma_semaphore, #tpu.memory_space<semaphore_mem>> -> memref<!tpu.dma_semaphore, #tpu.memory_space<semaphore_mem>>
    %dma_start3A_11 = arith.constant 0 : i32
    %dma_start3A_12 = arith.constant 0 : i32
    %dma_start3A_13 = tpu.memref_slice %arg3[%arg1, %dma_start3A_11, %dma_start3A_12] : memref<16x20x1024xi32, #tpu.memory_space<hbm>> -> memref<1x20x1024xi32, #tpu.memory_space<hbm>>
    %dma_start3A_14 = tpu.memref_squeeze %dma_start3A_13 : memref<1x20x1024xi32, #tpu.memory_space<hbm>> -> memref<20x1024xi32, #tpu.memory_space<hbm>>
    %dma_start3A_15 = arith.constant 0 : i32
    %dma_start3A_16 = tpu.memref_slice %dma_start3A_14[%mul3A_2, %dma_start3A_15] : memref<20x1024xi32, #tpu.memory_space<hbm>> -> memref<10x1024xi32, #tpu.memory_space<hbm>>
    tpu.enqueue_dma source(%dma_start3A_16 : memref<10x1024xi32, #tpu.memory_space<hbm>>) target(%arg6 : memref<10x1024xi32, #tpu.memory_space<vmem>>) target_semaphore(%dma_start3A_10 : memref<!tpu.dma_semaphore, #tpu.memory_space<semaphore_mem>>)
    %dma_start3A_17 = arith.constant 1 : i32
    %dma_start3A_18 = arith.constant 0 : i32
    %dma_start3A_19 = arith.constant 0 : i32
    %dma_start3A_20 = tpu.memref_slice %arg4[%arg1, %dma_start3A_18, %dma_start3A_19] : memref<16x20x1024xi32, #tpu.memory_space<hbm>> -> memref<1x20x1024xi32, #tpu.memory_space<hbm>>
    %dma_start3A_21 = tpu.memref_squeeze %dma_start3A_20 : memref<1x20x1024xi32, #tpu.memory_space<hbm>> -> memref<20x1024xi32, #tpu.memory_space<hbm>>
    %dma_start3A_22 = arith.constant 0 : i32
    %dma_start3A_23 = tpu.memref_slice %dma_start3A_21[%mul3A_2, %dma_start3A_22] : memref<20x1024xi32, #tpu.memory_space<hbm>> -> memref<10x1024xi32, #tpu.memory_space<hbm>>
    %dma_start3A_24 = tpu.memref_slice %arg11[%dma_start3A_17] : memref<3x!tpu.dma_semaphore, #tpu.memory_space<semaphore_mem>> -> memref<1x!tpu.dma_semaphore, #tpu.memory_space<semaphore_mem>>
    %dma_start3A_25 = tpu.memref_squeeze %dma_start3A_24 : memref<1x!tpu.dma_semaphore, #tpu.memory_space<semaphore_mem>> -> memref<!tpu.dma_semaphore, #tpu.memory_space<semaphore_mem>>
    %dma_start3A_26 = arith.constant 0 : i32
    %dma_start3A_27 = arith.constant 0 : i32
    %dma_start3A_28 = tpu.memref_slice %arg4[%arg1, %dma_start3A_26, %dma_start3A_27] : memref<16x20x1024xi32, #tpu.memory_space<hbm>> -> memref<1x20x1024xi32, #tpu.memory_space<hbm>>
    %dma_start3A_29 = tpu.memref_squeeze %dma_start3A_28 : memref<1x20x1024xi32, #tpu.memory_space<hbm>> -> memref<20x1024xi32, #tpu.memory_space<hbm>>
    %dma_start3A_30 = arith.constant 0 : i32
    %dma_start3A_31 = tpu.memref_slice %dma_start3A_29[%mul3A_2, %dma_start3A_30] : memref<20x1024xi32, #tpu.memory_space<hbm>> -> memref<10x1024xi32, #tpu.memory_space<hbm>>
    tpu.enqueue_dma source(%dma_start3A_31 : memref<10x1024xi32, #tpu.memory_space<hbm>>) target(%arg7 : memref<10x1024xi32, #tpu.memory_space<vmem>>) target_semaphore(%dma_start3A_25 : memref<!tpu.dma_semaphore, #tpu.memory_space<semaphore_mem>>)
    %dma_start3A_32 = arith.constant 2 : i32
    %dma_start3A_33 = tpu.memref_slice %arg11[%dma_start3A_32] : memref<3x!tpu.dma_semaphore, #tpu.memory_space<semaphore_mem>> -> memref<1x!tpu.dma_semaphore, #tpu.memory_space<semaphore_mem>>
    %dma_start3A_34 = tpu.memref_squeeze %dma_start3A_33 : memref<1x!tpu.dma_semaphore, #tpu.memory_space<semaphore_mem>> -> memref<!tpu.dma_semaphore, #tpu.memory_space<semaphore_mem>>
    %dma_start3A_35 = arith.constant 0 : i32
    %dma_start3A_36 = tpu.memref_slice %arg10[%mul3A_0, %dma_start3A_35] : memref<10112x32xf32, #tpu.memory_space<vmem_shared>> -> memref<632x32xf32, #tpu.memory_space<vmem_shared>>
    %dma_start3A_37 = arith.constant 0 : i32
    %dma_start3A_38 = tpu.memref_slice %arg2[%mul3A_0, %dma_start3A_37] : memref<10112x32xf32, #tpu.memory_space<hbm>> -> memref<632x32xf32, #tpu.memory_space<hbm>>
    tpu.enqueue_dma source(%dma_start3A_38 : memref<632x32xf32, #tpu.memory_space<hbm>>) target(%dma_start3A_36 : memref<632x32xf32, #tpu.memory_space<vmem_shared>>) target_semaphore(%dma_start3A_34 : memref<!tpu.dma_semaphore, #tpu.memory_space<semaphore_mem>>)
    %scan3A = arith.constant 0 : i32
    %scan3A_39 = arith.constant 0 : i32
    %scan3A_40 = arith.constant 632 : i32
    %scan3A_41 = arith.addi %scan3A_39, %scan3A_40 : i32
    %scan3A_42 = arith.constant 1 : i32
    %scan3A_43 = scf.for %scan3A_402 = %scan3A_39 to %scan3A_41 step %scan3A_42 iter_args(%scan3A_403 = %scan3A) -> (i32)  : i32 {
      %broadcast_in_dim3A = arith.constant 0.000000e+00 : f32
      %broadcast_in_dim3A_404 = vector.broadcast %broadcast_in_dim3A : f32 to vector<16xf32>
      %swap3A = arith.constant 0 : i32
      %swap3A_405 = arith.index_cast %swap3A : i32 to index
      %swap3A_406 = arith.index_cast %scan3A_402 : i32 to index
      %swap3A_407 = arith.constant 0 : index
      %swap3A_408 = tpu.vector_load %arg8[%swap3A_405, %swap3A_406, %swap3A_407] {strides = array<i32>} : memref<2x1024x32xf32, #tpu.memory_space<vmem>>, vector<1x1x16xf32>,
      %swap3A_409 = vector.shape_cast %swap3A_408 : vector<1x1x16xf32> to vector<16xf32>
      %swap3A_410 = vector.shape_cast %broadcast_in_dim3A_404 : vector<16xf32> to vector<1x1x16xf32>
      tpu.vector_store %arg8[%swap3A_405, %swap3A_406, %swap3A_407], %swap3A_410 {strides = array<i32>} : memref<2x1024x32xf32, #tpu.memory_space<vmem>>, vector<1x1x16xf32>,
      %broadcast_in_dim3A_411 = arith.constant 0.000000e+00 : f32
      %broadcast_in_dim3A_412 = vector.broadcast %broadcast_in_dim3A_411 : f32 to vector<16xf32>
      %swap3A_413 = arith.constant 0 : i32
      %swap3A_414 = arith.index_cast %swap3A_413 : i32 to index
      %swap3A_415 = arith.index_cast %scan3A_402 : i32 to index
      %swap3A_416 = arith.constant 16 : index
      %swap3A_417 = tpu.vector_load %arg8[%swap3A_414, %swap3A_415, %swap3A_416] {strides = array<i32>} : memref<2x1024x32xf32, #tpu.memory_space<vmem>>, vector<1x1x16xf32>,
      %swap3A_418 = vector.shape_cast %swap3A_417 : vector<1x1x16xf32> to vector<16xf32>
      %swap3A_419 = vector.shape_cast %broadcast_in_dim3A_412 : vector<16xf32> to vector<1x1x16xf32>
      tpu.vector_store %arg8[%swap3A_414, %swap3A_415, %swap3A_416], %swap3A_419 {strides = array<i32>} : memref<2x1024x32xf32, #tpu.memory_space<vmem>>, vector<1x1x16xf32>,
      %scan3A_420 = arith.constant 0 : i32
      scf.yield %scan3A_420 : i32
    }
    %scan3A_44 = arith.constant 632 : i32
    %run_scoped3A = arith.constant 0 : i32
    "tpu.region"() ({
      %run_scoped3A_402 = tpu.sem_alloc : memref<!tpu.dma_semaphore, #tpu.memory_space<semaphore_mem>>
      %dma_start3A_403 = arith.constant 0 : i32
      %dma_start3A_404 = arith.constant 0 : i32
      %dma_start3A_405 = tpu.memref_slice %arg8[%run_scoped3A, %dma_start3A_403, %dma_start3A_404] : memref<2x1024x32xf32, #tpu.memory_space<vmem>> -> memref<1x1024x32xf32, #tpu.memory_space<vmem>>
      %dma_start3A_406 = tpu.memref_squeeze %dma_start3A_405 : memref<1x1024x32xf32, #tpu.memory_space<vmem>> -> memref<1024x32xf32, #tpu.memory_space<vmem>>
      %dma_start3A_407 = arith.constant 0 : i32
      %dma_start3A_408 = arith.constant 0 : i32
      %dma_start3A_409 = tpu.memref_slice %dma_start3A_406[%dma_start3A_407, %dma_start3A_408] : memref<1024x32xf32, #tpu.memory_space<vmem>> -> memref<632x32xf32, #tpu.memory_space<vmem>>
      %dma_start3A_410 = arith.constant 0 : i32
      %dma_start3A_411 = tpu.memref_slice %arg9[%mul3A_0, %dma_start3A_410] : memref<10112x32xf32, #tpu.memory_space<vmem_shared>> -> memref<632x32xf32, #tpu.memory_space<vmem_shared>>
      %dma_start3A_412 = arith.constant 0 : i32
      %dma_start3A_413 = tpu.memref_slice %arg9[%mul3A_0, %dma_start3A_412] : memref<10112x32xf32, #tpu.memory_space<vmem_shared>> -> memref<632x32xf32, #tpu.memory_space<vmem_shared>>
      %dma_start3A_414 = arith.constant 0 : i32
      %dma_start3A_415 = arith.constant 0 : i32
      %dma_start3A_416 = tpu.memref_slice %arg8[%run_scoped3A, %dma_start3A_414, %dma_start3A_415] : memref<2x1024x32xf32, #tpu.memory_space<vmem>> -> memref<1x1024x32xf32, #tpu.memory_space<vmem>>
      %dma_start3A_417 = tpu.memref_squeeze %dma_start3A_416 : memref<1x1024x32xf32, #tpu.memory_space<vmem>> -> memref<1024x32xf32, #tpu.memory_space<vmem>>
      %dma_start3A_418 = arith.constant 0 : i32
      %dma_start3A_419 = arith.constant 0 : i32
      %dma_start3A_420 = tpu.memref_slice %dma_start3A_417[%dma_start3A_418, %dma_start3A_419] : memref<1024x32xf32, #tpu.memory_space<vmem>> -> memref<632x32xf32, #tpu.memory_space<vmem>>
      tpu.enqueue_dma source(%dma_start3A_420 : memref<632x32xf32, #tpu.memory_space<vmem>>) target(%dma_start3A_413 : memref<632x32xf32, #tpu.memory_space<vmem_shared>>) target_semaphore(%run_scoped3A_402 : memref<!tpu.dma_semaphore, #tpu.memory_space<semaphore_mem>>)
      %dma_wait3A_421 = arith.constant 0 : i32
      %dma_wait3A_422 = arith.constant 0 : i32
      %dma_wait3A_423 = tpu.memref_slice %arg8[%run_scoped3A, %dma_wait3A_421, %dma_wait3A_422] : memref<2x1024x32xf32, #tpu.memory_space<vmem>> -> memref<1x1024x32xf32, #tpu.memory_space<vmem>>
      %dma_wait3A_424 = tpu.memref_squeeze %dma_wait3A_423 : memref<1x1024x32xf32, #tpu.memory_space<vmem>> -> memref<1024x32xf32, #tpu.memory_space<vmem>>
      %dma_wait3A_425 = arith.constant 0 : i32
      %dma_wait3A_426 = arith.constant 0 : i32
      %dma_wait3A_427 = tpu.memref_slice %dma_wait3A_424[%dma_wait3A_425, %dma_wait3A_426] : memref<1024x32xf32, #tpu.memory_space<vmem>> -> memref<632x32xf32, #tpu.memory_space<vmem>>
      %dma_wait3A_428 = arith.constant 0 : i32
      %dma_wait3A_429 = tpu.memref_slice %arg9[%mul3A_0, %dma_wait3A_428] : memref<10112x32xf32, #tpu.memory_space<vmem_shared>> -> memref<632x32xf32, #tpu.memory_space<vmem_shared>>
      %dma_wait3A_430 = arith.constant 0 : i32
      %dma_wait3A_431 = tpu.memref_slice %arg9[%mul3A_0, %dma_wait3A_430] : memref<10112x32xf32, #tpu.memory_space<vmem_shared>> -> memref<632x32xf32, #tpu.memory_space<vmem_shared>>
      %dma_wait3A_432 = arith.constant 0 : i32
      %dma_wait3A_433 = arith.constant 0 : i32
      %dma_wait3A_434 = tpu.memref_slice %arg8[%run_scoped3A, %dma_wait3A_432, %dma_wait3A_433] : memref<2x1024x32xf32, #tpu.memory_space<vmem>> -> memref<1x1024x32xf32, #tpu.memory_space<vmem>>
      %dma_wait3A_435 = tpu.memref_squeeze %dma_wait3A_434 : memref<1x1024x32xf32, #tpu.memory_space<vmem>> -> memref<1024x32xf32, #tpu.memory_space<vmem>>
      %dma_wait3A_436 = arith.constant 0 : i32
      %dma_wait3A_437 = arith.constant 0 : i32
      %dma_wait3A_438 = tpu.memref_slice %dma_wait3A_435[%dma_wait3A_436, %dma_wait3A_437] : memref<1024x32xf32, #tpu.memory_space<vmem>> -> memref<632x32xf32, #tpu.memory_space<vmem>>
      tpu.wait_dma2 semaphore(%run_scoped3A_402 : memref<!tpu.dma_semaphore, #tpu.memory_space<semaphore_mem>>) src(%dma_wait3A_438 : memref<632x32xf32, #tpu.memory_space<vmem>>) dst(%dma_wait3A_431 : memref<632x32xf32, #tpu.memory_space<vmem_shared>>)
      tpu.yield
    }) : () -> ()
    %dma_wait3A = arith.constant 0 : i32
    %dma_wait3A_45 = arith.constant 0 : i32
    %dma_wait3A_46 = arith.constant 0 : i32
    %dma_wait3A_47 = tpu.memref_slice %arg3[%arg1, %dma_wait3A_45, %dma_wait3A_46] : memref<16x20x1024xi32, #tpu.memory_space<hbm>> -> memref<1x20x1024xi32, #tpu.memory_space<hbm>>
    %dma_wait3A_48 = tpu.memref_squeeze %dma_wait3A_47 : memref<1x20x1024xi32, #tpu.memory_space<hbm>> -> memref<20x1024xi32, #tpu.memory_space<hbm>>
    %dma_wait3A_49 = arith.constant 0 : i32
    %dma_wait3A_50 = tpu.memref_slice %dma_wait3A_48[%mul3A_2, %dma_wait3A_49] : memref<20x1024xi32, #tpu.memory_space<hbm>> -> memref<10x1024xi32, #tpu.memory_space<hbm>>
    %dma_wait3A_51 = tpu.memref_slice %arg11[%dma_wait3A] : memref<3x!tpu.dma_semaphore, #tpu.memory_space<semaphore_mem>> -> memref<1x!tpu.dma_semaphore, #tpu.memory_space<semaphore_mem>>
    %dma_wait3A_52 = tpu.memref_squeeze %dma_wait3A_51 : memref<1x!tpu.dma_semaphore, #tpu.memory_space<semaphore_mem>> -> memref<!tpu.dma_semaphore, #tpu.memory_space<semaphore_mem>>
    %dma_wait3A_53 = arith.constant 0 : i32
    %dma_wait3A_54 = arith.constant 0 : i32
    %dma_wait3A_55 = tpu.memref_slice %arg3[%arg1, %dma_wait3A_53, %dma_wait3A_54] : memref<16x20x1024xi32, #tpu.memory_space<hbm>> -> memref<1x20x1024xi32, #tpu.memory_space<hbm>>
    %dma_wait3A_56 = tpu.memref_squeeze %dma_wait3A_55 : memref<1x20x1024xi32, #tpu.memory_space<hbm>> -> memref<20x1024xi32, #tpu.memory_space<hbm>>
    %dma_wait3A_57 = arith.constant 0 : i32
    %dma_wait3A_58 = tpu.memref_slice %dma_wait3A_56[%mul3A_2, %dma_wait3A_57] : memref<20x1024xi32, #tpu.memory_space<hbm>> -> memref<10x1024xi32, #tpu.memory_space<hbm>>
    tpu.wait_dma2 semaphore(%dma_wait3A_52 : memref<!tpu.dma_semaphore, #tpu.memory_space<semaphore_mem>>) src(%dma_wait3A_58 : memref<10x1024xi32, #tpu.memory_space<hbm>>) dst(%arg6 : memref<10x1024xi32, #tpu.memory_space<vmem>>)
    %dma_wait3A_59 = arith.constant 1 : i32
    %dma_wait3A_60 = arith.constant 0 : i32
    %dma_wait3A_61 = arith.constant 0 : i32
    %dma_wait3A_62 = tpu.memref_slice %arg4[%arg1, %dma_wait3A_60, %dma_wait3A_61] : memref<16x20x1024xi32, #tpu.memory_space<hbm>> -> memref<1x20x1024xi32, #tpu.memory_space<hbm>>
    %dma_wait3A_63 = tpu.memref_squeeze %dma_wait3A_62 : memref<1x20x1024xi32, #tpu.memory_space<hbm>> -> memref<20x1024xi32, #tpu.memory_space<hbm>>
    %dma_wait3A_64 = arith.constant 0 : i32
    %dma_wait3A_65 = tpu.memref_slice %dma_wait3A_63[%mul3A_2, %dma_wait3A_64] : memref<20x1024xi32, #tpu.memory_space<hbm>> -> memref<10x1024xi32, #tpu.memory_space<hbm>>
    %dma_wait3A_66 = tpu.memref_slice %arg11[%dma_wait3A_59] : memref<3x!tpu.dma_semaphore, #tpu.memory_space<semaphore_mem>> -> memref<1x!tpu.dma_semaphore, #tpu.memory_space<semaphore_mem>>
    %dma_wait3A_67 = tpu.memref_squeeze %dma_wait3A_66 : memref<1x!tpu.dma_semaphore, #tpu.memory_space<semaphore_mem>> -> memref<!tpu.dma_semaphore, #tpu.memory_space<semaphore_mem>>
    %dma_wait3A_68 = arith.constant 0 : i32
    %dma_wait3A_69 = arith.constant 0 : i32
    %dma_wait3A_70 = tpu.memref_slice %arg4[%arg1, %dma_wait3A_68, %dma_wait3A_69] : memref<16x20x1024xi32, #tpu.memory_space<hbm>> -> memref<1x20x1024xi32, #tpu.memory_space<hbm>>
    %dma_wait3A_71 = tpu.memref_squeeze %dma_wait3A_70 : memref<1x20x1024xi32, #tpu.memory_space<hbm>> -> memref<20x1024xi32, #tpu.memory_space<hbm>>
    %dma_wait3A_72 = arith.constant 0 : i32
    %dma_wait3A_73 = tpu.memref_slice %dma_wait3A_71[%mul3A_2, %dma_wait3A_72] : memref<20x1024xi32, #tpu.memory_space<hbm>> -> memref<10x1024xi32, #tpu.memory_space<hbm>>
    tpu.wait_dma2 semaphore(%dma_wait3A_67 : memref<!tpu.dma_semaphore, #tpu.memory_space<semaphore_mem>>) src(%dma_wait3A_73 : memref<10x1024xi32, #tpu.memory_space<hbm>>) dst(%arg7 : memref<10x1024xi32, #tpu.memory_space<vmem>>)
    %dma_wait3A_74 = arith.constant 2 : i32
    %dma_wait3A_75 = tpu.memref_slice %arg11[%dma_wait3A_74] : memref<3x!tpu.dma_semaphore, #tpu.memory_space<semaphore_mem>> -> memref<1x!tpu.dma_semaphore, #tpu.memory_space<semaphore_mem>>
    %dma_wait3A_76 = tpu.memref_squeeze %dma_wait3A_75 : memref<1x!tpu.dma_semaphore, #tpu.memory_space<semaphore_mem>> -> memref<!tpu.dma_semaphore, #tpu.memory_space<semaphore_mem>>
    %dma_wait3A_77 = arith.constant 0 : i32
    %dma_wait3A_78 = tpu.memref_slice %arg10[%mul3A_0, %dma_wait3A_77] : memref<10112x32xf32, #tpu.memory_space<vmem_shared>> -> memref<632x32xf32, #tpu.memory_space<vmem_shared>>
    %dma_wait3A_79 = arith.constant 0 : i32
    %dma_wait3A_80 = tpu.memref_slice %arg2[%mul3A_0, %dma_wait3A_79] : memref<10112x32xf32, #tpu.memory_space<hbm>> -> memref<632x32xf32, #tpu.memory_space<hbm>>
    tpu.wait_dma2 semaphore(%dma_wait3A_76 : memref<!tpu.dma_semaphore, #tpu.memory_space<semaphore_mem>>) src(%dma_wait3A_80 : memref<632x32xf32, #tpu.memory_space<hbm>>) dst(%dma_wait3A_78 : memref<632x32xf32, #tpu.memory_space<vmem_shared>>)
    %barrier3A = arith.constant 0 : index
    tpu.barrier barrier_id(%barrier3A)
    %dma_start3A_81 = arith.constant 0 : i32
    %dma_start3A_82 = arith.constant 0 : i32
    %dma_start3A_83 = arith.constant 0 : i32
    %dma_start3A_84 = arith.constant 0 : i32
    %dma_start3A_85 = arith.constant 0 : i32
    %dma_start3A_86 = tpu.memref_slice %arg8[%dma_start3A_82, %dma_start3A_84, %dma_start3A_85] : memref<2x1024x32xf32, #tpu.memory_space<vmem>> -> memref<1x1024x32xf32, #tpu.memory_space<vmem>>
    %dma_start3A_87 = tpu.memref_squeeze %dma_start3A_86 : memref<1x1024x32xf32, #tpu.memory_space<vmem>> -> memref<1024x32xf32, #tpu.memory_space<vmem>>
    %dma_start3A_88 = arith.constant 0 : i32
    %dma_start3A_89 = tpu.memref_slice %arg6[%dma_start3A_81, %dma_start3A_88] : memref<10x1024xi32, #tpu.memory_space<vmem>> -> memref<1x1024xi32, #tpu.memory_space<vmem>>
    %dma_start3A_90 = tpu.memref_squeeze %dma_start3A_89 : memref<1x1024xi32, #tpu.memory_space<vmem>> -> memref<1024xi32, #tpu.memory_space<vmem>>
    %dma_start3A_91 = arith.constant 0 : i32
    %dma_start3A_92 = arith.constant 0 : i32
    %dma_start3A_93 = tpu.memref_slice %arg10[%dma_start3A_91, %dma_start3A_92] : memref<10112x32xf32, #tpu.memory_space<vmem_shared>> -> memref<10112x32xf32, #tpu.memory_space<vmem_shared>>
    %dma_start3A_94 = tpu.memref_slice %arg11[%dma_start3A_83] : memref<3x!tpu.dma_semaphore, #tpu.memory_space<semaphore_mem>> -> memref<1x!tpu.dma_semaphore, #tpu.memory_space<semaphore_mem>>
    %dma_start3A_95 = tpu.memref_squeeze %dma_start3A_94 : memref<1x!tpu.dma_semaphore, #tpu.memory_space<semaphore_mem>> -> memref<!tpu.dma_semaphore, #tpu.memory_space<semaphore_mem>>
    tpu.enqueue_indirect_dma source(%dma_start3A_93 : memref<10112x32xf32, #tpu.memory_space<vmem_shared>>) target(%dma_start3A_87 : memref<1024x32xf32, #tpu.memory_space<vmem>>) offsets(%dma_start3A_90 : memref<1024xi32, #tpu.memory_space<vmem>>) semaphore(%dma_start3A_95 : memref<!tpu.dma_semaphore, #tpu.memory_space<semaphore_mem>>)
    %dma_wait3A_96 = arith.constant 0 : i32
    %dma_wait3A_97 = arith.constant 0 : i32
    %dma_wait3A_98 = arith.constant 0 : i32
    %dma_wait3A_99 = arith.constant 0 : i32
    %dma_wait3A_100 = arith.constant 0 : i32
    %dma_wait3A_101 = tpu.memref_slice %arg8[%dma_wait3A_97, %dma_wait3A_99, %dma_wait3A_100] : memref<2x1024x32xf32, #tpu.memory_space<vmem>> -> memref<1x1024x32xf32, #tpu.memory_space<vmem>>
    %dma_wait3A_102 = tpu.memref_squeeze %dma_wait3A_101 : memref<1x1024x32xf32, #tpu.memory_space<vmem>> -> memref<1024x32xf32, #tpu.memory_space<vmem>>
    %dma_wait3A_103 = arith.constant 0 : i32
    %dma_wait3A_104 = tpu.memref_slice %arg6[%dma_wait3A_96, %dma_wait3A_103] : memref<10x1024xi32, #tpu.memory_space<vmem>> -> memref<1x1024xi32, #tpu.memory_space<vmem>>
    %dma_wait3A_105 = tpu.memref_squeeze %dma_wait3A_104 : memref<1x1024xi32, #tpu.memory_space<vmem>> -> memref<1024xi32, #tpu.memory_space<vmem>>
    %dma_wait3A_106 = arith.constant 0 : i32
    %dma_wait3A_107 = arith.constant 0 : i32
    %dma_wait3A_108 = tpu.memref_slice %arg10[%dma_wait3A_106, %dma_wait3A_107] : memref<10112x32xf32, #tpu.memory_space<vmem_shared>> -> memref<10112x32xf32, #tpu.memory_space<vmem_shared>>
    %dma_wait3A_109 = tpu.memref_slice %arg11[%dma_wait3A_98] : memref<3x!tpu.dma_semaphore, #tpu.memory_space<semaphore_mem>> -> memref<1x!tpu.dma_semaphore, #tpu.memory_space<semaphore_mem>>
    %dma_wait3A_110 = tpu.memref_squeeze %dma_wait3A_109 : memref<1x!tpu.dma_semaphore, #tpu.memory_space<semaphore_mem>> -> memref<!tpu.dma_semaphore, #tpu.memory_space<semaphore_mem>>
    tpu.wait_indirect_dma semaphore(%dma_wait3A_110 : memref<!tpu.dma_semaphore, #tpu.memory_space<semaphore_mem>>) src(%dma_wait3A_108 : memref<10112x32xf32, #tpu.memory_space<vmem_shared>>) dst(%dma_wait3A_102 : memref<1024x32xf32, #tpu.memory_space<vmem>>)
    %dma_start3A_111 = arith.constant 1 : i32
    %dma_start3A_112 = arith.constant 1 : i32
    %dma_start3A_113 = arith.constant 1 : i32
    %dma_start3A_114 = arith.constant 0 : i32
    %dma_start3A_115 = arith.constant 0 : i32
    %dma_start3A_116 = tpu.memref_slice %arg8[%dma_start3A_112, %dma_start3A_114, %dma_start3A_115] : memref<2x1024x32xf32, #tpu.memory_space<vmem>> -> memref<1x1024x32xf32, #tpu.memory_space<vmem>>
    %dma_start3A_117 = tpu.memref_squeeze %dma_start3A_116 : memref<1x1024x32xf32, #tpu.memory_space<vmem>> -> memref<1024x32xf32, #tpu.memory_space<vmem>>
    %dma_start3A_118 = arith.constant 0 : i32
    %dma_start3A_119 = tpu.memref_slice %arg6[%dma_start3A_111, %dma_start3A_118] : memref<10x1024xi32, #tpu.memory_space<vmem>> -> memref<1x1024xi32, #tpu.memory_space<vmem>>
    %dma_start3A_120 = tpu.memref_squeeze %dma_start3A_119 : memref<1x1024xi32, #tpu.memory_space<vmem>> -> memref<1024xi32, #tpu.memory_space<vmem>>
    %dma_start3A_121 = arith.constant 0 : i32
    %dma_start3A_122 = arith.constant 0 : i32
    %dma_start3A_123 = tpu.memref_slice %arg10[%dma_start3A_121, %dma_start3A_122] : memref<10112x32xf32, #tpu.memory_space<vmem_shared>> -> memref<10112x32xf32, #tpu.memory_space<vmem_shared>>
    %dma_start3A_124 = tpu.memref_slice %arg11[%dma_start3A_113] : memref<3x!tpu.dma_semaphore, #tpu.memory_space<semaphore_mem>> -> memref<1x!tpu.dma_semaphore, #tpu.memory_space<semaphore_mem>>
    %dma_start3A_125 = tpu.memref_squeeze %dma_start3A_124 : memref<1x!tpu.dma_semaphore, #tpu.memory_space<semaphore_mem>> -> memref<!tpu.dma_semaphore, #tpu.memory_space<semaphore_mem>>
    tpu.enqueue_indirect_dma source(%dma_start3A_123 : memref<10112x32xf32, #tpu.memory_space<vmem_shared>>) target(%dma_start3A_117 : memref<1024x32xf32, #tpu.memory_space<vmem>>) offsets(%dma_start3A_120 : memref<1024xi32, #tpu.memory_space<vmem>>) semaphore(%dma_start3A_125 : memref<!tpu.dma_semaphore, #tpu.memory_space<semaphore_mem>>)
    %run_scoped3A_126 = arith.constant 0 : i32
    %run_scoped3A_127 = arith.constant 0 : i32
    "tpu.region"() ({
      %run_scoped3A_402 = tpu.sem_alloc : memref<!tpu.dma_semaphore, #tpu.memory_space<semaphore_mem>>
      %dma_start3A_403 = arith.constant 0 : i32
      %dma_start3A_404 = arith.constant 0 : i32
      %dma_start3A_405 = tpu.memref_slice %arg8[%run_scoped3A_126, %dma_start3A_403, %dma_start3A_404] : memref<2x1024x32xf32, #tpu.memory_space<vmem>> -> memref<1x1024x32xf32, #tpu.memory_space<vmem>>
      %dma_start3A_406 = tpu.memref_squeeze %dma_start3A_405 : memref<1x1024x32xf32, #tpu.memory_space<vmem>> -> memref<1024x32xf32, #tpu.memory_space<vmem>>
      %dma_start3A_407 = arith.constant 0 : i32
      %dma_start3A_408 = tpu.memref_slice %arg7[%run_scoped3A_127, %dma_start3A_407] : memref<10x1024xi32, #tpu.memory_space<vmem>> -> memref<1x1024xi32, #tpu.memory_space<vmem>>
      %dma_start3A_409 = tpu.memref_squeeze %dma_start3A_408 : memref<1x1024xi32, #tpu.memory_space<vmem>> -> memref<1024xi32, #tpu.memory_space<vmem>>
      %dma_start3A_410 = arith.constant 0 : i32
      %dma_start3A_411 = arith.constant 0 : i32
      %dma_start3A_412 = tpu.memref_slice %arg9[%dma_start3A_410, %dma_start3A_411] : memref<10112x32xf32, #tpu.memory_space<vmem_shared>> -> memref<10112x32xf32, #tpu.memory_space<vmem_shared>>
      tpu.enqueue_indirect_dma source(%dma_start3A_406 : memref<1024x32xf32, #tpu.memory_space<vmem>>) target(%dma_start3A_412 : memref<10112x32xf32, #tpu.memory_space<vmem_shared>>) offsets(%dma_start3A_409 : memref<1024xi32, #tpu.memory_space<vmem>>) semaphore(%run_scoped3A_402 : memref<!tpu.dma_semaphore, #tpu.memory_space<semaphore_mem>>) {add = true}
      %dma_wait3A_413 = arith.constant 0 : i32
      %dma_wait3A_414 = arith.constant 0 : i32
      %dma_wait3A_415 = tpu.memref_slice %arg8[%run_scoped3A_126, %dma_wait3A_413, %dma_wait3A_414] : memref<2x1024x32xf32, #tpu.memory_space<vmem>> -> memref<1x1024x32xf32, #tpu.memory_space<vmem>>
      %dma_wait3A_416 = tpu.memref_squeeze %dma_wait3A_415 : memref<1x1024x32xf32, #tpu.memory_space<vmem>> -> memref<1024x32xf32, #tpu.memory_space<vmem>>
      %dma_wait3A_417 = arith.constant 0 : i32
      %dma_wait3A_418 = tpu.memref_slice %arg7[%run_scoped3A_127, %dma_wait3A_417] : memref<10x1024xi32, #tpu.memory_space<vmem>> -> memref<1x1024xi32, #tpu.memory_space<vmem>>
      %dma_wait3A_419 = tpu.memref_squeeze %dma_wait3A_418 : memref<1x1024xi32, #tpu.memory_space<vmem>> -> memref<1024xi32, #tpu.memory_space<vmem>>
      %dma_wait3A_420 = arith.constant 0 : i32
      %dma_wait3A_421 = arith.constant 0 : i32
      %dma_wait3A_422 = tpu.memref_slice %arg9[%dma_wait3A_420, %dma_wait3A_421] : memref<10112x32xf32, #tpu.memory_space<vmem_shared>> -> memref<10112x32xf32, #tpu.memory_space<vmem_shared>>
      tpu.wait_indirect_dma semaphore(%run_scoped3A_402 : memref<!tpu.dma_semaphore, #tpu.memory_space<semaphore_mem>>) src(%dma_wait3A_416 : memref<1024x32xf32, #tpu.memory_space<vmem>>) dst(%dma_wait3A_422 : memref<10112x32xf32, #tpu.memory_space<vmem_shared>>)
      tpu.yield
    }) : () -> ()
    %dma_wait3A_128 = arith.constant 1 : i32
    %dma_wait3A_129 = arith.constant 1 : i32
    %dma_wait3A_130 = arith.constant 1 : i32
    %dma_wait3A_131 = arith.constant 0 : i32
    %dma_wait3A_132 = arith.constant 0 : i32
    %dma_wait3A_133 = tpu.memref_slice %arg8[%dma_wait3A_129, %dma_wait3A_131, %dma_wait3A_132] : memref<2x1024x32xf32, #tpu.memory_space<vmem>> -> memref<1x1024x32xf32, #tpu.memory_space<vmem>>
    %dma_wait3A_134 = tpu.memref_squeeze %dma_wait3A_133 : memref<1x1024x32xf32, #tpu.memory_space<vmem>> -> memref<1024x32xf32, #tpu.memory_space<vmem>>
    %dma_wait3A_135 = arith.constant 0 : i32
    %dma_wait3A_136 = tpu.memref_slice %arg6[%dma_wait3A_128, %dma_wait3A_135] : memref<10x1024xi32, #tpu.memory_space<vmem>> -> memref<1x1024xi32, #tpu.memory_space<vmem>>
    %dma_wait3A_137 = tpu.memref_squeeze %dma_wait3A_136 : memref<1x1024xi32, #tpu.memory_space<vmem>> -> memref<1024xi32, #tpu.memory_space<vmem>>
    %dma_wait3A_138 = arith.constant 0 : i32
    %dma_wait3A_139 = arith.constant 0 : i32
    %dma_wait3A_140 = tpu.memref_slice %arg10[%dma_wait3A_138, %dma_wait3A_139] : memref<10112x32xf32, #tpu.memory_space<vmem_shared>> -> memref<10112x32xf32, #tpu.memory_space<vmem_shared>>
    %dma_wait3A_141 = tpu.memref_slice %arg11[%dma_wait3A_130] : memref<3x!tpu.dma_semaphore, #tpu.memory_space<semaphore_mem>> -> memref<1x!tpu.dma_semaphore, #tpu.memory_space<semaphore_mem>>
    %dma_wait3A_142 = tpu.memref_squeeze %dma_wait3A_141 : memref<1x!tpu.dma_semaphore, #tpu.memory_space<semaphore_mem>> -> memref<!tpu.dma_semaphore, #tpu.memory_space<semaphore_mem>>
    tpu.wait_indirect_dma semaphore(%dma_wait3A_142 : memref<!tpu.dma_semaphore, #tpu.memory_space<semaphore_mem>>) src(%dma_wait3A_140 : memref<10112x32xf32, #tpu.memory_space<vmem_shared>>) dst(%dma_wait3A_134 : memref<1024x32xf32, #tpu.memory_space<vmem>>)
    %dma_start3A_143 = arith.constant 2 : i32
    %dma_start3A_144 = arith.constant 0 : i32
    %dma_start3A_145 = arith.constant 0 : i32
    %dma_start3A_146 = arith.constant 0 : i32
    %dma_start3A_147 = arith.constant 0 : i32
    %dma_start3A_148 = tpu.memref_slice %arg8[%dma_start3A_144, %dma_start3A_146, %dma_start3A_147] : memref<2x1024x32xf32, #tpu.memory_space<vmem>> -> memref<1x1024x32xf32, #tpu.memory_space<vmem>>
    %dma_start3A_149 = tpu.memref_squeeze %dma_start3A_148 : memref<1x1024x32xf32, #tpu.memory_space<vmem>> -> memref<1024x32xf32, #tpu.memory_space<vmem>>
    %dma_start3A_150 = arith.constant 0 : i32
    %dma_start3A_151 = tpu.memref_slice %arg6[%dma_start3A_143, %dma_start3A_150] : memref<10x1024xi32, #tpu.memory_space<vmem>> -> memref<1x1024xi32, #tpu.memory_space<vmem>>
    %dma_start3A_152 = tpu.memref_squeeze %dma_start3A_151 : memref<1x1024xi32, #tpu.memory_space<vmem>> -> memref<1024xi32, #tpu.memory_space<vmem>>
    %dma_start3A_153 = arith.constant 0 : i32
    %dma_start3A_154 = arith.constant 0 : i32
    %dma_start3A_155 = tpu.memref_slice %arg10[%dma_start3A_153, %dma_start3A_154] : memref<10112x32xf32, #tpu.memory_space<vmem_shared>> -> memref<10112x32xf32, #tpu.memory_space<vmem_shared>>
    %dma_start3A_156 = tpu.memref_slice %arg11[%dma_start3A_145] : memref<3x!tpu.dma_semaphore, #tpu.memory_space<semaphore_mem>> -> memref<1x!tpu.dma_semaphore, #tpu.memory_space<semaphore_mem>>
    %dma_start3A_157 = tpu.memref_squeeze %dma_start3A_156 : memref<1x!tpu.dma_semaphore, #tpu.memory_space<semaphore_mem>> -> memref<!tpu.dma_semaphore, #tpu.memory_space<semaphore_mem>>
    tpu.enqueue_indirect_dma source(%dma_start3A_155 : memref<10112x32xf32, #tpu.memory_space<vmem_shared>>) target(%dma_start3A_149 : memref<1024x32xf32, #tpu.memory_space<vmem>>) offsets(%dma_start3A_152 : memref<1024xi32, #tpu.memory_space<vmem>>) semaphore(%dma_start3A_157 : memref<!tpu.dma_semaphore, #tpu.memory_space<semaphore_mem>>)
    %run_scoped3A_158 = arith.constant 1 : i32
    %run_scoped3A_159 = arith.constant 1 : i32
    "tpu.region"() ({
      %run_scoped3A_402 = tpu.sem_alloc : memref<!tpu.dma_semaphore, #tpu.memory_space<semaphore_mem>>
      %dma_start3A_403 = arith.constant 0 : i32
      %dma_start3A_404 = arith.constant 0 : i32
      %dma_start3A_405 = tpu.memref_slice %arg8[%run_scoped3A_158, %dma_start3A_403, %dma_start3A_404] : memref<2x1024x32xf32, #tpu.memory_space<vmem>> -> memref<1x1024x32xf32, #tpu.memory_space<vmem>>
      %dma_start3A_406 = tpu.memref_squeeze %dma_start3A_405 : memref<1x1024x32xf32, #tpu.memory_space<vmem>> -> memref<1024x32xf32, #tpu.memory_space<vmem>>
      %dma_start3A_407 = arith.constant 0 : i32
      %dma_start3A_408 = tpu.memref_slice %arg7[%run_scoped3A_159, %dma_start3A_407] : memref<10x1024xi32, #tpu.memory_space<vmem>> -> memref<1x1024xi32, #tpu.memory_space<vmem>>
      %dma_start3A_409 = tpu.memref_squeeze %dma_start3A_408 : memref<1x1024xi32, #tpu.memory_space<vmem>> -> memref<1024xi32, #tpu.memory_space<vmem>>
      %dma_start3A_410 = arith.constant 0 : i32
      %dma_start3A_411 = arith.constant 0 : i32
      %dma_start3A_412 = tpu.memref_slice %arg9[%dma_start3A_410, %dma_start3A_411] : memref<10112x32xf32, #tpu.memory_space<vmem_shared>> -> memref<10112x32xf32, #tpu.memory_space<vmem_shared>>
      tpu.enqueue_indirect_dma source(%dma_start3A_406 : memref<1024x32xf32, #tpu.memory_space<vmem>>) target(%dma_start3A_412 : memref<10112x32xf32, #tpu.memory_space<vmem_shared>>) offsets(%dma_start3A_409 : memref<1024xi32, #tpu.memory_space<vmem>>) semaphore(%run_scoped3A_402 : memref<!tpu.dma_semaphore, #tpu.memory_space<semaphore_mem>>) {add = true}
      %dma_wait3A_413 = arith.constant 0 : i32
      %dma_wait3A_414 = arith.constant 0 : i32
      %dma_wait3A_415 = tpu.memref_slice %arg8[%run_scoped3A_158, %dma_wait3A_413, %dma_wait3A_414] : memref<2x1024x32xf32, #tpu.memory_space<vmem>> -> memref<1x1024x32xf32, #tpu.memory_space<vmem>>
      %dma_wait3A_416 = tpu.memref_squeeze %dma_wait3A_415 : memref<1x1024x32xf32, #tpu.memory_space<vmem>> -> memref<1024x32xf32, #tpu.memory_space<vmem>>
      %dma_wait3A_417 = arith.constant 0 : i32
      %dma_wait3A_418 = tpu.memref_slice %arg7[%run_scoped3A_159, %dma_wait3A_417] : memref<10x1024xi32, #tpu.memory_space<vmem>> -> memref<1x1024xi32, #tpu.memory_space<vmem>>
      %dma_wait3A_419 = tpu.memref_squeeze %dma_wait3A_418 : memref<1x1024xi32, #tpu.memory_space<vmem>> -> memref<1024xi32, #tpu.memory_space<vmem>>
      %dma_wait3A_420 = arith.constant 0 : i32
      %dma_wait3A_421 = arith.constant 0 : i32
      %dma_wait3A_422 = tpu.memref_slice %arg9[%dma_wait3A_420, %dma_wait3A_421] : memref<10112x32xf32, #tpu.memory_space<vmem_shared>> -> memref<10112x32xf32, #tpu.memory_space<vmem_shared>>
      tpu.wait_indirect_dma semaphore(%run_scoped3A_402 : memref<!tpu.dma_semaphore, #tpu.memory_space<semaphore_mem>>) src(%dma_wait3A_416 : memref<1024x32xf32, #tpu.memory_space<vmem>>) dst(%dma_wait3A_422 : memref<10112x32xf32, #tpu.memory_space<vmem_shared>>)
      tpu.yield
    }) : () -> ()
    %dma_wait3A_160 = arith.constant 2 : i32
    %dma_wait3A_161 = arith.constant 0 : i32
    %dma_wait3A_162 = arith.constant 0 : i32
    %dma_wait3A_163 = arith.constant 0 : i32
    %dma_wait3A_164 = arith.constant 0 : i32
    %dma_wait3A_165 = tpu.memref_slice %arg8[%dma_wait3A_161, %dma_wait3A_163, %dma_wait3A_164] : memref<2x1024x32xf32, #tpu.memory_space<vmem>> -> memref<1x1024x32xf32, #tpu.memory_space<vmem>>
    %dma_wait3A_166 = tpu.memref_squeeze %dma_wait3A_165 : memref<1x1024x32xf32, #tpu.memory_space<vmem>> -> memref<1024x32xf32, #tpu.memory_space<vmem>>
    %dma_wait3A_167 = arith.constant 0 : i32
    %dma_wait3A_168 = tpu.memref_slice %arg6[%dma_wait3A_160, %dma_wait3A_167] : memref<10x1024xi32, #tpu.memory_space<vmem>> -> memref<1x1024xi32, #tpu.memory_space<vmem>>
    %dma_wait3A_169 = tpu.memref_squeeze %dma_wait3A_168 : memref<1x1024xi32, #tpu.memory_space<vmem>> -> memref<1024xi32, #tpu.memory_space<vmem>>
    %dma_wait3A_170 = arith.constant 0 : i32
    %dma_wait3A_171 = arith.constant 0 : i32
    %dma_wait3A_172 = tpu.memref_slice %arg10[%dma_wait3A_170, %dma_wait3A_171] : memref<10112x32xf32, #tpu.memory_space<vmem_shared>> -> memref<10112x32xf32, #tpu.memory_space<vmem_shared>>
    %dma_wait3A_173 = tpu.memref_slice %arg11[%dma_wait3A_162] : memref<3x!tpu.dma_semaphore, #tpu.memory_space<semaphore_mem>> -> memref<1x!tpu.dma_semaphore, #tpu.memory_space<semaphore_mem>>
    %dma_wait3A_174 = tpu.memref_squeeze %dma_wait3A_173 : memref<1x!tpu.dma_semaphore, #tpu.memory_space<semaphore_mem>> -> memref<!tpu.dma_semaphore, #tpu.memory_space<semaphore_mem>>
    tpu.wait_indirect_dma semaphore(%dma_wait3A_174 : memref<!tpu.dma_semaphore, #tpu.memory_space<semaphore_mem>>) src(%dma_wait3A_172 : memref<10112x32xf32, #tpu.memory_space<vmem_shared>>) dst(%dma_wait3A_166 : memref<1024x32xf32, #tpu.memory_space<vmem>>)
    %dma_start3A_175 = arith.constant 3 : i32
    %dma_start3A_176 = arith.constant 1 : i32
    %dma_start3A_177 = arith.constant 1 : i32
    %dma_start3A_178 = arith.constant 0 : i32
    %dma_start3A_179 = arith.constant 0 : i32
    %dma_start3A_180 = tpu.memref_slice %arg8[%dma_start3A_176, %dma_start3A_178, %dma_start3A_179] : memref<2x1024x32xf32, #tpu.memory_space<vmem>> -> memref<1x1024x32xf32, #tpu.memory_space<vmem>>
    %dma_start3A_181 = tpu.memref_squeeze %dma_start3A_180 : memref<1x1024x32xf32, #tpu.memory_space<vmem>> -> memref<1024x32xf32, #tpu.memory_space<vmem>>
    %dma_start3A_182 = arith.constant 0 : i32
    %dma_start3A_183 = tpu.memref_slice %arg6[%dma_start3A_175, %dma_start3A_182] : memref<10x1024xi32, #tpu.memory_space<vmem>> -> memref<1x1024xi32, #tpu.memory_space<vmem>>
    %dma_start3A_184 = tpu.memref_squeeze %dma_start3A_183 : memref<1x1024xi32, #tpu.memory_space<vmem>> -> memref<1024xi32, #tpu.memory_space<vmem>>
    %dma_start3A_185 = arith.constant 0 : i32
    %dma_start3A_186 = arith.constant 0 : i32
    %dma_start3A_187 = tpu.memref_slice %arg10[%dma_start3A_185, %dma_start3A_186] : memref<10112x32xf32, #tpu.memory_space<vmem_shared>> -> memref<10112x32xf32, #tpu.memory_space<vmem_shared>>
    %dma_start3A_188 = tpu.memref_slice %arg11[%dma_start3A_177] : memref<3x!tpu.dma_semaphore, #tpu.memory_space<semaphore_mem>> -> memref<1x!tpu.dma_semaphore, #tpu.memory_space<semaphore_mem>>
    %dma_start3A_189 = tpu.memref_squeeze %dma_start3A_188 : memref<1x!tpu.dma_semaphore, #tpu.memory_space<semaphore_mem>> -> memref<!tpu.dma_semaphore, #tpu.memory_space<semaphore_mem>>
    tpu.enqueue_indirect_dma source(%dma_start3A_187 : memref<10112x32xf32, #tpu.memory_space<vmem_shared>>) target(%dma_start3A_181 : memref<1024x32xf32, #tpu.memory_space<vmem>>) offsets(%dma_start3A_184 : memref<1024xi32, #tpu.memory_space<vmem>>) semaphore(%dma_start3A_189 : memref<!tpu.dma_semaphore, #tpu.memory_space<semaphore_mem>>)
    %run_scoped3A_190 = arith.constant 0 : i32
    %run_scoped3A_191 = arith.constant 2 : i32
    "tpu.region"() ({
      %run_scoped3A_402 = tpu.sem_alloc : memref<!tpu.dma_semaphore, #tpu.memory_space<semaphore_mem>>
      %dma_start3A_403 = arith.constant 0 : i32
      %dma_start3A_404 = arith.constant 0 : i32
      %dma_start3A_405 = tpu.memref_slice %arg8[%run_scoped3A_190, %dma_start3A_403, %dma_start3A_404] : memref<2x1024x32xf32, #tpu.memory_space<vmem>> -> memref<1x1024x32xf32, #tpu.memory_space<vmem>>
      %dma_start3A_406 = tpu.memref_squeeze %dma_start3A_405 : memref<1x1024x32xf32, #tpu.memory_space<vmem>> -> memref<1024x32xf32, #tpu.memory_space<vmem>>
      %dma_start3A_407 = arith.constant 0 : i32
      %dma_start3A_408 = tpu.memref_slice %arg7[%run_scoped3A_191, %dma_start3A_407] : memref<10x1024xi32, #tpu.memory_space<vmem>> -> memref<1x1024xi32, #tpu.memory_space<vmem>>
      %dma_start3A_409 = tpu.memref_squeeze %dma_start3A_408 : memref<1x1024xi32, #tpu.memory_space<vmem>> -> memref<1024xi32, #tpu.memory_space<vmem>>
      %dma_start3A_410 = arith.constant 0 : i32
      %dma_start3A_411 = arith.constant 0 : i32
      %dma_start3A_412 = tpu.memref_slice %arg9[%dma_start3A_410, %dma_start3A_411] : memref<10112x32xf32, #tpu.memory_space<vmem_shared>> -> memref<10112x32xf32, #tpu.memory_space<vmem_shared>>
      tpu.enqueue_indirect_dma source(%dma_start3A_406 : memref<1024x32xf32, #tpu.memory_space<vmem>>) target(%dma_start3A_412 : memref<10112x32xf32, #tpu.memory_space<vmem_shared>>) offsets(%dma_start3A_409 : memref<1024xi32, #tpu.memory_space<vmem>>) semaphore(%run_scoped3A_402 : memref<!tpu.dma_semaphore, #tpu.memory_space<semaphore_mem>>) {add = true}
      %dma_wait3A_413 = arith.constant 0 : i32
      %dma_wait3A_414 = arith.constant 0 : i32
      %dma_wait3A_415 = tpu.memref_slice %arg8[%run_scoped3A_190, %dma_wait3A_413, %dma_wait3A_414] : memref<2x1024x32xf32, #tpu.memory_space<vmem>> -> memref<1x1024x32xf32, #tpu.memory_space<vmem>>
      %dma_wait3A_416 = tpu.memref_squeeze %dma_wait3A_415 : memref<1x1024x32xf32, #tpu.memory_space<vmem>> -> memref<1024x32xf32, #tpu.memory_space<vmem>>
      %dma_wait3A_417 = arith.constant 0 : i32
      %dma_wait3A_418 = tpu.memref_slice %arg7[%run_scoped3A_191, %dma_wait3A_417] : memref<10x1024xi32, #tpu.memory_space<vmem>> -> memref<1x1024xi32, #tpu.memory_space<vmem>>
      %dma_wait3A_419 = tpu.memref_squeeze %dma_wait3A_418 : memref<1x1024xi32, #tpu.memory_space<vmem>> -> memref<1024xi32, #tpu.memory_space<vmem>>
      %dma_wait3A_420 = arith.constant 0 : i32
      %dma_wait3A_421 = arith.constant 0 : i32
      %dma_wait3A_422 = tpu.memref_slice %arg9[%dma_wait3A_420, %dma_wait3A_421] : memref<10112x32xf32, #tpu.memory_space<vmem_shared>> -> memref<10112x32xf32, #tpu.memory_space<vmem_shared>>
      tpu.wait_indirect_dma semaphore(%run_scoped3A_402 : memref<!tpu.dma_semaphore, #tpu.memory_space<semaphore_mem>>) src(%dma_wait3A_416 : memref<1024x32xf32, #tpu.memory_space<vmem>>) dst(%dma_wait3A_422 : memref<10112x32xf32, #tpu.memory_space<vmem_shared>>)
      tpu.yield
    }) : () -> ()
    %dma_wait3A_192 = arith.constant 3 : i32
    %dma_wait3A_193 = arith.constant 1 : i32
    %dma_wait3A_194 = arith.constant 1 : i32
    %dma_wait3A_195 = arith.constant 0 : i32
    %dma_wait3A_196 = arith.constant 0 : i32
    %dma_wait3A_197 = tpu.memref_slice %arg8[%dma_wait3A_193, %dma_wait3A_195, %dma_wait3A_196] : memref<2x1024x32xf32, #tpu.memory_space<vmem>> -> memref<1x1024x32xf32, #tpu.memory_space<vmem>>
    %dma_wait3A_198 = tpu.memref_squeeze %dma_wait3A_197 : memref<1x1024x32xf32, #tpu.memory_space<vmem>> -> memref<1024x32xf32, #tpu.memory_space<vmem>>
    %dma_wait3A_199 = arith.constant 0 : i32
    %dma_wait3A_200 = tpu.memref_slice %arg6[%dma_wait3A_192, %dma_wait3A_199] : memref<10x1024xi32, #tpu.memory_space<vmem>> -> memref<1x1024xi32, #tpu.memory_space<vmem>>
    %dma_wait3A_201 = tpu.memref_squeeze %dma_wait3A_200 : memref<1x1024xi32, #tpu.memory_space<vmem>> -> memref<1024xi32, #tpu.memory_space<vmem>>
    %dma_wait3A_202 = arith.constant 0 : i32
    %dma_wait3A_203 = arith.constant 0 : i32
    %dma_wait3A_204 = tpu.memref_slice %arg10[%dma_wait3A_202, %dma_wait3A_203] : memref<10112x32xf32, #tpu.memory_space<vmem_shared>> -> memref<10112x32xf32, #tpu.memory_space<vmem_shared>>
    %dma_wait3A_205 = tpu.memref_slice %arg11[%dma_wait3A_194] : memref<3x!tpu.dma_semaphore, #tpu.memory_space<semaphore_mem>> -> memref<1x!tpu.dma_semaphore, #tpu.memory_space<semaphore_mem>>
    %dma_wait3A_206 = tpu.memref_squeeze %dma_wait3A_205 : memref<1x!tpu.dma_semaphore, #tpu.memory_space<semaphore_mem>> -> memref<!tpu.dma_semaphore, #tpu.memory_space<semaphore_mem>>
    tpu.wait_indirect_dma semaphore(%dma_wait3A_206 : memref<!tpu.dma_semaphore, #tpu.memory_space<semaphore_mem>>) src(%dma_wait3A_204 : memref<10112x32xf32, #tpu.memory_space<vmem_shared>>) dst(%dma_wait3A_198 : memref<1024x32xf32, #tpu.memory_space<vmem>>)
    %dma_start3A_207 = arith.constant 4 : i32
    %dma_start3A_208 = arith.constant 0 : i32
    %dma_start3A_209 = arith.constant 0 : i32
    %dma_start3A_210 = arith.constant 0 : i32
    %dma_start3A_211 = arith.constant 0 : i32
    %dma_start3A_212 = tpu.memref_slice %arg8[%dma_start3A_208, %dma_start3A_210, %dma_start3A_211] : memref<2x1024x32xf32, #tpu.memory_space<vmem>> -> memref<1x1024x32xf32, #tpu.memory_space<vmem>>
    %dma_start3A_213 = tpu.memref_squeeze %dma_start3A_212 : memref<1x1024x32xf32, #tpu.memory_space<vmem>> -> memref<1024x32xf32, #tpu.memory_space<vmem>>
    %dma_start3A_214 = arith.constant 0 : i32
    %dma_start3A_215 = tpu.memref_slice %arg6[%dma_start3A_207, %dma_start3A_214] : memref<10x1024xi32, #tpu.memory_space<vmem>> -> memref<1x1024xi32, #tpu.memory_space<vmem>>
    %dma_start3A_216 = tpu.memref_squeeze %dma_start3A_215 : memref<1x1024xi32, #tpu.memory_space<vmem>> -> memref<1024xi32, #tpu.memory_space<vmem>>
    %dma_start3A_217 = arith.constant 0 : i32
    %dma_start3A_218 = arith.constant 0 : i32
    %dma_start3A_219 = tpu.memref_slice %arg10[%dma_start3A_217, %dma_start3A_218] : memref<10112x32xf32, #tpu.memory_space<vmem_shared>> -> memref<10112x32xf32, #tpu.memory_space<vmem_shared>>
    %dma_start3A_220 = tpu.memref_slice %arg11[%dma_start3A_209] : memref<3x!tpu.dma_semaphore, #tpu.memory_space<semaphore_mem>> -> memref<1x!tpu.dma_semaphore, #tpu.memory_space<semaphore_mem>>
    %dma_start3A_221 = tpu.memref_squeeze %dma_start3A_220 : memref<1x!tpu.dma_semaphore, #tpu.memory_space<semaphore_mem>> -> memref<!tpu.dma_semaphore, #tpu.memory_space<semaphore_mem>>
    tpu.enqueue_indirect_dma source(%dma_start3A_219 : memref<10112x32xf32, #tpu.memory_space<vmem_shared>>) target(%dma_start3A_213 : memref<1024x32xf32, #tpu.memory_space<vmem>>) offsets(%dma_start3A_216 : memref<1024xi32, #tpu.memory_space<vmem>>) semaphore(%dma_start3A_221 : memref<!tpu.dma_semaphore, #tpu.memory_space<semaphore_mem>>)
    %run_scoped3A_222 = arith.constant 1 : i32
    %run_scoped3A_223 = arith.constant 3 : i32
    "tpu.region"() ({
      %run_scoped3A_402 = tpu.sem_alloc : memref<!tpu.dma_semaphore, #tpu.memory_space<semaphore_mem>>
      %dma_start3A_403 = arith.constant 0 : i32
      %dma_start3A_404 = arith.constant 0 : i32
      %dma_start3A_405 = tpu.memref_slice %arg8[%run_scoped3A_222, %dma_start3A_403, %dma_start3A_404] : memref<2x1024x32xf32, #tpu.memory_space<vmem>> -> memref<1x1024x32xf32, #tpu.memory_space<vmem>>
      %dma_start3A_406 = tpu.memref_squeeze %dma_start3A_405 : memref<1x1024x32xf32, #tpu.memory_space<vmem>> -> memref<1024x32xf32, #tpu.memory_space<vmem>>
      %dma_start3A_407 = arith.constant 0 : i32
      %dma_start3A_408 = tpu.memref_slice %arg7[%run_scoped3A_223, %dma_start3A_407] : memref<10x1024xi32, #tpu.memory_space<vmem>> -> memref<1x1024xi32, #tpu.memory_space<vmem>>
      %dma_start3A_409 = tpu.memref_squeeze %dma_start3A_408 : memref<1x1024xi32, #tpu.memory_space<vmem>> -> memref<1024xi32, #tpu.memory_space<vmem>>
      %dma_start3A_410 = arith.constant 0 : i32
      %dma_start3A_411 = arith.constant 0 : i32
      %dma_start3A_412 = tpu.memref_slice %arg9[%dma_start3A_410, %dma_start3A_411] : memref<10112x32xf32, #tpu.memory_space<vmem_shared>> -> memref<10112x32xf32, #tpu.memory_space<vmem_shared>>
      tpu.enqueue_indirect_dma source(%dma_start3A_406 : memref<1024x32xf32, #tpu.memory_space<vmem>>) target(%dma_start3A_412 : memref<10112x32xf32, #tpu.memory_space<vmem_shared>>) offsets(%dma_start3A_409 : memref<1024xi32, #tpu.memory_space<vmem>>) semaphore(%run_scoped3A_402 : memref<!tpu.dma_semaphore, #tpu.memory_space<semaphore_mem>>) {add = true}
      %dma_wait3A_413 = arith.constant 0 : i32
      %dma_wait3A_414 = arith.constant 0 : i32
      %dma_wait3A_415 = tpu.memref_slice %arg8[%run_scoped3A_222, %dma_wait3A_413, %dma_wait3A_414] : memref<2x1024x32xf32, #tpu.memory_space<vmem>> -> memref<1x1024x32xf32, #tpu.memory_space<vmem>>
      %dma_wait3A_416 = tpu.memref_squeeze %dma_wait3A_415 : memref<1x1024x32xf32, #tpu.memory_space<vmem>> -> memref<1024x32xf32, #tpu.memory_space<vmem>>
      %dma_wait3A_417 = arith.constant 0 : i32
      %dma_wait3A_418 = tpu.memref_slice %arg7[%run_scoped3A_223, %dma_wait3A_417] : memref<10x1024xi32, #tpu.memory_space<vmem>> -> memref<1x1024xi32, #tpu.memory_space<vmem>>
      %dma_wait3A_419 = tpu.memref_squeeze %dma_wait3A_418 : memref<1x1024xi32, #tpu.memory_space<vmem>> -> memref<1024xi32, #tpu.memory_space<vmem>>
      %dma_wait3A_420 = arith.constant 0 : i32
      %dma_wait3A_421 = arith.constant 0 : i32
      %dma_wait3A_422 = tpu.memref_slice %arg9[%dma_wait3A_420, %dma_wait3A_421] : memref<10112x32xf32, #tpu.memory_space<vmem_shared>> -> memref<10112x32xf32, #tpu.memory_space<vmem_shared>>
      tpu.wait_indirect_dma semaphore(%run_scoped3A_402 : memref<!tpu.dma_semaphore, #tpu.memory_space<semaphore_mem>>) src(%dma_wait3A_416 : memref<1024x32xf32, #tpu.memory_space<vmem>>) dst(%dma_wait3A_422 : memref<10112x32xf32, #tpu.memory_space<vmem_shared>>)
      tpu.yield
    }) : () -> ()
    %dma_wait3A_224 = arith.constant 4 : i32
    %dma_wait3A_225 = arith.constant 0 : i32
    %dma_wait3A_226 = arith.constant 0 : i32
    %dma_wait3A_227 = arith.constant 0 : i32
    %dma_wait3A_228 = arith.constant 0 : i32
    %dma_wait3A_229 = tpu.memref_slice %arg8[%dma_wait3A_225, %dma_wait3A_227, %dma_wait3A_228] : memref<2x1024x32xf32, #tpu.memory_space<vmem>> -> memref<1x1024x32xf32, #tpu.memory_space<vmem>>
    %dma_wait3A_230 = tpu.memref_squeeze %dma_wait3A_229 : memref<1x1024x32xf32, #tpu.memory_space<vmem>> -> memref<1024x32xf32, #tpu.memory_space<vmem>>
    %dma_wait3A_231 = arith.constant 0 : i32
    %dma_wait3A_232 = tpu.memref_slice %arg6[%dma_wait3A_224, %dma_wait3A_231] : memref<10x1024xi32, #tpu.memory_space<vmem>> -> memref<1x1024xi32, #tpu.memory_space<vmem>>
    %dma_wait3A_233 = tpu.memref_squeeze %dma_wait3A_232 : memref<1x1024xi32, #tpu.memory_space<vmem>> -> memref<1024xi32, #tpu.memory_space<vmem>>
    %dma_wait3A_234 = arith.constant 0 : i32
    %dma_wait3A_235 = arith.constant 0 : i32
    %dma_wait3A_236 = tpu.memref_slice %arg10[%dma_wait3A_234, %dma_wait3A_235] : memref<10112x32xf32, #tpu.memory_space<vmem_shared>> -> memref<10112x32xf32, #tpu.memory_space<vmem_shared>>
    %dma_wait3A_237 = tpu.memref_slice %arg11[%dma_wait3A_226] : memref<3x!tpu.dma_semaphore, #tpu.memory_space<semaphore_mem>> -> memref<1x!tpu.dma_semaphore, #tpu.memory_space<semaphore_mem>>
    %dma_wait3A_238 = tpu.memref_squeeze %dma_wait3A_237 : memref<1x!tpu.dma_semaphore, #tpu.memory_space<semaphore_mem>> -> memref<!tpu.dma_semaphore, #tpu.memory_space<semaphore_mem>>
    tpu.wait_indirect_dma semaphore(%dma_wait3A_238 : memref<!tpu.dma_semaphore, #tpu.memory_space<semaphore_mem>>) src(%dma_wait3A_236 : memref<10112x32xf32, #tpu.memory_space<vmem_shared>>) dst(%dma_wait3A_230 : memref<1024x32xf32, #tpu.memory_space<vmem>>)
    %dma_start3A_239 = arith.constant 5 : i32
    %dma_start3A_240 = arith.constant 1 : i32
    %dma_start3A_241 = arith.constant 1 : i32
    %dma_start3A_242 = arith.constant 0 : i32
    %dma_start3A_243 = arith.constant 0 : i32
    %dma_start3A_244 = tpu.memref_slice %arg8[%dma_start3A_240, %dma_start3A_242, %dma_start3A_243] : memref<2x1024x32xf32, #tpu.memory_space<vmem>> -> memref<1x1024x32xf32, #tpu.memory_space<vmem>>
    %dma_start3A_245 = tpu.memref_squeeze %dma_start3A_244 : memref<1x1024x32xf32, #tpu.memory_space<vmem>> -> memref<1024x32xf32, #tpu.memory_space<vmem>>
    %dma_start3A_246 = arith.constant 0 : i32
    %dma_start3A_247 = tpu.memref_slice %arg6[%dma_start3A_239, %dma_start3A_246] : memref<10x1024xi32, #tpu.memory_space<vmem>> -> memref<1x1024xi32, #tpu.memory_space<vmem>>
    %dma_start3A_248 = tpu.memref_squeeze %dma_start3A_247 : memref<1x1024xi32, #tpu.memory_space<vmem>> -> memref<1024xi32, #tpu.memory_space<vmem>>
    %dma_start3A_249 = arith.constant 0 : i32
    %dma_start3A_250 = arith.constant 0 : i32
    %dma_start3A_251 = tpu.memref_slice %arg10[%dma_start3A_249, %dma_start3A_250] : memref<10112x32xf32, #tpu.memory_space<vmem_shared>> -> memref<10112x32xf32, #tpu.memory_space<vmem_shared>>
    %dma_start3A_252 = tpu.memref_slice %arg11[%dma_start3A_241] : memref<3x!tpu.dma_semaphore, #tpu.memory_space<semaphore_mem>> -> memref<1x!tpu.dma_semaphore, #tpu.memory_space<semaphore_mem>>
    %dma_start3A_253 = tpu.memref_squeeze %dma_start3A_252 : memref<1x!tpu.dma_semaphore, #tpu.memory_space<semaphore_mem>> -> memref<!tpu.dma_semaphore, #tpu.memory_space<semaphore_mem>>
    tpu.enqueue_indirect_dma source(%dma_start3A_251 : memref<10112x32xf32, #tpu.memory_space<vmem_shared>>) target(%dma_start3A_245 : memref<1024x32xf32, #tpu.memory_space<vmem>>) offsets(%dma_start3A_248 : memref<1024xi32, #tpu.memory_space<vmem>>) semaphore(%dma_start3A_253 : memref<!tpu.dma_semaphore, #tpu.memory_space<semaphore_mem>>)
    %run_scoped3A_254 = arith.constant 0 : i32
    %run_scoped3A_255 = arith.constant 4 : i32
    "tpu.region"() ({
      %run_scoped3A_402 = tpu.sem_alloc : memref<!tpu.dma_semaphore, #tpu.memory_space<semaphore_mem>>
      %dma_start3A_403 = arith.constant 0 : i32
      %dma_start3A_404 = arith.constant 0 : i32
      %dma_start3A_405 = tpu.memref_slice %arg8[%run_scoped3A_254, %dma_start3A_403, %dma_start3A_404] : memref<2x1024x32xf32, #tpu.memory_space<vmem>> -> memref<1x1024x32xf32, #tpu.memory_space<vmem>>
      %dma_start3A_406 = tpu.memref_squeeze %dma_start3A_405 : memref<1x1024x32xf32, #tpu.memory_space<vmem>> -> memref<1024x32xf32, #tpu.memory_space<vmem>>
      %dma_start3A_407 = arith.constant 0 : i32
      %dma_start3A_408 = tpu.memref_slice %arg7[%run_scoped3A_255, %dma_start3A_407] : memref<10x1024xi32, #tpu.memory_space<vmem>> -> memref<1x1024xi32, #tpu.memory_space<vmem>>
      %dma_start3A_409 = tpu.memref_squeeze %dma_start3A_408 : memref<1x1024xi32, #tpu.memory_space<vmem>> -> memref<1024xi32, #tpu.memory_space<vmem>>
      %dma_start3A_410 = arith.constant 0 : i32
      %dma_start3A_411 = arith.constant 0 : i32
      %dma_start3A_412 = tpu.memref_slice %arg9[%dma_start3A_410, %dma_start3A_411] : memref<10112x32xf32, #tpu.memory_space<vmem_shared>> -> memref<10112x32xf32, #tpu.memory_space<vmem_shared>>
      tpu.enqueue_indirect_dma source(%dma_start3A_406 : memref<1024x32xf32, #tpu.memory_space<vmem>>) target(%dma_start3A_412 : memref<10112x32xf32, #tpu.memory_space<vmem_shared>>) offsets(%dma_start3A_409 : memref<1024xi32, #tpu.memory_space<vmem>>) semaphore(%run_scoped3A_402 : memref<!tpu.dma_semaphore, #tpu.memory_space<semaphore_mem>>) {add = true}
      %dma_wait3A_413 = arith.constant 0 : i32
      %dma_wait3A_414 = arith.constant 0 : i32
      %dma_wait3A_415 = tpu.memref_slice %arg8[%run_scoped3A_254, %dma_wait3A_413, %dma_wait3A_414] : memref<2x1024x32xf32, #tpu.memory_space<vmem>> -> memref<1x1024x32xf32, #tpu.memory_space<vmem>>
      %dma_wait3A_416 = tpu.memref_squeeze %dma_wait3A_415 : memref<1x1024x32xf32, #tpu.memory_space<vmem>> -> memref<1024x32xf32, #tpu.memory_space<vmem>>
      %dma_wait3A_417 = arith.constant 0 : i32
      %dma_wait3A_418 = tpu.memref_slice %arg7[%run_scoped3A_255, %dma_wait3A_417] : memref<10x1024xi32, #tpu.memory_space<vmem>> -> memref<1x1024xi32, #tpu.memory_space<vmem>>
      %dma_wait3A_419 = tpu.memref_squeeze %dma_wait3A_418 : memref<1x1024xi32, #tpu.memory_space<vmem>> -> memref<1024xi32, #tpu.memory_space<vmem>>
      %dma_wait3A_420 = arith.constant 0 : i32
      %dma_wait3A_421 = arith.constant 0 : i32
      %dma_wait3A_422 = tpu.memref_slice %arg9[%dma_wait3A_420, %dma_wait3A_421] : memref<10112x32xf32, #tpu.memory_space<vmem_shared>> -> memref<10112x32xf32, #tpu.memory_space<vmem_shared>>
      tpu.wait_indirect_dma semaphore(%run_scoped3A_402 : memref<!tpu.dma_semaphore, #tpu.memory_space<semaphore_mem>>) src(%dma_wait3A_416 : memref<1024x32xf32, #tpu.memory_space<vmem>>) dst(%dma_wait3A_422 : memref<10112x32xf32, #tpu.memory_space<vmem_shared>>)
      tpu.yield
    }) : () -> ()
    %dma_wait3A_256 = arith.constant 5 : i32
    %dma_wait3A_257 = arith.constant 1 : i32
    %dma_wait3A_258 = arith.constant 1 : i32
    %dma_wait3A_259 = arith.constant 0 : i32
    %dma_wait3A_260 = arith.constant 0 : i32
    %dma_wait3A_261 = tpu.memref_slice %arg8[%dma_wait3A_257, %dma_wait3A_259, %dma_wait3A_260] : memref<2x1024x32xf32, #tpu.memory_space<vmem>> -> memref<1x1024x32xf32, #tpu.memory_space<vmem>>
    %dma_wait3A_262 = tpu.memref_squeeze %dma_wait3A_261 : memref<1x1024x32xf32, #tpu.memory_space<vmem>> -> memref<1024x32xf32, #tpu.memory_space<vmem>>
    %dma_wait3A_263 = arith.constant 0 : i32
    %dma_wait3A_264 = tpu.memref_slice %arg6[%dma_wait3A_256, %dma_wait3A_263] : memref<10x1024xi32, #tpu.memory_space<vmem>> -> memref<1x1024xi32, #tpu.memory_space<vmem>>
    %dma_wait3A_265 = tpu.memref_squeeze %dma_wait3A_264 : memref<1x1024xi32, #tpu.memory_space<vmem>> -> memref<1024xi32, #tpu.memory_space<vmem>>
    %dma_wait3A_266 = arith.constant 0 : i32
    %dma_wait3A_267 = arith.constant 0 : i32
    %dma_wait3A_268 = tpu.memref_slice %arg10[%dma_wait3A_266, %dma_wait3A_267] : memref<10112x32xf32, #tpu.memory_space<vmem_shared>> -> memref<10112x32xf32, #tpu.memory_space<vmem_shared>>
    %dma_wait3A_269 = tpu.memref_slice %arg11[%dma_wait3A_258] : memref<3x!tpu.dma_semaphore, #tpu.memory_space<semaphore_mem>> -> memref<1x!tpu.dma_semaphore, #tpu.memory_space<semaphore_mem>>
    %dma_wait3A_270 = tpu.memref_squeeze %dma_wait3A_269 : memref<1x!tpu.dma_semaphore, #tpu.memory_space<semaphore_mem>> -> memref<!tpu.dma_semaphore, #tpu.memory_space<semaphore_mem>>
    tpu.wait_indirect_dma semaphore(%dma_wait3A_270 : memref<!tpu.dma_semaphore, #tpu.memory_space<semaphore_mem>>) src(%dma_wait3A_268 : memref<10112x32xf32, #tpu.memory_space<vmem_shared>>) dst(%dma_wait3A_262 : memref<1024x32xf32, #tpu.memory_space<vmem>>)
    %dma_start3A_271 = arith.constant 6 : i32
    %dma_start3A_272 = arith.constant 0 : i32
    %dma_start3A_273 = arith.constant 0 : i32
    %dma_start3A_274 = arith.constant 0 : i32
    %dma_start3A_275 = arith.constant 0 : i32
    %dma_start3A_276 = tpu.memref_slice %arg8[%dma_start3A_272, %dma_start3A_274, %dma_start3A_275] : memref<2x1024x32xf32, #tpu.memory_space<vmem>> -> memref<1x1024x32xf32, #tpu.memory_space<vmem>>
    %dma_start3A_277 = tpu.memref_squeeze %dma_start3A_276 : memref<1x1024x32xf32, #tpu.memory_space<vmem>> -> memref<1024x32xf32, #tpu.memory_space<vmem>>
    %dma_start3A_278 = arith.constant 0 : i32
    %dma_start3A_279 = tpu.memref_slice %arg6[%dma_start3A_271, %dma_start3A_278] : memref<10x1024xi32, #tpu.memory_space<vmem>> -> memref<1x1024xi32, #tpu.memory_space<vmem>>
    %dma_start3A_280 = tpu.memref_squeeze %dma_start3A_279 : memref<1x1024xi32, #tpu.memory_space<vmem>> -> memref<1024xi32, #tpu.memory_space<vmem>>
    %dma_start3A_281 = arith.constant 0 : i32
    %dma_start3A_282 = arith.constant 0 : i32
    %dma_start3A_283 = tpu.memref_slice %arg10[%dma_start3A_281, %dma_start3A_282] : memref<10112x32xf32, #tpu.memory_space<vmem_shared>> -> memref<10112x32xf32, #tpu.memory_space<vmem_shared>>
    %dma_start3A_284 = tpu.memref_slice %arg11[%dma_start3A_273] : memref<3x!tpu.dma_semaphore, #tpu.memory_space<semaphore_mem>> -> memref<1x!tpu.dma_semaphore, #tpu.memory_space<semaphore_mem>>
    %dma_start3A_285 = tpu.memref_squeeze %dma_start3A_284 : memref<1x!tpu.dma_semaphore, #tpu.memory_space<semaphore_mem>> -> memref<!tpu.dma_semaphore, #tpu.memory_space<semaphore_mem>>
    tpu.enqueue_indirect_dma source(%dma_start3A_283 : memref<10112x32xf32, #tpu.memory_space<vmem_shared>>) target(%dma_start3A_277 : memref<1024x32xf32, #tpu.memory_space<vmem>>) offsets(%dma_start3A_280 : memref<1024xi32, #tpu.memory_space<vmem>>) semaphore(%dma_start3A_285 : memref<!tpu.dma_semaphore, #tpu.memory_space<semaphore_mem>>)
    %run_scoped3A_286 = arith.constant 1 : i32
    %run_scoped3A_287 = arith.constant 5 : i32
    "tpu.region"() ({
      %run_scoped3A_402 = tpu.sem_alloc : memref<!tpu.dma_semaphore, #tpu.memory_space<semaphore_mem>>
      %dma_start3A_403 = arith.constant 0 : i32
      %dma_start3A_404 = arith.constant 0 : i32
      %dma_start3A_405 = tpu.memref_slice %arg8[%run_scoped3A_286, %dma_start3A_403, %dma_start3A_404] : memref<2x1024x32xf32, #tpu.memory_space<vmem>> -> memref<1x1024x32xf32, #tpu.memory_space<vmem>>
      %dma_start3A_406 = tpu.memref_squeeze %dma_start3A_405 : memref<1x1024x32xf32, #tpu.memory_space<vmem>> -> memref<1024x32xf32, #tpu.memory_space<vmem>>
      %dma_start3A_407 = arith.constant 0 : i32
      %dma_start3A_408 = tpu.memref_slice %arg7[%run_scoped3A_287, %dma_start3A_407] : memref<10x1024xi32, #tpu.memory_space<vmem>> -> memref<1x1024xi32, #tpu.memory_space<vmem>>
      %dma_start3A_409 = tpu.memref_squeeze %dma_start3A_408 : memref<1x1024xi32, #tpu.memory_space<vmem>> -> memref<1024xi32, #tpu.memory_space<vmem>>
      %dma_start3A_410 = arith.constant 0 : i32
      %dma_start3A_411 = arith.constant 0 : i32
      %dma_start3A_412 = tpu.memref_slice %arg9[%dma_start3A_410, %dma_start3A_411] : memref<10112x32xf32, #tpu.memory_space<vmem_shared>> -> memref<10112x32xf32, #tpu.memory_space<vmem_shared>>
      tpu.enqueue_indirect_dma source(%dma_start3A_406 : memref<1024x32xf32, #tpu.memory_space<vmem>>) target(%dma_start3A_412 : memref<10112x32xf32, #tpu.memory_space<vmem_shared>>) offsets(%dma_start3A_409 : memref<1024xi32, #tpu.memory_space<vmem>>) semaphore(%run_scoped3A_402 : memref<!tpu.dma_semaphore, #tpu.memory_space<semaphore_mem>>) {add = true}
      %dma_wait3A_413 = arith.constant 0 : i32
      %dma_wait3A_414 = arith.constant 0 : i32
      %dma_wait3A_415 = tpu.memref_slice %arg8[%run_scoped3A_286, %dma_wait3A_413, %dma_wait3A_414] : memref<2x1024x32xf32, #tpu.memory_space<vmem>> -> memref<1x1024x32xf32, #tpu.memory_space<vmem>>
      %dma_wait3A_416 = tpu.memref_squeeze %dma_wait3A_415 : memref<1x1024x32xf32, #tpu.memory_space<vmem>> -> memref<1024x32xf32, #tpu.memory_space<vmem>>
      %dma_wait3A_417 = arith.constant 0 : i32
      %dma_wait3A_418 = tpu.memref_slice %arg7[%run_scoped3A_287, %dma_wait3A_417] : memref<10x1024xi32, #tpu.memory_space<vmem>> -> memref<1x1024xi32, #tpu.memory_space<vmem>>
      %dma_wait3A_419 = tpu.memref_squeeze %dma_wait3A_418 : memref<1x1024xi32, #tpu.memory_space<vmem>> -> memref<1024xi32, #tpu.memory_space<vmem>>
      %dma_wait3A_420 = arith.constant 0 : i32
      %dma_wait3A_421 = arith.constant 0 : i32
      %dma_wait3A_422 = tpu.memref_slice %arg9[%dma_wait3A_420, %dma_wait3A_421] : memref<10112x32xf32, #tpu.memory_space<vmem_shared>> -> memref<10112x32xf32, #tpu.memory_space<vmem_shared>>
      tpu.wait_indirect_dma semaphore(%run_scoped3A_402 : memref<!tpu.dma_semaphore, #tpu.memory_space<semaphore_mem>>) src(%dma_wait3A_416 : memref<1024x32xf32, #tpu.memory_space<vmem>>) dst(%dma_wait3A_422 : memref<10112x32xf32, #tpu.memory_space<vmem_shared>>)
      tpu.yield
    }) : () -> ()
    %dma_wait3A_288 = arith.constant 6 : i32
    %dma_wait3A_289 = arith.constant 0 : i32
    %dma_wait3A_290 = arith.constant 0 : i32
    %dma_wait3A_291 = arith.constant 0 : i32
    %dma_wait3A_292 = arith.constant 0 : i32
    %dma_wait3A_293 = tpu.memref_slice %arg8[%dma_wait3A_289, %dma_wait3A_291, %dma_wait3A_292] : memref<2x1024x32xf32, #tpu.memory_space<vmem>> -> memref<1x1024x32xf32, #tpu.memory_space<vmem>>
    %dma_wait3A_294 = tpu.memref_squeeze %dma_wait3A_293 : memref<1x1024x32xf32, #tpu.memory_space<vmem>> -> memref<1024x32xf32, #tpu.memory_space<vmem>>
    %dma_wait3A_295 = arith.constant 0 : i32
    %dma_wait3A_296 = tpu.memref_slice %arg6[%dma_wait3A_288, %dma_wait3A_295] : memref<10x1024xi32, #tpu.memory_space<vmem>> -> memref<1x1024xi32, #tpu.memory_space<vmem>>
    %dma_wait3A_297 = tpu.memref_squeeze %dma_wait3A_296 : memref<1x1024xi32, #tpu.memory_space<vmem>> -> memref<1024xi32, #tpu.memory_space<vmem>>
    %dma_wait3A_298 = arith.constant 0 : i32
    %dma_wait3A_299 = arith.constant 0 : i32
    %dma_wait3A_300 = tpu.memref_slice %arg10[%dma_wait3A_298, %dma_wait3A_299] : memref<10112x32xf32, #tpu.memory_space<vmem_shared>> -> memref<10112x32xf32, #tpu.memory_space<vmem_shared>>
    %dma_wait3A_301 = tpu.memref_slice %arg11[%dma_wait3A_290] : memref<3x!tpu.dma_semaphore, #tpu.memory_space<semaphore_mem>> -> memref<1x!tpu.dma_semaphore, #tpu.memory_space<semaphore_mem>>
    %dma_wait3A_302 = tpu.memref_squeeze %dma_wait3A_301 : memref<1x!tpu.dma_semaphore, #tpu.memory_space<semaphore_mem>> -> memref<!tpu.dma_semaphore, #tpu.memory_space<semaphore_mem>>
    tpu.wait_indirect_dma semaphore(%dma_wait3A_302 : memref<!tpu.dma_semaphore, #tpu.memory_space<semaphore_mem>>) src(%dma_wait3A_300 : memref<10112x32xf32, #tpu.memory_space<vmem_shared>>) dst(%dma_wait3A_294 : memref<1024x32xf32, #tpu.memory_space<vmem>>)
    %dma_start3A_303 = arith.constant 7 : i32
    %dma_start3A_304 = arith.constant 1 : i32
    %dma_start3A_305 = arith.constant 1 : i32
    %dma_start3A_306 = arith.constant 0 : i32
    %dma_start3A_307 = arith.constant 0 : i32
    %dma_start3A_308 = tpu.memref_slice %arg8[%dma_start3A_304, %dma_start3A_306, %dma_start3A_307] : memref<2x1024x32xf32, #tpu.memory_space<vmem>> -> memref<1x1024x32xf32, #tpu.memory_space<vmem>>
    %dma_start3A_309 = tpu.memref_squeeze %dma_start3A_308 : memref<1x1024x32xf32, #tpu.memory_space<vmem>> -> memref<1024x32xf32, #tpu.memory_space<vmem>>
    %dma_start3A_310 = arith.constant 0 : i32
    %dma_start3A_311 = tpu.memref_slice %arg6[%dma_start3A_303, %dma_start3A_310] : memref<10x1024xi32, #tpu.memory_space<vmem>> -> memref<1x1024xi32, #tpu.memory_space<vmem>>
    %dma_start3A_312 = tpu.memref_squeeze %dma_start3A_311 : memref<1x1024xi32, #tpu.memory_space<vmem>> -> memref<1024xi32, #tpu.memory_space<vmem>>
    %dma_start3A_313 = arith.constant 0 : i32
    %dma_start3A_314 = arith.constant 0 : i32
    %dma_start3A_315 = tpu.memref_slice %arg10[%dma_start3A_313, %dma_start3A_314] : memref<10112x32xf32, #tpu.memory_space<vmem_shared>> -> memref<10112x32xf32, #tpu.memory_space<vmem_shared>>
    %dma_start3A_316 = tpu.memref_slice %arg11[%dma_start3A_305] : memref<3x!tpu.dma_semaphore, #tpu.memory_space<semaphore_mem>> -> memref<1x!tpu.dma_semaphore, #tpu.memory_space<semaphore_mem>>
    %dma_start3A_317 = tpu.memref_squeeze %dma_start3A_316 : memref<1x!tpu.dma_semaphore, #tpu.memory_space<semaphore_mem>> -> memref<!tpu.dma_semaphore, #tpu.memory_space<semaphore_mem>>
    tpu.enqueue_indirect_dma source(%dma_start3A_315 : memref<10112x32xf32, #tpu.memory_space<vmem_shared>>) target(%dma_start3A_309 : memref<1024x32xf32, #tpu.memory_space<vmem>>) offsets(%dma_start3A_312 : memref<1024xi32, #tpu.memory_space<vmem>>) semaphore(%dma_start3A_317 : memref<!tpu.dma_semaphore, #tpu.memory_space<semaphore_mem>>)
    %run_scoped3A_318 = arith.constant 0 : i32
    %run_scoped3A_319 = arith.constant 6 : i32
    "tpu.region"() ({
      %run_scoped3A_402 = tpu.sem_alloc : memref<!tpu.dma_semaphore, #tpu.memory_space<semaphore_mem>>
      %dma_start3A_403 = arith.constant 0 : i32
      %dma_start3A_404 = arith.constant 0 : i32
      %dma_start3A_405 = tpu.memref_slice %arg8[%run_scoped3A_318, %dma_start3A_403, %dma_start3A_404] : memref<2x1024x32xf32, #tpu.memory_space<vmem>> -> memref<1x1024x32xf32, #tpu.memory_space<vmem>>
      %dma_start3A_406 = tpu.memref_squeeze %dma_start3A_405 : memref<1x1024x32xf32, #tpu.memory_space<vmem>> -> memref<1024x32xf32, #tpu.memory_space<vmem>>
      %dma_start3A_407 = arith.constant 0 : i32
      %dma_start3A_408 = tpu.memref_slice %arg7[%run_scoped3A_319, %dma_start3A_407] : memref<10x1024xi32, #tpu.memory_space<vmem>> -> memref<1x1024xi32, #tpu.memory_space<vmem>>
      %dma_start3A_409 = tpu.memref_squeeze %dma_start3A_408 : memref<1x1024xi32, #tpu.memory_space<vmem>> -> memref<1024xi32, #tpu.memory_space<vmem>>
      %dma_start3A_410 = arith.constant 0 : i32
      %dma_start3A_411 = arith.constant 0 : i32
      %dma_start3A_412 = tpu.memref_slice %arg9[%dma_start3A_410, %dma_start3A_411] : memref<10112x32xf32, #tpu.memory_space<vmem_shared>> -> memref<10112x32xf32, #tpu.memory_space<vmem_shared>>
      tpu.enqueue_indirect_dma source(%dma_start3A_406 : memref<1024x32xf32, #tpu.memory_space<vmem>>) target(%dma_start3A_412 : memref<10112x32xf32, #tpu.memory_space<vmem_shared>>) offsets(%dma_start3A_409 : memref<1024xi32, #tpu.memory_space<vmem>>) semaphore(%run_scoped3A_402 : memref<!tpu.dma_semaphore, #tpu.memory_space<semaphore_mem>>) {add = true}
      %dma_wait3A_413 = arith.constant 0 : i32
      %dma_wait3A_414 = arith.constant 0 : i32
      %dma_wait3A_415 = tpu.memref_slice %arg8[%run_scoped3A_318, %dma_wait3A_413, %dma_wait3A_414] : memref<2x1024x32xf32, #tpu.memory_space<vmem>> -> memref<1x1024x32xf32, #tpu.memory_space<vmem>>
      %dma_wait3A_416 = tpu.memref_squeeze %dma_wait3A_415 : memref<1x1024x32xf32, #tpu.memory_space<vmem>> -> memref<1024x32xf32, #tpu.memory_space<vmem>>
      %dma_wait3A_417 = arith.constant 0 : i32
      %dma_wait3A_418 = tpu.memref_slice %arg7[%run_scoped3A_319, %dma_wait3A_417] : memref<10x1024xi32, #tpu.memory_space<vmem>> -> memref<1x1024xi32, #tpu.memory_space<vmem>>
      %dma_wait3A_419 = tpu.memref_squeeze %dma_wait3A_418 : memref<1x1024xi32, #tpu.memory_space<vmem>> -> memref<1024xi32, #tpu.memory_space<vmem>>
      %dma_wait3A_420 = arith.constant 0 : i32
      %dma_wait3A_421 = arith.constant 0 : i32
      %dma_wait3A_422 = tpu.memref_slice %arg9[%dma_wait3A_420, %dma_wait3A_421] : memref<10112x32xf32, #tpu.memory_space<vmem_shared>> -> memref<10112x32xf32, #tpu.memory_space<vmem_shared>>
      tpu.wait_indirect_dma semaphore(%run_scoped3A_402 : memref<!tpu.dma_semaphore, #tpu.memory_space<semaphore_mem>>) src(%dma_wait3A_416 : memref<1024x32xf32, #tpu.memory_space<vmem>>) dst(%dma_wait3A_422 : memref<10112x32xf32, #tpu.memory_space<vmem_shared>>)
      tpu.yield
    }) : () -> ()
    %dma_wait3A_320 = arith.constant 7 : i32
    %dma_wait3A_321 = arith.constant 1 : i32
    %dma_wait3A_322 = arith.constant 1 : i32
    %dma_wait3A_323 = arith.constant 0 : i32
    %dma_wait3A_324 = arith.constant 0 : i32
    %dma_wait3A_325 = tpu.memref_slice %arg8[%dma_wait3A_321, %dma_wait3A_323, %dma_wait3A_324] : memref<2x1024x32xf32, #tpu.memory_space<vmem>> -> memref<1x1024x32xf32, #tpu.memory_space<vmem>>
    %dma_wait3A_326 = tpu.memref_squeeze %dma_wait3A_325 : memref<1x1024x32xf32, #tpu.memory_space<vmem>> -> memref<1024x32xf32, #tpu.memory_space<vmem>>
    %dma_wait3A_327 = arith.constant 0 : i32
    %dma_wait3A_328 = tpu.memref_slice %arg6[%dma_wait3A_320, %dma_wait3A_327] : memref<10x1024xi32, #tpu.memory_space<vmem>> -> memref<1x1024xi32, #tpu.memory_space<vmem>>
    %dma_wait3A_329 = tpu.memref_squeeze %dma_wait3A_328 : memref<1x1024xi32, #tpu.memory_space<vmem>> -> memref<1024xi32, #tpu.memory_space<vmem>>
    %dma_wait3A_330 = arith.constant 0 : i32
    %dma_wait3A_331 = arith.constant 0 : i32
    %dma_wait3A_332 = tpu.memref_slice %arg10[%dma_wait3A_330, %dma_wait3A_331] : memref<10112x32xf32, #tpu.memory_space<vmem_shared>> -> memref<10112x32xf32, #tpu.memory_space<vmem_shared>>
    %dma_wait3A_333 = tpu.memref_slice %arg11[%dma_wait3A_322] : memref<3x!tpu.dma_semaphore, #tpu.memory_space<semaphore_mem>> -> memref<1x!tpu.dma_semaphore, #tpu.memory_space<semaphore_mem>>
    %dma_wait3A_334 = tpu.memref_squeeze %dma_wait3A_333 : memref<1x!tpu.dma_semaphore, #tpu.memory_space<semaphore_mem>> -> memref<!tpu.dma_semaphore, #tpu.memory_space<semaphore_mem>>
    tpu.wait_indirect_dma semaphore(%dma_wait3A_334 : memref<!tpu.dma_semaphore, #tpu.memory_space<semaphore_mem>>) src(%dma_wait3A_332 : memref<10112x32xf32, #tpu.memory_space<vmem_shared>>) dst(%dma_wait3A_326 : memref<1024x32xf32, #tpu.memory_space<vmem>>)
    %dma_start3A_335 = arith.constant 8 : i32
    %dma_start3A_336 = arith.constant 0 : i32
    %dma_start3A_337 = arith.constant 0 : i32
    %dma_start3A_338 = arith.constant 0 : i32
    %dma_start3A_339 = arith.constant 0 : i32
    %dma_start3A_340 = tpu.memref_slice %arg8[%dma_start3A_336, %dma_start3A_338, %dma_start3A_339] : memref<2x1024x32xf32, #tpu.memory_space<vmem>> -> memref<1x1024x32xf32, #tpu.memory_space<vmem>>
    %dma_start3A_341 = tpu.memref_squeeze %dma_start3A_340 : memref<1x1024x32xf32, #tpu.memory_space<vmem>> -> memref<1024x32xf32, #tpu.memory_space<vmem>>
    %dma_start3A_342 = arith.constant 0 : i32
    %dma_start3A_343 = tpu.memref_slice %arg6[%dma_start3A_335, %dma_start3A_342] : memref<10x1024xi32, #tpu.memory_space<vmem>> -> memref<1x1024xi32, #tpu.memory_space<vmem>>
    %dma_start3A_344 = tpu.memref_squeeze %dma_start3A_343 : memref<1x1024xi32, #tpu.memory_space<vmem>> -> memref<1024xi32, #tpu.memory_space<vmem>>
    %dma_start3A_345 = arith.constant 0 : i32
    %dma_start3A_346 = arith.constant 0 : i32
    %dma_start3A_347 = tpu.memref_slice %arg10[%dma_start3A_345, %dma_start3A_346] : memref<10112x32xf32, #tpu.memory_space<vmem_shared>> -> memref<10112x32xf32, #tpu.memory_space<vmem_shared>>
    %dma_start3A_348 = tpu.memref_slice %arg11[%dma_start3A_337] : memref<3x!tpu.dma_semaphore, #tpu.memory_space<semaphore_mem>> -> memref<1x!tpu.dma_semaphore, #tpu.memory_space<semaphore_mem>>
    %dma_start3A_349 = tpu.memref_squeeze %dma_start3A_348 : memref<1x!tpu.dma_semaphore, #tpu.memory_space<semaphore_mem>> -> memref<!tpu.dma_semaphore, #tpu.memory_space<semaphore_mem>>
    tpu.enqueue_indirect_dma source(%dma_start3A_347 : memref<10112x32xf32, #tpu.memory_space<vmem_shared>>) target(%dma_start3A_341 : memref<1024x32xf32, #tpu.memory_space<vmem>>) offsets(%dma_start3A_344 : memref<1024xi32, #tpu.memory_space<vmem>>) semaphore(%dma_start3A_349 : memref<!tpu.dma_semaphore, #tpu.memory_space<semaphore_mem>>)
    %run_scoped3A_350 = arith.constant 1 : i32
    %run_scoped3A_351 = arith.constant 7 : i32
    "tpu.region"() ({
      %run_scoped3A_402 = tpu.sem_alloc : memref<!tpu.dma_semaphore, #tpu.memory_space<semaphore_mem>>
      %dma_start3A_403 = arith.constant 0 : i32
      %dma_start3A_404 = arith.constant 0 : i32
      %dma_start3A_405 = tpu.memref_slice %arg8[%run_scoped3A_350, %dma_start3A_403, %dma_start3A_404] : memref<2x1024x32xf32, #tpu.memory_space<vmem>> -> memref<1x1024x32xf32, #tpu.memory_space<vmem>>
      %dma_start3A_406 = tpu.memref_squeeze %dma_start3A_405 : memref<1x1024x32xf32, #tpu.memory_space<vmem>> -> memref<1024x32xf32, #tpu.memory_space<vmem>>
      %dma_start3A_407 = arith.constant 0 : i32
      %dma_start3A_408 = tpu.memref_slice %arg7[%run_scoped3A_351, %dma_start3A_407] : memref<10x1024xi32, #tpu.memory_space<vmem>> -> memref<1x1024xi32, #tpu.memory_space<vmem>>
      %dma_start3A_409 = tpu.memref_squeeze %dma_start3A_408 : memref<1x1024xi32, #tpu.memory_space<vmem>> -> memref<1024xi32, #tpu.memory_space<vmem>>
      %dma_start3A_410 = arith.constant 0 : i32
      %dma_start3A_411 = arith.constant 0 : i32
      %dma_start3A_412 = tpu.memref_slice %arg9[%dma_start3A_410, %dma_start3A_411] : memref<10112x32xf32, #tpu.memory_space<vmem_shared>> -> memref<10112x32xf32, #tpu.memory_space<vmem_shared>>
      tpu.enqueue_indirect_dma source(%dma_start3A_406 : memref<1024x32xf32, #tpu.memory_space<vmem>>) target(%dma_start3A_412 : memref<10112x32xf32, #tpu.memory_space<vmem_shared>>) offsets(%dma_start3A_409 : memref<1024xi32, #tpu.memory_space<vmem>>) semaphore(%run_scoped3A_402 : memref<!tpu.dma_semaphore, #tpu.memory_space<semaphore_mem>>) {add = true}
      %dma_wait3A_413 = arith.constant 0 : i32
      %dma_wait3A_414 = arith.constant 0 : i32
      %dma_wait3A_415 = tpu.memref_slice %arg8[%run_scoped3A_350, %dma_wait3A_413, %dma_wait3A_414] : memref<2x1024x32xf32, #tpu.memory_space<vmem>> -> memref<1x1024x32xf32, #tpu.memory_space<vmem>>
      %dma_wait3A_416 = tpu.memref_squeeze %dma_wait3A_415 : memref<1x1024x32xf32, #tpu.memory_space<vmem>> -> memref<1024x32xf32, #tpu.memory_space<vmem>>
      %dma_wait3A_417 = arith.constant 0 : i32
      %dma_wait3A_418 = tpu.memref_slice %arg7[%run_scoped3A_351, %dma_wait3A_417] : memref<10x1024xi32, #tpu.memory_space<vmem>> -> memref<1x1024xi32, #tpu.memory_space<vmem>>
      %dma_wait3A_419 = tpu.memref_squeeze %dma_wait3A_418 : memref<1x1024xi32, #tpu.memory_space<vmem>> -> memref<1024xi32, #tpu.memory_space<vmem>>
      %dma_wait3A_420 = arith.constant 0 : i32
      %dma_wait3A_421 = arith.constant 0 : i32
      %dma_wait3A_422 = tpu.memref_slice %arg9[%dma_wait3A_420, %dma_wait3A_421] : memref<10112x32xf32, #tpu.memory_space<vmem_shared>> -> memref<10112x32xf32, #tpu.memory_space<vmem_shared>>
      tpu.wait_indirect_dma semaphore(%run_scoped3A_402 : memref<!tpu.dma_semaphore, #tpu.memory_space<semaphore_mem>>) src(%dma_wait3A_416 : memref<1024x32xf32, #tpu.memory_space<vmem>>) dst(%dma_wait3A_422 : memref<10112x32xf32, #tpu.memory_space<vmem_shared>>)
      tpu.yield
    }) : () -> ()
    %dma_wait3A_352 = arith.constant 8 : i32
    %dma_wait3A_353 = arith.constant 0 : i32
    %dma_wait3A_354 = arith.constant 0 : i32
    %dma_wait3A_355 = arith.constant 0 : i32
    %dma_wait3A_356 = arith.constant 0 : i32
    %dma_wait3A_357 = tpu.memref_slice %arg8[%dma_wait3A_353, %dma_wait3A_355, %dma_wait3A_356] : memref<2x1024x32xf32, #tpu.memory_space<vmem>> -> memref<1x1024x32xf32, #tpu.memory_space<vmem>>
    %dma_wait3A_358 = tpu.memref_squeeze %dma_wait3A_357 : memref<1x1024x32xf32, #tpu.memory_space<vmem>> -> memref<1024x32xf32, #tpu.memory_space<vmem>>
    %dma_wait3A_359 = arith.constant 0 : i32
    %dma_wait3A_360 = tpu.memref_slice %arg6[%dma_wait3A_352, %dma_wait3A_359] : memref<10x1024xi32, #tpu.memory_space<vmem>> -> memref<1x1024xi32, #tpu.memory_space<vmem>>
    %dma_wait3A_361 = tpu.memref_squeeze %dma_wait3A_360 : memref<1x1024xi32, #tpu.memory_space<vmem>> -> memref<1024xi32, #tpu.memory_space<vmem>>
    %dma_wait3A_362 = arith.constant 0 : i32
    %dma_wait3A_363 = arith.constant 0 : i32
    %dma_wait3A_364 = tpu.memref_slice %arg10[%dma_wait3A_362, %dma_wait3A_363] : memref<10112x32xf32, #tpu.memory_space<vmem_shared>> -> memref<10112x32xf32, #tpu.memory_space<vmem_shared>>
    %dma_wait3A_365 = tpu.memref_slice %arg11[%dma_wait3A_354] : memref<3x!tpu.dma_semaphore, #tpu.memory_space<semaphore_mem>> -> memref<1x!tpu.dma_semaphore, #tpu.memory_space<semaphore_mem>>
    %dma_wait3A_366 = tpu.memref_squeeze %dma_wait3A_365 : memref<1x!tpu.dma_semaphore, #tpu.memory_space<semaphore_mem>> -> memref<!tpu.dma_semaphore, #tpu.memory_space<semaphore_mem>>
    tpu.wait_indirect_dma semaphore(%dma_wait3A_366 : memref<!tpu.dma_semaphore, #tpu.memory_space<semaphore_mem>>) src(%dma_wait3A_364 : memref<10112x32xf32, #tpu.memory_space<vmem_shared>>) dst(%dma_wait3A_358 : memref<1024x32xf32, #tpu.memory_space<vmem>>)
    %dma_start3A_367 = arith.constant 9 : i32
    %dma_start3A_368 = arith.constant 1 : i32
    %dma_start3A_369 = arith.constant 1 : i32
    %dma_start3A_370 = arith.constant 0 : i32
    %dma_start3A_371 = arith.constant 0 : i32
    %dma_start3A_372 = tpu.memref_slice %arg8[%dma_start3A_368, %dma_start3A_370, %dma_start3A_371] : memref<2x1024x32xf32, #tpu.memory_space<vmem>> -> memref<1x1024x32xf32, #tpu.memory_space<vmem>>
    %dma_start3A_373 = tpu.memref_squeeze %dma_start3A_372 : memref<1x1024x32xf32, #tpu.memory_space<vmem>> -> memref<1024x32xf32, #tpu.memory_space<vmem>>
    %dma_start3A_374 = arith.constant 0 : i32
    %dma_start3A_375 = tpu.memref_slice %arg6[%dma_start3A_367, %dma_start3A_374] : memref<10x1024xi32, #tpu.memory_space<vmem>> -> memref<1x1024xi32, #tpu.memory_space<vmem>>
    %dma_start3A_376 = tpu.memref_squeeze %dma_start3A_375 : memref<1x1024xi32, #tpu.memory_space<vmem>> -> memref<1024xi32, #tpu.memory_space<vmem>>
    %dma_start3A_377 = arith.constant 0 : i32
    %dma_start3A_378 = arith.constant 0 : i32
    %dma_start3A_379 = tpu.memref_slice %arg10[%dma_start3A_377, %dma_start3A_378] : memref<10112x32xf32, #tpu.memory_space<vmem_shared>> -> memref<10112x32xf32, #tpu.memory_space<vmem_shared>>
    %dma_start3A_380 = tpu.memref_slice %arg11[%dma_start3A_369] : memref<3x!tpu.dma_semaphore, #tpu.memory_space<semaphore_mem>> -> memref<1x!tpu.dma_semaphore, #tpu.memory_space<semaphore_mem>>
    %dma_start3A_381 = tpu.memref_squeeze %dma_start3A_380 : memref<1x!tpu.dma_semaphore, #tpu.memory_space<semaphore_mem>> -> memref<!tpu.dma_semaphore, #tpu.memory_space<semaphore_mem>>
    tpu.enqueue_indirect_dma source(%dma_start3A_379 : memref<10112x32xf32, #tpu.memory_space<vmem_shared>>) target(%dma_start3A_373 : memref<1024x32xf32, #tpu.memory_space<vmem>>) offsets(%dma_start3A_376 : memref<1024xi32, #tpu.memory_space<vmem>>) semaphore(%dma_start3A_381 : memref<!tpu.dma_semaphore, #tpu.memory_space<semaphore_mem>>)
    %run_scoped3A_382 = arith.constant 0 : i32
    %run_scoped3A_383 = arith.constant 8 : i32
    "tpu.region"() ({
      %run_scoped3A_402 = tpu.sem_alloc : memref<!tpu.dma_semaphore, #tpu.memory_space<semaphore_mem>>
      %dma_start3A_403 = arith.constant 0 : i32
      %dma_start3A_404 = arith.constant 0 : i32
      %dma_start3A_405 = tpu.memref_slice %arg8[%run_scoped3A_382, %dma_start3A_403, %dma_start3A_404] : memref<2x1024x32xf32, #tpu.memory_space<vmem>> -> memref<1x1024x32xf32, #tpu.memory_space<vmem>>
      %dma_start3A_406 = tpu.memref_squeeze %dma_start3A_405 : memref<1x1024x32xf32, #tpu.memory_space<vmem>> -> memref<1024x32xf32, #tpu.memory_space<vmem>>
      %dma_start3A_407 = arith.constant 0 : i32
      %dma_start3A_408 = tpu.memref_slice %arg7[%run_scoped3A_383, %dma_start3A_407] : memref<10x1024xi32, #tpu.memory_space<vmem>> -> memref<1x1024xi32, #tpu.memory_space<vmem>>
      %dma_start3A_409 = tpu.memref_squeeze %dma_start3A_408 : memref<1x1024xi32, #tpu.memory_space<vmem>> -> memref<1024xi32, #tpu.memory_space<vmem>>
      %dma_start3A_410 = arith.constant 0 : i32
      %dma_start3A_411 = arith.constant 0 : i32
      %dma_start3A_412 = tpu.memref_slice %arg9[%dma_start3A_410, %dma_start3A_411] : memref<10112x32xf32, #tpu.memory_space<vmem_shared>> -> memref<10112x32xf32, #tpu.memory_space<vmem_shared>>
      tpu.enqueue_indirect_dma source(%dma_start3A_406 : memref<1024x32xf32, #tpu.memory_space<vmem>>) target(%dma_start3A_412 : memref<10112x32xf32, #tpu.memory_space<vmem_shared>>) offsets(%dma_start3A_409 : memref<1024xi32, #tpu.memory_space<vmem>>) semaphore(%run_scoped3A_402 : memref<!tpu.dma_semaphore, #tpu.memory_space<semaphore_mem>>) {add = true}
      %dma_wait3A_413 = arith.constant 0 : i32
      %dma_wait3A_414 = arith.constant 0 : i32
      %dma_wait3A_415 = tpu.memref_slice %arg8[%run_scoped3A_382, %dma_wait3A_413, %dma_wait3A_414] : memref<2x1024x32xf32, #tpu.memory_space<vmem>> -> memref<1x1024x32xf32, #tpu.memory_space<vmem>>
      %dma_wait3A_416 = tpu.memref_squeeze %dma_wait3A_415 : memref<1x1024x32xf32, #tpu.memory_space<vmem>> -> memref<1024x32xf32, #tpu.memory_space<vmem>>
      %dma_wait3A_417 = arith.constant 0 : i32
      %dma_wait3A_418 = tpu.memref_slice %arg7[%run_scoped3A_383, %dma_wait3A_417] : memref<10x1024xi32, #tpu.memory_space<vmem>> -> memref<1x1024xi32, #tpu.memory_space<vmem>>
      %dma_wait3A_419 = tpu.memref_squeeze %dma_wait3A_418 : memref<1x1024xi32, #tpu.memory_space<vmem>> -> memref<1024xi32, #tpu.memory_space<vmem>>
      %dma_wait3A_420 = arith.constant 0 : i32
      %dma_wait3A_421 = arith.constant 0 : i32
      %dma_wait3A_422 = tpu.memref_slice %arg9[%dma_wait3A_420, %dma_wait3A_421] : memref<10112x32xf32, #tpu.memory_space<vmem_shared>> -> memref<10112x32xf32, #tpu.memory_space<vmem_shared>>
      tpu.wait_indirect_dma semaphore(%run_scoped3A_402 : memref<!tpu.dma_semaphore, #tpu.memory_space<semaphore_mem>>) src(%dma_wait3A_416 : memref<1024x32xf32, #tpu.memory_space<vmem>>) dst(%dma_wait3A_422 : memref<10112x32xf32, #tpu.memory_space<vmem_shared>>)
      tpu.yield
    }) : () -> ()
    %dma_wait3A_384 = arith.constant 9 : i32
    %dma_wait3A_385 = arith.constant 1 : i32
    %dma_wait3A_386 = arith.constant 1 : i32
    %dma_wait3A_387 = arith.constant 0 : i32
    %dma_wait3A_388 = arith.constant 0 : i32
    %dma_wait3A_389 = tpu.memref_slice %arg8[%dma_wait3A_385, %dma_wait3A_387, %dma_wait3A_388] : memref<2x1024x32xf32, #tpu.memory_space<vmem>> -> memref<1x1024x32xf32, #tpu.memory_space<vmem>>
    %dma_wait3A_390 = tpu.memref_squeeze %dma_wait3A_389 : memref<1x1024x32xf32, #tpu.memory_space<vmem>> -> memref<1024x32xf32, #tpu.memory_space<vmem>>
    %dma_wait3A_391 = arith.constant 0 : i32
    %dma_wait3A_392 = tpu.memref_slice %arg6[%dma_wait3A_384, %dma_wait3A_391] : memref<10x1024xi32, #tpu.memory_space<vmem>> -> memref<1x1024xi32, #tpu.memory_space<vmem>>
    %dma_wait3A_393 = tpu.memref_squeeze %dma_wait3A_392 : memref<1x1024xi32, #tpu.memory_space<vmem>> -> memref<1024xi32, #tpu.memory_space<vmem>>
    %dma_wait3A_394 = arith.constant 0 : i32
    %dma_wait3A_395 = arith.constant 0 : i32
    %dma_wait3A_396 = tpu.memref_slice %arg10[%dma_wait3A_394, %dma_wait3A_395] : memref<10112x32xf32, #tpu.memory_space<vmem_shared>> -> memref<10112x32xf32, #tpu.memory_space<vmem_shared>>
    %dma_wait3A_397 = tpu.memref_slice %arg11[%dma_wait3A_386] : memref<3x!tpu.dma_semaphore, #tpu.memory_space<semaphore_mem>> -> memref<1x!tpu.dma_semaphore, #tpu.memory_space<semaphore_mem>>
    %dma_wait3A_398 = tpu.memref_squeeze %dma_wait3A_397 : memref<1x!tpu.dma_semaphore, #tpu.memory_space<semaphore_mem>> -> memref<!tpu.dma_semaphore, #tpu.memory_space<semaphore_mem>>
    tpu.wait_indirect_dma semaphore(%dma_wait3A_398 : memref<!tpu.dma_semaphore, #tpu.memory_space<semaphore_mem>>) src(%dma_wait3A_396 : memref<10112x32xf32, #tpu.memory_space<vmem_shared>>) dst(%dma_wait3A_390 : memref<1024x32xf32, #tpu.memory_space<vmem>>)
    %run_scoped3A_399 = arith.constant 1 : i32
    %run_scoped3A_400 = arith.constant 9 : i32
    "tpu.region"() ({
      %run_scoped3A_402 = tpu.sem_alloc : memref<!tpu.dma_semaphore, #tpu.memory_space<semaphore_mem>>
      %dma_start3A_403 = arith.constant 0 : i32
      %dma_start3A_404 = arith.constant 0 : i32
      %dma_start3A_405 = tpu.memref_slice %arg8[%run_scoped3A_399, %dma_start3A_403, %dma_start3A_404] : memref<2x1024x32xf32, #tpu.memory_space<vmem>> -> memref<1x1024x32xf32, #tpu.memory_space<vmem>>
      %dma_start3A_406 = tpu.memref_squeeze %dma_start3A_405 : memref<1x1024x32xf32, #tpu.memory_space<vmem>> -> memref<1024x32xf32, #tpu.memory_space<vmem>>
      %dma_start3A_407 = arith.constant 0 : i32
      %dma_start3A_408 = tpu.memref_slice %arg7[%run_scoped3A_400, %dma_start3A_407] : memref<10x1024xi32, #tpu.memory_space<vmem>> -> memref<1x1024xi32, #tpu.memory_space<vmem>>
      %dma_start3A_409 = tpu.memref_squeeze %dma_start3A_408 : memref<1x1024xi32, #tpu.memory_space<vmem>> -> memref<1024xi32, #tpu.memory_space<vmem>>
      %dma_start3A_410 = arith.constant 0 : i32
      %dma_start3A_411 = arith.constant 0 : i32
      %dma_start3A_412 = tpu.memref_slice %arg9[%dma_start3A_410, %dma_start3A_411] : memref<10112x32xf32, #tpu.memory_space<vmem_shared>> -> memref<10112x32xf32, #tpu.memory_space<vmem_shared>>
      tpu.enqueue_indirect_dma source(%dma_start3A_406 : memref<1024x32xf32, #tpu.memory_space<vmem>>) target(%dma_start3A_412 : memref<10112x32xf32, #tpu.memory_space<vmem_shared>>) offsets(%dma_start3A_409 : memref<1024xi32, #tpu.memory_space<vmem>>) semaphore(%run_scoped3A_402 : memref<!tpu.dma_semaphore, #tpu.memory_space<semaphore_mem>>) {add = true}
      %dma_wait3A_413 = arith.constant 0 : i32
      %dma_wait3A_414 = arith.constant 0 : i32
      %dma_wait3A_415 = tpu.memref_slice %arg8[%run_scoped3A_399, %dma_wait3A_413, %dma_wait3A_414] : memref<2x1024x32xf32, #tpu.memory_space<vmem>> -> memref<1x1024x32xf32, #tpu.memory_space<vmem>>
      %dma_wait3A_416 = tpu.memref_squeeze %dma_wait3A_415 : memref<1x1024x32xf32, #tpu.memory_space<vmem>> -> memref<1024x32xf32, #tpu.memory_space<vmem>>
      %dma_wait3A_417 = arith.constant 0 : i32
      %dma_wait3A_418 = tpu.memref_slice %arg7[%run_scoped3A_400, %dma_wait3A_417] : memref<10x1024xi32, #tpu.memory_space<vmem>> -> memref<1x1024xi32, #tpu.memory_space<vmem>>
      %dma_wait3A_419 = tpu.memref_squeeze %dma_wait3A_418 : memref<1x1024xi32, #tpu.memory_space<vmem>> -> memref<1024xi32, #tpu.memory_space<vmem>>
      %dma_wait3A_420 = arith.constant 0 : i32
      %dma_wait3A_421 = arith.constant 0 : i32
      %dma_wait3A_422 = tpu.memref_slice %arg9[%dma_wait3A_420, %dma_wait3A_421] : memref<10112x32xf32, #tpu.memory_space<vmem_shared>> -> memref<10112x32xf32, #tpu.memory_space<vmem_shared>>
      tpu.wait_indirect_dma semaphore(%run_scoped3A_402 : memref<!tpu.dma_semaphore, #tpu.memory_space<semaphore_mem>>) src(%dma_wait3A_416 : memref<1024x32xf32, #tpu.memory_space<vmem>>) dst(%dma_wait3A_422 : memref<10112x32xf32, #tpu.memory_space<vmem_shared>>)
      tpu.yield
    }) : () -> ()
    %barrier3A_401 = arith.constant 0 : index
    tpu.barrier barrier_id(%barrier3A_401)
    "tpu.region"() ({
      %run_scoped3A_402 = tpu.sem_alloc : memref<!tpu.dma_semaphore, #tpu.memory_space<semaphore_mem>>
      %dma_start3A_403 = arith.constant 0 : i32
      %dma_start3A_404 = arith.constant 0 : i32
      %dma_start3A_405 = tpu.memref_slice %arg5[%arg0, %dma_start3A_403, %dma_start3A_404] : memref<2x10112x32xf32, #tpu.memory_space<hbm>> -> memref<1x10112x32xf32, #tpu.memory_space<hbm>>
      %dma_start3A_406 = tpu.memref_squeeze %dma_start3A_405 : memref<1x10112x32xf32, #tpu.memory_space<hbm>> -> memref<10112x32xf32, #tpu.memory_space<hbm>>
      %dma_start3A_407 = arith.constant 0 : i32
      %dma_start3A_408 = tpu.memref_slice %dma_start3A_406[%mul3A_0, %dma_start3A_407] : memref<10112x32xf32, #tpu.memory_space<hbm>> -> memref<632x32xf32, #tpu.memory_space<hbm>>
      %dma_start3A_409 = arith.constant 0 : i32
      %dma_start3A_410 = tpu.memref_slice %arg9[%mul3A_0, %dma_start3A_409] : memref<10112x32xf32, #tpu.memory_space<vmem_shared>> -> memref<632x32xf32, #tpu.memory_space<vmem_shared>>
      tpu.enqueue_dma source(%dma_start3A_410 : memref<632x32xf32, #tpu.memory_space<vmem_shared>>) target(%dma_start3A_408 : memref<632x32xf32, #tpu.memory_space<hbm>>) target_semaphore(%run_scoped3A_402 : memref<!tpu.dma_semaphore, #tpu.memory_space<semaphore_mem>>)
      %dma_wait3A_411 = arith.constant 0 : i32
      %dma_wait3A_412 = arith.constant 0 : i32
      %dma_wait3A_413 = tpu.memref_slice %arg5[%arg0, %dma_wait3A_411, %dma_wait3A_412] : memref<2x10112x32xf32, #tpu.memory_space<hbm>> -> memref<1x10112x32xf32, #tpu.memory_space<hbm>>
      %dma_wait3A_414 = tpu.memref_squeeze %dma_wait3A_413 : memref<1x10112x32xf32, #tpu.memory_space<hbm>> -> memref<10112x32xf32, #tpu.memory_space<hbm>>
      %dma_wait3A_415 = arith.constant 0 : i32
      %dma_wait3A_416 = tpu.memref_slice %dma_wait3A_414[%mul3A_0, %dma_wait3A_415] : memref<10112x32xf32, #tpu.memory_space<hbm>> -> memref<632x32xf32, #tpu.memory_space<hbm>>
      %dma_wait3A_417 = arith.constant 0 : i32
      %dma_wait3A_418 = tpu.memref_slice %arg9[%mul3A_0, %dma_wait3A_417] : memref<10112x32xf32, #tpu.memory_space<vmem_shared>> -> memref<632x32xf32, #tpu.memory_space<vmem_shared>>
      tpu.wait_dma2 semaphore(%run_scoped3A_402 : memref<!tpu.dma_semaphore, #tpu.memory_space<semaphore_mem>>) src(%dma_wait3A_418 : memref<632x32xf32, #tpu.memory_space<vmem_shared>>) dst(%dma_wait3A_416 : memref<632x32xf32, #tpu.memory_space<hbm>>)
      tpu.yield
    }) : () -> ()
    return
  }
}

#map = affine_map<(d0, d1) -> (0, 0)>
#map1 = affine_map<(d0, d1) -> (0, 0, 0)>
module attributes {stable_mosaic.version = 14 : i64} {
  func.func @_sc_agg_body(%arg0: i32, %arg1: i32, %arg2: memref<10112x32xf32, #tpu.memory_space<hbm>>, %arg3: memref<16x20x1024xi32, #tpu.memory_space<hbm>>, %arg4: memref<16x20x1024xi32, #tpu.memory_space<hbm>>, %arg5: memref<2x10112x32xf32, #tpu.memory_space<hbm>>, %arg6: memref<10x1024xi32, #tpu.memory_space<vmem>>, %arg7: memref<10x1024xi32, #tpu.memory_space<vmem>>, %arg8: memref<2x1024x32xf32, #tpu.memory_space<vmem>>, %arg9: memref<10112x32xf32, #tpu.memory_space<vmem_shared>>, %arg10: memref<10112x32xf32, #tpu.memory_space<vmem_shared>>, %arg11: memref<3x!tpu.dma_semaphore, #tpu.memory_space<semaphore_mem>>) attributes {dimension_semantics = [#tpu.dimension_semantics<core_parallel>, #tpu.dimension_semantics<subcore_parallel>], iteration_bounds = array<i64: 2, 16>, scalar_prefetch = 0 : i64, scratch_operands = 6 : i64, tpu.core_type = #tpu.core_type<sc_vector_subcore>, window_params = [{transform_indices = #map}, {transform_indices = #map1}, {transform_indices = #map1}, {transform_indices = #map1}]} {
    %mul3A = arith.constant 632 : i32
    %mul3A_0 = arith.muli %arg1, %mul3A : i32
    %mul3A_1 = arith.constant 10 : i32
    %mul3A_2 = arith.muli %arg0, %mul3A_1 : i32
    %dma_start3A = arith.constant 0 : i32
    %dma_start3A_3 = arith.constant 0 : i32
    %dma_start3A_4 = arith.constant 0 : i32
    %dma_start3A_5 = tpu.memref_slice %arg3[%arg1, %dma_start3A_3, %dma_start3A_4] : memref<16x20x1024xi32, #tpu.memory_space<hbm>> -> memref<1x20x1024xi32, #tpu.memory_space<hbm>>
    %dma_start3A_6 = tpu.memref_squeeze %dma_start3A_5 : memref<1x20x1024xi32, #tpu.memory_space<hbm>> -> memref<20x1024xi32, #tpu.memory_space<hbm>>
    %dma_start3A_7 = arith.constant 0 : i32
    %dma_start3A_8 = tpu.memref_slice %dma_start3A_6[%mul3A_2, %dma_start3A_7] : memref<20x1024xi32, #tpu.memory_space<hbm>> -> memref<10x1024xi32, #tpu.memory_space<hbm>>
    %dma_start3A_9 = tpu.memref_slice %arg11[%dma_start3A] : memref<3x!tpu.dma_semaphore, #tpu.memory_space<semaphore_mem>> -> memref<1x!tpu.dma_semaphore, #tpu.memory_space<semaphore_mem>>
    %dma_start3A_10 = tpu.memref_squeeze %dma_start3A_9 : memref<1x!tpu.dma_semaphore, #tpu.memory_space<semaphore_mem>> -> memref<!tpu.dma_semaphore, #tpu.memory_space<semaphore_mem>>
    %dma_start3A_11 = arith.constant 0 : i32
    %dma_start3A_12 = arith.constant 0 : i32
    %dma_start3A_13 = tpu.memref_slice %arg3[%arg1, %dma_start3A_11, %dma_start3A_12] : memref<16x20x1024xi32, #tpu.memory_space<hbm>> -> memref<1x20x1024xi32, #tpu.memory_space<hbm>>
    %dma_start3A_14 = tpu.memref_squeeze %dma_start3A_13 : memref<1x20x1024xi32, #tpu.memory_space<hbm>> -> memref<20x1024xi32, #tpu.memory_space<hbm>>
    %dma_start3A_15 = arith.constant 0 : i32
    %dma_start3A_16 = tpu.memref_slice %dma_start3A_14[%mul3A_2, %dma_start3A_15] : memref<20x1024xi32, #tpu.memory_space<hbm>> -> memref<10x1024xi32, #tpu.memory_space<hbm>>
    tpu.enqueue_dma source(%dma_start3A_16 : memref<10x1024xi32, #tpu.memory_space<hbm>>) target(%arg6 : memref<10x1024xi32, #tpu.memory_space<vmem>>) target_semaphore(%dma_start3A_10 : memref<!tpu.dma_semaphore, #tpu.memory_space<semaphore_mem>>)
    %dma_start3A_17 = arith.constant 1 : i32
    %dma_start3A_18 = arith.constant 0 : i32
    %dma_start3A_19 = arith.constant 0 : i32
    %dma_start3A_20 = tpu.memref_slice %arg4[%arg1, %dma_start3A_18, %dma_start3A_19] : memref<16x20x1024xi32, #tpu.memory_space<hbm>> -> memref<1x20x1024xi32, #tpu.memory_space<hbm>>
    %dma_start3A_21 = tpu.memref_squeeze %dma_start3A_20 : memref<1x20x1024xi32, #tpu.memory_space<hbm>> -> memref<20x1024xi32, #tpu.memory_space<hbm>>
    %dma_start3A_22 = arith.constant 0 : i32
    %dma_start3A_23 = tpu.memref_slice %dma_start3A_21[%mul3A_2, %dma_start3A_22] : memref<20x1024xi32, #tpu.memory_space<hbm>> -> memref<10x1024xi32, #tpu.memory_space<hbm>>
    %dma_start3A_24 = tpu.memref_slice %arg11[%dma_start3A_17] : memref<3x!tpu.dma_semaphore, #tpu.memory_space<semaphore_mem>> -> memref<1x!tpu.dma_semaphore, #tpu.memory_space<semaphore_mem>>
    %dma_start3A_25 = tpu.memref_squeeze %dma_start3A_24 : memref<1x!tpu.dma_semaphore, #tpu.memory_space<semaphore_mem>> -> memref<!tpu.dma_semaphore, #tpu.memory_space<semaphore_mem>>
    %dma_start3A_26 = arith.constant 0 : i32
    %dma_start3A_27 = arith.constant 0 : i32
    %dma_start3A_28 = tpu.memref_slice %arg4[%arg1, %dma_start3A_26, %dma_start3A_27] : memref<16x20x1024xi32, #tpu.memory_space<hbm>> -> memref<1x20x1024xi32, #tpu.memory_space<hbm>>
    %dma_start3A_29 = tpu.memref_squeeze %dma_start3A_28 : memref<1x20x1024xi32, #tpu.memory_space<hbm>> -> memref<20x1024xi32, #tpu.memory_space<hbm>>
    %dma_start3A_30 = arith.constant 0 : i32
    %dma_start3A_31 = tpu.memref_slice %dma_start3A_29[%mul3A_2, %dma_start3A_30] : memref<20x1024xi32, #tpu.memory_space<hbm>> -> memref<10x1024xi32, #tpu.memory_space<hbm>>
    tpu.enqueue_dma source(%dma_start3A_31 : memref<10x1024xi32, #tpu.memory_space<hbm>>) target(%arg7 : memref<10x1024xi32, #tpu.memory_space<vmem>>) target_semaphore(%dma_start3A_25 : memref<!tpu.dma_semaphore, #tpu.memory_space<semaphore_mem>>)
    %dma_start3A_32 = arith.constant 2 : i32
    %dma_start3A_33 = tpu.memref_slice %arg11[%dma_start3A_32] : memref<3x!tpu.dma_semaphore, #tpu.memory_space<semaphore_mem>> -> memref<1x!tpu.dma_semaphore, #tpu.memory_space<semaphore_mem>>
    %dma_start3A_34 = tpu.memref_squeeze %dma_start3A_33 : memref<1x!tpu.dma_semaphore, #tpu.memory_space<semaphore_mem>> -> memref<!tpu.dma_semaphore, #tpu.memory_space<semaphore_mem>>
    %dma_start3A_35 = arith.constant 0 : i32
    %dma_start3A_36 = tpu.memref_slice %arg10[%mul3A_0, %dma_start3A_35] : memref<10112x32xf32, #tpu.memory_space<vmem_shared>> -> memref<632x32xf32, #tpu.memory_space<vmem_shared>>
    %dma_start3A_37 = arith.constant 0 : i32
    %dma_start3A_38 = tpu.memref_slice %arg2[%mul3A_0, %dma_start3A_37] : memref<10112x32xf32, #tpu.memory_space<hbm>> -> memref<632x32xf32, #tpu.memory_space<hbm>>
    tpu.enqueue_dma source(%dma_start3A_38 : memref<632x32xf32, #tpu.memory_space<hbm>>) target(%dma_start3A_36 : memref<632x32xf32, #tpu.memory_space<vmem_shared>>) target_semaphore(%dma_start3A_34 : memref<!tpu.dma_semaphore, #tpu.memory_space<semaphore_mem>>)
    %scan3A = arith.constant 0 : i32
    %scan3A_39 = arith.constant 0 : i32
    %scan3A_40 = arith.constant 632 : i32
    %scan3A_41 = arith.addi %scan3A_39, %scan3A_40 : i32
    %scan3A_42 = arith.constant 1 : i32
    %scan3A_43 = scf.for %scan3A_402 = %scan3A_39 to %scan3A_41 step %scan3A_42 iter_args(%scan3A_403 = %scan3A) -> (i32)  : i32 {
      %broadcast_in_dim3A = arith.constant 0.000000e+00 : f32
      %broadcast_in_dim3A_404 = vector.broadcast %broadcast_in_dim3A : f32 to vector<16xf32>
      %swap3A = arith.constant 0 : i32
      %swap3A_405 = arith.index_cast %swap3A : i32 to index
      %swap3A_406 = arith.index_cast %scan3A_402 : i32 to index
      %swap3A_407 = arith.constant 0 : index
      %swap3A_408 = tpu.vector_load %arg8[%swap3A_405, %swap3A_406, %swap3A_407] {strides = array<i32>} : memref<2x1024x32xf32, #tpu.memory_space<vmem>>, vector<1x1x16xf32>,
      %swap3A_409 = vector.shape_cast %swap3A_408 : vector<1x1x16xf32> to vector<16xf32>
      %swap3A_410 = vector.shape_cast %broadcast_in_dim3A_404 : vector<16xf32> to vector<1x1x16xf32>
      tpu.vector_store %arg8[%swap3A_405, %swap3A_406, %swap3A_407], %swap3A_410 {strides = array<i32>} : memref<2x1024x32xf32, #tpu.memory_space<vmem>>, vector<1x1x16xf32>,
      %broadcast_in_dim3A_411 = arith.constant 0.000000e+00 : f32
      %broadcast_in_dim3A_412 = vector.broadcast %broadcast_in_dim3A_411 : f32 to vector<16xf32>
      %swap3A_413 = arith.constant 0 : i32
      %swap3A_414 = arith.index_cast %swap3A_413 : i32 to index
      %swap3A_415 = arith.index_cast %scan3A_402 : i32 to index
      %swap3A_416 = arith.constant 16 : index
      %swap3A_417 = tpu.vector_load %arg8[%swap3A_414, %swap3A_415, %swap3A_416] {strides = array<i32>} : memref<2x1024x32xf32, #tpu.memory_space<vmem>>, vector<1x1x16xf32>,
      %swap3A_418 = vector.shape_cast %swap3A_417 : vector<1x1x16xf32> to vector<16xf32>
      %swap3A_419 = vector.shape_cast %broadcast_in_dim3A_412 : vector<16xf32> to vector<1x1x16xf32>
      tpu.vector_store %arg8[%swap3A_414, %swap3A_415, %swap3A_416], %swap3A_419 {strides = array<i32>} : memref<2x1024x32xf32, #tpu.memory_space<vmem>>, vector<1x1x16xf32>,
      %scan3A_420 = arith.constant 0 : i32
      scf.yield %scan3A_420 : i32
    }
    %scan3A_44 = arith.constant 632 : i32
    %run_scoped3A = arith.constant 0 : i32
    "tpu.region"() ({
      %run_scoped3A_402 = tpu.sem_alloc : memref<!tpu.dma_semaphore, #tpu.memory_space<semaphore_mem>>
      %dma_start3A_403 = arith.constant 0 : i32
      %dma_start3A_404 = arith.constant 0 : i32
      %dma_start3A_405 = tpu.memref_slice %arg8[%run_scoped3A, %dma_start3A_403, %dma_start3A_404] : memref<2x1024x32xf32, #tpu.memory_space<vmem>> -> memref<1x1024x32xf32, #tpu.memory_space<vmem>>
      %dma_start3A_406 = tpu.memref_squeeze %dma_start3A_405 : memref<1x1024x32xf32, #tpu.memory_space<vmem>> -> memref<1024x32xf32, #tpu.memory_space<vmem>>
      %dma_start3A_407 = arith.constant 0 : i32
      %dma_start3A_408 = arith.constant 0 : i32
      %dma_start3A_409 = tpu.memref_slice %dma_start3A_406[%dma_start3A_407, %dma_start3A_408] : memref<1024x32xf32, #tpu.memory_space<vmem>> -> memref<632x32xf32, #tpu.memory_space<vmem>>
      %dma_start3A_410 = arith.constant 0 : i32
      %dma_start3A_411 = tpu.memref_slice %arg9[%mul3A_0, %dma_start3A_410] : memref<10112x32xf32, #tpu.memory_space<vmem_shared>> -> memref<632x32xf32, #tpu.memory_space<vmem_shared>>
      %dma_start3A_412 = arith.constant 0 : i32
      %dma_start3A_413 = tpu.memref_slice %arg9[%mul3A_0, %dma_start3A_412] : memref<10112x32xf32, #tpu.memory_space<vmem_shared>> -> memref<632x32xf32, #tpu.memory_space<vmem_shared>>
      %dma_start3A_414 = arith.constant 0 : i32
      %dma_start3A_415 = arith.constant 0 : i32
      %dma_start3A_416 = tpu.memref_slice %arg8[%run_scoped3A, %dma_start3A_414, %dma_start3A_415] : memref<2x1024x32xf32, #tpu.memory_space<vmem>> -> memref<1x1024x32xf32, #tpu.memory_space<vmem>>
      %dma_start3A_417 = tpu.memref_squeeze %dma_start3A_416 : memref<1x1024x32xf32, #tpu.memory_space<vmem>> -> memref<1024x32xf32, #tpu.memory_space<vmem>>
      %dma_start3A_418 = arith.constant 0 : i32
      %dma_start3A_419 = arith.constant 0 : i32
      %dma_start3A_420 = tpu.memref_slice %dma_start3A_417[%dma_start3A_418, %dma_start3A_419] : memref<1024x32xf32, #tpu.memory_space<vmem>> -> memref<632x32xf32, #tpu.memory_space<vmem>>
      tpu.enqueue_dma source(%dma_start3A_420 : memref<632x32xf32, #tpu.memory_space<vmem>>) target(%dma_start3A_413 : memref<632x32xf32, #tpu.memory_space<vmem_shared>>) target_semaphore(%run_scoped3A_402 : memref<!tpu.dma_semaphore, #tpu.memory_space<semaphore_mem>>)
      %dma_wait3A_421 = arith.constant 0 : i32
      %dma_wait3A_422 = arith.constant 0 : i32
      %dma_wait3A_423 = tpu.memref_slice %arg8[%run_scoped3A, %dma_wait3A_421, %dma_wait3A_422] : memref<2x1024x32xf32, #tpu.memory_space<vmem>> -> memref<1x1024x32xf32, #tpu.memory_space<vmem>>
      %dma_wait3A_424 = tpu.memref_squeeze %dma_wait3A_423 : memref<1x1024x32xf32, #tpu.memory_space<vmem>> -> memref<1024x32xf32, #tpu.memory_space<vmem>>
      %dma_wait3A_425 = arith.constant 0 : i32
      %dma_wait3A_426 = arith.constant 0 : i32
      %dma_wait3A_427 = tpu.memref_slice %dma_wait3A_424[%dma_wait3A_425, %dma_wait3A_426] : memref<1024x32xf32, #tpu.memory_space<vmem>> -> memref<632x32xf32, #tpu.memory_space<vmem>>
      %dma_wait3A_428 = arith.constant 0 : i32
      %dma_wait3A_429 = tpu.memref_slice %arg9[%mul3A_0, %dma_wait3A_428] : memref<10112x32xf32, #tpu.memory_space<vmem_shared>> -> memref<632x32xf32, #tpu.memory_space<vmem_shared>>
      %dma_wait3A_430 = arith.constant 0 : i32
      %dma_wait3A_431 = tpu.memref_slice %arg9[%mul3A_0, %dma_wait3A_430] : memref<10112x32xf32, #tpu.memory_space<vmem_shared>> -> memref<632x32xf32, #tpu.memory_space<vmem_shared>>
      %dma_wait3A_432 = arith.constant 0 : i32
      %dma_wait3A_433 = arith.constant 0 : i32
      %dma_wait3A_434 = tpu.memref_slice %arg8[%run_scoped3A, %dma_wait3A_432, %dma_wait3A_433] : memref<2x1024x32xf32, #tpu.memory_space<vmem>> -> memref<1x1024x32xf32, #tpu.memory_space<vmem>>
      %dma_wait3A_435 = tpu.memref_squeeze %dma_wait3A_434 : memref<1x1024x32xf32, #tpu.memory_space<vmem>> -> memref<1024x32xf32, #tpu.memory_space<vmem>>
      %dma_wait3A_436 = arith.constant 0 : i32
      %dma_wait3A_437 = arith.constant 0 : i32
      %dma_wait3A_438 = tpu.memref_slice %dma_wait3A_435[%dma_wait3A_436, %dma_wait3A_437] : memref<1024x32xf32, #tpu.memory_space<vmem>> -> memref<632x32xf32, #tpu.memory_space<vmem>>
      tpu.wait_dma2 semaphore(%run_scoped3A_402 : memref<!tpu.dma_semaphore, #tpu.memory_space<semaphore_mem>>) src(%dma_wait3A_438 : memref<632x32xf32, #tpu.memory_space<vmem>>) dst(%dma_wait3A_431 : memref<632x32xf32, #tpu.memory_space<vmem_shared>>)
      tpu.yield
    }) : () -> ()
    %dma_wait3A = arith.constant 0 : i32
    %dma_wait3A_45 = arith.constant 0 : i32
    %dma_wait3A_46 = arith.constant 0 : i32
    %dma_wait3A_47 = tpu.memref_slice %arg3[%arg1, %dma_wait3A_45, %dma_wait3A_46] : memref<16x20x1024xi32, #tpu.memory_space<hbm>> -> memref<1x20x1024xi32, #tpu.memory_space<hbm>>
    %dma_wait3A_48 = tpu.memref_squeeze %dma_wait3A_47 : memref<1x20x1024xi32, #tpu.memory_space<hbm>> -> memref<20x1024xi32, #tpu.memory_space<hbm>>
    %dma_wait3A_49 = arith.constant 0 : i32
    %dma_wait3A_50 = tpu.memref_slice %dma_wait3A_48[%mul3A_2, %dma_wait3A_49] : memref<20x1024xi32, #tpu.memory_space<hbm>> -> memref<10x1024xi32, #tpu.memory_space<hbm>>
    %dma_wait3A_51 = tpu.memref_slice %arg11[%dma_wait3A] : memref<3x!tpu.dma_semaphore, #tpu.memory_space<semaphore_mem>> -> memref<1x!tpu.dma_semaphore, #tpu.memory_space<semaphore_mem>>
    %dma_wait3A_52 = tpu.memref_squeeze %dma_wait3A_51 : memref<1x!tpu.dma_semaphore, #tpu.memory_space<semaphore_mem>> -> memref<!tpu.dma_semaphore, #tpu.memory_space<semaphore_mem>>
    %dma_wait3A_53 = arith.constant 0 : i32
    %dma_wait3A_54 = arith.constant 0 : i32
    %dma_wait3A_55 = tpu.memref_slice %arg3[%arg1, %dma_wait3A_53, %dma_wait3A_54] : memref<16x20x1024xi32, #tpu.memory_space<hbm>> -> memref<1x20x1024xi32, #tpu.memory_space<hbm>>
    %dma_wait3A_56 = tpu.memref_squeeze %dma_wait3A_55 : memref<1x20x1024xi32, #tpu.memory_space<hbm>> -> memref<20x1024xi32, #tpu.memory_space<hbm>>
    %dma_wait3A_57 = arith.constant 0 : i32
    %dma_wait3A_58 = tpu.memref_slice %dma_wait3A_56[%mul3A_2, %dma_wait3A_57] : memref<20x1024xi32, #tpu.memory_space<hbm>> -> memref<10x1024xi32, #tpu.memory_space<hbm>>
    tpu.wait_dma2 semaphore(%dma_wait3A_52 : memref<!tpu.dma_semaphore, #tpu.memory_space<semaphore_mem>>) src(%dma_wait3A_58 : memref<10x1024xi32, #tpu.memory_space<hbm>>) dst(%arg6 : memref<10x1024xi32, #tpu.memory_space<vmem>>)
    %dma_wait3A_59 = arith.constant 1 : i32
    %dma_wait3A_60 = arith.constant 0 : i32
    %dma_wait3A_61 = arith.constant 0 : i32
    %dma_wait3A_62 = tpu.memref_slice %arg4[%arg1, %dma_wait3A_60, %dma_wait3A_61] : memref<16x20x1024xi32, #tpu.memory_space<hbm>> -> memref<1x20x1024xi32, #tpu.memory_space<hbm>>
    %dma_wait3A_63 = tpu.memref_squeeze %dma_wait3A_62 : memref<1x20x1024xi32, #tpu.memory_space<hbm>> -> memref<20x1024xi32, #tpu.memory_space<hbm>>
    %dma_wait3A_64 = arith.constant 0 : i32
    %dma_wait3A_65 = tpu.memref_slice %dma_wait3A_63[%mul3A_2, %dma_wait3A_64] : memref<20x1024xi32, #tpu.memory_space<hbm>> -> memref<10x1024xi32, #tpu.memory_space<hbm>>
    %dma_wait3A_66 = tpu.memref_slice %arg11[%dma_wait3A_59] : memref<3x!tpu.dma_semaphore, #tpu.memory_space<semaphore_mem>> -> memref<1x!tpu.dma_semaphore, #tpu.memory_space<semaphore_mem>>
    %dma_wait3A_67 = tpu.memref_squeeze %dma_wait3A_66 : memref<1x!tpu.dma_semaphore, #tpu.memory_space<semaphore_mem>> -> memref<!tpu.dma_semaphore, #tpu.memory_space<semaphore_mem>>
    %dma_wait3A_68 = arith.constant 0 : i32
    %dma_wait3A_69 = arith.constant 0 : i32
    %dma_wait3A_70 = tpu.memref_slice %arg4[%arg1, %dma_wait3A_68, %dma_wait3A_69] : memref<16x20x1024xi32, #tpu.memory_space<hbm>> -> memref<1x20x1024xi32, #tpu.memory_space<hbm>>
    %dma_wait3A_71 = tpu.memref_squeeze %dma_wait3A_70 : memref<1x20x1024xi32, #tpu.memory_space<hbm>> -> memref<20x1024xi32, #tpu.memory_space<hbm>>
    %dma_wait3A_72 = arith.constant 0 : i32
    %dma_wait3A_73 = tpu.memref_slice %dma_wait3A_71[%mul3A_2, %dma_wait3A_72] : memref<20x1024xi32, #tpu.memory_space<hbm>> -> memref<10x1024xi32, #tpu.memory_space<hbm>>
    tpu.wait_dma2 semaphore(%dma_wait3A_67 : memref<!tpu.dma_semaphore, #tpu.memory_space<semaphore_mem>>) src(%dma_wait3A_73 : memref<10x1024xi32, #tpu.memory_space<hbm>>) dst(%arg7 : memref<10x1024xi32, #tpu.memory_space<vmem>>)
    %dma_wait3A_74 = arith.constant 2 : i32
    %dma_wait3A_75 = tpu.memref_slice %arg11[%dma_wait3A_74] : memref<3x!tpu.dma_semaphore, #tpu.memory_space<semaphore_mem>> -> memref<1x!tpu.dma_semaphore, #tpu.memory_space<semaphore_mem>>
    %dma_wait3A_76 = tpu.memref_squeeze %dma_wait3A_75 : memref<1x!tpu.dma_semaphore, #tpu.memory_space<semaphore_mem>> -> memref<!tpu.dma_semaphore, #tpu.memory_space<semaphore_mem>>
    %dma_wait3A_77 = arith.constant 0 : i32
    %dma_wait3A_78 = tpu.memref_slice %arg10[%mul3A_0, %dma_wait3A_77] : memref<10112x32xf32, #tpu.memory_space<vmem_shared>> -> memref<632x32xf32, #tpu.memory_space<vmem_shared>>
    %dma_wait3A_79 = arith.constant 0 : i32
    %dma_wait3A_80 = tpu.memref_slice %arg2[%mul3A_0, %dma_wait3A_79] : memref<10112x32xf32, #tpu.memory_space<hbm>> -> memref<632x32xf32, #tpu.memory_space<hbm>>
    tpu.wait_dma2 semaphore(%dma_wait3A_76 : memref<!tpu.dma_semaphore, #tpu.memory_space<semaphore_mem>>) src(%dma_wait3A_80 : memref<632x32xf32, #tpu.memory_space<hbm>>) dst(%dma_wait3A_78 : memref<632x32xf32, #tpu.memory_space<vmem_shared>>)
    %barrier3A = arith.constant 0 : index
    tpu.barrier barrier_id(%barrier3A)
    %dma_start3A_81 = arith.constant 0 : i32
    %dma_start3A_82 = arith.constant 0 : i32
    %dma_start3A_83 = arith.constant 0 : i32
    %dma_start3A_84 = arith.constant 0 : i32
    %dma_start3A_85 = arith.constant 0 : i32
    %dma_start3A_86 = tpu.memref_slice %arg8[%dma_start3A_82, %dma_start3A_84, %dma_start3A_85] : memref<2x1024x32xf32, #tpu.memory_space<vmem>> -> memref<1x1024x32xf32, #tpu.memory_space<vmem>>
    %dma_start3A_87 = tpu.memref_squeeze %dma_start3A_86 : memref<1x1024x32xf32, #tpu.memory_space<vmem>> -> memref<1024x32xf32, #tpu.memory_space<vmem>>
    %dma_start3A_88 = arith.constant 0 : i32
    %dma_start3A_89 = tpu.memref_slice %arg6[%dma_start3A_81, %dma_start3A_88] : memref<10x1024xi32, #tpu.memory_space<vmem>> -> memref<1x1024xi32, #tpu.memory_space<vmem>>
    %dma_start3A_90 = tpu.memref_squeeze %dma_start3A_89 : memref<1x1024xi32, #tpu.memory_space<vmem>> -> memref<1024xi32, #tpu.memory_space<vmem>>
    %dma_start3A_91 = arith.constant 0 : i32
    %dma_start3A_92 = arith.constant 0 : i32
    %dma_start3A_93 = tpu.memref_slice %arg10[%dma_start3A_91, %dma_start3A_92] : memref<10112x32xf32, #tpu.memory_space<vmem_shared>> -> memref<10112x32xf32, #tpu.memory_space<vmem_shared>>
    %dma_start3A_94 = tpu.memref_slice %arg11[%dma_start3A_83] : memref<3x!tpu.dma_semaphore, #tpu.memory_space<semaphore_mem>> -> memref<1x!tpu.dma_semaphore, #tpu.memory_space<semaphore_mem>>
    %dma_start3A_95 = tpu.memref_squeeze %dma_start3A_94 : memref<1x!tpu.dma_semaphore, #tpu.memory_space<semaphore_mem>> -> memref<!tpu.dma_semaphore, #tpu.memory_space<semaphore_mem>>
    tpu.enqueue_indirect_dma source(%dma_start3A_93 : memref<10112x32xf32, #tpu.memory_space<vmem_shared>>) target(%dma_start3A_87 : memref<1024x32xf32, #tpu.memory_space<vmem>>) offsets(%dma_start3A_90 : memref<1024xi32, #tpu.memory_space<vmem>>) semaphore(%dma_start3A_95 : memref<!tpu.dma_semaphore, #tpu.memory_space<semaphore_mem>>)
    %dma_wait3A_96 = arith.constant 0 : i32
    %dma_wait3A_97 = arith.constant 0 : i32
    %dma_wait3A_98 = arith.constant 0 : i32
    %dma_wait3A_99 = arith.constant 0 : i32
    %dma_wait3A_100 = arith.constant 0 : i32
    %dma_wait3A_101 = tpu.memref_slice %arg8[%dma_wait3A_97, %dma_wait3A_99, %dma_wait3A_100] : memref<2x1024x32xf32, #tpu.memory_space<vmem>> -> memref<1x1024x32xf32, #tpu.memory_space<vmem>>
    %dma_wait3A_102 = tpu.memref_squeeze %dma_wait3A_101 : memref<1x1024x32xf32, #tpu.memory_space<vmem>> -> memref<1024x32xf32, #tpu.memory_space<vmem>>
    %dma_wait3A_103 = arith.constant 0 : i32
    %dma_wait3A_104 = tpu.memref_slice %arg6[%dma_wait3A_96, %dma_wait3A_103] : memref<10x1024xi32, #tpu.memory_space<vmem>> -> memref<1x1024xi32, #tpu.memory_space<vmem>>
    %dma_wait3A_105 = tpu.memref_squeeze %dma_wait3A_104 : memref<1x1024xi32, #tpu.memory_space<vmem>> -> memref<1024xi32, #tpu.memory_space<vmem>>
    %dma_wait3A_106 = arith.constant 0 : i32
    %dma_wait3A_107 = arith.constant 0 : i32
    %dma_wait3A_108 = tpu.memref_slice %arg10[%dma_wait3A_106, %dma_wait3A_107] : memref<10112x32xf32, #tpu.memory_space<vmem_shared>> -> memref<10112x32xf32, #tpu.memory_space<vmem_shared>>
    %dma_wait3A_109 = tpu.memref_slice %arg11[%dma_wait3A_98] : memref<3x!tpu.dma_semaphore, #tpu.memory_space<semaphore_mem>> -> memref<1x!tpu.dma_semaphore, #tpu.memory_space<semaphore_mem>>
    %dma_wait3A_110 = tpu.memref_squeeze %dma_wait3A_109 : memref<1x!tpu.dma_semaphore, #tpu.memory_space<semaphore_mem>> -> memref<!tpu.dma_semaphore, #tpu.memory_space<semaphore_mem>>
    tpu.wait_indirect_dma semaphore(%dma_wait3A_110 : memref<!tpu.dma_semaphore, #tpu.memory_space<semaphore_mem>>) src(%dma_wait3A_108 : memref<10112x32xf32, #tpu.memory_space<vmem_shared>>) dst(%dma_wait3A_102 : memref<1024x32xf32, #tpu.memory_space<vmem>>)
    %dma_start3A_111 = arith.constant 1 : i32
    %dma_start3A_112 = arith.constant 1 : i32
    %dma_start3A_113 = arith.constant 1 : i32
    %dma_start3A_114 = arith.constant 0 : i32
    %dma_start3A_115 = arith.constant 0 : i32
    %dma_start3A_116 = tpu.memref_slice %arg8[%dma_start3A_112, %dma_start3A_114, %dma_start3A_115] : memref<2x1024x32xf32, #tpu.memory_space<vmem>> -> memref<1x1024x32xf32, #tpu.memory_space<vmem>>
    %dma_start3A_117 = tpu.memref_squeeze %dma_start3A_116 : memref<1x1024x32xf32, #tpu.memory_space<vmem>> -> memref<1024x32xf32, #tpu.memory_space<vmem>>
    %dma_start3A_118 = arith.constant 0 : i32
    %dma_start3A_119 = tpu.memref_slice %arg6[%dma_start3A_111, %dma_start3A_118] : memref<10x1024xi32, #tpu.memory_space<vmem>> -> memref<1x1024xi32, #tpu.memory_space<vmem>>
    %dma_start3A_120 = tpu.memref_squeeze %dma_start3A_119 : memref<1x1024xi32, #tpu.memory_space<vmem>> -> memref<1024xi32, #tpu.memory_space<vmem>>
    %dma_start3A_121 = arith.constant 0 : i32
    %dma_start3A_122 = arith.constant 0 : i32
    %dma_start3A_123 = tpu.memref_slice %arg10[%dma_start3A_121, %dma_start3A_122] : memref<10112x32xf32, #tpu.memory_space<vmem_shared>> -> memref<10112x32xf32, #tpu.memory_space<vmem_shared>>
    %dma_start3A_124 = tpu.memref_slice %arg11[%dma_start3A_113] : memref<3x!tpu.dma_semaphore, #tpu.memory_space<semaphore_mem>> -> memref<1x!tpu.dma_semaphore, #tpu.memory_space<semaphore_mem>>
    %dma_start3A_125 = tpu.memref_squeeze %dma_start3A_124 : memref<1x!tpu.dma_semaphore, #tpu.memory_space<semaphore_mem>> -> memref<!tpu.dma_semaphore, #tpu.memory_space<semaphore_mem>>
    tpu.enqueue_indirect_dma source(%dma_start3A_123 : memref<10112x32xf32, #tpu.memory_space<vmem_shared>>) target(%dma_start3A_117 : memref<1024x32xf32, #tpu.memory_space<vmem>>) offsets(%dma_start3A_120 : memref<1024xi32, #tpu.memory_space<vmem>>) semaphore(%dma_start3A_125 : memref<!tpu.dma_semaphore, #tpu.memory_space<semaphore_mem>>)
    %run_scoped3A_126 = arith.constant 0 : i32
    %run_scoped3A_127 = arith.constant 0 : i32
    "tpu.region"() ({
      %run_scoped3A_402 = tpu.sem_alloc : memref<!tpu.dma_semaphore, #tpu.memory_space<semaphore_mem>>
      %dma_start3A_403 = arith.constant 0 : i32
      %dma_start3A_404 = arith.constant 0 : i32
      %dma_start3A_405 = tpu.memref_slice %arg8[%run_scoped3A_126, %dma_start3A_403, %dma_start3A_404] : memref<2x1024x32xf32, #tpu.memory_space<vmem>> -> memref<1x1024x32xf32, #tpu.memory_space<vmem>>
      %dma_start3A_406 = tpu.memref_squeeze %dma_start3A_405 : memref<1x1024x32xf32, #tpu.memory_space<vmem>> -> memref<1024x32xf32, #tpu.memory_space<vmem>>
      %dma_start3A_407 = arith.constant 0 : i32
      %dma_start3A_408 = tpu.memref_slice %arg7[%run_scoped3A_127, %dma_start3A_407] : memref<10x1024xi32, #tpu.memory_space<vmem>> -> memref<1x1024xi32, #tpu.memory_space<vmem>>
      %dma_start3A_409 = tpu.memref_squeeze %dma_start3A_408 : memref<1x1024xi32, #tpu.memory_space<vmem>> -> memref<1024xi32, #tpu.memory_space<vmem>>
      %dma_start3A_410 = arith.constant 0 : i32
      %dma_start3A_411 = arith.constant 0 : i32
      %dma_start3A_412 = tpu.memref_slice %arg9[%dma_start3A_410, %dma_start3A_411] : memref<10112x32xf32, #tpu.memory_space<vmem_shared>> -> memref<10112x32xf32, #tpu.memory_space<vmem_shared>>
      tpu.enqueue_indirect_dma source(%dma_start3A_406 : memref<1024x32xf32, #tpu.memory_space<vmem>>) target(%dma_start3A_412 : memref<10112x32xf32, #tpu.memory_space<vmem_shared>>) offsets(%dma_start3A_409 : memref<1024xi32, #tpu.memory_space<vmem>>) semaphore(%run_scoped3A_402 : memref<!tpu.dma_semaphore, #tpu.memory_space<semaphore_mem>>) {add = true}
      %dma_wait3A_413 = arith.constant 0 : i32
      %dma_wait3A_414 = arith.constant 0 : i32
      %dma_wait3A_415 = tpu.memref_slice %arg8[%run_scoped3A_126, %dma_wait3A_413, %dma_wait3A_414] : memref<2x1024x32xf32, #tpu.memory_space<vmem>> -> memref<1x1024x32xf32, #tpu.memory_space<vmem>>
      %dma_wait3A_416 = tpu.memref_squeeze %dma_wait3A_415 : memref<1x1024x32xf32, #tpu.memory_space<vmem>> -> memref<1024x32xf32, #tpu.memory_space<vmem>>
      %dma_wait3A_417 = arith.constant 0 : i32
      %dma_wait3A_418 = tpu.memref_slice %arg7[%run_scoped3A_127, %dma_wait3A_417] : memref<10x1024xi32, #tpu.memory_space<vmem>> -> memref<1x1024xi32, #tpu.memory_space<vmem>>
      %dma_wait3A_419 = tpu.memref_squeeze %dma_wait3A_418 : memref<1x1024xi32, #tpu.memory_space<vmem>> -> memref<1024xi32, #tpu.memory_space<vmem>>
      %dma_wait3A_420 = arith.constant 0 : i32
      %dma_wait3A_421 = arith.constant 0 : i32
      %dma_wait3A_422 = tpu.memref_slice %arg9[%dma_wait3A_420, %dma_wait3A_421] : memref<10112x32xf32, #tpu.memory_space<vmem_shared>> -> memref<10112x32xf32, #tpu.memory_space<vmem_shared>>
      tpu.wait_indirect_dma semaphore(%run_scoped3A_402 : memref<!tpu.dma_semaphore, #tpu.memory_space<semaphore_mem>>) src(%dma_wait3A_416 : memref<1024x32xf32, #tpu.memory_space<vmem>>) dst(%dma_wait3A_422 : memref<10112x32xf32, #tpu.memory_space<vmem_shared>>)
      tpu.yield
    }) : () -> ()
    %dma_wait3A_128 = arith.constant 1 : i32
    %dma_wait3A_129 = arith.constant 1 : i32
    %dma_wait3A_130 = arith.constant 1 : i32
    %dma_wait3A_131 = arith.constant 0 : i32
    %dma_wait3A_132 = arith.constant 0 : i32
    %dma_wait3A_133 = tpu.memref_slice %arg8[%dma_wait3A_129, %dma_wait3A_131, %dma_wait3A_132] : memref<2x1024x32xf32, #tpu.memory_space<vmem>> -> memref<1x1024x32xf32, #tpu.memory_space<vmem>>
    %dma_wait3A_134 = tpu.memref_squeeze %dma_wait3A_133 : memref<1x1024x32xf32, #tpu.memory_space<vmem>> -> memref<1024x32xf32, #tpu.memory_space<vmem>>
    %dma_wait3A_135 = arith.constant 0 : i32
    %dma_wait3A_136 = tpu.memref_slice %arg6[%dma_wait3A_128, %dma_wait3A_135] : memref<10x1024xi32, #tpu.memory_space<vmem>> -> memref<1x1024xi32, #tpu.memory_space<vmem>>
    %dma_wait3A_137 = tpu.memref_squeeze %dma_wait3A_136 : memref<1x1024xi32, #tpu.memory_space<vmem>> -> memref<1024xi32, #tpu.memory_space<vmem>>
    %dma_wait3A_138 = arith.constant 0 : i32
    %dma_wait3A_139 = arith.constant 0 : i32
    %dma_wait3A_140 = tpu.memref_slice %arg10[%dma_wait3A_138, %dma_wait3A_139] : memref<10112x32xf32, #tpu.memory_space<vmem_shared>> -> memref<10112x32xf32, #tpu.memory_space<vmem_shared>>
    %dma_wait3A_141 = tpu.memref_slice %arg11[%dma_wait3A_130] : memref<3x!tpu.dma_semaphore, #tpu.memory_space<semaphore_mem>> -> memref<1x!tpu.dma_semaphore, #tpu.memory_space<semaphore_mem>>
    %dma_wait3A_142 = tpu.memref_squeeze %dma_wait3A_141 : memref<1x!tpu.dma_semaphore, #tpu.memory_space<semaphore_mem>> -> memref<!tpu.dma_semaphore, #tpu.memory_space<semaphore_mem>>
    tpu.wait_indirect_dma semaphore(%dma_wait3A_142 : memref<!tpu.dma_semaphore, #tpu.memory_space<semaphore_mem>>) src(%dma_wait3A_140 : memref<10112x32xf32, #tpu.memory_space<vmem_shared>>) dst(%dma_wait3A_134 : memref<1024x32xf32, #tpu.memory_space<vmem>>)
    %dma_start3A_143 = arith.constant 2 : i32
    %dma_start3A_144 = arith.constant 0 : i32
    %dma_start3A_145 = arith.constant 0 : i32
    %dma_start3A_146 = arith.constant 0 : i32
    %dma_start3A_147 = arith.constant 0 : i32
    %dma_start3A_148 = tpu.memref_slice %arg8[%dma_start3A_144, %dma_start3A_146, %dma_start3A_147] : memref<2x1024x32xf32, #tpu.memory_space<vmem>> -> memref<1x1024x32xf32, #tpu.memory_space<vmem>>
    %dma_start3A_149 = tpu.memref_squeeze %dma_start3A_148 : memref<1x1024x32xf32, #tpu.memory_space<vmem>> -> memref<1024x32xf32, #tpu.memory_space<vmem>>
    %dma_start3A_150 = arith.constant 0 : i32
    %dma_start3A_151 = tpu.memref_slice %arg6[%dma_start3A_143, %dma_start3A_150] : memref<10x1024xi32, #tpu.memory_space<vmem>> -> memref<1x1024xi32, #tpu.memory_space<vmem>>
    %dma_start3A_152 = tpu.memref_squeeze %dma_start3A_151 : memref<1x1024xi32, #tpu.memory_space<vmem>> -> memref<1024xi32, #tpu.memory_space<vmem>>
    %dma_start3A_153 = arith.constant 0 : i32
    %dma_start3A_154 = arith.constant 0 : i32
    %dma_start3A_155 = tpu.memref_slice %arg10[%dma_start3A_153, %dma_start3A_154] : memref<10112x32xf32, #tpu.memory_space<vmem_shared>> -> memref<10112x32xf32, #tpu.memory_space<vmem_shared>>
    %dma_start3A_156 = tpu.memref_slice %arg11[%dma_start3A_145] : memref<3x!tpu.dma_semaphore, #tpu.memory_space<semaphore_mem>> -> memref<1x!tpu.dma_semaphore, #tpu.memory_space<semaphore_mem>>
    %dma_start3A_157 = tpu.memref_squeeze %dma_start3A_156 : memref<1x!tpu.dma_semaphore, #tpu.memory_space<semaphore_mem>> -> memref<!tpu.dma_semaphore, #tpu.memory_space<semaphore_mem>>
    tpu.enqueue_indirect_dma source(%dma_start3A_155 : memref<10112x32xf32, #tpu.memory_space<vmem_shared>>) target(%dma_start3A_149 : memref<1024x32xf32, #tpu.memory_space<vmem>>) offsets(%dma_start3A_152 : memref<1024xi32, #tpu.memory_space<vmem>>) semaphore(%dma_start3A_157 : memref<!tpu.dma_semaphore, #tpu.memory_space<semaphore_mem>>)
    %run_scoped3A_158 = arith.constant 1 : i32
    %run_scoped3A_159 = arith.constant 1 : i32
    "tpu.region"() ({
      %run_scoped3A_402 = tpu.sem_alloc : memref<!tpu.dma_semaphore, #tpu.memory_space<semaphore_mem>>
      %dma_start3A_403 = arith.constant 0 : i32
      %dma_start3A_404 = arith.constant 0 : i32
      %dma_start3A_405 = tpu.memref_slice %arg8[%run_scoped3A_158, %dma_start3A_403, %dma_start3A_404] : memref<2x1024x32xf32, #tpu.memory_space<vmem>> -> memref<1x1024x32xf32, #tpu.memory_space<vmem>>
      %dma_start3A_406 = tpu.memref_squeeze %dma_start3A_405 : memref<1x1024x32xf32, #tpu.memory_space<vmem>> -> memref<1024x32xf32, #tpu.memory_space<vmem>>
      %dma_start3A_407 = arith.constant 0 : i32
      %dma_start3A_408 = tpu.memref_slice %arg7[%run_scoped3A_159, %dma_start3A_407] : memref<10x1024xi32, #tpu.memory_space<vmem>> -> memref<1x1024xi32, #tpu.memory_space<vmem>>
      %dma_start3A_409 = tpu.memref_squeeze %dma_start3A_408 : memref<1x1024xi32, #tpu.memory_space<vmem>> -> memref<1024xi32, #tpu.memory_space<vmem>>
      %dma_start3A_410 = arith.constant 0 : i32
      %dma_start3A_411 = arith.constant 0 : i32
      %dma_start3A_412 = tpu.memref_slice %arg9[%dma_start3A_410, %dma_start3A_411] : memref<10112x32xf32, #tpu.memory_space<vmem_shared>> -> memref<10112x32xf32, #tpu.memory_space<vmem_shared>>
      tpu.enqueue_indirect_dma source(%dma_start3A_406 : memref<1024x32xf32, #tpu.memory_space<vmem>>) target(%dma_start3A_412 : memref<10112x32xf32, #tpu.memory_space<vmem_shared>>) offsets(%dma_start3A_409 : memref<1024xi32, #tpu.memory_space<vmem>>) semaphore(%run_scoped3A_402 : memref<!tpu.dma_semaphore, #tpu.memory_space<semaphore_mem>>) {add = true}
      %dma_wait3A_413 = arith.constant 0 : i32
      %dma_wait3A_414 = arith.constant 0 : i32
      %dma_wait3A_415 = tpu.memref_slice %arg8[%run_scoped3A_158, %dma_wait3A_413, %dma_wait3A_414] : memref<2x1024x32xf32, #tpu.memory_space<vmem>> -> memref<1x1024x32xf32, #tpu.memory_space<vmem>>
      %dma_wait3A_416 = tpu.memref_squeeze %dma_wait3A_415 : memref<1x1024x32xf32, #tpu.memory_space<vmem>> -> memref<1024x32xf32, #tpu.memory_space<vmem>>
      %dma_wait3A_417 = arith.constant 0 : i32
      %dma_wait3A_418 = tpu.memref_slice %arg7[%run_scoped3A_159, %dma_wait3A_417] : memref<10x1024xi32, #tpu.memory_space<vmem>> -> memref<1x1024xi32, #tpu.memory_space<vmem>>
      %dma_wait3A_419 = tpu.memref_squeeze %dma_wait3A_418 : memref<1x1024xi32, #tpu.memory_space<vmem>> -> memref<1024xi32, #tpu.memory_space<vmem>>
      %dma_wait3A_420 = arith.constant 0 : i32
      %dma_wait3A_421 = arith.constant 0 : i32
      %dma_wait3A_422 = tpu.memref_slice %arg9[%dma_wait3A_420, %dma_wait3A_421] : memref<10112x32xf32, #tpu.memory_space<vmem_shared>> -> memref<10112x32xf32, #tpu.memory_space<vmem_shared>>
      tpu.wait_indirect_dma semaphore(%run_scoped3A_402 : memref<!tpu.dma_semaphore, #tpu.memory_space<semaphore_mem>>) src(%dma_wait3A_416 : memref<1024x32xf32, #tpu.memory_space<vmem>>) dst(%dma_wait3A_422 : memref<10112x32xf32, #tpu.memory_space<vmem_shared>>)
      tpu.yield
    }) : () -> ()
    %dma_wait3A_160 = arith.constant 2 : i32
    %dma_wait3A_161 = arith.constant 0 : i32
    %dma_wait3A_162 = arith.constant 0 : i32
    %dma_wait3A_163 = arith.constant 0 : i32
    %dma_wait3A_164 = arith.constant 0 : i32
    %dma_wait3A_165 = tpu.memref_slice %arg8[%dma_wait3A_161, %dma_wait3A_163, %dma_wait3A_164] : memref<2x1024x32xf32, #tpu.memory_space<vmem>> -> memref<1x1024x32xf32, #tpu.memory_space<vmem>>
    %dma_wait3A_166 = tpu.memref_squeeze %dma_wait3A_165 : memref<1x1024x32xf32, #tpu.memory_space<vmem>> -> memref<1024x32xf32, #tpu.memory_space<vmem>>
    %dma_wait3A_167 = arith.constant 0 : i32
    %dma_wait3A_168 = tpu.memref_slice %arg6[%dma_wait3A_160, %dma_wait3A_167] : memref<10x1024xi32, #tpu.memory_space<vmem>> -> memref<1x1024xi32, #tpu.memory_space<vmem>>
    %dma_wait3A_169 = tpu.memref_squeeze %dma_wait3A_168 : memref<1x1024xi32, #tpu.memory_space<vmem>> -> memref<1024xi32, #tpu.memory_space<vmem>>
    %dma_wait3A_170 = arith.constant 0 : i32
    %dma_wait3A_171 = arith.constant 0 : i32
    %dma_wait3A_172 = tpu.memref_slice %arg10[%dma_wait3A_170, %dma_wait3A_171] : memref<10112x32xf32, #tpu.memory_space<vmem_shared>> -> memref<10112x32xf32, #tpu.memory_space<vmem_shared>>
    %dma_wait3A_173 = tpu.memref_slice %arg11[%dma_wait3A_162] : memref<3x!tpu.dma_semaphore, #tpu.memory_space<semaphore_mem>> -> memref<1x!tpu.dma_semaphore, #tpu.memory_space<semaphore_mem>>
    %dma_wait3A_174 = tpu.memref_squeeze %dma_wait3A_173 : memref<1x!tpu.dma_semaphore, #tpu.memory_space<semaphore_mem>> -> memref<!tpu.dma_semaphore, #tpu.memory_space<semaphore_mem>>
    tpu.wait_indirect_dma semaphore(%dma_wait3A_174 : memref<!tpu.dma_semaphore, #tpu.memory_space<semaphore_mem>>) src(%dma_wait3A_172 : memref<10112x32xf32, #tpu.memory_space<vmem_shared>>) dst(%dma_wait3A_166 : memref<1024x32xf32, #tpu.memory_space<vmem>>)
    %dma_start3A_175 = arith.constant 3 : i32
    %dma_start3A_176 = arith.constant 1 : i32
    %dma_start3A_177 = arith.constant 1 : i32
    %dma_start3A_178 = arith.constant 0 : i32
    %dma_start3A_179 = arith.constant 0 : i32
    %dma_start3A_180 = tpu.memref_slice %arg8[%dma_start3A_176, %dma_start3A_178, %dma_start3A_179] : memref<2x1024x32xf32, #tpu.memory_space<vmem>> -> memref<1x1024x32xf32, #tpu.memory_space<vmem>>
    %dma_start3A_181 = tpu.memref_squeeze %dma_start3A_180 : memref<1x1024x32xf32, #tpu.memory_space<vmem>> -> memref<1024x32xf32, #tpu.memory_space<vmem>>
    %dma_start3A_182 = arith.constant 0 : i32
    %dma_start3A_183 = tpu.memref_slice %arg6[%dma_start3A_175, %dma_start3A_182] : memref<10x1024xi32, #tpu.memory_space<vmem>> -> memref<1x1024xi32, #tpu.memory_space<vmem>>
    %dma_start3A_184 = tpu.memref_squeeze %dma_start3A_183 : memref<1x1024xi32, #tpu.memory_space<vmem>> -> memref<1024xi32, #tpu.memory_space<vmem>>
    %dma_start3A_185 = arith.constant 0 : i32
    %dma_start3A_186 = arith.constant 0 : i32
    %dma_start3A_187 = tpu.memref_slice %arg10[%dma_start3A_185, %dma_start3A_186] : memref<10112x32xf32, #tpu.memory_space<vmem_shared>> -> memref<10112x32xf32, #tpu.memory_space<vmem_shared>>
    %dma_start3A_188 = tpu.memref_slice %arg11[%dma_start3A_177] : memref<3x!tpu.dma_semaphore, #tpu.memory_space<semaphore_mem>> -> memref<1x!tpu.dma_semaphore, #tpu.memory_space<semaphore_mem>>
    %dma_start3A_189 = tpu.memref_squeeze %dma_start3A_188 : memref<1x!tpu.dma_semaphore, #tpu.memory_space<semaphore_mem>> -> memref<!tpu.dma_semaphore, #tpu.memory_space<semaphore_mem>>
    tpu.enqueue_indirect_dma source(%dma_start3A_187 : memref<10112x32xf32, #tpu.memory_space<vmem_shared>>) target(%dma_start3A_181 : memref<1024x32xf32, #tpu.memory_space<vmem>>) offsets(%dma_start3A_184 : memref<1024xi32, #tpu.memory_space<vmem>>) semaphore(%dma_start3A_189 : memref<!tpu.dma_semaphore, #tpu.memory_space<semaphore_mem>>)
    %run_scoped3A_190 = arith.constant 0 : i32
    %run_scoped3A_191 = arith.constant 2 : i32
    "tpu.region"() ({
      %run_scoped3A_402 = tpu.sem_alloc : memref<!tpu.dma_semaphore, #tpu.memory_space<semaphore_mem>>
      %dma_start3A_403 = arith.constant 0 : i32
      %dma_start3A_404 = arith.constant 0 : i32
      %dma_start3A_405 = tpu.memref_slice %arg8[%run_scoped3A_190, %dma_start3A_403, %dma_start3A_404] : memref<2x1024x32xf32, #tpu.memory_space<vmem>> -> memref<1x1024x32xf32, #tpu.memory_space<vmem>>
      %dma_start3A_406 = tpu.memref_squeeze %dma_start3A_405 : memref<1x1024x32xf32, #tpu.memory_space<vmem>> -> memref<1024x32xf32, #tpu.memory_space<vmem>>
      %dma_start3A_407 = arith.constant 0 : i32
      %dma_start3A_408 = tpu.memref_slice %arg7[%run_scoped3A_191, %dma_start3A_407] : memref<10x1024xi32, #tpu.memory_space<vmem>> -> memref<1x1024xi32, #tpu.memory_space<vmem>>
      %dma_start3A_409 = tpu.memref_squeeze %dma_start3A_408 : memref<1x1024xi32, #tpu.memory_space<vmem>> -> memref<1024xi32, #tpu.memory_space<vmem>>
      %dma_start3A_410 = arith.constant 0 : i32
      %dma_start3A_411 = arith.constant 0 : i32
      %dma_start3A_412 = tpu.memref_slice %arg9[%dma_start3A_410, %dma_start3A_411] : memref<10112x32xf32, #tpu.memory_space<vmem_shared>> -> memref<10112x32xf32, #tpu.memory_space<vmem_shared>>
      tpu.enqueue_indirect_dma source(%dma_start3A_406 : memref<1024x32xf32, #tpu.memory_space<vmem>>) target(%dma_start3A_412 : memref<10112x32xf32, #tpu.memory_space<vmem_shared>>) offsets(%dma_start3A_409 : memref<1024xi32, #tpu.memory_space<vmem>>) semaphore(%run_scoped3A_402 : memref<!tpu.dma_semaphore, #tpu.memory_space<semaphore_mem>>) {add = true}
      %dma_wait3A_413 = arith.constant 0 : i32
      %dma_wait3A_414 = arith.constant 0 : i32
      %dma_wait3A_415 = tpu.memref_slice %arg8[%run_scoped3A_190, %dma_wait3A_413, %dma_wait3A_414] : memref<2x1024x32xf32, #tpu.memory_space<vmem>> -> memref<1x1024x32xf32, #tpu.memory_space<vmem>>
      %dma_wait3A_416 = tpu.memref_squeeze %dma_wait3A_415 : memref<1x1024x32xf32, #tpu.memory_space<vmem>> -> memref<1024x32xf32, #tpu.memory_space<vmem>>
      %dma_wait3A_417 = arith.constant 0 : i32
      %dma_wait3A_418 = tpu.memref_slice %arg7[%run_scoped3A_191, %dma_wait3A_417] : memref<10x1024xi32, #tpu.memory_space<vmem>> -> memref<1x1024xi32, #tpu.memory_space<vmem>>
      %dma_wait3A_419 = tpu.memref_squeeze %dma_wait3A_418 : memref<1x1024xi32, #tpu.memory_space<vmem>> -> memref<1024xi32, #tpu.memory_space<vmem>>
      %dma_wait3A_420 = arith.constant 0 : i32
      %dma_wait3A_421 = arith.constant 0 : i32
      %dma_wait3A_422 = tpu.memref_slice %arg9[%dma_wait3A_420, %dma_wait3A_421] : memref<10112x32xf32, #tpu.memory_space<vmem_shared>> -> memref<10112x32xf32, #tpu.memory_space<vmem_shared>>
      tpu.wait_indirect_dma semaphore(%run_scoped3A_402 : memref<!tpu.dma_semaphore, #tpu.memory_space<semaphore_mem>>) src(%dma_wait3A_416 : memref<1024x32xf32, #tpu.memory_space<vmem>>) dst(%dma_wait3A_422 : memref<10112x32xf32, #tpu.memory_space<vmem_shared>>)
      tpu.yield
    }) : () -> ()
    %dma_wait3A_192 = arith.constant 3 : i32
    %dma_wait3A_193 = arith.constant 1 : i32
    %dma_wait3A_194 = arith.constant 1 : i32
    %dma_wait3A_195 = arith.constant 0 : i32
    %dma_wait3A_196 = arith.constant 0 : i32
    %dma_wait3A_197 = tpu.memref_slice %arg8[%dma_wait3A_193, %dma_wait3A_195, %dma_wait3A_196] : memref<2x1024x32xf32, #tpu.memory_space<vmem>> -> memref<1x1024x32xf32, #tpu.memory_space<vmem>>
    %dma_wait3A_198 = tpu.memref_squeeze %dma_wait3A_197 : memref<1x1024x32xf32, #tpu.memory_space<vmem>> -> memref<1024x32xf32, #tpu.memory_space<vmem>>
    %dma_wait3A_199 = arith.constant 0 : i32
    %dma_wait3A_200 = tpu.memref_slice %arg6[%dma_wait3A_192, %dma_wait3A_199] : memref<10x1024xi32, #tpu.memory_space<vmem>> -> memref<1x1024xi32, #tpu.memory_space<vmem>>
    %dma_wait3A_201 = tpu.memref_squeeze %dma_wait3A_200 : memref<1x1024xi32, #tpu.memory_space<vmem>> -> memref<1024xi32, #tpu.memory_space<vmem>>
    %dma_wait3A_202 = arith.constant 0 : i32
    %dma_wait3A_203 = arith.constant 0 : i32
    %dma_wait3A_204 = tpu.memref_slice %arg10[%dma_wait3A_202, %dma_wait3A_203] : memref<10112x32xf32, #tpu.memory_space<vmem_shared>> -> memref<10112x32xf32, #tpu.memory_space<vmem_shared>>
    %dma_wait3A_205 = tpu.memref_slice %arg11[%dma_wait3A_194] : memref<3x!tpu.dma_semaphore, #tpu.memory_space<semaphore_mem>> -> memref<1x!tpu.dma_semaphore, #tpu.memory_space<semaphore_mem>>
    %dma_wait3A_206 = tpu.memref_squeeze %dma_wait3A_205 : memref<1x!tpu.dma_semaphore, #tpu.memory_space<semaphore_mem>> -> memref<!tpu.dma_semaphore, #tpu.memory_space<semaphore_mem>>
    tpu.wait_indirect_dma semaphore(%dma_wait3A_206 : memref<!tpu.dma_semaphore, #tpu.memory_space<semaphore_mem>>) src(%dma_wait3A_204 : memref<10112x32xf32, #tpu.memory_space<vmem_shared>>) dst(%dma_wait3A_198 : memref<1024x32xf32, #tpu.memory_space<vmem>>)
    %dma_start3A_207 = arith.constant 4 : i32
    %dma_start3A_208 = arith.constant 0 : i32
    %dma_start3A_209 = arith.constant 0 : i32
    %dma_start3A_210 = arith.constant 0 : i32
    %dma_start3A_211 = arith.constant 0 : i32
    %dma_start3A_212 = tpu.memref_slice %arg8[%dma_start3A_208, %dma_start3A_210, %dma_start3A_211] : memref<2x1024x32xf32, #tpu.memory_space<vmem>> -> memref<1x1024x32xf32, #tpu.memory_space<vmem>>
    %dma_start3A_213 = tpu.memref_squeeze %dma_start3A_212 : memref<1x1024x32xf32, #tpu.memory_space<vmem>> -> memref<1024x32xf32, #tpu.memory_space<vmem>>
    %dma_start3A_214 = arith.constant 0 : i32
    %dma_start3A_215 = tpu.memref_slice %arg6[%dma_start3A_207, %dma_start3A_214] : memref<10x1024xi32, #tpu.memory_space<vmem>> -> memref<1x1024xi32, #tpu.memory_space<vmem>>
    %dma_start3A_216 = tpu.memref_squeeze %dma_start3A_215 : memref<1x1024xi32, #tpu.memory_space<vmem>> -> memref<1024xi32, #tpu.memory_space<vmem>>
    %dma_start3A_217 = arith.constant 0 : i32
    %dma_start3A_218 = arith.constant 0 : i32
    %dma_start3A_219 = tpu.memref_slice %arg10[%dma_start3A_217, %dma_start3A_218] : memref<10112x32xf32, #tpu.memory_space<vmem_shared>> -> memref<10112x32xf32, #tpu.memory_space<vmem_shared>>
    %dma_start3A_220 = tpu.memref_slice %arg11[%dma_start3A_209] : memref<3x!tpu.dma_semaphore, #tpu.memory_space<semaphore_mem>> -> memref<1x!tpu.dma_semaphore, #tpu.memory_space<semaphore_mem>>
    %dma_start3A_221 = tpu.memref_squeeze %dma_start3A_220 : memref<1x!tpu.dma_semaphore, #tpu.memory_space<semaphore_mem>> -> memref<!tpu.dma_semaphore, #tpu.memory_space<semaphore_mem>>
    tpu.enqueue_indirect_dma source(%dma_start3A_219 : memref<10112x32xf32, #tpu.memory_space<vmem_shared>>) target(%dma_start3A_213 : memref<1024x32xf32, #tpu.memory_space<vmem>>) offsets(%dma_start3A_216 : memref<1024xi32, #tpu.memory_space<vmem>>) semaphore(%dma_start3A_221 : memref<!tpu.dma_semaphore, #tpu.memory_space<semaphore_mem>>)
    %run_scoped3A_222 = arith.constant 1 : i32
    %run_scoped3A_223 = arith.constant 3 : i32
    "tpu.region"() ({
      %run_scoped3A_402 = tpu.sem_alloc : memref<!tpu.dma_semaphore, #tpu.memory_space<semaphore_mem>>
      %dma_start3A_403 = arith.constant 0 : i32
      %dma_start3A_404 = arith.constant 0 : i32
      %dma_start3A_405 = tpu.memref_slice %arg8[%run_scoped3A_222, %dma_start3A_403, %dma_start3A_404] : memref<2x1024x32xf32, #tpu.memory_space<vmem>> -> memref<1x1024x32xf32, #tpu.memory_space<vmem>>
      %dma_start3A_406 = tpu.memref_squeeze %dma_start3A_405 : memref<1x1024x32xf32, #tpu.memory_space<vmem>> -> memref<1024x32xf32, #tpu.memory_space<vmem>>
      %dma_start3A_407 = arith.constant 0 : i32
      %dma_start3A_408 = tpu.memref_slice %arg7[%run_scoped3A_223, %dma_start3A_407] : memref<10x1024xi32, #tpu.memory_space<vmem>> -> memref<1x1024xi32, #tpu.memory_space<vmem>>
      %dma_start3A_409 = tpu.memref_squeeze %dma_start3A_408 : memref<1x1024xi32, #tpu.memory_space<vmem>> -> memref<1024xi32, #tpu.memory_space<vmem>>
      %dma_start3A_410 = arith.constant 0 : i32
      %dma_start3A_411 = arith.constant 0 : i32
      %dma_start3A_412 = tpu.memref_slice %arg9[%dma_start3A_410, %dma_start3A_411] : memref<10112x32xf32, #tpu.memory_space<vmem_shared>> -> memref<10112x32xf32, #tpu.memory_space<vmem_shared>>
      tpu.enqueue_indirect_dma source(%dma_start3A_406 : memref<1024x32xf32, #tpu.memory_space<vmem>>) target(%dma_start3A_412 : memref<10112x32xf32, #tpu.memory_space<vmem_shared>>) offsets(%dma_start3A_409 : memref<1024xi32, #tpu.memory_space<vmem>>) semaphore(%run_scoped3A_402 : memref<!tpu.dma_semaphore, #tpu.memory_space<semaphore_mem>>) {add = true}
      %dma_wait3A_413 = arith.constant 0 : i32
      %dma_wait3A_414 = arith.constant 0 : i32
      %dma_wait3A_415 = tpu.memref_slice %arg8[%run_scoped3A_222, %dma_wait3A_413, %dma_wait3A_414] : memref<2x1024x32xf32, #tpu.memory_space<vmem>> -> memref<1x1024x32xf32, #tpu.memory_space<vmem>>
      %dma_wait3A_416 = tpu.memref_squeeze %dma_wait3A_415 : memref<1x1024x32xf32, #tpu.memory_space<vmem>> -> memref<1024x32xf32, #tpu.memory_space<vmem>>
      %dma_wait3A_417 = arith.constant 0 : i32
      %dma_wait3A_418 = tpu.memref_slice %arg7[%run_scoped3A_223, %dma_wait3A_417] : memref<10x1024xi32, #tpu.memory_space<vmem>> -> memref<1x1024xi32, #tpu.memory_space<vmem>>
      %dma_wait3A_419 = tpu.memref_squeeze %dma_wait3A_418 : memref<1x1024xi32, #tpu.memory_space<vmem>> -> memref<1024xi32, #tpu.memory_space<vmem>>
      %dma_wait3A_420 = arith.constant 0 : i32
      %dma_wait3A_421 = arith.constant 0 : i32
      %dma_wait3A_422 = tpu.memref_slice %arg9[%dma_wait3A_420, %dma_wait3A_421] : memref<10112x32xf32, #tpu.memory_space<vmem_shared>> -> memref<10112x32xf32, #tpu.memory_space<vmem_shared>>
      tpu.wait_indirect_dma semaphore(%run_scoped3A_402 : memref<!tpu.dma_semaphore, #tpu.memory_space<semaphore_mem>>) src(%dma_wait3A_416 : memref<1024x32xf32, #tpu.memory_space<vmem>>) dst(%dma_wait3A_422 : memref<10112x32xf32, #tpu.memory_space<vmem_shared>>)
      tpu.yield
    }) : () -> ()
    %dma_wait3A_224 = arith.constant 4 : i32
    %dma_wait3A_225 = arith.constant 0 : i32
    %dma_wait3A_226 = arith.constant 0 : i32
    %dma_wait3A_227 = arith.constant 0 : i32
    %dma_wait3A_228 = arith.constant 0 : i32
    %dma_wait3A_229 = tpu.memref_slice %arg8[%dma_wait3A_225, %dma_wait3A_227, %dma_wait3A_228] : memref<2x1024x32xf32, #tpu.memory_space<vmem>> -> memref<1x1024x32xf32, #tpu.memory_space<vmem>>
    %dma_wait3A_230 = tpu.memref_squeeze %dma_wait3A_229 : memref<1x1024x32xf32, #tpu.memory_space<vmem>> -> memref<1024x32xf32, #tpu.memory_space<vmem>>
    %dma_wait3A_231 = arith.constant 0 : i32
    %dma_wait3A_232 = tpu.memref_slice %arg6[%dma_wait3A_224, %dma_wait3A_231] : memref<10x1024xi32, #tpu.memory_space<vmem>> -> memref<1x1024xi32, #tpu.memory_space<vmem>>
    %dma_wait3A_233 = tpu.memref_squeeze %dma_wait3A_232 : memref<1x1024xi32, #tpu.memory_space<vmem>> -> memref<1024xi32, #tpu.memory_space<vmem>>
    %dma_wait3A_234 = arith.constant 0 : i32
    %dma_wait3A_235 = arith.constant 0 : i32
    %dma_wait3A_236 = tpu.memref_slice %arg10[%dma_wait3A_234, %dma_wait3A_235] : memref<10112x32xf32, #tpu.memory_space<vmem_shared>> -> memref<10112x32xf32, #tpu.memory_space<vmem_shared>>
    %dma_wait3A_237 = tpu.memref_slice %arg11[%dma_wait3A_226] : memref<3x!tpu.dma_semaphore, #tpu.memory_space<semaphore_mem>> -> memref<1x!tpu.dma_semaphore, #tpu.memory_space<semaphore_mem>>
    %dma_wait3A_238 = tpu.memref_squeeze %dma_wait3A_237 : memref<1x!tpu.dma_semaphore, #tpu.memory_space<semaphore_mem>> -> memref<!tpu.dma_semaphore, #tpu.memory_space<semaphore_mem>>
    tpu.wait_indirect_dma semaphore(%dma_wait3A_238 : memref<!tpu.dma_semaphore, #tpu.memory_space<semaphore_mem>>) src(%dma_wait3A_236 : memref<10112x32xf32, #tpu.memory_space<vmem_shared>>) dst(%dma_wait3A_230 : memref<1024x32xf32, #tpu.memory_space<vmem>>)
    %dma_start3A_239 = arith.constant 5 : i32
    %dma_start3A_240 = arith.constant 1 : i32
    %dma_start3A_241 = arith.constant 1 : i32
    %dma_start3A_242 = arith.constant 0 : i32
    %dma_start3A_243 = arith.constant 0 : i32
    %dma_start3A_244 = tpu.memref_slice %arg8[%dma_start3A_240, %dma_start3A_242, %dma_start3A_243] : memref<2x1024x32xf32, #tpu.memory_space<vmem>> -> memref<1x1024x32xf32, #tpu.memory_space<vmem>>
    %dma_start3A_245 = tpu.memref_squeeze %dma_start3A_244 : memref<1x1024x32xf32, #tpu.memory_space<vmem>> -> memref<1024x32xf32, #tpu.memory_space<vmem>>
    %dma_start3A_246 = arith.constant 0 : i32
    %dma_start3A_247 = tpu.memref_slice %arg6[%dma_start3A_239, %dma_start3A_246] : memref<10x1024xi32, #tpu.memory_space<vmem>> -> memref<1x1024xi32, #tpu.memory_space<vmem>>
    %dma_start3A_248 = tpu.memref_squeeze %dma_start3A_247 : memref<1x1024xi32, #tpu.memory_space<vmem>> -> memref<1024xi32, #tpu.memory_space<vmem>>
    %dma_start3A_249 = arith.constant 0 : i32
    %dma_start3A_250 = arith.constant 0 : i32
    %dma_start3A_251 = tpu.memref_slice %arg10[%dma_start3A_249, %dma_start3A_250] : memref<10112x32xf32, #tpu.memory_space<vmem_shared>> -> memref<10112x32xf32, #tpu.memory_space<vmem_shared>>
    %dma_start3A_252 = tpu.memref_slice %arg11[%dma_start3A_241] : memref<3x!tpu.dma_semaphore, #tpu.memory_space<semaphore_mem>> -> memref<1x!tpu.dma_semaphore, #tpu.memory_space<semaphore_mem>>
    %dma_start3A_253 = tpu.memref_squeeze %dma_start3A_252 : memref<1x!tpu.dma_semaphore, #tpu.memory_space<semaphore_mem>> -> memref<!tpu.dma_semaphore, #tpu.memory_space<semaphore_mem>>
    tpu.enqueue_indirect_dma source(%dma_start3A_251 : memref<10112x32xf32, #tpu.memory_space<vmem_shared>>) target(%dma_start3A_245 : memref<1024x32xf32, #tpu.memory_space<vmem>>) offsets(%dma_start3A_248 : memref<1024xi32, #tpu.memory_space<vmem>>) semaphore(%dma_start3A_253 : memref<!tpu.dma_semaphore, #tpu.memory_space<semaphore_mem>>)
    %run_scoped3A_254 = arith.constant 0 : i32
    %run_scoped3A_255 = arith.constant 4 : i32
    "tpu.region"() ({
      %run_scoped3A_402 = tpu.sem_alloc : memref<!tpu.dma_semaphore, #tpu.memory_space<semaphore_mem>>
      %dma_start3A_403 = arith.constant 0 : i32
      %dma_start3A_404 = arith.constant 0 : i32
      %dma_start3A_405 = tpu.memref_slice %arg8[%run_scoped3A_254, %dma_start3A_403, %dma_start3A_404] : memref<2x1024x32xf32, #tpu.memory_space<vmem>> -> memref<1x1024x32xf32, #tpu.memory_space<vmem>>
      %dma_start3A_406 = tpu.memref_squeeze %dma_start3A_405 : memref<1x1024x32xf32, #tpu.memory_space<vmem>> -> memref<1024x32xf32, #tpu.memory_space<vmem>>
      %dma_start3A_407 = arith.constant 0 : i32
      %dma_start3A_408 = tpu.memref_slice %arg7[%run_scoped3A_255, %dma_start3A_407] : memref<10x1024xi32, #tpu.memory_space<vmem>> -> memref<1x1024xi32, #tpu.memory_space<vmem>>
      %dma_start3A_409 = tpu.memref_squeeze %dma_start3A_408 : memref<1x1024xi32, #tpu.memory_space<vmem>> -> memref<1024xi32, #tpu.memory_space<vmem>>
      %dma_start3A_410 = arith.constant 0 : i32
      %dma_start3A_411 = arith.constant 0 : i32
      %dma_start3A_412 = tpu.memref_slice %arg9[%dma_start3A_410, %dma_start3A_411] : memref<10112x32xf32, #tpu.memory_space<vmem_shared>> -> memref<10112x32xf32, #tpu.memory_space<vmem_shared>>
      tpu.enqueue_indirect_dma source(%dma_start3A_406 : memref<1024x32xf32, #tpu.memory_space<vmem>>) target(%dma_start3A_412 : memref<10112x32xf32, #tpu.memory_space<vmem_shared>>) offsets(%dma_start3A_409 : memref<1024xi32, #tpu.memory_space<vmem>>) semaphore(%run_scoped3A_402 : memref<!tpu.dma_semaphore, #tpu.memory_space<semaphore_mem>>) {add = true}
      %dma_wait3A_413 = arith.constant 0 : i32
      %dma_wait3A_414 = arith.constant 0 : i32
      %dma_wait3A_415 = tpu.memref_slice %arg8[%run_scoped3A_254, %dma_wait3A_413, %dma_wait3A_414] : memref<2x1024x32xf32, #tpu.memory_space<vmem>> -> memref<1x1024x32xf32, #tpu.memory_space<vmem>>
      %dma_wait3A_416 = tpu.memref_squeeze %dma_wait3A_415 : memref<1x1024x32xf32, #tpu.memory_space<vmem>> -> memref<1024x32xf32, #tpu.memory_space<vmem>>
      %dma_wait3A_417 = arith.constant 0 : i32
      %dma_wait3A_418 = tpu.memref_slice %arg7[%run_scoped3A_255, %dma_wait3A_417] : memref<10x1024xi32, #tpu.memory_space<vmem>> -> memref<1x1024xi32, #tpu.memory_space<vmem>>
      %dma_wait3A_419 = tpu.memref_squeeze %dma_wait3A_418 : memref<1x1024xi32, #tpu.memory_space<vmem>> -> memref<1024xi32, #tpu.memory_space<vmem>>
      %dma_wait3A_420 = arith.constant 0 : i32
      %dma_wait3A_421 = arith.constant 0 : i32
      %dma_wait3A_422 = tpu.memref_slice %arg9[%dma_wait3A_420, %dma_wait3A_421] : memref<10112x32xf32, #tpu.memory_space<vmem_shared>> -> memref<10112x32xf32, #tpu.memory_space<vmem_shared>>
      tpu.wait_indirect_dma semaphore(%run_scoped3A_402 : memref<!tpu.dma_semaphore, #tpu.memory_space<semaphore_mem>>) src(%dma_wait3A_416 : memref<1024x32xf32, #tpu.memory_space<vmem>>) dst(%dma_wait3A_422 : memref<10112x32xf32, #tpu.memory_space<vmem_shared>>)
      tpu.yield
    }) : () -> ()
    %dma_wait3A_256 = arith.constant 5 : i32
    %dma_wait3A_257 = arith.constant 1 : i32
    %dma_wait3A_258 = arith.constant 1 : i32
    %dma_wait3A_259 = arith.constant 0 : i32
    %dma_wait3A_260 = arith.constant 0 : i32
    %dma_wait3A_261 = tpu.memref_slice %arg8[%dma_wait3A_257, %dma_wait3A_259, %dma_wait3A_260] : memref<2x1024x32xf32, #tpu.memory_space<vmem>> -> memref<1x1024x32xf32, #tpu.memory_space<vmem>>
    %dma_wait3A_262 = tpu.memref_squeeze %dma_wait3A_261 : memref<1x1024x32xf32, #tpu.memory_space<vmem>> -> memref<1024x32xf32, #tpu.memory_space<vmem>>
    %dma_wait3A_263 = arith.constant 0 : i32
    %dma_wait3A_264 = tpu.memref_slice %arg6[%dma_wait3A_256, %dma_wait3A_263] : memref<10x1024xi32, #tpu.memory_space<vmem>> -> memref<1x1024xi32, #tpu.memory_space<vmem>>
    %dma_wait3A_265 = tpu.memref_squeeze %dma_wait3A_264 : memref<1x1024xi32, #tpu.memory_space<vmem>> -> memref<1024xi32, #tpu.memory_space<vmem>>
    %dma_wait3A_266 = arith.constant 0 : i32
    %dma_wait3A_267 = arith.constant 0 : i32
    %dma_wait3A_268 = tpu.memref_slice %arg10[%dma_wait3A_266, %dma_wait3A_267] : memref<10112x32xf32, #tpu.memory_space<vmem_shared>> -> memref<10112x32xf32, #tpu.memory_space<vmem_shared>>
    %dma_wait3A_269 = tpu.memref_slice %arg11[%dma_wait3A_258] : memref<3x!tpu.dma_semaphore, #tpu.memory_space<semaphore_mem>> -> memref<1x!tpu.dma_semaphore, #tpu.memory_space<semaphore_mem>>
    %dma_wait3A_270 = tpu.memref_squeeze %dma_wait3A_269 : memref<1x!tpu.dma_semaphore, #tpu.memory_space<semaphore_mem>> -> memref<!tpu.dma_semaphore, #tpu.memory_space<semaphore_mem>>
    tpu.wait_indirect_dma semaphore(%dma_wait3A_270 : memref<!tpu.dma_semaphore, #tpu.memory_space<semaphore_mem>>) src(%dma_wait3A_268 : memref<10112x32xf32, #tpu.memory_space<vmem_shared>>) dst(%dma_wait3A_262 : memref<1024x32xf32, #tpu.memory_space<vmem>>)
    %dma_start3A_271 = arith.constant 6 : i32
    %dma_start3A_272 = arith.constant 0 : i32
    %dma_start3A_273 = arith.constant 0 : i32
    %dma_start3A_274 = arith.constant 0 : i32
    %dma_start3A_275 = arith.constant 0 : i32
    %dma_start3A_276 = tpu.memref_slice %arg8[%dma_start3A_272, %dma_start3A_274, %dma_start3A_275] : memref<2x1024x32xf32, #tpu.memory_space<vmem>> -> memref<1x1024x32xf32, #tpu.memory_space<vmem>>
    %dma_start3A_277 = tpu.memref_squeeze %dma_start3A_276 : memref<1x1024x32xf32, #tpu.memory_space<vmem>> -> memref<1024x32xf32, #tpu.memory_space<vmem>>
    %dma_start3A_278 = arith.constant 0 : i32
    %dma_start3A_279 = tpu.memref_slice %arg6[%dma_start3A_271, %dma_start3A_278] : memref<10x1024xi32, #tpu.memory_space<vmem>> -> memref<1x1024xi32, #tpu.memory_space<vmem>>
    %dma_start3A_280 = tpu.memref_squeeze %dma_start3A_279 : memref<1x1024xi32, #tpu.memory_space<vmem>> -> memref<1024xi32, #tpu.memory_space<vmem>>
    %dma_start3A_281 = arith.constant 0 : i32
    %dma_start3A_282 = arith.constant 0 : i32
    %dma_start3A_283 = tpu.memref_slice %arg10[%dma_start3A_281, %dma_start3A_282] : memref<10112x32xf32, #tpu.memory_space<vmem_shared>> -> memref<10112x32xf32, #tpu.memory_space<vmem_shared>>
    %dma_start3A_284 = tpu.memref_slice %arg11[%dma_start3A_273] : memref<3x!tpu.dma_semaphore, #tpu.memory_space<semaphore_mem>> -> memref<1x!tpu.dma_semaphore, #tpu.memory_space<semaphore_mem>>
    %dma_start3A_285 = tpu.memref_squeeze %dma_start3A_284 : memref<1x!tpu.dma_semaphore, #tpu.memory_space<semaphore_mem>> -> memref<!tpu.dma_semaphore, #tpu.memory_space<semaphore_mem>>
    tpu.enqueue_indirect_dma source(%dma_start3A_283 : memref<10112x32xf32, #tpu.memory_space<vmem_shared>>) target(%dma_start3A_277 : memref<1024x32xf32, #tpu.memory_space<vmem>>) offsets(%dma_start3A_280 : memref<1024xi32, #tpu.memory_space<vmem>>) semaphore(%dma_start3A_285 : memref<!tpu.dma_semaphore, #tpu.memory_space<semaphore_mem>>)
    %run_scoped3A_286 = arith.constant 1 : i32
    %run_scoped3A_287 = arith.constant 5 : i32
    "tpu.region"() ({
      %run_scoped3A_402 = tpu.sem_alloc : memref<!tpu.dma_semaphore, #tpu.memory_space<semaphore_mem>>
      %dma_start3A_403 = arith.constant 0 : i32
      %dma_start3A_404 = arith.constant 0 : i32
      %dma_start3A_405 = tpu.memref_slice %arg8[%run_scoped3A_286, %dma_start3A_403, %dma_start3A_404] : memref<2x1024x32xf32, #tpu.memory_space<vmem>> -> memref<1x1024x32xf32, #tpu.memory_space<vmem>>
      %dma_start3A_406 = tpu.memref_squeeze %dma_start3A_405 : memref<1x1024x32xf32, #tpu.memory_space<vmem>> -> memref<1024x32xf32, #tpu.memory_space<vmem>>
      %dma_start3A_407 = arith.constant 0 : i32
      %dma_start3A_408 = tpu.memref_slice %arg7[%run_scoped3A_287, %dma_start3A_407] : memref<10x1024xi32, #tpu.memory_space<vmem>> -> memref<1x1024xi32, #tpu.memory_space<vmem>>
      %dma_start3A_409 = tpu.memref_squeeze %dma_start3A_408 : memref<1x1024xi32, #tpu.memory_space<vmem>> -> memref<1024xi32, #tpu.memory_space<vmem>>
      %dma_start3A_410 = arith.constant 0 : i32
      %dma_start3A_411 = arith.constant 0 : i32
      %dma_start3A_412 = tpu.memref_slice %arg9[%dma_start3A_410, %dma_start3A_411] : memref<10112x32xf32, #tpu.memory_space<vmem_shared>> -> memref<10112x32xf32, #tpu.memory_space<vmem_shared>>
      tpu.enqueue_indirect_dma source(%dma_start3A_406 : memref<1024x32xf32, #tpu.memory_space<vmem>>) target(%dma_start3A_412 : memref<10112x32xf32, #tpu.memory_space<vmem_shared>>) offsets(%dma_start3A_409 : memref<1024xi32, #tpu.memory_space<vmem>>) semaphore(%run_scoped3A_402 : memref<!tpu.dma_semaphore, #tpu.memory_space<semaphore_mem>>) {add = true}
      %dma_wait3A_413 = arith.constant 0 : i32
      %dma_wait3A_414 = arith.constant 0 : i32
      %dma_wait3A_415 = tpu.memref_slice %arg8[%run_scoped3A_286, %dma_wait3A_413, %dma_wait3A_414] : memref<2x1024x32xf32, #tpu.memory_space<vmem>> -> memref<1x1024x32xf32, #tpu.memory_space<vmem>>
      %dma_wait3A_416 = tpu.memref_squeeze %dma_wait3A_415 : memref<1x1024x32xf32, #tpu.memory_space<vmem>> -> memref<1024x32xf32, #tpu.memory_space<vmem>>
      %dma_wait3A_417 = arith.constant 0 : i32
      %dma_wait3A_418 = tpu.memref_slice %arg7[%run_scoped3A_287, %dma_wait3A_417] : memref<10x1024xi32, #tpu.memory_space<vmem>> -> memref<1x1024xi32, #tpu.memory_space<vmem>>
      %dma_wait3A_419 = tpu.memref_squeeze %dma_wait3A_418 : memref<1x1024xi32, #tpu.memory_space<vmem>> -> memref<1024xi32, #tpu.memory_space<vmem>>
      %dma_wait3A_420 = arith.constant 0 : i32
      %dma_wait3A_421 = arith.constant 0 : i32
      %dma_wait3A_422 = tpu.memref_slice %arg9[%dma_wait3A_420, %dma_wait3A_421] : memref<10112x32xf32, #tpu.memory_space<vmem_shared>> -> memref<10112x32xf32, #tpu.memory_space<vmem_shared>>
      tpu.wait_indirect_dma semaphore(%run_scoped3A_402 : memref<!tpu.dma_semaphore, #tpu.memory_space<semaphore_mem>>) src(%dma_wait3A_416 : memref<1024x32xf32, #tpu.memory_space<vmem>>) dst(%dma_wait3A_422 : memref<10112x32xf32, #tpu.memory_space<vmem_shared>>)
      tpu.yield
    }) : () -> ()
    %dma_wait3A_288 = arith.constant 6 : i32
    %dma_wait3A_289 = arith.constant 0 : i32
    %dma_wait3A_290 = arith.constant 0 : i32
    %dma_wait3A_291 = arith.constant 0 : i32
    %dma_wait3A_292 = arith.constant 0 : i32
    %dma_wait3A_293 = tpu.memref_slice %arg8[%dma_wait3A_289, %dma_wait3A_291, %dma_wait3A_292] : memref<2x1024x32xf32, #tpu.memory_space<vmem>> -> memref<1x1024x32xf32, #tpu.memory_space<vmem>>
    %dma_wait3A_294 = tpu.memref_squeeze %dma_wait3A_293 : memref<1x1024x32xf32, #tpu.memory_space<vmem>> -> memref<1024x32xf32, #tpu.memory_space<vmem>>
    %dma_wait3A_295 = arith.constant 0 : i32
    %dma_wait3A_296 = tpu.memref_slice %arg6[%dma_wait3A_288, %dma_wait3A_295] : memref<10x1024xi32, #tpu.memory_space<vmem>> -> memref<1x1024xi32, #tpu.memory_space<vmem>>
    %dma_wait3A_297 = tpu.memref_squeeze %dma_wait3A_296 : memref<1x1024xi32, #tpu.memory_space<vmem>> -> memref<1024xi32, #tpu.memory_space<vmem>>
    %dma_wait3A_298 = arith.constant 0 : i32
    %dma_wait3A_299 = arith.constant 0 : i32
    %dma_wait3A_300 = tpu.memref_slice %arg10[%dma_wait3A_298, %dma_wait3A_299] : memref<10112x32xf32, #tpu.memory_space<vmem_shared>> -> memref<10112x32xf32, #tpu.memory_space<vmem_shared>>
    %dma_wait3A_301 = tpu.memref_slice %arg11[%dma_wait3A_290] : memref<3x!tpu.dma_semaphore, #tpu.memory_space<semaphore_mem>> -> memref<1x!tpu.dma_semaphore, #tpu.memory_space<semaphore_mem>>
    %dma_wait3A_302 = tpu.memref_squeeze %dma_wait3A_301 : memref<1x!tpu.dma_semaphore, #tpu.memory_space<semaphore_mem>> -> memref<!tpu.dma_semaphore, #tpu.memory_space<semaphore_mem>>
    tpu.wait_indirect_dma semaphore(%dma_wait3A_302 : memref<!tpu.dma_semaphore, #tpu.memory_space<semaphore_mem>>) src(%dma_wait3A_300 : memref<10112x32xf32, #tpu.memory_space<vmem_shared>>) dst(%dma_wait3A_294 : memref<1024x32xf32, #tpu.memory_space<vmem>>)
    %dma_start3A_303 = arith.constant 7 : i32
    %dma_start3A_304 = arith.constant 1 : i32
    %dma_start3A_305 = arith.constant 1 : i32
    %dma_start3A_306 = arith.constant 0 : i32
    %dma_start3A_307 = arith.constant 0 : i32
    %dma_start3A_308 = tpu.memref_slice %arg8[%dma_start3A_304, %dma_start3A_306, %dma_start3A_307] : memref<2x1024x32xf32, #tpu.memory_space<vmem>> -> memref<1x1024x32xf32, #tpu.memory_space<vmem>>
    %dma_start3A_309 = tpu.memref_squeeze %dma_start3A_308 : memref<1x1024x32xf32, #tpu.memory_space<vmem>> -> memref<1024x32xf32, #tpu.memory_space<vmem>>
    %dma_start3A_310 = arith.constant 0 : i32
    %dma_start3A_311 = tpu.memref_slice %arg6[%dma_start3A_303, %dma_start3A_310] : memref<10x1024xi32, #tpu.memory_space<vmem>> -> memref<1x1024xi32, #tpu.memory_space<vmem>>
    %dma_start3A_312 = tpu.memref_squeeze %dma_start3A_311 : memref<1x1024xi32, #tpu.memory_space<vmem>> -> memref<1024xi32, #tpu.memory_space<vmem>>
    %dma_start3A_313 = arith.constant 0 : i32
    %dma_start3A_314 = arith.constant 0 : i32
    %dma_start3A_315 = tpu.memref_slice %arg10[%dma_start3A_313, %dma_start3A_314] : memref<10112x32xf32, #tpu.memory_space<vmem_shared>> -> memref<10112x32xf32, #tpu.memory_space<vmem_shared>>
    %dma_start3A_316 = tpu.memref_slice %arg11[%dma_start3A_305] : memref<3x!tpu.dma_semaphore, #tpu.memory_space<semaphore_mem>> -> memref<1x!tpu.dma_semaphore, #tpu.memory_space<semaphore_mem>>
    %dma_start3A_317 = tpu.memref_squeeze %dma_start3A_316 : memref<1x!tpu.dma_semaphore, #tpu.memory_space<semaphore_mem>> -> memref<!tpu.dma_semaphore, #tpu.memory_space<semaphore_mem>>
    tpu.enqueue_indirect_dma source(%dma_start3A_315 : memref<10112x32xf32, #tpu.memory_space<vmem_shared>>) target(%dma_start3A_309 : memref<1024x32xf32, #tpu.memory_space<vmem>>) offsets(%dma_start3A_312 : memref<1024xi32, #tpu.memory_space<vmem>>) semaphore(%dma_start3A_317 : memref<!tpu.dma_semaphore, #tpu.memory_space<semaphore_mem>>)
    %run_scoped3A_318 = arith.constant 0 : i32
    %run_scoped3A_319 = arith.constant 6 : i32
    "tpu.region"() ({
      %run_scoped3A_402 = tpu.sem_alloc : memref<!tpu.dma_semaphore, #tpu.memory_space<semaphore_mem>>
      %dma_start3A_403 = arith.constant 0 : i32
      %dma_start3A_404 = arith.constant 0 : i32
      %dma_start3A_405 = tpu.memref_slice %arg8[%run_scoped3A_318, %dma_start3A_403, %dma_start3A_404] : memref<2x1024x32xf32, #tpu.memory_space<vmem>> -> memref<1x1024x32xf32, #tpu.memory_space<vmem>>
      %dma_start3A_406 = tpu.memref_squeeze %dma_start3A_405 : memref<1x1024x32xf32, #tpu.memory_space<vmem>> -> memref<1024x32xf32, #tpu.memory_space<vmem>>
      %dma_start3A_407 = arith.constant 0 : i32
      %dma_start3A_408 = tpu.memref_slice %arg7[%run_scoped3A_319, %dma_start3A_407] : memref<10x1024xi32, #tpu.memory_space<vmem>> -> memref<1x1024xi32, #tpu.memory_space<vmem>>
      %dma_start3A_409 = tpu.memref_squeeze %dma_start3A_408 : memref<1x1024xi32, #tpu.memory_space<vmem>> -> memref<1024xi32, #tpu.memory_space<vmem>>
      %dma_start3A_410 = arith.constant 0 : i32
      %dma_start3A_411 = arith.constant 0 : i32
      %dma_start3A_412 = tpu.memref_slice %arg9[%dma_start3A_410, %dma_start3A_411] : memref<10112x32xf32, #tpu.memory_space<vmem_shared>> -> memref<10112x32xf32, #tpu.memory_space<vmem_shared>>
      tpu.enqueue_indirect_dma source(%dma_start3A_406 : memref<1024x32xf32, #tpu.memory_space<vmem>>) target(%dma_start3A_412 : memref<10112x32xf32, #tpu.memory_space<vmem_shared>>) offsets(%dma_start3A_409 : memref<1024xi32, #tpu.memory_space<vmem>>) semaphore(%run_scoped3A_402 : memref<!tpu.dma_semaphore, #tpu.memory_space<semaphore_mem>>) {add = true}
      %dma_wait3A_413 = arith.constant 0 : i32
      %dma_wait3A_414 = arith.constant 0 : i32
      %dma_wait3A_415 = tpu.memref_slice %arg8[%run_scoped3A_318, %dma_wait3A_413, %dma_wait3A_414] : memref<2x1024x32xf32, #tpu.memory_space<vmem>> -> memref<1x1024x32xf32, #tpu.memory_space<vmem>>
      %dma_wait3A_416 = tpu.memref_squeeze %dma_wait3A_415 : memref<1x1024x32xf32, #tpu.memory_space<vmem>> -> memref<1024x32xf32, #tpu.memory_space<vmem>>
      %dma_wait3A_417 = arith.constant 0 : i32
      %dma_wait3A_418 = tpu.memref_slice %arg7[%run_scoped3A_319, %dma_wait3A_417] : memref<10x1024xi32, #tpu.memory_space<vmem>> -> memref<1x1024xi32, #tpu.memory_space<vmem>>
      %dma_wait3A_419 = tpu.memref_squeeze %dma_wait3A_418 : memref<1x1024xi32, #tpu.memory_space<vmem>> -> memref<1024xi32, #tpu.memory_space<vmem>>
      %dma_wait3A_420 = arith.constant 0 : i32
      %dma_wait3A_421 = arith.constant 0 : i32
      %dma_wait3A_422 = tpu.memref_slice %arg9[%dma_wait3A_420, %dma_wait3A_421] : memref<10112x32xf32, #tpu.memory_space<vmem_shared>> -> memref<10112x32xf32, #tpu.memory_space<vmem_shared>>
      tpu.wait_indirect_dma semaphore(%run_scoped3A_402 : memref<!tpu.dma_semaphore, #tpu.memory_space<semaphore_mem>>) src(%dma_wait3A_416 : memref<1024x32xf32, #tpu.memory_space<vmem>>) dst(%dma_wait3A_422 : memref<10112x32xf32, #tpu.memory_space<vmem_shared>>)
      tpu.yield
    }) : () -> ()
    %dma_wait3A_320 = arith.constant 7 : i32
    %dma_wait3A_321 = arith.constant 1 : i32
    %dma_wait3A_322 = arith.constant 1 : i32
    %dma_wait3A_323 = arith.constant 0 : i32
    %dma_wait3A_324 = arith.constant 0 : i32
    %dma_wait3A_325 = tpu.memref_slice %arg8[%dma_wait3A_321, %dma_wait3A_323, %dma_wait3A_324] : memref<2x1024x32xf32, #tpu.memory_space<vmem>> -> memref<1x1024x32xf32, #tpu.memory_space<vmem>>
    %dma_wait3A_326 = tpu.memref_squeeze %dma_wait3A_325 : memref<1x1024x32xf32, #tpu.memory_space<vmem>> -> memref<1024x32xf32, #tpu.memory_space<vmem>>
    %dma_wait3A_327 = arith.constant 0 : i32
    %dma_wait3A_328 = tpu.memref_slice %arg6[%dma_wait3A_320, %dma_wait3A_327] : memref<10x1024xi32, #tpu.memory_space<vmem>> -> memref<1x1024xi32, #tpu.memory_space<vmem>>
    %dma_wait3A_329 = tpu.memref_squeeze %dma_wait3A_328 : memref<1x1024xi32, #tpu.memory_space<vmem>> -> memref<1024xi32, #tpu.memory_space<vmem>>
    %dma_wait3A_330 = arith.constant 0 : i32
    %dma_wait3A_331 = arith.constant 0 : i32
    %dma_wait3A_332 = tpu.memref_slice %arg10[%dma_wait3A_330, %dma_wait3A_331] : memref<10112x32xf32, #tpu.memory_space<vmem_shared>> -> memref<10112x32xf32, #tpu.memory_space<vmem_shared>>
    %dma_wait3A_333 = tpu.memref_slice %arg11[%dma_wait3A_322] : memref<3x!tpu.dma_semaphore, #tpu.memory_space<semaphore_mem>> -> memref<1x!tpu.dma_semaphore, #tpu.memory_space<semaphore_mem>>
    %dma_wait3A_334 = tpu.memref_squeeze %dma_wait3A_333 : memref<1x!tpu.dma_semaphore, #tpu.memory_space<semaphore_mem>> -> memref<!tpu.dma_semaphore, #tpu.memory_space<semaphore_mem>>
    tpu.wait_indirect_dma semaphore(%dma_wait3A_334 : memref<!tpu.dma_semaphore, #tpu.memory_space<semaphore_mem>>) src(%dma_wait3A_332 : memref<10112x32xf32, #tpu.memory_space<vmem_shared>>) dst(%dma_wait3A_326 : memref<1024x32xf32, #tpu.memory_space<vmem>>)
    %dma_start3A_335 = arith.constant 8 : i32
    %dma_start3A_336 = arith.constant 0 : i32
    %dma_start3A_337 = arith.constant 0 : i32
    %dma_start3A_338 = arith.constant 0 : i32
    %dma_start3A_339 = arith.constant 0 : i32
    %dma_start3A_340 = tpu.memref_slice %arg8[%dma_start3A_336, %dma_start3A_338, %dma_start3A_339] : memref<2x1024x32xf32, #tpu.memory_space<vmem>> -> memref<1x1024x32xf32, #tpu.memory_space<vmem>>
    %dma_start3A_341 = tpu.memref_squeeze %dma_start3A_340 : memref<1x1024x32xf32, #tpu.memory_space<vmem>> -> memref<1024x32xf32, #tpu.memory_space<vmem>>
    %dma_start3A_342 = arith.constant 0 : i32
    %dma_start3A_343 = tpu.memref_slice %arg6[%dma_start3A_335, %dma_start3A_342] : memref<10x1024xi32, #tpu.memory_space<vmem>> -> memref<1x1024xi32, #tpu.memory_space<vmem>>
    %dma_start3A_344 = tpu.memref_squeeze %dma_start3A_343 : memref<1x1024xi32, #tpu.memory_space<vmem>> -> memref<1024xi32, #tpu.memory_space<vmem>>
    %dma_start3A_345 = arith.constant 0 : i32
    %dma_start3A_346 = arith.constant 0 : i32
    %dma_start3A_347 = tpu.memref_slice %arg10[%dma_start3A_345, %dma_start3A_346] : memref<10112x32xf32, #tpu.memory_space<vmem_shared>> -> memref<10112x32xf32, #tpu.memory_space<vmem_shared>>
    %dma_start3A_348 = tpu.memref_slice %arg11[%dma_start3A_337] : memref<3x!tpu.dma_semaphore, #tpu.memory_space<semaphore_mem>> -> memref<1x!tpu.dma_semaphore, #tpu.memory_space<semaphore_mem>>
    %dma_start3A_349 = tpu.memref_squeeze %dma_start3A_348 : memref<1x!tpu.dma_semaphore, #tpu.memory_space<semaphore_mem>> -> memref<!tpu.dma_semaphore, #tpu.memory_space<semaphore_mem>>
    tpu.enqueue_indirect_dma source(%dma_start3A_347 : memref<10112x32xf32, #tpu.memory_space<vmem_shared>>) target(%dma_start3A_341 : memref<1024x32xf32, #tpu.memory_space<vmem>>) offsets(%dma_start3A_344 : memref<1024xi32, #tpu.memory_space<vmem>>) semaphore(%dma_start3A_349 : memref<!tpu.dma_semaphore, #tpu.memory_space<semaphore_mem>>)
    %run_scoped3A_350 = arith.constant 1 : i32
    %run_scoped3A_351 = arith.constant 7 : i32
    "tpu.region"() ({
      %run_scoped3A_402 = tpu.sem_alloc : memref<!tpu.dma_semaphore, #tpu.memory_space<semaphore_mem>>
      %dma_start3A_403 = arith.constant 0 : i32
      %dma_start3A_404 = arith.constant 0 : i32
      %dma_start3A_405 = tpu.memref_slice %arg8[%run_scoped3A_350, %dma_start3A_403, %dma_start3A_404] : memref<2x1024x32xf32, #tpu.memory_space<vmem>> -> memref<1x1024x32xf32, #tpu.memory_space<vmem>>
      %dma_start3A_406 = tpu.memref_squeeze %dma_start3A_405 : memref<1x1024x32xf32, #tpu.memory_space<vmem>> -> memref<1024x32xf32, #tpu.memory_space<vmem>>
      %dma_start3A_407 = arith.constant 0 : i32
      %dma_start3A_408 = tpu.memref_slice %arg7[%run_scoped3A_351, %dma_start3A_407] : memref<10x1024xi32, #tpu.memory_space<vmem>> -> memref<1x1024xi32, #tpu.memory_space<vmem>>
      %dma_start3A_409 = tpu.memref_squeeze %dma_start3A_408 : memref<1x1024xi32, #tpu.memory_space<vmem>> -> memref<1024xi32, #tpu.memory_space<vmem>>
      %dma_start3A_410 = arith.constant 0 : i32
      %dma_start3A_411 = arith.constant 0 : i32
      %dma_start3A_412 = tpu.memref_slice %arg9[%dma_start3A_410, %dma_start3A_411] : memref<10112x32xf32, #tpu.memory_space<vmem_shared>> -> memref<10112x32xf32, #tpu.memory_space<vmem_shared>>
      tpu.enqueue_indirect_dma source(%dma_start3A_406 : memref<1024x32xf32, #tpu.memory_space<vmem>>) target(%dma_start3A_412 : memref<10112x32xf32, #tpu.memory_space<vmem_shared>>) offsets(%dma_start3A_409 : memref<1024xi32, #tpu.memory_space<vmem>>) semaphore(%run_scoped3A_402 : memref<!tpu.dma_semaphore, #tpu.memory_space<semaphore_mem>>) {add = true}
      %dma_wait3A_413 = arith.constant 0 : i32
      %dma_wait3A_414 = arith.constant 0 : i32
      %dma_wait3A_415 = tpu.memref_slice %arg8[%run_scoped3A_350, %dma_wait3A_413, %dma_wait3A_414] : memref<2x1024x32xf32, #tpu.memory_space<vmem>> -> memref<1x1024x32xf32, #tpu.memory_space<vmem>>
      %dma_wait3A_416 = tpu.memref_squeeze %dma_wait3A_415 : memref<1x1024x32xf32, #tpu.memory_space<vmem>> -> memref<1024x32xf32, #tpu.memory_space<vmem>>
      %dma_wait3A_417 = arith.constant 0 : i32
      %dma_wait3A_418 = tpu.memref_slice %arg7[%run_scoped3A_351, %dma_wait3A_417] : memref<10x1024xi32, #tpu.memory_space<vmem>> -> memref<1x1024xi32, #tpu.memory_space<vmem>>
      %dma_wait3A_419 = tpu.memref_squeeze %dma_wait3A_418 : memref<1x1024xi32, #tpu.memory_space<vmem>> -> memref<1024xi32, #tpu.memory_space<vmem>>
      %dma_wait3A_420 = arith.constant 0 : i32
      %dma_wait3A_421 = arith.constant 0 : i32
      %dma_wait3A_422 = tpu.memref_slice %arg9[%dma_wait3A_420, %dma_wait3A_421] : memref<10112x32xf32, #tpu.memory_space<vmem_shared>> -> memref<10112x32xf32, #tpu.memory_space<vmem_shared>>
      tpu.wait_indirect_dma semaphore(%run_scoped3A_402 : memref<!tpu.dma_semaphore, #tpu.memory_space<semaphore_mem>>) src(%dma_wait3A_416 : memref<1024x32xf32, #tpu.memory_space<vmem>>) dst(%dma_wait3A_422 : memref<10112x32xf32, #tpu.memory_space<vmem_shared>>)
      tpu.yield
    }) : () -> ()
    %dma_wait3A_352 = arith.constant 8 : i32
    %dma_wait3A_353 = arith.constant 0 : i32
    %dma_wait3A_354 = arith.constant 0 : i32
    %dma_wait3A_355 = arith.constant 0 : i32
    %dma_wait3A_356 = arith.constant 0 : i32
    %dma_wait3A_357 = tpu.memref_slice %arg8[%dma_wait3A_353, %dma_wait3A_355, %dma_wait3A_356] : memref<2x1024x32xf32, #tpu.memory_space<vmem>> -> memref<1x1024x32xf32, #tpu.memory_space<vmem>>
    %dma_wait3A_358 = tpu.memref_squeeze %dma_wait3A_357 : memref<1x1024x32xf32, #tpu.memory_space<vmem>> -> memref<1024x32xf32, #tpu.memory_space<vmem>>
    %dma_wait3A_359 = arith.constant 0 : i32
    %dma_wait3A_360 = tpu.memref_slice %arg6[%dma_wait3A_352, %dma_wait3A_359] : memref<10x1024xi32, #tpu.memory_space<vmem>> -> memref<1x1024xi32, #tpu.memory_space<vmem>>
    %dma_wait3A_361 = tpu.memref_squeeze %dma_wait3A_360 : memref<1x1024xi32, #tpu.memory_space<vmem>> -> memref<1024xi32, #tpu.memory_space<vmem>>
    %dma_wait3A_362 = arith.constant 0 : i32
    %dma_wait3A_363 = arith.constant 0 : i32
    %dma_wait3A_364 = tpu.memref_slice %arg10[%dma_wait3A_362, %dma_wait3A_363] : memref<10112x32xf32, #tpu.memory_space<vmem_shared>> -> memref<10112x32xf32, #tpu.memory_space<vmem_shared>>
    %dma_wait3A_365 = tpu.memref_slice %arg11[%dma_wait3A_354] : memref<3x!tpu.dma_semaphore, #tpu.memory_space<semaphore_mem>> -> memref<1x!tpu.dma_semaphore, #tpu.memory_space<semaphore_mem>>
    %dma_wait3A_366 = tpu.memref_squeeze %dma_wait3A_365 : memref<1x!tpu.dma_semaphore, #tpu.memory_space<semaphore_mem>> -> memref<!tpu.dma_semaphore, #tpu.memory_space<semaphore_mem>>
    tpu.wait_indirect_dma semaphore(%dma_wait3A_366 : memref<!tpu.dma_semaphore, #tpu.memory_space<semaphore_mem>>) src(%dma_wait3A_364 : memref<10112x32xf32, #tpu.memory_space<vmem_shared>>) dst(%dma_wait3A_358 : memref<1024x32xf32, #tpu.memory_space<vmem>>)
    %dma_start3A_367 = arith.constant 9 : i32
    %dma_start3A_368 = arith.constant 1 : i32
    %dma_start3A_369 = arith.constant 1 : i32
    %dma_start3A_370 = arith.constant 0 : i32
    %dma_start3A_371 = arith.constant 0 : i32
    %dma_start3A_372 = tpu.memref_slice %arg8[%dma_start3A_368, %dma_start3A_370, %dma_start3A_371] : memref<2x1024x32xf32, #tpu.memory_space<vmem>> -> memref<1x1024x32xf32, #tpu.memory_space<vmem>>
    %dma_start3A_373 = tpu.memref_squeeze %dma_start3A_372 : memref<1x1024x32xf32, #tpu.memory_space<vmem>> -> memref<1024x32xf32, #tpu.memory_space<vmem>>
    %dma_start3A_374 = arith.constant 0 : i32
    %dma_start3A_375 = tpu.memref_slice %arg6[%dma_start3A_367, %dma_start3A_374] : memref<10x1024xi32, #tpu.memory_space<vmem>> -> memref<1x1024xi32, #tpu.memory_space<vmem>>
    %dma_start3A_376 = tpu.memref_squeeze %dma_start3A_375 : memref<1x1024xi32, #tpu.memory_space<vmem>> -> memref<1024xi32, #tpu.memory_space<vmem>>
    %dma_start3A_377 = arith.constant 0 : i32
    %dma_start3A_378 = arith.constant 0 : i32
    %dma_start3A_379 = tpu.memref_slice %arg10[%dma_start3A_377, %dma_start3A_378] : memref<10112x32xf32, #tpu.memory_space<vmem_shared>> -> memref<10112x32xf32, #tpu.memory_space<vmem_shared>>
    %dma_start3A_380 = tpu.memref_slice %arg11[%dma_start3A_369] : memref<3x!tpu.dma_semaphore, #tpu.memory_space<semaphore_mem>> -> memref<1x!tpu.dma_semaphore, #tpu.memory_space<semaphore_mem>>
    %dma_start3A_381 = tpu.memref_squeeze %dma_start3A_380 : memref<1x!tpu.dma_semaphore, #tpu.memory_space<semaphore_mem>> -> memref<!tpu.dma_semaphore, #tpu.memory_space<semaphore_mem>>
    tpu.enqueue_indirect_dma source(%dma_start3A_379 : memref<10112x32xf32, #tpu.memory_space<vmem_shared>>) target(%dma_start3A_373 : memref<1024x32xf32, #tpu.memory_space<vmem>>) offsets(%dma_start3A_376 : memref<1024xi32, #tpu.memory_space<vmem>>) semaphore(%dma_start3A_381 : memref<!tpu.dma_semaphore, #tpu.memory_space<semaphore_mem>>)
    %run_scoped3A_382 = arith.constant 0 : i32
    %run_scoped3A_383 = arith.constant 8 : i32
    "tpu.region"() ({
      %run_scoped3A_402 = tpu.sem_alloc : memref<!tpu.dma_semaphore, #tpu.memory_space<semaphore_mem>>
      %dma_start3A_403 = arith.constant 0 : i32
      %dma_start3A_404 = arith.constant 0 : i32
      %dma_start3A_405 = tpu.memref_slice %arg8[%run_scoped3A_382, %dma_start3A_403, %dma_start3A_404] : memref<2x1024x32xf32, #tpu.memory_space<vmem>> -> memref<1x1024x32xf32, #tpu.memory_space<vmem>>
      %dma_start3A_406 = tpu.memref_squeeze %dma_start3A_405 : memref<1x1024x32xf32, #tpu.memory_space<vmem>> -> memref<1024x32xf32, #tpu.memory_space<vmem>>
      %dma_start3A_407 = arith.constant 0 : i32
      %dma_start3A_408 = tpu.memref_slice %arg7[%run_scoped3A_383, %dma_start3A_407] : memref<10x1024xi32, #tpu.memory_space<vmem>> -> memref<1x1024xi32, #tpu.memory_space<vmem>>
      %dma_start3A_409 = tpu.memref_squeeze %dma_start3A_408 : memref<1x1024xi32, #tpu.memory_space<vmem>> -> memref<1024xi32, #tpu.memory_space<vmem>>
      %dma_start3A_410 = arith.constant 0 : i32
      %dma_start3A_411 = arith.constant 0 : i32
      %dma_start3A_412 = tpu.memref_slice %arg9[%dma_start3A_410, %dma_start3A_411] : memref<10112x32xf32, #tpu.memory_space<vmem_shared>> -> memref<10112x32xf32, #tpu.memory_space<vmem_shared>>
      tpu.enqueue_indirect_dma source(%dma_start3A_406 : memref<1024x32xf32, #tpu.memory_space<vmem>>) target(%dma_start3A_412 : memref<10112x32xf32, #tpu.memory_space<vmem_shared>>) offsets(%dma_start3A_409 : memref<1024xi32, #tpu.memory_space<vmem>>) semaphore(%run_scoped3A_402 : memref<!tpu.dma_semaphore, #tpu.memory_space<semaphore_mem>>) {add = true}
      %dma_wait3A_413 = arith.constant 0 : i32
      %dma_wait3A_414 = arith.constant 0 : i32
      %dma_wait3A_415 = tpu.memref_slice %arg8[%run_scoped3A_382, %dma_wait3A_413, %dma_wait3A_414] : memref<2x1024x32xf32, #tpu.memory_space<vmem>> -> memref<1x1024x32xf32, #tpu.memory_space<vmem>>
      %dma_wait3A_416 = tpu.memref_squeeze %dma_wait3A_415 : memref<1x1024x32xf32, #tpu.memory_space<vmem>> -> memref<1024x32xf32, #tpu.memory_space<vmem>>
      %dma_wait3A_417 = arith.constant 0 : i32
      %dma_wait3A_418 = tpu.memref_slice %arg7[%run_scoped3A_383, %dma_wait3A_417] : memref<10x1024xi32, #tpu.memory_space<vmem>> -> memref<1x1024xi32, #tpu.memory_space<vmem>>
      %dma_wait3A_419 = tpu.memref_squeeze %dma_wait3A_418 : memref<1x1024xi32, #tpu.memory_space<vmem>> -> memref<1024xi32, #tpu.memory_space<vmem>>
      %dma_wait3A_420 = arith.constant 0 : i32
      %dma_wait3A_421 = arith.constant 0 : i32
      %dma_wait3A_422 = tpu.memref_slice %arg9[%dma_wait3A_420, %dma_wait3A_421] : memref<10112x32xf32, #tpu.memory_space<vmem_shared>> -> memref<10112x32xf32, #tpu.memory_space<vmem_shared>>
      tpu.wait_indirect_dma semaphore(%run_scoped3A_402 : memref<!tpu.dma_semaphore, #tpu.memory_space<semaphore_mem>>) src(%dma_wait3A_416 : memref<1024x32xf32, #tpu.memory_space<vmem>>) dst(%dma_wait3A_422 : memref<10112x32xf32, #tpu.memory_space<vmem_shared>>)
      tpu.yield
    }) : () -> ()
    %dma_wait3A_384 = arith.constant 9 : i32
    %dma_wait3A_385 = arith.constant 1 : i32
    %dma_wait3A_386 = arith.constant 1 : i32
    %dma_wait3A_387 = arith.constant 0 : i32
    %dma_wait3A_388 = arith.constant 0 : i32
    %dma_wait3A_389 = tpu.memref_slice %arg8[%dma_wait3A_385, %dma_wait3A_387, %dma_wait3A_388] : memref<2x1024x32xf32, #tpu.memory_space<vmem>> -> memref<1x1024x32xf32, #tpu.memory_space<vmem>>
    %dma_wait3A_390 = tpu.memref_squeeze %dma_wait3A_389 : memref<1x1024x32xf32, #tpu.memory_space<vmem>> -> memref<1024x32xf32, #tpu.memory_space<vmem>>
    %dma_wait3A_391 = arith.constant 0 : i32
    %dma_wait3A_392 = tpu.memref_slice %arg6[%dma_wait3A_384, %dma_wait3A_391] : memref<10x1024xi32, #tpu.memory_space<vmem>> -> memref<1x1024xi32, #tpu.memory_space<vmem>>
    %dma_wait3A_393 = tpu.memref_squeeze %dma_wait3A_392 : memref<1x1024xi32, #tpu.memory_space<vmem>> -> memref<1024xi32, #tpu.memory_space<vmem>>
    %dma_wait3A_394 = arith.constant 0 : i32
    %dma_wait3A_395 = arith.constant 0 : i32
    %dma_wait3A_396 = tpu.memref_slice %arg10[%dma_wait3A_394, %dma_wait3A_395] : memref<10112x32xf32, #tpu.memory_space<vmem_shared>> -> memref<10112x32xf32, #tpu.memory_space<vmem_shared>>
    %dma_wait3A_397 = tpu.memref_slice %arg11[%dma_wait3A_386] : memref<3x!tpu.dma_semaphore, #tpu.memory_space<semaphore_mem>> -> memref<1x!tpu.dma_semaphore, #tpu.memory_space<semaphore_mem>>
    %dma_wait3A_398 = tpu.memref_squeeze %dma_wait3A_397 : memref<1x!tpu.dma_semaphore, #tpu.memory_space<semaphore_mem>> -> memref<!tpu.dma_semaphore, #tpu.memory_space<semaphore_mem>>
    tpu.wait_indirect_dma semaphore(%dma_wait3A_398 : memref<!tpu.dma_semaphore, #tpu.memory_space<semaphore_mem>>) src(%dma_wait3A_396 : memref<10112x32xf32, #tpu.memory_space<vmem_shared>>) dst(%dma_wait3A_390 : memref<1024x32xf32, #tpu.memory_space<vmem>>)
    %run_scoped3A_399 = arith.constant 1 : i32
    %run_scoped3A_400 = arith.constant 9 : i32
    "tpu.region"() ({
      %run_scoped3A_402 = tpu.sem_alloc : memref<!tpu.dma_semaphore, #tpu.memory_space<semaphore_mem>>
      %dma_start3A_403 = arith.constant 0 : i32
      %dma_start3A_404 = arith.constant 0 : i32
      %dma_start3A_405 = tpu.memref_slice %arg8[%run_scoped3A_399, %dma_start3A_403, %dma_start3A_404] : memref<2x1024x32xf32, #tpu.memory_space<vmem>> -> memref<1x1024x32xf32, #tpu.memory_space<vmem>>
      %dma_start3A_406 = tpu.memref_squeeze %dma_start3A_405 : memref<1x1024x32xf32, #tpu.memory_space<vmem>> -> memref<1024x32xf32, #tpu.memory_space<vmem>>
      %dma_start3A_407 = arith.constant 0 : i32
      %dma_start3A_408 = tpu.memref_slice %arg7[%run_scoped3A_400, %dma_start3A_407] : memref<10x1024xi32, #tpu.memory_space<vmem>> -> memref<1x1024xi32, #tpu.memory_space<vmem>>
      %dma_start3A_409 = tpu.memref_squeeze %dma_start3A_408 : memref<1x1024xi32, #tpu.memory_space<vmem>> -> memref<1024xi32, #tpu.memory_space<vmem>>
      %dma_start3A_410 = arith.constant 0 : i32
      %dma_start3A_411 = arith.constant 0 : i32
      %dma_start3A_412 = tpu.memref_slice %arg9[%dma_start3A_410, %dma_start3A_411] : memref<10112x32xf32, #tpu.memory_space<vmem_shared>> -> memref<10112x32xf32, #tpu.memory_space<vmem_shared>>
      tpu.enqueue_indirect_dma source(%dma_start3A_406 : memref<1024x32xf32, #tpu.memory_space<vmem>>) target(%dma_start3A_412 : memref<10112x32xf32, #tpu.memory_space<vmem_shared>>) offsets(%dma_start3A_409 : memref<1024xi32, #tpu.memory_space<vmem>>) semaphore(%run_scoped3A_402 : memref<!tpu.dma_semaphore, #tpu.memory_space<semaphore_mem>>) {add = true}
      %dma_wait3A_413 = arith.constant 0 : i32
      %dma_wait3A_414 = arith.constant 0 : i32
      %dma_wait3A_415 = tpu.memref_slice %arg8[%run_scoped3A_399, %dma_wait3A_413, %dma_wait3A_414] : memref<2x1024x32xf32, #tpu.memory_space<vmem>> -> memref<1x1024x32xf32, #tpu.memory_space<vmem>>
      %dma_wait3A_416 = tpu.memref_squeeze %dma_wait3A_415 : memref<1x1024x32xf32, #tpu.memory_space<vmem>> -> memref<1024x32xf32, #tpu.memory_space<vmem>>
      %dma_wait3A_417 = arith.constant 0 : i32
      %dma_wait3A_418 = tpu.memref_slice %arg7[%run_scoped3A_400, %dma_wait3A_417] : memref<10x1024xi32, #tpu.memory_space<vmem>> -> memref<1x1024xi32, #tpu.memory_space<vmem>>
      %dma_wait3A_419 = tpu.memref_squeeze %dma_wait3A_418 : memref<1x1024xi32, #tpu.memory_space<vmem>> -> memref<1024xi32, #tpu.memory_space<vmem>>
      %dma_wait3A_420 = arith.constant 0 : i32
      %dma_wait3A_421 = arith.constant 0 : i32
      %dma_wait3A_422 = tpu.memref_slice %arg9[%dma_wait3A_420, %dma_wait3A_421] : memref<10112x32xf32, #tpu.memory_space<vmem_shared>> -> memref<10112x32xf32, #tpu.memory_space<vmem_shared>>
      tpu.wait_indirect_dma semaphore(%run_scoped3A_402 : memref<!tpu.dma_semaphore, #tpu.memory_space<semaphore_mem>>) src(%dma_wait3A_416 : memref<1024x32xf32, #tpu.memory_space<vmem>>) dst(%dma_wait3A_422 : memref<10112x32xf32, #tpu.memory_space<vmem_shared>>)
      tpu.yield
    }) : () -> ()
    %barrier3A_401 = arith.constant 0 : index
    tpu.barrier barrier_id(%barrier3A_401)
    "tpu.region"() ({
      %run_scoped3A_402 = tpu.sem_alloc : memref<!tpu.dma_semaphore, #tpu.memory_space<semaphore_mem>>
      %dma_start3A_403 = arith.constant 0 : i32
      %dma_start3A_404 = arith.constant 0 : i32
      %dma_start3A_405 = tpu.memref_slice %arg5[%arg0, %dma_start3A_403, %dma_start3A_404] : memref<2x10112x32xf32, #tpu.memory_space<hbm>> -> memref<1x10112x32xf32, #tpu.memory_space<hbm>>
      %dma_start3A_406 = tpu.memref_squeeze %dma_start3A_405 : memref<1x10112x32xf32, #tpu.memory_space<hbm>> -> memref<10112x32xf32, #tpu.memory_space<hbm>>
      %dma_start3A_407 = arith.constant 0 : i32
      %dma_start3A_408 = tpu.memref_slice %dma_start3A_406[%mul3A_0, %dma_start3A_407] : memref<10112x32xf32, #tpu.memory_space<hbm>> -> memref<632x32xf32, #tpu.memory_space<hbm>>
      %dma_start3A_409 = arith.constant 0 : i32
      %dma_start3A_410 = tpu.memref_slice %arg9[%mul3A_0, %dma_start3A_409] : memref<10112x32xf32, #tpu.memory_space<vmem_shared>> -> memref<632x32xf32, #tpu.memory_space<vmem_shared>>
      tpu.enqueue_dma source(%dma_start3A_410 : memref<632x32xf32, #tpu.memory_space<vmem_shared>>) target(%dma_start3A_408 : memref<632x32xf32, #tpu.memory_space<hbm>>) target_semaphore(%run_scoped3A_402 : memref<!tpu.dma_semaphore, #tpu.memory_space<semaphore_mem>>)
      %dma_wait3A_411 = arith.constant 0 : i32
      %dma_wait3A_412 = arith.constant 0 : i32
      %dma_wait3A_413 = tpu.memref_slice %arg5[%arg0, %dma_wait3A_411, %dma_wait3A_412] : memref<2x10112x32xf32, #tpu.memory_space<hbm>> -> memref<1x10112x32xf32, #tpu.memory_space<hbm>>
      %dma_wait3A_414 = tpu.memref_squeeze %dma_wait3A_413 : memref<1x10112x32xf32, #tpu.memory_space<hbm>> -> memref<10112x32xf32, #tpu.memory_space<hbm>>
      %dma_wait3A_415 = arith.constant 0 : i32
      %dma_wait3A_416 = tpu.memref_slice %dma_wait3A_414[%mul3A_0, %dma_wait3A_415] : memref<10112x32xf32, #tpu.memory_space<hbm>> -> memref<632x32xf32, #tpu.memory_space<hbm>>
      %dma_wait3A_417 = arith.constant 0 : i32
      %dma_wait3A_418 = tpu.memref_slice %arg9[%mul3A_0, %dma_wait3A_417] : memref<10112x32xf32, #tpu.memory_space<vmem_shared>> -> memref<632x32xf32, #tpu.memory_space<vmem_shared>>
      tpu.wait_dma2 semaphore(%run_scoped3A_402 : memref<!tpu.dma_semaphore, #tpu.memory_space<semaphore_mem>>) src(%dma_wait3A_418 : memref<632x32xf32, #tpu.memory_space<vmem_shared>>) dst(%dma_wait3A_416 : memref<632x32xf32, #tpu.memory_space<hbm>>)
      tpu.yield
    }) : () -> ()
    return
  }
}

#map = affine_map<(d0, d1) -> (0, 0)>
#map1 = affine_map<(d0, d1) -> (0, 0, 0)>
module attributes {stable_mosaic.version = 14 : i64} {
  func.func @_sc_agg_body(%arg0: i32, %arg1: i32, %arg2: memref<10112x32xf32, #tpu.memory_space<hbm>>, %arg3: memref<16x20x1024xi32, #tpu.memory_space<hbm>>, %arg4: memref<16x20x1024xi32, #tpu.memory_space<hbm>>, %arg5: memref<2x10112x32xf32, #tpu.memory_space<hbm>>, %arg6: memref<10x1024xi32, #tpu.memory_space<vmem>>, %arg7: memref<10x1024xi32, #tpu.memory_space<vmem>>, %arg8: memref<2x1024x32xf32, #tpu.memory_space<vmem>>, %arg9: memref<10112x32xf32, #tpu.memory_space<vmem_shared>>, %arg10: memref<10112x32xf32, #tpu.memory_space<vmem_shared>>, %arg11: memref<3x!tpu.dma_semaphore, #tpu.memory_space<semaphore_mem>>) attributes {dimension_semantics = [#tpu.dimension_semantics<core_parallel>, #tpu.dimension_semantics<subcore_parallel>], iteration_bounds = array<i64: 2, 16>, scalar_prefetch = 0 : i64, scratch_operands = 6 : i64, tpu.core_type = #tpu.core_type<sc_vector_subcore>, window_params = [{transform_indices = #map}, {transform_indices = #map1}, {transform_indices = #map1}, {transform_indices = #map1}]} {
    %mul3A = arith.constant 632 : i32
    %mul3A_0 = arith.muli %arg1, %mul3A : i32
    %mul3A_1 = arith.constant 10 : i32
    %mul3A_2 = arith.muli %arg0, %mul3A_1 : i32
    %dma_start3A = arith.constant 0 : i32
    %dma_start3A_3 = arith.constant 0 : i32
    %dma_start3A_4 = arith.constant 0 : i32
    %dma_start3A_5 = tpu.memref_slice %arg3[%arg1, %dma_start3A_3, %dma_start3A_4] : memref<16x20x1024xi32, #tpu.memory_space<hbm>> -> memref<1x20x1024xi32, #tpu.memory_space<hbm>>
    %dma_start3A_6 = tpu.memref_squeeze %dma_start3A_5 : memref<1x20x1024xi32, #tpu.memory_space<hbm>> -> memref<20x1024xi32, #tpu.memory_space<hbm>>
    %dma_start3A_7 = arith.constant 0 : i32
    %dma_start3A_8 = tpu.memref_slice %dma_start3A_6[%mul3A_2, %dma_start3A_7] : memref<20x1024xi32, #tpu.memory_space<hbm>> -> memref<10x1024xi32, #tpu.memory_space<hbm>>
    %dma_start3A_9 = tpu.memref_slice %arg11[%dma_start3A] : memref<3x!tpu.dma_semaphore, #tpu.memory_space<semaphore_mem>> -> memref<1x!tpu.dma_semaphore, #tpu.memory_space<semaphore_mem>>
    %dma_start3A_10 = tpu.memref_squeeze %dma_start3A_9 : memref<1x!tpu.dma_semaphore, #tpu.memory_space<semaphore_mem>> -> memref<!tpu.dma_semaphore, #tpu.memory_space<semaphore_mem>>
    %dma_start3A_11 = arith.constant 0 : i32
    %dma_start3A_12 = arith.constant 0 : i32
    %dma_start3A_13 = tpu.memref_slice %arg3[%arg1, %dma_start3A_11, %dma_start3A_12] : memref<16x20x1024xi32, #tpu.memory_space<hbm>> -> memref<1x20x1024xi32, #tpu.memory_space<hbm>>
    %dma_start3A_14 = tpu.memref_squeeze %dma_start3A_13 : memref<1x20x1024xi32, #tpu.memory_space<hbm>> -> memref<20x1024xi32, #tpu.memory_space<hbm>>
    %dma_start3A_15 = arith.constant 0 : i32
    %dma_start3A_16 = tpu.memref_slice %dma_start3A_14[%mul3A_2, %dma_start3A_15] : memref<20x1024xi32, #tpu.memory_space<hbm>> -> memref<10x1024xi32, #tpu.memory_space<hbm>>
    tpu.enqueue_dma source(%dma_start3A_16 : memref<10x1024xi32, #tpu.memory_space<hbm>>) target(%arg6 : memref<10x1024xi32, #tpu.memory_space<vmem>>) target_semaphore(%dma_start3A_10 : memref<!tpu.dma_semaphore, #tpu.memory_space<semaphore_mem>>)
    %dma_start3A_17 = arith.constant 1 : i32
    %dma_start3A_18 = arith.constant 0 : i32
    %dma_start3A_19 = arith.constant 0 : i32
    %dma_start3A_20 = tpu.memref_slice %arg4[%arg1, %dma_start3A_18, %dma_start3A_19] : memref<16x20x1024xi32, #tpu.memory_space<hbm>> -> memref<1x20x1024xi32, #tpu.memory_space<hbm>>
    %dma_start3A_21 = tpu.memref_squeeze %dma_start3A_20 : memref<1x20x1024xi32, #tpu.memory_space<hbm>> -> memref<20x1024xi32, #tpu.memory_space<hbm>>
    %dma_start3A_22 = arith.constant 0 : i32
    %dma_start3A_23 = tpu.memref_slice %dma_start3A_21[%mul3A_2, %dma_start3A_22] : memref<20x1024xi32, #tpu.memory_space<hbm>> -> memref<10x1024xi32, #tpu.memory_space<hbm>>
    %dma_start3A_24 = tpu.memref_slice %arg11[%dma_start3A_17] : memref<3x!tpu.dma_semaphore, #tpu.memory_space<semaphore_mem>> -> memref<1x!tpu.dma_semaphore, #tpu.memory_space<semaphore_mem>>
    %dma_start3A_25 = tpu.memref_squeeze %dma_start3A_24 : memref<1x!tpu.dma_semaphore, #tpu.memory_space<semaphore_mem>> -> memref<!tpu.dma_semaphore, #tpu.memory_space<semaphore_mem>>
    %dma_start3A_26 = arith.constant 0 : i32
    %dma_start3A_27 = arith.constant 0 : i32
    %dma_start3A_28 = tpu.memref_slice %arg4[%arg1, %dma_start3A_26, %dma_start3A_27] : memref<16x20x1024xi32, #tpu.memory_space<hbm>> -> memref<1x20x1024xi32, #tpu.memory_space<hbm>>
    %dma_start3A_29 = tpu.memref_squeeze %dma_start3A_28 : memref<1x20x1024xi32, #tpu.memory_space<hbm>> -> memref<20x1024xi32, #tpu.memory_space<hbm>>
    %dma_start3A_30 = arith.constant 0 : i32
    %dma_start3A_31 = tpu.memref_slice %dma_start3A_29[%mul3A_2, %dma_start3A_30] : memref<20x1024xi32, #tpu.memory_space<hbm>> -> memref<10x1024xi32, #tpu.memory_space<hbm>>
    tpu.enqueue_dma source(%dma_start3A_31 : memref<10x1024xi32, #tpu.memory_space<hbm>>) target(%arg7 : memref<10x1024xi32, #tpu.memory_space<vmem>>) target_semaphore(%dma_start3A_25 : memref<!tpu.dma_semaphore, #tpu.memory_space<semaphore_mem>>)
    %dma_start3A_32 = arith.constant 2 : i32
    %dma_start3A_33 = tpu.memref_slice %arg11[%dma_start3A_32] : memref<3x!tpu.dma_semaphore, #tpu.memory_space<semaphore_mem>> -> memref<1x!tpu.dma_semaphore, #tpu.memory_space<semaphore_mem>>
    %dma_start3A_34 = tpu.memref_squeeze %dma_start3A_33 : memref<1x!tpu.dma_semaphore, #tpu.memory_space<semaphore_mem>> -> memref<!tpu.dma_semaphore, #tpu.memory_space<semaphore_mem>>
    %dma_start3A_35 = arith.constant 0 : i32
    %dma_start3A_36 = tpu.memref_slice %arg10[%mul3A_0, %dma_start3A_35] : memref<10112x32xf32, #tpu.memory_space<vmem_shared>> -> memref<632x32xf32, #tpu.memory_space<vmem_shared>>
    %dma_start3A_37 = arith.constant 0 : i32
    %dma_start3A_38 = tpu.memref_slice %arg2[%mul3A_0, %dma_start3A_37] : memref<10112x32xf32, #tpu.memory_space<hbm>> -> memref<632x32xf32, #tpu.memory_space<hbm>>
    tpu.enqueue_dma source(%dma_start3A_38 : memref<632x32xf32, #tpu.memory_space<hbm>>) target(%dma_start3A_36 : memref<632x32xf32, #tpu.memory_space<vmem_shared>>) target_semaphore(%dma_start3A_34 : memref<!tpu.dma_semaphore, #tpu.memory_space<semaphore_mem>>)
    %scan3A = arith.constant 0 : i32
    %scan3A_39 = arith.constant 0 : i32
    %scan3A_40 = arith.constant 632 : i32
    %scan3A_41 = arith.addi %scan3A_39, %scan3A_40 : i32
    %scan3A_42 = arith.constant 1 : i32
    %scan3A_43 = scf.for %scan3A_402 = %scan3A_39 to %scan3A_41 step %scan3A_42 iter_args(%scan3A_403 = %scan3A) -> (i32)  : i32 {
      %broadcast_in_dim3A = arith.constant 0.000000e+00 : f32
      %broadcast_in_dim3A_404 = vector.broadcast %broadcast_in_dim3A : f32 to vector<16xf32>
      %swap3A = arith.constant 0 : i32
      %swap3A_405 = arith.index_cast %swap3A : i32 to index
      %swap3A_406 = arith.index_cast %scan3A_402 : i32 to index
      %swap3A_407 = arith.constant 0 : index
      %swap3A_408 = tpu.vector_load %arg8[%swap3A_405, %swap3A_406, %swap3A_407] {strides = array<i32>} : memref<2x1024x32xf32, #tpu.memory_space<vmem>>, vector<1x1x16xf32>,
      %swap3A_409 = vector.shape_cast %swap3A_408 : vector<1x1x16xf32> to vector<16xf32>
      %swap3A_410 = vector.shape_cast %broadcast_in_dim3A_404 : vector<16xf32> to vector<1x1x16xf32>
      tpu.vector_store %arg8[%swap3A_405, %swap3A_406, %swap3A_407], %swap3A_410 {strides = array<i32>} : memref<2x1024x32xf32, #tpu.memory_space<vmem>>, vector<1x1x16xf32>,
      %broadcast_in_dim3A_411 = arith.constant 0.000000e+00 : f32
      %broadcast_in_dim3A_412 = vector.broadcast %broadcast_in_dim3A_411 : f32 to vector<16xf32>
      %swap3A_413 = arith.constant 0 : i32
      %swap3A_414 = arith.index_cast %swap3A_413 : i32 to index
      %swap3A_415 = arith.index_cast %scan3A_402 : i32 to index
      %swap3A_416 = arith.constant 16 : index
      %swap3A_417 = tpu.vector_load %arg8[%swap3A_414, %swap3A_415, %swap3A_416] {strides = array<i32>} : memref<2x1024x32xf32, #tpu.memory_space<vmem>>, vector<1x1x16xf32>,
      %swap3A_418 = vector.shape_cast %swap3A_417 : vector<1x1x16xf32> to vector<16xf32>
      %swap3A_419 = vector.shape_cast %broadcast_in_dim3A_412 : vector<16xf32> to vector<1x1x16xf32>
      tpu.vector_store %arg8[%swap3A_414, %swap3A_415, %swap3A_416], %swap3A_419 {strides = array<i32>} : memref<2x1024x32xf32, #tpu.memory_space<vmem>>, vector<1x1x16xf32>,
      %scan3A_420 = arith.constant 0 : i32
      scf.yield %scan3A_420 : i32
    }
    %scan3A_44 = arith.constant 632 : i32
    %run_scoped3A = arith.constant 0 : i32
    "tpu.region"() ({
      %run_scoped3A_402 = tpu.sem_alloc : memref<!tpu.dma_semaphore, #tpu.memory_space<semaphore_mem>>
      %dma_start3A_403 = arith.constant 0 : i32
      %dma_start3A_404 = arith.constant 0 : i32
      %dma_start3A_405 = tpu.memref_slice %arg8[%run_scoped3A, %dma_start3A_403, %dma_start3A_404] : memref<2x1024x32xf32, #tpu.memory_space<vmem>> -> memref<1x1024x32xf32, #tpu.memory_space<vmem>>
      %dma_start3A_406 = tpu.memref_squeeze %dma_start3A_405 : memref<1x1024x32xf32, #tpu.memory_space<vmem>> -> memref<1024x32xf32, #tpu.memory_space<vmem>>
      %dma_start3A_407 = arith.constant 0 : i32
      %dma_start3A_408 = arith.constant 0 : i32
      %dma_start3A_409 = tpu.memref_slice %dma_start3A_406[%dma_start3A_407, %dma_start3A_408] : memref<1024x32xf32, #tpu.memory_space<vmem>> -> memref<632x32xf32, #tpu.memory_space<vmem>>
      %dma_start3A_410 = arith.constant 0 : i32
      %dma_start3A_411 = tpu.memref_slice %arg9[%mul3A_0, %dma_start3A_410] : memref<10112x32xf32, #tpu.memory_space<vmem_shared>> -> memref<632x32xf32, #tpu.memory_space<vmem_shared>>
      %dma_start3A_412 = arith.constant 0 : i32
      %dma_start3A_413 = tpu.memref_slice %arg9[%mul3A_0, %dma_start3A_412] : memref<10112x32xf32, #tpu.memory_space<vmem_shared>> -> memref<632x32xf32, #tpu.memory_space<vmem_shared>>
      %dma_start3A_414 = arith.constant 0 : i32
      %dma_start3A_415 = arith.constant 0 : i32
      %dma_start3A_416 = tpu.memref_slice %arg8[%run_scoped3A, %dma_start3A_414, %dma_start3A_415] : memref<2x1024x32xf32, #tpu.memory_space<vmem>> -> memref<1x1024x32xf32, #tpu.memory_space<vmem>>
      %dma_start3A_417 = tpu.memref_squeeze %dma_start3A_416 : memref<1x1024x32xf32, #tpu.memory_space<vmem>> -> memref<1024x32xf32, #tpu.memory_space<vmem>>
      %dma_start3A_418 = arith.constant 0 : i32
      %dma_start3A_419 = arith.constant 0 : i32
      %dma_start3A_420 = tpu.memref_slice %dma_start3A_417[%dma_start3A_418, %dma_start3A_419] : memref<1024x32xf32, #tpu.memory_space<vmem>> -> memref<632x32xf32, #tpu.memory_space<vmem>>
      tpu.enqueue_dma source(%dma_start3A_420 : memref<632x32xf32, #tpu.memory_space<vmem>>) target(%dma_start3A_413 : memref<632x32xf32, #tpu.memory_space<vmem_shared>>) target_semaphore(%run_scoped3A_402 : memref<!tpu.dma_semaphore, #tpu.memory_space<semaphore_mem>>)
      %dma_wait3A_421 = arith.constant 0 : i32
      %dma_wait3A_422 = arith.constant 0 : i32
      %dma_wait3A_423 = tpu.memref_slice %arg8[%run_scoped3A, %dma_wait3A_421, %dma_wait3A_422] : memref<2x1024x32xf32, #tpu.memory_space<vmem>> -> memref<1x1024x32xf32, #tpu.memory_space<vmem>>
      %dma_wait3A_424 = tpu.memref_squeeze %dma_wait3A_423 : memref<1x1024x32xf32, #tpu.memory_space<vmem>> -> memref<1024x32xf32, #tpu.memory_space<vmem>>
      %dma_wait3A_425 = arith.constant 0 : i32
      %dma_wait3A_426 = arith.constant 0 : i32
      %dma_wait3A_427 = tpu.memref_slice %dma_wait3A_424[%dma_wait3A_425, %dma_wait3A_426] : memref<1024x32xf32, #tpu.memory_space<vmem>> -> memref<632x32xf32, #tpu.memory_space<vmem>>
      %dma_wait3A_428 = arith.constant 0 : i32
      %dma_wait3A_429 = tpu.memref_slice %arg9[%mul3A_0, %dma_wait3A_428] : memref<10112x32xf32, #tpu.memory_space<vmem_shared>> -> memref<632x32xf32, #tpu.memory_space<vmem_shared>>
      %dma_wait3A_430 = arith.constant 0 : i32
      %dma_wait3A_431 = tpu.memref_slice %arg9[%mul3A_0, %dma_wait3A_430] : memref<10112x32xf32, #tpu.memory_space<vmem_shared>> -> memref<632x32xf32, #tpu.memory_space<vmem_shared>>
      %dma_wait3A_432 = arith.constant 0 : i32
      %dma_wait3A_433 = arith.constant 0 : i32
      %dma_wait3A_434 = tpu.memref_slice %arg8[%run_scoped3A, %dma_wait3A_432, %dma_wait3A_433] : memref<2x1024x32xf32, #tpu.memory_space<vmem>> -> memref<1x1024x32xf32, #tpu.memory_space<vmem>>
      %dma_wait3A_435 = tpu.memref_squeeze %dma_wait3A_434 : memref<1x1024x32xf32, #tpu.memory_space<vmem>> -> memref<1024x32xf32, #tpu.memory_space<vmem>>
      %dma_wait3A_436 = arith.constant 0 : i32
      %dma_wait3A_437 = arith.constant 0 : i32
      %dma_wait3A_438 = tpu.memref_slice %dma_wait3A_435[%dma_wait3A_436, %dma_wait3A_437] : memref<1024x32xf32, #tpu.memory_space<vmem>> -> memref<632x32xf32, #tpu.memory_space<vmem>>
      tpu.wait_dma2 semaphore(%run_scoped3A_402 : memref<!tpu.dma_semaphore, #tpu.memory_space<semaphore_mem>>) src(%dma_wait3A_438 : memref<632x32xf32, #tpu.memory_space<vmem>>) dst(%dma_wait3A_431 : memref<632x32xf32, #tpu.memory_space<vmem_shared>>)
      tpu.yield
    }) : () -> ()
    %dma_wait3A = arith.constant 0 : i32
    %dma_wait3A_45 = arith.constant 0 : i32
    %dma_wait3A_46 = arith.constant 0 : i32
    %dma_wait3A_47 = tpu.memref_slice %arg3[%arg1, %dma_wait3A_45, %dma_wait3A_46] : memref<16x20x1024xi32, #tpu.memory_space<hbm>> -> memref<1x20x1024xi32, #tpu.memory_space<hbm>>
    %dma_wait3A_48 = tpu.memref_squeeze %dma_wait3A_47 : memref<1x20x1024xi32, #tpu.memory_space<hbm>> -> memref<20x1024xi32, #tpu.memory_space<hbm>>
    %dma_wait3A_49 = arith.constant 0 : i32
    %dma_wait3A_50 = tpu.memref_slice %dma_wait3A_48[%mul3A_2, %dma_wait3A_49] : memref<20x1024xi32, #tpu.memory_space<hbm>> -> memref<10x1024xi32, #tpu.memory_space<hbm>>
    %dma_wait3A_51 = tpu.memref_slice %arg11[%dma_wait3A] : memref<3x!tpu.dma_semaphore, #tpu.memory_space<semaphore_mem>> -> memref<1x!tpu.dma_semaphore, #tpu.memory_space<semaphore_mem>>
    %dma_wait3A_52 = tpu.memref_squeeze %dma_wait3A_51 : memref<1x!tpu.dma_semaphore, #tpu.memory_space<semaphore_mem>> -> memref<!tpu.dma_semaphore, #tpu.memory_space<semaphore_mem>>
    %dma_wait3A_53 = arith.constant 0 : i32
    %dma_wait3A_54 = arith.constant 0 : i32
    %dma_wait3A_55 = tpu.memref_slice %arg3[%arg1, %dma_wait3A_53, %dma_wait3A_54] : memref<16x20x1024xi32, #tpu.memory_space<hbm>> -> memref<1x20x1024xi32, #tpu.memory_space<hbm>>
    %dma_wait3A_56 = tpu.memref_squeeze %dma_wait3A_55 : memref<1x20x1024xi32, #tpu.memory_space<hbm>> -> memref<20x1024xi32, #tpu.memory_space<hbm>>
    %dma_wait3A_57 = arith.constant 0 : i32
    %dma_wait3A_58 = tpu.memref_slice %dma_wait3A_56[%mul3A_2, %dma_wait3A_57] : memref<20x1024xi32, #tpu.memory_space<hbm>> -> memref<10x1024xi32, #tpu.memory_space<hbm>>
    tpu.wait_dma2 semaphore(%dma_wait3A_52 : memref<!tpu.dma_semaphore, #tpu.memory_space<semaphore_mem>>) src(%dma_wait3A_58 : memref<10x1024xi32, #tpu.memory_space<hbm>>) dst(%arg6 : memref<10x1024xi32, #tpu.memory_space<vmem>>)
    %dma_wait3A_59 = arith.constant 1 : i32
    %dma_wait3A_60 = arith.constant 0 : i32
    %dma_wait3A_61 = arith.constant 0 : i32
    %dma_wait3A_62 = tpu.memref_slice %arg4[%arg1, %dma_wait3A_60, %dma_wait3A_61] : memref<16x20x1024xi32, #tpu.memory_space<hbm>> -> memref<1x20x1024xi32, #tpu.memory_space<hbm>>
    %dma_wait3A_63 = tpu.memref_squeeze %dma_wait3A_62 : memref<1x20x1024xi32, #tpu.memory_space<hbm>> -> memref<20x1024xi32, #tpu.memory_space<hbm>>
    %dma_wait3A_64 = arith.constant 0 : i32
    %dma_wait3A_65 = tpu.memref_slice %dma_wait3A_63[%mul3A_2, %dma_wait3A_64] : memref<20x1024xi32, #tpu.memory_space<hbm>> -> memref<10x1024xi32, #tpu.memory_space<hbm>>
    %dma_wait3A_66 = tpu.memref_slice %arg11[%dma_wait3A_59] : memref<3x!tpu.dma_semaphore, #tpu.memory_space<semaphore_mem>> -> memref<1x!tpu.dma_semaphore, #tpu.memory_space<semaphore_mem>>
    %dma_wait3A_67 = tpu.memref_squeeze %dma_wait3A_66 : memref<1x!tpu.dma_semaphore, #tpu.memory_space<semaphore_mem>> -> memref<!tpu.dma_semaphore, #tpu.memory_space<semaphore_mem>>
    %dma_wait3A_68 = arith.constant 0 : i32
    %dma_wait3A_69 = arith.constant 0 : i32
    %dma_wait3A_70 = tpu.memref_slice %arg4[%arg1, %dma_wait3A_68, %dma_wait3A_69] : memref<16x20x1024xi32, #tpu.memory_space<hbm>> -> memref<1x20x1024xi32, #tpu.memory_space<hbm>>
    %dma_wait3A_71 = tpu.memref_squeeze %dma_wait3A_70 : memref<1x20x1024xi32, #tpu.memory_space<hbm>> -> memref<20x1024xi32, #tpu.memory_space<hbm>>
    %dma_wait3A_72 = arith.constant 0 : i32
    %dma_wait3A_73 = tpu.memref_slice %dma_wait3A_71[%mul3A_2, %dma_wait3A_72] : memref<20x1024xi32, #tpu.memory_space<hbm>> -> memref<10x1024xi32, #tpu.memory_space<hbm>>
    tpu.wait_dma2 semaphore(%dma_wait3A_67 : memref<!tpu.dma_semaphore, #tpu.memory_space<semaphore_mem>>) src(%dma_wait3A_73 : memref<10x1024xi32, #tpu.memory_space<hbm>>) dst(%arg7 : memref<10x1024xi32, #tpu.memory_space<vmem>>)
    %dma_wait3A_74 = arith.constant 2 : i32
    %dma_wait3A_75 = tpu.memref_slice %arg11[%dma_wait3A_74] : memref<3x!tpu.dma_semaphore, #tpu.memory_space<semaphore_mem>> -> memref<1x!tpu.dma_semaphore, #tpu.memory_space<semaphore_mem>>
    %dma_wait3A_76 = tpu.memref_squeeze %dma_wait3A_75 : memref<1x!tpu.dma_semaphore, #tpu.memory_space<semaphore_mem>> -> memref<!tpu.dma_semaphore, #tpu.memory_space<semaphore_mem>>
    %dma_wait3A_77 = arith.constant 0 : i32
    %dma_wait3A_78 = tpu.memref_slice %arg10[%mul3A_0, %dma_wait3A_77] : memref<10112x32xf32, #tpu.memory_space<vmem_shared>> -> memref<632x32xf32, #tpu.memory_space<vmem_shared>>
    %dma_wait3A_79 = arith.constant 0 : i32
    %dma_wait3A_80 = tpu.memref_slice %arg2[%mul3A_0, %dma_wait3A_79] : memref<10112x32xf32, #tpu.memory_space<hbm>> -> memref<632x32xf32, #tpu.memory_space<hbm>>
    tpu.wait_dma2 semaphore(%dma_wait3A_76 : memref<!tpu.dma_semaphore, #tpu.memory_space<semaphore_mem>>) src(%dma_wait3A_80 : memref<632x32xf32, #tpu.memory_space<hbm>>) dst(%dma_wait3A_78 : memref<632x32xf32, #tpu.memory_space<vmem_shared>>)
    %barrier3A = arith.constant 0 : index
    tpu.barrier barrier_id(%barrier3A)
    %dma_start3A_81 = arith.constant 0 : i32
    %dma_start3A_82 = arith.constant 0 : i32
    %dma_start3A_83 = arith.constant 0 : i32
    %dma_start3A_84 = arith.constant 0 : i32
    %dma_start3A_85 = arith.constant 0 : i32
    %dma_start3A_86 = tpu.memref_slice %arg8[%dma_start3A_82, %dma_start3A_84, %dma_start3A_85] : memref<2x1024x32xf32, #tpu.memory_space<vmem>> -> memref<1x1024x32xf32, #tpu.memory_space<vmem>>
    %dma_start3A_87 = tpu.memref_squeeze %dma_start3A_86 : memref<1x1024x32xf32, #tpu.memory_space<vmem>> -> memref<1024x32xf32, #tpu.memory_space<vmem>>
    %dma_start3A_88 = arith.constant 0 : i32
    %dma_start3A_89 = tpu.memref_slice %arg6[%dma_start3A_81, %dma_start3A_88] : memref<10x1024xi32, #tpu.memory_space<vmem>> -> memref<1x1024xi32, #tpu.memory_space<vmem>>
    %dma_start3A_90 = tpu.memref_squeeze %dma_start3A_89 : memref<1x1024xi32, #tpu.memory_space<vmem>> -> memref<1024xi32, #tpu.memory_space<vmem>>
    %dma_start3A_91 = arith.constant 0 : i32
    %dma_start3A_92 = arith.constant 0 : i32
    %dma_start3A_93 = tpu.memref_slice %arg10[%dma_start3A_91, %dma_start3A_92] : memref<10112x32xf32, #tpu.memory_space<vmem_shared>> -> memref<10112x32xf32, #tpu.memory_space<vmem_shared>>
    %dma_start3A_94 = tpu.memref_slice %arg11[%dma_start3A_83] : memref<3x!tpu.dma_semaphore, #tpu.memory_space<semaphore_mem>> -> memref<1x!tpu.dma_semaphore, #tpu.memory_space<semaphore_mem>>
    %dma_start3A_95 = tpu.memref_squeeze %dma_start3A_94 : memref<1x!tpu.dma_semaphore, #tpu.memory_space<semaphore_mem>> -> memref<!tpu.dma_semaphore, #tpu.memory_space<semaphore_mem>>
    tpu.enqueue_indirect_dma source(%dma_start3A_93 : memref<10112x32xf32, #tpu.memory_space<vmem_shared>>) target(%dma_start3A_87 : memref<1024x32xf32, #tpu.memory_space<vmem>>) offsets(%dma_start3A_90 : memref<1024xi32, #tpu.memory_space<vmem>>) semaphore(%dma_start3A_95 : memref<!tpu.dma_semaphore, #tpu.memory_space<semaphore_mem>>)
    %dma_wait3A_96 = arith.constant 0 : i32
    %dma_wait3A_97 = arith.constant 0 : i32
    %dma_wait3A_98 = arith.constant 0 : i32
    %dma_wait3A_99 = arith.constant 0 : i32
    %dma_wait3A_100 = arith.constant 0 : i32
    %dma_wait3A_101 = tpu.memref_slice %arg8[%dma_wait3A_97, %dma_wait3A_99, %dma_wait3A_100] : memref<2x1024x32xf32, #tpu.memory_space<vmem>> -> memref<1x1024x32xf32, #tpu.memory_space<vmem>>
    %dma_wait3A_102 = tpu.memref_squeeze %dma_wait3A_101 : memref<1x1024x32xf32, #tpu.memory_space<vmem>> -> memref<1024x32xf32, #tpu.memory_space<vmem>>
    %dma_wait3A_103 = arith.constant 0 : i32
    %dma_wait3A_104 = tpu.memref_slice %arg6[%dma_wait3A_96, %dma_wait3A_103] : memref<10x1024xi32, #tpu.memory_space<vmem>> -> memref<1x1024xi32, #tpu.memory_space<vmem>>
    %dma_wait3A_105 = tpu.memref_squeeze %dma_wait3A_104 : memref<1x1024xi32, #tpu.memory_space<vmem>> -> memref<1024xi32, #tpu.memory_space<vmem>>
    %dma_wait3A_106 = arith.constant 0 : i32
    %dma_wait3A_107 = arith.constant 0 : i32
    %dma_wait3A_108 = tpu.memref_slice %arg10[%dma_wait3A_106, %dma_wait3A_107] : memref<10112x32xf32, #tpu.memory_space<vmem_shared>> -> memref<10112x32xf32, #tpu.memory_space<vmem_shared>>
    %dma_wait3A_109 = tpu.memref_slice %arg11[%dma_wait3A_98] : memref<3x!tpu.dma_semaphore, #tpu.memory_space<semaphore_mem>> -> memref<1x!tpu.dma_semaphore, #tpu.memory_space<semaphore_mem>>
    %dma_wait3A_110 = tpu.memref_squeeze %dma_wait3A_109 : memref<1x!tpu.dma_semaphore, #tpu.memory_space<semaphore_mem>> -> memref<!tpu.dma_semaphore, #tpu.memory_space<semaphore_mem>>
    tpu.wait_indirect_dma semaphore(%dma_wait3A_110 : memref<!tpu.dma_semaphore, #tpu.memory_space<semaphore_mem>>) src(%dma_wait3A_108 : memref<10112x32xf32, #tpu.memory_space<vmem_shared>>) dst(%dma_wait3A_102 : memref<1024x32xf32, #tpu.memory_space<vmem>>)
    %dma_start3A_111 = arith.constant 1 : i32
    %dma_start3A_112 = arith.constant 1 : i32
    %dma_start3A_113 = arith.constant 1 : i32
    %dma_start3A_114 = arith.constant 0 : i32
    %dma_start3A_115 = arith.constant 0 : i32
    %dma_start3A_116 = tpu.memref_slice %arg8[%dma_start3A_112, %dma_start3A_114, %dma_start3A_115] : memref<2x1024x32xf32, #tpu.memory_space<vmem>> -> memref<1x1024x32xf32, #tpu.memory_space<vmem>>
    %dma_start3A_117 = tpu.memref_squeeze %dma_start3A_116 : memref<1x1024x32xf32, #tpu.memory_space<vmem>> -> memref<1024x32xf32, #tpu.memory_space<vmem>>
    %dma_start3A_118 = arith.constant 0 : i32
    %dma_start3A_119 = tpu.memref_slice %arg6[%dma_start3A_111, %dma_start3A_118] : memref<10x1024xi32, #tpu.memory_space<vmem>> -> memref<1x1024xi32, #tpu.memory_space<vmem>>
    %dma_start3A_120 = tpu.memref_squeeze %dma_start3A_119 : memref<1x1024xi32, #tpu.memory_space<vmem>> -> memref<1024xi32, #tpu.memory_space<vmem>>
    %dma_start3A_121 = arith.constant 0 : i32
    %dma_start3A_122 = arith.constant 0 : i32
    %dma_start3A_123 = tpu.memref_slice %arg10[%dma_start3A_121, %dma_start3A_122] : memref<10112x32xf32, #tpu.memory_space<vmem_shared>> -> memref<10112x32xf32, #tpu.memory_space<vmem_shared>>
    %dma_start3A_124 = tpu.memref_slice %arg11[%dma_start3A_113] : memref<3x!tpu.dma_semaphore, #tpu.memory_space<semaphore_mem>> -> memref<1x!tpu.dma_semaphore, #tpu.memory_space<semaphore_mem>>
    %dma_start3A_125 = tpu.memref_squeeze %dma_start3A_124 : memref<1x!tpu.dma_semaphore, #tpu.memory_space<semaphore_mem>> -> memref<!tpu.dma_semaphore, #tpu.memory_space<semaphore_mem>>
    tpu.enqueue_indirect_dma source(%dma_start3A_123 : memref<10112x32xf32, #tpu.memory_space<vmem_shared>>) target(%dma_start3A_117 : memref<1024x32xf32, #tpu.memory_space<vmem>>) offsets(%dma_start3A_120 : memref<1024xi32, #tpu.memory_space<vmem>>) semaphore(%dma_start3A_125 : memref<!tpu.dma_semaphore, #tpu.memory_space<semaphore_mem>>)
    %run_scoped3A_126 = arith.constant 0 : i32
    %run_scoped3A_127 = arith.constant 0 : i32
    "tpu.region"() ({
      %run_scoped3A_402 = tpu.sem_alloc : memref<!tpu.dma_semaphore, #tpu.memory_space<semaphore_mem>>
      %dma_start3A_403 = arith.constant 0 : i32
      %dma_start3A_404 = arith.constant 0 : i32
      %dma_start3A_405 = tpu.memref_slice %arg8[%run_scoped3A_126, %dma_start3A_403, %dma_start3A_404] : memref<2x1024x32xf32, #tpu.memory_space<vmem>> -> memref<1x1024x32xf32, #tpu.memory_space<vmem>>
      %dma_start3A_406 = tpu.memref_squeeze %dma_start3A_405 : memref<1x1024x32xf32, #tpu.memory_space<vmem>> -> memref<1024x32xf32, #tpu.memory_space<vmem>>
      %dma_start3A_407 = arith.constant 0 : i32
      %dma_start3A_408 = tpu.memref_slice %arg7[%run_scoped3A_127, %dma_start3A_407] : memref<10x1024xi32, #tpu.memory_space<vmem>> -> memref<1x1024xi32, #tpu.memory_space<vmem>>
      %dma_start3A_409 = tpu.memref_squeeze %dma_start3A_408 : memref<1x1024xi32, #tpu.memory_space<vmem>> -> memref<1024xi32, #tpu.memory_space<vmem>>
      %dma_start3A_410 = arith.constant 0 : i32
      %dma_start3A_411 = arith.constant 0 : i32
      %dma_start3A_412 = tpu.memref_slice %arg9[%dma_start3A_410, %dma_start3A_411] : memref<10112x32xf32, #tpu.memory_space<vmem_shared>> -> memref<10112x32xf32, #tpu.memory_space<vmem_shared>>
      tpu.enqueue_indirect_dma source(%dma_start3A_406 : memref<1024x32xf32, #tpu.memory_space<vmem>>) target(%dma_start3A_412 : memref<10112x32xf32, #tpu.memory_space<vmem_shared>>) offsets(%dma_start3A_409 : memref<1024xi32, #tpu.memory_space<vmem>>) semaphore(%run_scoped3A_402 : memref<!tpu.dma_semaphore, #tpu.memory_space<semaphore_mem>>) {add = true}
      %dma_wait3A_413 = arith.constant 0 : i32
      %dma_wait3A_414 = arith.constant 0 : i32
      %dma_wait3A_415 = tpu.memref_slice %arg8[%run_scoped3A_126, %dma_wait3A_413, %dma_wait3A_414] : memref<2x1024x32xf32, #tpu.memory_space<vmem>> -> memref<1x1024x32xf32, #tpu.memory_space<vmem>>
      %dma_wait3A_416 = tpu.memref_squeeze %dma_wait3A_415 : memref<1x1024x32xf32, #tpu.memory_space<vmem>> -> memref<1024x32xf32, #tpu.memory_space<vmem>>
      %dma_wait3A_417 = arith.constant 0 : i32
      %dma_wait3A_418 = tpu.memref_slice %arg7[%run_scoped3A_127, %dma_wait3A_417] : memref<10x1024xi32, #tpu.memory_space<vmem>> -> memref<1x1024xi32, #tpu.memory_space<vmem>>
      %dma_wait3A_419 = tpu.memref_squeeze %dma_wait3A_418 : memref<1x1024xi32, #tpu.memory_space<vmem>> -> memref<1024xi32, #tpu.memory_space<vmem>>
      %dma_wait3A_420 = arith.constant 0 : i32
      %dma_wait3A_421 = arith.constant 0 : i32
      %dma_wait3A_422 = tpu.memref_slice %arg9[%dma_wait3A_420, %dma_wait3A_421] : memref<10112x32xf32, #tpu.memory_space<vmem_shared>> -> memref<10112x32xf32, #tpu.memory_space<vmem_shared>>
      tpu.wait_indirect_dma semaphore(%run_scoped3A_402 : memref<!tpu.dma_semaphore, #tpu.memory_space<semaphore_mem>>) src(%dma_wait3A_416 : memref<1024x32xf32, #tpu.memory_space<vmem>>) dst(%dma_wait3A_422 : memref<10112x32xf32, #tpu.memory_space<vmem_shared>>)
      tpu.yield
    }) : () -> ()
    %dma_wait3A_128 = arith.constant 1 : i32
    %dma_wait3A_129 = arith.constant 1 : i32
    %dma_wait3A_130 = arith.constant 1 : i32
    %dma_wait3A_131 = arith.constant 0 : i32
    %dma_wait3A_132 = arith.constant 0 : i32
    %dma_wait3A_133 = tpu.memref_slice %arg8[%dma_wait3A_129, %dma_wait3A_131, %dma_wait3A_132] : memref<2x1024x32xf32, #tpu.memory_space<vmem>> -> memref<1x1024x32xf32, #tpu.memory_space<vmem>>
    %dma_wait3A_134 = tpu.memref_squeeze %dma_wait3A_133 : memref<1x1024x32xf32, #tpu.memory_space<vmem>> -> memref<1024x32xf32, #tpu.memory_space<vmem>>
    %dma_wait3A_135 = arith.constant 0 : i32
    %dma_wait3A_136 = tpu.memref_slice %arg6[%dma_wait3A_128, %dma_wait3A_135] : memref<10x1024xi32, #tpu.memory_space<vmem>> -> memref<1x1024xi32, #tpu.memory_space<vmem>>
    %dma_wait3A_137 = tpu.memref_squeeze %dma_wait3A_136 : memref<1x1024xi32, #tpu.memory_space<vmem>> -> memref<1024xi32, #tpu.memory_space<vmem>>
    %dma_wait3A_138 = arith.constant 0 : i32
    %dma_wait3A_139 = arith.constant 0 : i32
    %dma_wait3A_140 = tpu.memref_slice %arg10[%dma_wait3A_138, %dma_wait3A_139] : memref<10112x32xf32, #tpu.memory_space<vmem_shared>> -> memref<10112x32xf32, #tpu.memory_space<vmem_shared>>
    %dma_wait3A_141 = tpu.memref_slice %arg11[%dma_wait3A_130] : memref<3x!tpu.dma_semaphore, #tpu.memory_space<semaphore_mem>> -> memref<1x!tpu.dma_semaphore, #tpu.memory_space<semaphore_mem>>
    %dma_wait3A_142 = tpu.memref_squeeze %dma_wait3A_141 : memref<1x!tpu.dma_semaphore, #tpu.memory_space<semaphore_mem>> -> memref<!tpu.dma_semaphore, #tpu.memory_space<semaphore_mem>>
    tpu.wait_indirect_dma semaphore(%dma_wait3A_142 : memref<!tpu.dma_semaphore, #tpu.memory_space<semaphore_mem>>) src(%dma_wait3A_140 : memref<10112x32xf32, #tpu.memory_space<vmem_shared>>) dst(%dma_wait3A_134 : memref<1024x32xf32, #tpu.memory_space<vmem>>)
    %dma_start3A_143 = arith.constant 2 : i32
    %dma_start3A_144 = arith.constant 0 : i32
    %dma_start3A_145 = arith.constant 0 : i32
    %dma_start3A_146 = arith.constant 0 : i32
    %dma_start3A_147 = arith.constant 0 : i32
    %dma_start3A_148 = tpu.memref_slice %arg8[%dma_start3A_144, %dma_start3A_146, %dma_start3A_147] : memref<2x1024x32xf32, #tpu.memory_space<vmem>> -> memref<1x1024x32xf32, #tpu.memory_space<vmem>>
    %dma_start3A_149 = tpu.memref_squeeze %dma_start3A_148 : memref<1x1024x32xf32, #tpu.memory_space<vmem>> -> memref<1024x32xf32, #tpu.memory_space<vmem>>
    %dma_start3A_150 = arith.constant 0 : i32
    %dma_start3A_151 = tpu.memref_slice %arg6[%dma_start3A_143, %dma_start3A_150] : memref<10x1024xi32, #tpu.memory_space<vmem>> -> memref<1x1024xi32, #tpu.memory_space<vmem>>
    %dma_start3A_152 = tpu.memref_squeeze %dma_start3A_151 : memref<1x1024xi32, #tpu.memory_space<vmem>> -> memref<1024xi32, #tpu.memory_space<vmem>>
    %dma_start3A_153 = arith.constant 0 : i32
    %dma_start3A_154 = arith.constant 0 : i32
    %dma_start3A_155 = tpu.memref_slice %arg10[%dma_start3A_153, %dma_start3A_154] : memref<10112x32xf32, #tpu.memory_space<vmem_shared>> -> memref<10112x32xf32, #tpu.memory_space<vmem_shared>>
    %dma_start3A_156 = tpu.memref_slice %arg11[%dma_start3A_145] : memref<3x!tpu.dma_semaphore, #tpu.memory_space<semaphore_mem>> -> memref<1x!tpu.dma_semaphore, #tpu.memory_space<semaphore_mem>>
    %dma_start3A_157 = tpu.memref_squeeze %dma_start3A_156 : memref<1x!tpu.dma_semaphore, #tpu.memory_space<semaphore_mem>> -> memref<!tpu.dma_semaphore, #tpu.memory_space<semaphore_mem>>
    tpu.enqueue_indirect_dma source(%dma_start3A_155 : memref<10112x32xf32, #tpu.memory_space<vmem_shared>>) target(%dma_start3A_149 : memref<1024x32xf32, #tpu.memory_space<vmem>>) offsets(%dma_start3A_152 : memref<1024xi32, #tpu.memory_space<vmem>>) semaphore(%dma_start3A_157 : memref<!tpu.dma_semaphore, #tpu.memory_space<semaphore_mem>>)
    %run_scoped3A_158 = arith.constant 1 : i32
    %run_scoped3A_159 = arith.constant 1 : i32
    "tpu.region"() ({
      %run_scoped3A_402 = tpu.sem_alloc : memref<!tpu.dma_semaphore, #tpu.memory_space<semaphore_mem>>
      %dma_start3A_403 = arith.constant 0 : i32
      %dma_start3A_404 = arith.constant 0 : i32
      %dma_start3A_405 = tpu.memref_slice %arg8[%run_scoped3A_158, %dma_start3A_403, %dma_start3A_404] : memref<2x1024x32xf32, #tpu.memory_space<vmem>> -> memref<1x1024x32xf32, #tpu.memory_space<vmem>>
      %dma_start3A_406 = tpu.memref_squeeze %dma_start3A_405 : memref<1x1024x32xf32, #tpu.memory_space<vmem>> -> memref<1024x32xf32, #tpu.memory_space<vmem>>
      %dma_start3A_407 = arith.constant 0 : i32
      %dma_start3A_408 = tpu.memref_slice %arg7[%run_scoped3A_159, %dma_start3A_407] : memref<10x1024xi32, #tpu.memory_space<vmem>> -> memref<1x1024xi32, #tpu.memory_space<vmem>>
      %dma_start3A_409 = tpu.memref_squeeze %dma_start3A_408 : memref<1x1024xi32, #tpu.memory_space<vmem>> -> memref<1024xi32, #tpu.memory_space<vmem>>
      %dma_start3A_410 = arith.constant 0 : i32
      %dma_start3A_411 = arith.constant 0 : i32
      %dma_start3A_412 = tpu.memref_slice %arg9[%dma_start3A_410, %dma_start3A_411] : memref<10112x32xf32, #tpu.memory_space<vmem_shared>> -> memref<10112x32xf32, #tpu.memory_space<vmem_shared>>
      tpu.enqueue_indirect_dma source(%dma_start3A_406 : memref<1024x32xf32, #tpu.memory_space<vmem>>) target(%dma_start3A_412 : memref<10112x32xf32, #tpu.memory_space<vmem_shared>>) offsets(%dma_start3A_409 : memref<1024xi32, #tpu.memory_space<vmem>>) semaphore(%run_scoped3A_402 : memref<!tpu.dma_semaphore, #tpu.memory_space<semaphore_mem>>) {add = true}
      %dma_wait3A_413 = arith.constant 0 : i32
      %dma_wait3A_414 = arith.constant 0 : i32
      %dma_wait3A_415 = tpu.memref_slice %arg8[%run_scoped3A_158, %dma_wait3A_413, %dma_wait3A_414] : memref<2x1024x32xf32, #tpu.memory_space<vmem>> -> memref<1x1024x32xf32, #tpu.memory_space<vmem>>
      %dma_wait3A_416 = tpu.memref_squeeze %dma_wait3A_415 : memref<1x1024x32xf32, #tpu.memory_space<vmem>> -> memref<1024x32xf32, #tpu.memory_space<vmem>>
      %dma_wait3A_417 = arith.constant 0 : i32
      %dma_wait3A_418 = tpu.memref_slice %arg7[%run_scoped3A_159, %dma_wait3A_417] : memref<10x1024xi32, #tpu.memory_space<vmem>> -> memref<1x1024xi32, #tpu.memory_space<vmem>>
      %dma_wait3A_419 = tpu.memref_squeeze %dma_wait3A_418 : memref<1x1024xi32, #tpu.memory_space<vmem>> -> memref<1024xi32, #tpu.memory_space<vmem>>
      %dma_wait3A_420 = arith.constant 0 : i32
      %dma_wait3A_421 = arith.constant 0 : i32
      %dma_wait3A_422 = tpu.memref_slice %arg9[%dma_wait3A_420, %dma_wait3A_421] : memref<10112x32xf32, #tpu.memory_space<vmem_shared>> -> memref<10112x32xf32, #tpu.memory_space<vmem_shared>>
      tpu.wait_indirect_dma semaphore(%run_scoped3A_402 : memref<!tpu.dma_semaphore, #tpu.memory_space<semaphore_mem>>) src(%dma_wait3A_416 : memref<1024x32xf32, #tpu.memory_space<vmem>>) dst(%dma_wait3A_422 : memref<10112x32xf32, #tpu.memory_space<vmem_shared>>)
      tpu.yield
    }) : () -> ()
    %dma_wait3A_160 = arith.constant 2 : i32
    %dma_wait3A_161 = arith.constant 0 : i32
    %dma_wait3A_162 = arith.constant 0 : i32
    %dma_wait3A_163 = arith.constant 0 : i32
    %dma_wait3A_164 = arith.constant 0 : i32
    %dma_wait3A_165 = tpu.memref_slice %arg8[%dma_wait3A_161, %dma_wait3A_163, %dma_wait3A_164] : memref<2x1024x32xf32, #tpu.memory_space<vmem>> -> memref<1x1024x32xf32, #tpu.memory_space<vmem>>
    %dma_wait3A_166 = tpu.memref_squeeze %dma_wait3A_165 : memref<1x1024x32xf32, #tpu.memory_space<vmem>> -> memref<1024x32xf32, #tpu.memory_space<vmem>>
    %dma_wait3A_167 = arith.constant 0 : i32
    %dma_wait3A_168 = tpu.memref_slice %arg6[%dma_wait3A_160, %dma_wait3A_167] : memref<10x1024xi32, #tpu.memory_space<vmem>> -> memref<1x1024xi32, #tpu.memory_space<vmem>>
    %dma_wait3A_169 = tpu.memref_squeeze %dma_wait3A_168 : memref<1x1024xi32, #tpu.memory_space<vmem>> -> memref<1024xi32, #tpu.memory_space<vmem>>
    %dma_wait3A_170 = arith.constant 0 : i32
    %dma_wait3A_171 = arith.constant 0 : i32
    %dma_wait3A_172 = tpu.memref_slice %arg10[%dma_wait3A_170, %dma_wait3A_171] : memref<10112x32xf32, #tpu.memory_space<vmem_shared>> -> memref<10112x32xf32, #tpu.memory_space<vmem_shared>>
    %dma_wait3A_173 = tpu.memref_slice %arg11[%dma_wait3A_162] : memref<3x!tpu.dma_semaphore, #tpu.memory_space<semaphore_mem>> -> memref<1x!tpu.dma_semaphore, #tpu.memory_space<semaphore_mem>>
    %dma_wait3A_174 = tpu.memref_squeeze %dma_wait3A_173 : memref<1x!tpu.dma_semaphore, #tpu.memory_space<semaphore_mem>> -> memref<!tpu.dma_semaphore, #tpu.memory_space<semaphore_mem>>
    tpu.wait_indirect_dma semaphore(%dma_wait3A_174 : memref<!tpu.dma_semaphore, #tpu.memory_space<semaphore_mem>>) src(%dma_wait3A_172 : memref<10112x32xf32, #tpu.memory_space<vmem_shared>>) dst(%dma_wait3A_166 : memref<1024x32xf32, #tpu.memory_space<vmem>>)
    %dma_start3A_175 = arith.constant 3 : i32
    %dma_start3A_176 = arith.constant 1 : i32
    %dma_start3A_177 = arith.constant 1 : i32
    %dma_start3A_178 = arith.constant 0 : i32
    %dma_start3A_179 = arith.constant 0 : i32
    %dma_start3A_180 = tpu.memref_slice %arg8[%dma_start3A_176, %dma_start3A_178, %dma_start3A_179] : memref<2x1024x32xf32, #tpu.memory_space<vmem>> -> memref<1x1024x32xf32, #tpu.memory_space<vmem>>
    %dma_start3A_181 = tpu.memref_squeeze %dma_start3A_180 : memref<1x1024x32xf32, #tpu.memory_space<vmem>> -> memref<1024x32xf32, #tpu.memory_space<vmem>>
    %dma_start3A_182 = arith.constant 0 : i32
    %dma_start3A_183 = tpu.memref_slice %arg6[%dma_start3A_175, %dma_start3A_182] : memref<10x1024xi32, #tpu.memory_space<vmem>> -> memref<1x1024xi32, #tpu.memory_space<vmem>>
    %dma_start3A_184 = tpu.memref_squeeze %dma_start3A_183 : memref<1x1024xi32, #tpu.memory_space<vmem>> -> memref<1024xi32, #tpu.memory_space<vmem>>
    %dma_start3A_185 = arith.constant 0 : i32
    %dma_start3A_186 = arith.constant 0 : i32
    %dma_start3A_187 = tpu.memref_slice %arg10[%dma_start3A_185, %dma_start3A_186] : memref<10112x32xf32, #tpu.memory_space<vmem_shared>> -> memref<10112x32xf32, #tpu.memory_space<vmem_shared>>
    %dma_start3A_188 = tpu.memref_slice %arg11[%dma_start3A_177] : memref<3x!tpu.dma_semaphore, #tpu.memory_space<semaphore_mem>> -> memref<1x!tpu.dma_semaphore, #tpu.memory_space<semaphore_mem>>
    %dma_start3A_189 = tpu.memref_squeeze %dma_start3A_188 : memref<1x!tpu.dma_semaphore, #tpu.memory_space<semaphore_mem>> -> memref<!tpu.dma_semaphore, #tpu.memory_space<semaphore_mem>>
    tpu.enqueue_indirect_dma source(%dma_start3A_187 : memref<10112x32xf32, #tpu.memory_space<vmem_shared>>) target(%dma_start3A_181 : memref<1024x32xf32, #tpu.memory_space<vmem>>) offsets(%dma_start3A_184 : memref<1024xi32, #tpu.memory_space<vmem>>) semaphore(%dma_start3A_189 : memref<!tpu.dma_semaphore, #tpu.memory_space<semaphore_mem>>)
    %run_scoped3A_190 = arith.constant 0 : i32
    %run_scoped3A_191 = arith.constant 2 : i32
    "tpu.region"() ({
      %run_scoped3A_402 = tpu.sem_alloc : memref<!tpu.dma_semaphore, #tpu.memory_space<semaphore_mem>>
      %dma_start3A_403 = arith.constant 0 : i32
      %dma_start3A_404 = arith.constant 0 : i32
      %dma_start3A_405 = tpu.memref_slice %arg8[%run_scoped3A_190, %dma_start3A_403, %dma_start3A_404] : memref<2x1024x32xf32, #tpu.memory_space<vmem>> -> memref<1x1024x32xf32, #tpu.memory_space<vmem>>
      %dma_start3A_406 = tpu.memref_squeeze %dma_start3A_405 : memref<1x1024x32xf32, #tpu.memory_space<vmem>> -> memref<1024x32xf32, #tpu.memory_space<vmem>>
      %dma_start3A_407 = arith.constant 0 : i32
      %dma_start3A_408 = tpu.memref_slice %arg7[%run_scoped3A_191, %dma_start3A_407] : memref<10x1024xi32, #tpu.memory_space<vmem>> -> memref<1x1024xi32, #tpu.memory_space<vmem>>
      %dma_start3A_409 = tpu.memref_squeeze %dma_start3A_408 : memref<1x1024xi32, #tpu.memory_space<vmem>> -> memref<1024xi32, #tpu.memory_space<vmem>>
      %dma_start3A_410 = arith.constant 0 : i32
      %dma_start3A_411 = arith.constant 0 : i32
      %dma_start3A_412 = tpu.memref_slice %arg9[%dma_start3A_410, %dma_start3A_411] : memref<10112x32xf32, #tpu.memory_space<vmem_shared>> -> memref<10112x32xf32, #tpu.memory_space<vmem_shared>>
      tpu.enqueue_indirect_dma source(%dma_start3A_406 : memref<1024x32xf32, #tpu.memory_space<vmem>>) target(%dma_start3A_412 : memref<10112x32xf32, #tpu.memory_space<vmem_shared>>) offsets(%dma_start3A_409 : memref<1024xi32, #tpu.memory_space<vmem>>) semaphore(%run_scoped3A_402 : memref<!tpu.dma_semaphore, #tpu.memory_space<semaphore_mem>>) {add = true}
      %dma_wait3A_413 = arith.constant 0 : i32
      %dma_wait3A_414 = arith.constant 0 : i32
      %dma_wait3A_415 = tpu.memref_slice %arg8[%run_scoped3A_190, %dma_wait3A_413, %dma_wait3A_414] : memref<2x1024x32xf32, #tpu.memory_space<vmem>> -> memref<1x1024x32xf32, #tpu.memory_space<vmem>>
      %dma_wait3A_416 = tpu.memref_squeeze %dma_wait3A_415 : memref<1x1024x32xf32, #tpu.memory_space<vmem>> -> memref<1024x32xf32, #tpu.memory_space<vmem>>
      %dma_wait3A_417 = arith.constant 0 : i32
      %dma_wait3A_418 = tpu.memref_slice %arg7[%run_scoped3A_191, %dma_wait3A_417] : memref<10x1024xi32, #tpu.memory_space<vmem>> -> memref<1x1024xi32, #tpu.memory_space<vmem>>
      %dma_wait3A_419 = tpu.memref_squeeze %dma_wait3A_418 : memref<1x1024xi32, #tpu.memory_space<vmem>> -> memref<1024xi32, #tpu.memory_space<vmem>>
      %dma_wait3A_420 = arith.constant 0 : i32
      %dma_wait3A_421 = arith.constant 0 : i32
      %dma_wait3A_422 = tpu.memref_slice %arg9[%dma_wait3A_420, %dma_wait3A_421] : memref<10112x32xf32, #tpu.memory_space<vmem_shared>> -> memref<10112x32xf32, #tpu.memory_space<vmem_shared>>
      tpu.wait_indirect_dma semaphore(%run_scoped3A_402 : memref<!tpu.dma_semaphore, #tpu.memory_space<semaphore_mem>>) src(%dma_wait3A_416 : memref<1024x32xf32, #tpu.memory_space<vmem>>) dst(%dma_wait3A_422 : memref<10112x32xf32, #tpu.memory_space<vmem_shared>>)
      tpu.yield
    }) : () -> ()
    %dma_wait3A_192 = arith.constant 3 : i32
    %dma_wait3A_193 = arith.constant 1 : i32
    %dma_wait3A_194 = arith.constant 1 : i32
    %dma_wait3A_195 = arith.constant 0 : i32
    %dma_wait3A_196 = arith.constant 0 : i32
    %dma_wait3A_197 = tpu.memref_slice %arg8[%dma_wait3A_193, %dma_wait3A_195, %dma_wait3A_196] : memref<2x1024x32xf32, #tpu.memory_space<vmem>> -> memref<1x1024x32xf32, #tpu.memory_space<vmem>>
    %dma_wait3A_198 = tpu.memref_squeeze %dma_wait3A_197 : memref<1x1024x32xf32, #tpu.memory_space<vmem>> -> memref<1024x32xf32, #tpu.memory_space<vmem>>
    %dma_wait3A_199 = arith.constant 0 : i32
    %dma_wait3A_200 = tpu.memref_slice %arg6[%dma_wait3A_192, %dma_wait3A_199] : memref<10x1024xi32, #tpu.memory_space<vmem>> -> memref<1x1024xi32, #tpu.memory_space<vmem>>
    %dma_wait3A_201 = tpu.memref_squeeze %dma_wait3A_200 : memref<1x1024xi32, #tpu.memory_space<vmem>> -> memref<1024xi32, #tpu.memory_space<vmem>>
    %dma_wait3A_202 = arith.constant 0 : i32
    %dma_wait3A_203 = arith.constant 0 : i32
    %dma_wait3A_204 = tpu.memref_slice %arg10[%dma_wait3A_202, %dma_wait3A_203] : memref<10112x32xf32, #tpu.memory_space<vmem_shared>> -> memref<10112x32xf32, #tpu.memory_space<vmem_shared>>
    %dma_wait3A_205 = tpu.memref_slice %arg11[%dma_wait3A_194] : memref<3x!tpu.dma_semaphore, #tpu.memory_space<semaphore_mem>> -> memref<1x!tpu.dma_semaphore, #tpu.memory_space<semaphore_mem>>
    %dma_wait3A_206 = tpu.memref_squeeze %dma_wait3A_205 : memref<1x!tpu.dma_semaphore, #tpu.memory_space<semaphore_mem>> -> memref<!tpu.dma_semaphore, #tpu.memory_space<semaphore_mem>>
    tpu.wait_indirect_dma semaphore(%dma_wait3A_206 : memref<!tpu.dma_semaphore, #tpu.memory_space<semaphore_mem>>) src(%dma_wait3A_204 : memref<10112x32xf32, #tpu.memory_space<vmem_shared>>) dst(%dma_wait3A_198 : memref<1024x32xf32, #tpu.memory_space<vmem>>)
    %dma_start3A_207 = arith.constant 4 : i32
    %dma_start3A_208 = arith.constant 0 : i32
    %dma_start3A_209 = arith.constant 0 : i32
    %dma_start3A_210 = arith.constant 0 : i32
    %dma_start3A_211 = arith.constant 0 : i32
    %dma_start3A_212 = tpu.memref_slice %arg8[%dma_start3A_208, %dma_start3A_210, %dma_start3A_211] : memref<2x1024x32xf32, #tpu.memory_space<vmem>> -> memref<1x1024x32xf32, #tpu.memory_space<vmem>>
    %dma_start3A_213 = tpu.memref_squeeze %dma_start3A_212 : memref<1x1024x32xf32, #tpu.memory_space<vmem>> -> memref<1024x32xf32, #tpu.memory_space<vmem>>
    %dma_start3A_214 = arith.constant 0 : i32
    %dma_start3A_215 = tpu.memref_slice %arg6[%dma_start3A_207, %dma_start3A_214] : memref<10x1024xi32, #tpu.memory_space<vmem>> -> memref<1x1024xi32, #tpu.memory_space<vmem>>
    %dma_start3A_216 = tpu.memref_squeeze %dma_start3A_215 : memref<1x1024xi32, #tpu.memory_space<vmem>> -> memref<1024xi32, #tpu.memory_space<vmem>>
    %dma_start3A_217 = arith.constant 0 : i32
    %dma_start3A_218 = arith.constant 0 : i32
    %dma_start3A_219 = tpu.memref_slice %arg10[%dma_start3A_217, %dma_start3A_218] : memref<10112x32xf32, #tpu.memory_space<vmem_shared>> -> memref<10112x32xf32, #tpu.memory_space<vmem_shared>>
    %dma_start3A_220 = tpu.memref_slice %arg11[%dma_start3A_209] : memref<3x!tpu.dma_semaphore, #tpu.memory_space<semaphore_mem>> -> memref<1x!tpu.dma_semaphore, #tpu.memory_space<semaphore_mem>>
    %dma_start3A_221 = tpu.memref_squeeze %dma_start3A_220 : memref<1x!tpu.dma_semaphore, #tpu.memory_space<semaphore_mem>> -> memref<!tpu.dma_semaphore, #tpu.memory_space<semaphore_mem>>
    tpu.enqueue_indirect_dma source(%dma_start3A_219 : memref<10112x32xf32, #tpu.memory_space<vmem_shared>>) target(%dma_start3A_213 : memref<1024x32xf32, #tpu.memory_space<vmem>>) offsets(%dma_start3A_216 : memref<1024xi32, #tpu.memory_space<vmem>>) semaphore(%dma_start3A_221 : memref<!tpu.dma_semaphore, #tpu.memory_space<semaphore_mem>>)
    %run_scoped3A_222 = arith.constant 1 : i32
    %run_scoped3A_223 = arith.constant 3 : i32
    "tpu.region"() ({
      %run_scoped3A_402 = tpu.sem_alloc : memref<!tpu.dma_semaphore, #tpu.memory_space<semaphore_mem>>
      %dma_start3A_403 = arith.constant 0 : i32
      %dma_start3A_404 = arith.constant 0 : i32
      %dma_start3A_405 = tpu.memref_slice %arg8[%run_scoped3A_222, %dma_start3A_403, %dma_start3A_404] : memref<2x1024x32xf32, #tpu.memory_space<vmem>> -> memref<1x1024x32xf32, #tpu.memory_space<vmem>>
      %dma_start3A_406 = tpu.memref_squeeze %dma_start3A_405 : memref<1x1024x32xf32, #tpu.memory_space<vmem>> -> memref<1024x32xf32, #tpu.memory_space<vmem>>
      %dma_start3A_407 = arith.constant 0 : i32
      %dma_start3A_408 = tpu.memref_slice %arg7[%run_scoped3A_223, %dma_start3A_407] : memref<10x1024xi32, #tpu.memory_space<vmem>> -> memref<1x1024xi32, #tpu.memory_space<vmem>>
      %dma_start3A_409 = tpu.memref_squeeze %dma_start3A_408 : memref<1x1024xi32, #tpu.memory_space<vmem>> -> memref<1024xi32, #tpu.memory_space<vmem>>
      %dma_start3A_410 = arith.constant 0 : i32
      %dma_start3A_411 = arith.constant 0 : i32
      %dma_start3A_412 = tpu.memref_slice %arg9[%dma_start3A_410, %dma_start3A_411] : memref<10112x32xf32, #tpu.memory_space<vmem_shared>> -> memref<10112x32xf32, #tpu.memory_space<vmem_shared>>
      tpu.enqueue_indirect_dma source(%dma_start3A_406 : memref<1024x32xf32, #tpu.memory_space<vmem>>) target(%dma_start3A_412 : memref<10112x32xf32, #tpu.memory_space<vmem_shared>>) offsets(%dma_start3A_409 : memref<1024xi32, #tpu.memory_space<vmem>>) semaphore(%run_scoped3A_402 : memref<!tpu.dma_semaphore, #tpu.memory_space<semaphore_mem>>) {add = true}
      %dma_wait3A_413 = arith.constant 0 : i32
      %dma_wait3A_414 = arith.constant 0 : i32
      %dma_wait3A_415 = tpu.memref_slice %arg8[%run_scoped3A_222, %dma_wait3A_413, %dma_wait3A_414] : memref<2x1024x32xf32, #tpu.memory_space<vmem>> -> memref<1x1024x32xf32, #tpu.memory_space<vmem>>
      %dma_wait3A_416 = tpu.memref_squeeze %dma_wait3A_415 : memref<1x1024x32xf32, #tpu.memory_space<vmem>> -> memref<1024x32xf32, #tpu.memory_space<vmem>>
      %dma_wait3A_417 = arith.constant 0 : i32
      %dma_wait3A_418 = tpu.memref_slice %arg7[%run_scoped3A_223, %dma_wait3A_417] : memref<10x1024xi32, #tpu.memory_space<vmem>> -> memref<1x1024xi32, #tpu.memory_space<vmem>>
      %dma_wait3A_419 = tpu.memref_squeeze %dma_wait3A_418 : memref<1x1024xi32, #tpu.memory_space<vmem>> -> memref<1024xi32, #tpu.memory_space<vmem>>
      %dma_wait3A_420 = arith.constant 0 : i32
      %dma_wait3A_421 = arith.constant 0 : i32
      %dma_wait3A_422 = tpu.memref_slice %arg9[%dma_wait3A_420, %dma_wait3A_421] : memref<10112x32xf32, #tpu.memory_space<vmem_shared>> -> memref<10112x32xf32, #tpu.memory_space<vmem_shared>>
      tpu.wait_indirect_dma semaphore(%run_scoped3A_402 : memref<!tpu.dma_semaphore, #tpu.memory_space<semaphore_mem>>) src(%dma_wait3A_416 : memref<1024x32xf32, #tpu.memory_space<vmem>>) dst(%dma_wait3A_422 : memref<10112x32xf32, #tpu.memory_space<vmem_shared>>)
      tpu.yield
    }) : () -> ()
    %dma_wait3A_224 = arith.constant 4 : i32
    %dma_wait3A_225 = arith.constant 0 : i32
    %dma_wait3A_226 = arith.constant 0 : i32
    %dma_wait3A_227 = arith.constant 0 : i32
    %dma_wait3A_228 = arith.constant 0 : i32
    %dma_wait3A_229 = tpu.memref_slice %arg8[%dma_wait3A_225, %dma_wait3A_227, %dma_wait3A_228] : memref<2x1024x32xf32, #tpu.memory_space<vmem>> -> memref<1x1024x32xf32, #tpu.memory_space<vmem>>
    %dma_wait3A_230 = tpu.memref_squeeze %dma_wait3A_229 : memref<1x1024x32xf32, #tpu.memory_space<vmem>> -> memref<1024x32xf32, #tpu.memory_space<vmem>>
    %dma_wait3A_231 = arith.constant 0 : i32
    %dma_wait3A_232 = tpu.memref_slice %arg6[%dma_wait3A_224, %dma_wait3A_231] : memref<10x1024xi32, #tpu.memory_space<vmem>> -> memref<1x1024xi32, #tpu.memory_space<vmem>>
    %dma_wait3A_233 = tpu.memref_squeeze %dma_wait3A_232 : memref<1x1024xi32, #tpu.memory_space<vmem>> -> memref<1024xi32, #tpu.memory_space<vmem>>
    %dma_wait3A_234 = arith.constant 0 : i32
    %dma_wait3A_235 = arith.constant 0 : i32
    %dma_wait3A_236 = tpu.memref_slice %arg10[%dma_wait3A_234, %dma_wait3A_235] : memref<10112x32xf32, #tpu.memory_space<vmem_shared>> -> memref<10112x32xf32, #tpu.memory_space<vmem_shared>>
    %dma_wait3A_237 = tpu.memref_slice %arg11[%dma_wait3A_226] : memref<3x!tpu.dma_semaphore, #tpu.memory_space<semaphore_mem>> -> memref<1x!tpu.dma_semaphore, #tpu.memory_space<semaphore_mem>>
    %dma_wait3A_238 = tpu.memref_squeeze %dma_wait3A_237 : memref<1x!tpu.dma_semaphore, #tpu.memory_space<semaphore_mem>> -> memref<!tpu.dma_semaphore, #tpu.memory_space<semaphore_mem>>
    tpu.wait_indirect_dma semaphore(%dma_wait3A_238 : memref<!tpu.dma_semaphore, #tpu.memory_space<semaphore_mem>>) src(%dma_wait3A_236 : memref<10112x32xf32, #tpu.memory_space<vmem_shared>>) dst(%dma_wait3A_230 : memref<1024x32xf32, #tpu.memory_space<vmem>>)
    %dma_start3A_239 = arith.constant 5 : i32
    %dma_start3A_240 = arith.constant 1 : i32
    %dma_start3A_241 = arith.constant 1 : i32
    %dma_start3A_242 = arith.constant 0 : i32
    %dma_start3A_243 = arith.constant 0 : i32
    %dma_start3A_244 = tpu.memref_slice %arg8[%dma_start3A_240, %dma_start3A_242, %dma_start3A_243] : memref<2x1024x32xf32, #tpu.memory_space<vmem>> -> memref<1x1024x32xf32, #tpu.memory_space<vmem>>
    %dma_start3A_245 = tpu.memref_squeeze %dma_start3A_244 : memref<1x1024x32xf32, #tpu.memory_space<vmem>> -> memref<1024x32xf32, #tpu.memory_space<vmem>>
    %dma_start3A_246 = arith.constant 0 : i32
    %dma_start3A_247 = tpu.memref_slice %arg6[%dma_start3A_239, %dma_start3A_246] : memref<10x1024xi32, #tpu.memory_space<vmem>> -> memref<1x1024xi32, #tpu.memory_space<vmem>>
    %dma_start3A_248 = tpu.memref_squeeze %dma_start3A_247 : memref<1x1024xi32, #tpu.memory_space<vmem>> -> memref<1024xi32, #tpu.memory_space<vmem>>
    %dma_start3A_249 = arith.constant 0 : i32
    %dma_start3A_250 = arith.constant 0 : i32
    %dma_start3A_251 = tpu.memref_slice %arg10[%dma_start3A_249, %dma_start3A_250] : memref<10112x32xf32, #tpu.memory_space<vmem_shared>> -> memref<10112x32xf32, #tpu.memory_space<vmem_shared>>
    %dma_start3A_252 = tpu.memref_slice %arg11[%dma_start3A_241] : memref<3x!tpu.dma_semaphore, #tpu.memory_space<semaphore_mem>> -> memref<1x!tpu.dma_semaphore, #tpu.memory_space<semaphore_mem>>
    %dma_start3A_253 = tpu.memref_squeeze %dma_start3A_252 : memref<1x!tpu.dma_semaphore, #tpu.memory_space<semaphore_mem>> -> memref<!tpu.dma_semaphore, #tpu.memory_space<semaphore_mem>>
    tpu.enqueue_indirect_dma source(%dma_start3A_251 : memref<10112x32xf32, #tpu.memory_space<vmem_shared>>) target(%dma_start3A_245 : memref<1024x32xf32, #tpu.memory_space<vmem>>) offsets(%dma_start3A_248 : memref<1024xi32, #tpu.memory_space<vmem>>) semaphore(%dma_start3A_253 : memref<!tpu.dma_semaphore, #tpu.memory_space<semaphore_mem>>)
    %run_scoped3A_254 = arith.constant 0 : i32
    %run_scoped3A_255 = arith.constant 4 : i32
    "tpu.region"() ({
      %run_scoped3A_402 = tpu.sem_alloc : memref<!tpu.dma_semaphore, #tpu.memory_space<semaphore_mem>>
      %dma_start3A_403 = arith.constant 0 : i32
      %dma_start3A_404 = arith.constant 0 : i32
      %dma_start3A_405 = tpu.memref_slice %arg8[%run_scoped3A_254, %dma_start3A_403, %dma_start3A_404] : memref<2x1024x32xf32, #tpu.memory_space<vmem>> -> memref<1x1024x32xf32, #tpu.memory_space<vmem>>
      %dma_start3A_406 = tpu.memref_squeeze %dma_start3A_405 : memref<1x1024x32xf32, #tpu.memory_space<vmem>> -> memref<1024x32xf32, #tpu.memory_space<vmem>>
      %dma_start3A_407 = arith.constant 0 : i32
      %dma_start3A_408 = tpu.memref_slice %arg7[%run_scoped3A_255, %dma_start3A_407] : memref<10x1024xi32, #tpu.memory_space<vmem>> -> memref<1x1024xi32, #tpu.memory_space<vmem>>
      %dma_start3A_409 = tpu.memref_squeeze %dma_start3A_408 : memref<1x1024xi32, #tpu.memory_space<vmem>> -> memref<1024xi32, #tpu.memory_space<vmem>>
      %dma_start3A_410 = arith.constant 0 : i32
      %dma_start3A_411 = arith.constant 0 : i32
      %dma_start3A_412 = tpu.memref_slice %arg9[%dma_start3A_410, %dma_start3A_411] : memref<10112x32xf32, #tpu.memory_space<vmem_shared>> -> memref<10112x32xf32, #tpu.memory_space<vmem_shared>>
      tpu.enqueue_indirect_dma source(%dma_start3A_406 : memref<1024x32xf32, #tpu.memory_space<vmem>>) target(%dma_start3A_412 : memref<10112x32xf32, #tpu.memory_space<vmem_shared>>) offsets(%dma_start3A_409 : memref<1024xi32, #tpu.memory_space<vmem>>) semaphore(%run_scoped3A_402 : memref<!tpu.dma_semaphore, #tpu.memory_space<semaphore_mem>>) {add = true}
      %dma_wait3A_413 = arith.constant 0 : i32
      %dma_wait3A_414 = arith.constant 0 : i32
      %dma_wait3A_415 = tpu.memref_slice %arg8[%run_scoped3A_254, %dma_wait3A_413, %dma_wait3A_414] : memref<2x1024x32xf32, #tpu.memory_space<vmem>> -> memref<1x1024x32xf32, #tpu.memory_space<vmem>>
      %dma_wait3A_416 = tpu.memref_squeeze %dma_wait3A_415 : memref<1x1024x32xf32, #tpu.memory_space<vmem>> -> memref<1024x32xf32, #tpu.memory_space<vmem>>
      %dma_wait3A_417 = arith.constant 0 : i32
      %dma_wait3A_418 = tpu.memref_slice %arg7[%run_scoped3A_255, %dma_wait3A_417] : memref<10x1024xi32, #tpu.memory_space<vmem>> -> memref<1x1024xi32, #tpu.memory_space<vmem>>
      %dma_wait3A_419 = tpu.memref_squeeze %dma_wait3A_418 : memref<1x1024xi32, #tpu.memory_space<vmem>> -> memref<1024xi32, #tpu.memory_space<vmem>>
      %dma_wait3A_420 = arith.constant 0 : i32
      %dma_wait3A_421 = arith.constant 0 : i32
      %dma_wait3A_422 = tpu.memref_slice %arg9[%dma_wait3A_420, %dma_wait3A_421] : memref<10112x32xf32, #tpu.memory_space<vmem_shared>> -> memref<10112x32xf32, #tpu.memory_space<vmem_shared>>
      tpu.wait_indirect_dma semaphore(%run_scoped3A_402 : memref<!tpu.dma_semaphore, #tpu.memory_space<semaphore_mem>>) src(%dma_wait3A_416 : memref<1024x32xf32, #tpu.memory_space<vmem>>) dst(%dma_wait3A_422 : memref<10112x32xf32, #tpu.memory_space<vmem_shared>>)
      tpu.yield
    }) : () -> ()
    %dma_wait3A_256 = arith.constant 5 : i32
    %dma_wait3A_257 = arith.constant 1 : i32
    %dma_wait3A_258 = arith.constant 1 : i32
    %dma_wait3A_259 = arith.constant 0 : i32
    %dma_wait3A_260 = arith.constant 0 : i32
    %dma_wait3A_261 = tpu.memref_slice %arg8[%dma_wait3A_257, %dma_wait3A_259, %dma_wait3A_260] : memref<2x1024x32xf32, #tpu.memory_space<vmem>> -> memref<1x1024x32xf32, #tpu.memory_space<vmem>>
    %dma_wait3A_262 = tpu.memref_squeeze %dma_wait3A_261 : memref<1x1024x32xf32, #tpu.memory_space<vmem>> -> memref<1024x32xf32, #tpu.memory_space<vmem>>
    %dma_wait3A_263 = arith.constant 0 : i32
    %dma_wait3A_264 = tpu.memref_slice %arg6[%dma_wait3A_256, %dma_wait3A_263] : memref<10x1024xi32, #tpu.memory_space<vmem>> -> memref<1x1024xi32, #tpu.memory_space<vmem>>
    %dma_wait3A_265 = tpu.memref_squeeze %dma_wait3A_264 : memref<1x1024xi32, #tpu.memory_space<vmem>> -> memref<1024xi32, #tpu.memory_space<vmem>>
    %dma_wait3A_266 = arith.constant 0 : i32
    %dma_wait3A_267 = arith.constant 0 : i32
    %dma_wait3A_268 = tpu.memref_slice %arg10[%dma_wait3A_266, %dma_wait3A_267] : memref<10112x32xf32, #tpu.memory_space<vmem_shared>> -> memref<10112x32xf32, #tpu.memory_space<vmem_shared>>
    %dma_wait3A_269 = tpu.memref_slice %arg11[%dma_wait3A_258] : memref<3x!tpu.dma_semaphore, #tpu.memory_space<semaphore_mem>> -> memref<1x!tpu.dma_semaphore, #tpu.memory_space<semaphore_mem>>
    %dma_wait3A_270 = tpu.memref_squeeze %dma_wait3A_269 : memref<1x!tpu.dma_semaphore, #tpu.memory_space<semaphore_mem>> -> memref<!tpu.dma_semaphore, #tpu.memory_space<semaphore_mem>>
    tpu.wait_indirect_dma semaphore(%dma_wait3A_270 : memref<!tpu.dma_semaphore, #tpu.memory_space<semaphore_mem>>) src(%dma_wait3A_268 : memref<10112x32xf32, #tpu.memory_space<vmem_shared>>) dst(%dma_wait3A_262 : memref<1024x32xf32, #tpu.memory_space<vmem>>)
    %dma_start3A_271 = arith.constant 6 : i32
    %dma_start3A_272 = arith.constant 0 : i32
    %dma_start3A_273 = arith.constant 0 : i32
    %dma_start3A_274 = arith.constant 0 : i32
    %dma_start3A_275 = arith.constant 0 : i32
    %dma_start3A_276 = tpu.memref_slice %arg8[%dma_start3A_272, %dma_start3A_274, %dma_start3A_275] : memref<2x1024x32xf32, #tpu.memory_space<vmem>> -> memref<1x1024x32xf32, #tpu.memory_space<vmem>>
    %dma_start3A_277 = tpu.memref_squeeze %dma_start3A_276 : memref<1x1024x32xf32, #tpu.memory_space<vmem>> -> memref<1024x32xf32, #tpu.memory_space<vmem>>
    %dma_start3A_278 = arith.constant 0 : i32
    %dma_start3A_279 = tpu.memref_slice %arg6[%dma_start3A_271, %dma_start3A_278] : memref<10x1024xi32, #tpu.memory_space<vmem>> -> memref<1x1024xi32, #tpu.memory_space<vmem>>
    %dma_start3A_280 = tpu.memref_squeeze %dma_start3A_279 : memref<1x1024xi32, #tpu.memory_space<vmem>> -> memref<1024xi32, #tpu.memory_space<vmem>>
    %dma_start3A_281 = arith.constant 0 : i32
    %dma_start3A_282 = arith.constant 0 : i32
    %dma_start3A_283 = tpu.memref_slice %arg10[%dma_start3A_281, %dma_start3A_282] : memref<10112x32xf32, #tpu.memory_space<vmem_shared>> -> memref<10112x32xf32, #tpu.memory_space<vmem_shared>>
    %dma_start3A_284 = tpu.memref_slice %arg11[%dma_start3A_273] : memref<3x!tpu.dma_semaphore, #tpu.memory_space<semaphore_mem>> -> memref<1x!tpu.dma_semaphore, #tpu.memory_space<semaphore_mem>>
    %dma_start3A_285 = tpu.memref_squeeze %dma_start3A_284 : memref<1x!tpu.dma_semaphore, #tpu.memory_space<semaphore_mem>> -> memref<!tpu.dma_semaphore, #tpu.memory_space<semaphore_mem>>
    tpu.enqueue_indirect_dma source(%dma_start3A_283 : memref<10112x32xf32, #tpu.memory_space<vmem_shared>>) target(%dma_start3A_277 : memref<1024x32xf32, #tpu.memory_space<vmem>>) offsets(%dma_start3A_280 : memref<1024xi32, #tpu.memory_space<vmem>>) semaphore(%dma_start3A_285 : memref<!tpu.dma_semaphore, #tpu.memory_space<semaphore_mem>>)
    %run_scoped3A_286 = arith.constant 1 : i32
    %run_scoped3A_287 = arith.constant 5 : i32
    "tpu.region"() ({
      %run_scoped3A_402 = tpu.sem_alloc : memref<!tpu.dma_semaphore, #tpu.memory_space<semaphore_mem>>
      %dma_start3A_403 = arith.constant 0 : i32
      %dma_start3A_404 = arith.constant 0 : i32
      %dma_start3A_405 = tpu.memref_slice %arg8[%run_scoped3A_286, %dma_start3A_403, %dma_start3A_404] : memref<2x1024x32xf32, #tpu.memory_space<vmem>> -> memref<1x1024x32xf32, #tpu.memory_space<vmem>>
      %dma_start3A_406 = tpu.memref_squeeze %dma_start3A_405 : memref<1x1024x32xf32, #tpu.memory_space<vmem>> -> memref<1024x32xf32, #tpu.memory_space<vmem>>
      %dma_start3A_407 = arith.constant 0 : i32
      %dma_start3A_408 = tpu.memref_slice %arg7[%run_scoped3A_287, %dma_start3A_407] : memref<10x1024xi32, #tpu.memory_space<vmem>> -> memref<1x1024xi32, #tpu.memory_space<vmem>>
      %dma_start3A_409 = tpu.memref_squeeze %dma_start3A_408 : memref<1x1024xi32, #tpu.memory_space<vmem>> -> memref<1024xi32, #tpu.memory_space<vmem>>
      %dma_start3A_410 = arith.constant 0 : i32
      %dma_start3A_411 = arith.constant 0 : i32
      %dma_start3A_412 = tpu.memref_slice %arg9[%dma_start3A_410, %dma_start3A_411] : memref<10112x32xf32, #tpu.memory_space<vmem_shared>> -> memref<10112x32xf32, #tpu.memory_space<vmem_shared>>
      tpu.enqueue_indirect_dma source(%dma_start3A_406 : memref<1024x32xf32, #tpu.memory_space<vmem>>) target(%dma_start3A_412 : memref<10112x32xf32, #tpu.memory_space<vmem_shared>>) offsets(%dma_start3A_409 : memref<1024xi32, #tpu.memory_space<vmem>>) semaphore(%run_scoped3A_402 : memref<!tpu.dma_semaphore, #tpu.memory_space<semaphore_mem>>) {add = true}
      %dma_wait3A_413 = arith.constant 0 : i32
      %dma_wait3A_414 = arith.constant 0 : i32
      %dma_wait3A_415 = tpu.memref_slice %arg8[%run_scoped3A_286, %dma_wait3A_413, %dma_wait3A_414] : memref<2x1024x32xf32, #tpu.memory_space<vmem>> -> memref<1x1024x32xf32, #tpu.memory_space<vmem>>
      %dma_wait3A_416 = tpu.memref_squeeze %dma_wait3A_415 : memref<1x1024x32xf32, #tpu.memory_space<vmem>> -> memref<1024x32xf32, #tpu.memory_space<vmem>>
      %dma_wait3A_417 = arith.constant 0 : i32
      %dma_wait3A_418 = tpu.memref_slice %arg7[%run_scoped3A_287, %dma_wait3A_417] : memref<10x1024xi32, #tpu.memory_space<vmem>> -> memref<1x1024xi32, #tpu.memory_space<vmem>>
      %dma_wait3A_419 = tpu.memref_squeeze %dma_wait3A_418 : memref<1x1024xi32, #tpu.memory_space<vmem>> -> memref<1024xi32, #tpu.memory_space<vmem>>
      %dma_wait3A_420 = arith.constant 0 : i32
      %dma_wait3A_421 = arith.constant 0 : i32
      %dma_wait3A_422 = tpu.memref_slice %arg9[%dma_wait3A_420, %dma_wait3A_421] : memref<10112x32xf32, #tpu.memory_space<vmem_shared>> -> memref<10112x32xf32, #tpu.memory_space<vmem_shared>>
      tpu.wait_indirect_dma semaphore(%run_scoped3A_402 : memref<!tpu.dma_semaphore, #tpu.memory_space<semaphore_mem>>) src(%dma_wait3A_416 : memref<1024x32xf32, #tpu.memory_space<vmem>>) dst(%dma_wait3A_422 : memref<10112x32xf32, #tpu.memory_space<vmem_shared>>)
      tpu.yield
    }) : () -> ()
    %dma_wait3A_288 = arith.constant 6 : i32
    %dma_wait3A_289 = arith.constant 0 : i32
    %dma_wait3A_290 = arith.constant 0 : i32
    %dma_wait3A_291 = arith.constant 0 : i32
    %dma_wait3A_292 = arith.constant 0 : i32
    %dma_wait3A_293 = tpu.memref_slice %arg8[%dma_wait3A_289, %dma_wait3A_291, %dma_wait3A_292] : memref<2x1024x32xf32, #tpu.memory_space<vmem>> -> memref<1x1024x32xf32, #tpu.memory_space<vmem>>
    %dma_wait3A_294 = tpu.memref_squeeze %dma_wait3A_293 : memref<1x1024x32xf32, #tpu.memory_space<vmem>> -> memref<1024x32xf32, #tpu.memory_space<vmem>>
    %dma_wait3A_295 = arith.constant 0 : i32
    %dma_wait3A_296 = tpu.memref_slice %arg6[%dma_wait3A_288, %dma_wait3A_295] : memref<10x1024xi32, #tpu.memory_space<vmem>> -> memref<1x1024xi32, #tpu.memory_space<vmem>>
    %dma_wait3A_297 = tpu.memref_squeeze %dma_wait3A_296 : memref<1x1024xi32, #tpu.memory_space<vmem>> -> memref<1024xi32, #tpu.memory_space<vmem>>
    %dma_wait3A_298 = arith.constant 0 : i32
    %dma_wait3A_299 = arith.constant 0 : i32
    %dma_wait3A_300 = tpu.memref_slice %arg10[%dma_wait3A_298, %dma_wait3A_299] : memref<10112x32xf32, #tpu.memory_space<vmem_shared>> -> memref<10112x32xf32, #tpu.memory_space<vmem_shared>>
    %dma_wait3A_301 = tpu.memref_slice %arg11[%dma_wait3A_290] : memref<3x!tpu.dma_semaphore, #tpu.memory_space<semaphore_mem>> -> memref<1x!tpu.dma_semaphore, #tpu.memory_space<semaphore_mem>>
    %dma_wait3A_302 = tpu.memref_squeeze %dma_wait3A_301 : memref<1x!tpu.dma_semaphore, #tpu.memory_space<semaphore_mem>> -> memref<!tpu.dma_semaphore, #tpu.memory_space<semaphore_mem>>
    tpu.wait_indirect_dma semaphore(%dma_wait3A_302 : memref<!tpu.dma_semaphore, #tpu.memory_space<semaphore_mem>>) src(%dma_wait3A_300 : memref<10112x32xf32, #tpu.memory_space<vmem_shared>>) dst(%dma_wait3A_294 : memref<1024x32xf32, #tpu.memory_space<vmem>>)
    %dma_start3A_303 = arith.constant 7 : i32
    %dma_start3A_304 = arith.constant 1 : i32
    %dma_start3A_305 = arith.constant 1 : i32
    %dma_start3A_306 = arith.constant 0 : i32
    %dma_start3A_307 = arith.constant 0 : i32
    %dma_start3A_308 = tpu.memref_slice %arg8[%dma_start3A_304, %dma_start3A_306, %dma_start3A_307] : memref<2x1024x32xf32, #tpu.memory_space<vmem>> -> memref<1x1024x32xf32, #tpu.memory_space<vmem>>
    %dma_start3A_309 = tpu.memref_squeeze %dma_start3A_308 : memref<1x1024x32xf32, #tpu.memory_space<vmem>> -> memref<1024x32xf32, #tpu.memory_space<vmem>>
    %dma_start3A_310 = arith.constant 0 : i32
    %dma_start3A_311 = tpu.memref_slice %arg6[%dma_start3A_303, %dma_start3A_310] : memref<10x1024xi32, #tpu.memory_space<vmem>> -> memref<1x1024xi32, #tpu.memory_space<vmem>>
    %dma_start3A_312 = tpu.memref_squeeze %dma_start3A_311 : memref<1x1024xi32, #tpu.memory_space<vmem>> -> memref<1024xi32, #tpu.memory_space<vmem>>
    %dma_start3A_313 = arith.constant 0 : i32
    %dma_start3A_314 = arith.constant 0 : i32
    %dma_start3A_315 = tpu.memref_slice %arg10[%dma_start3A_313, %dma_start3A_314] : memref<10112x32xf32, #tpu.memory_space<vmem_shared>> -> memref<10112x32xf32, #tpu.memory_space<vmem_shared>>
    %dma_start3A_316 = tpu.memref_slice %arg11[%dma_start3A_305] : memref<3x!tpu.dma_semaphore, #tpu.memory_space<semaphore_mem>> -> memref<1x!tpu.dma_semaphore, #tpu.memory_space<semaphore_mem>>
    %dma_start3A_317 = tpu.memref_squeeze %dma_start3A_316 : memref<1x!tpu.dma_semaphore, #tpu.memory_space<semaphore_mem>> -> memref<!tpu.dma_semaphore, #tpu.memory_space<semaphore_mem>>
    tpu.enqueue_indirect_dma source(%dma_start3A_315 : memref<10112x32xf32, #tpu.memory_space<vmem_shared>>) target(%dma_start3A_309 : memref<1024x32xf32, #tpu.memory_space<vmem>>) offsets(%dma_start3A_312 : memref<1024xi32, #tpu.memory_space<vmem>>) semaphore(%dma_start3A_317 : memref<!tpu.dma_semaphore, #tpu.memory_space<semaphore_mem>>)
    %run_scoped3A_318 = arith.constant 0 : i32
    %run_scoped3A_319 = arith.constant 6 : i32
    "tpu.region"() ({
      %run_scoped3A_402 = tpu.sem_alloc : memref<!tpu.dma_semaphore, #tpu.memory_space<semaphore_mem>>
      %dma_start3A_403 = arith.constant 0 : i32
      %dma_start3A_404 = arith.constant 0 : i32
      %dma_start3A_405 = tpu.memref_slice %arg8[%run_scoped3A_318, %dma_start3A_403, %dma_start3A_404] : memref<2x1024x32xf32, #tpu.memory_space<vmem>> -> memref<1x1024x32xf32, #tpu.memory_space<vmem>>
      %dma_start3A_406 = tpu.memref_squeeze %dma_start3A_405 : memref<1x1024x32xf32, #tpu.memory_space<vmem>> -> memref<1024x32xf32, #tpu.memory_space<vmem>>
      %dma_start3A_407 = arith.constant 0 : i32
      %dma_start3A_408 = tpu.memref_slice %arg7[%run_scoped3A_319, %dma_start3A_407] : memref<10x1024xi32, #tpu.memory_space<vmem>> -> memref<1x1024xi32, #tpu.memory_space<vmem>>
      %dma_start3A_409 = tpu.memref_squeeze %dma_start3A_408 : memref<1x1024xi32, #tpu.memory_space<vmem>> -> memref<1024xi32, #tpu.memory_space<vmem>>
      %dma_start3A_410 = arith.constant 0 : i32
      %dma_start3A_411 = arith.constant 0 : i32
      %dma_start3A_412 = tpu.memref_slice %arg9[%dma_start3A_410, %dma_start3A_411] : memref<10112x32xf32, #tpu.memory_space<vmem_shared>> -> memref<10112x32xf32, #tpu.memory_space<vmem_shared>>
      tpu.enqueue_indirect_dma source(%dma_start3A_406 : memref<1024x32xf32, #tpu.memory_space<vmem>>) target(%dma_start3A_412 : memref<10112x32xf32, #tpu.memory_space<vmem_shared>>) offsets(%dma_start3A_409 : memref<1024xi32, #tpu.memory_space<vmem>>) semaphore(%run_scoped3A_402 : memref<!tpu.dma_semaphore, #tpu.memory_space<semaphore_mem>>) {add = true}
      %dma_wait3A_413 = arith.constant 0 : i32
      %dma_wait3A_414 = arith.constant 0 : i32
      %dma_wait3A_415 = tpu.memref_slice %arg8[%run_scoped3A_318, %dma_wait3A_413, %dma_wait3A_414] : memref<2x1024x32xf32, #tpu.memory_space<vmem>> -> memref<1x1024x32xf32, #tpu.memory_space<vmem>>
      %dma_wait3A_416 = tpu.memref_squeeze %dma_wait3A_415 : memref<1x1024x32xf32, #tpu.memory_space<vmem>> -> memref<1024x32xf32, #tpu.memory_space<vmem>>
      %dma_wait3A_417 = arith.constant 0 : i32
      %dma_wait3A_418 = tpu.memref_slice %arg7[%run_scoped3A_319, %dma_wait3A_417] : memref<10x1024xi32, #tpu.memory_space<vmem>> -> memref<1x1024xi32, #tpu.memory_space<vmem>>
      %dma_wait3A_419 = tpu.memref_squeeze %dma_wait3A_418 : memref<1x1024xi32, #tpu.memory_space<vmem>> -> memref<1024xi32, #tpu.memory_space<vmem>>
      %dma_wait3A_420 = arith.constant 0 : i32
      %dma_wait3A_421 = arith.constant 0 : i32
      %dma_wait3A_422 = tpu.memref_slice %arg9[%dma_wait3A_420, %dma_wait3A_421] : memref<10112x32xf32, #tpu.memory_space<vmem_shared>> -> memref<10112x32xf32, #tpu.memory_space<vmem_shared>>
      tpu.wait_indirect_dma semaphore(%run_scoped3A_402 : memref<!tpu.dma_semaphore, #tpu.memory_space<semaphore_mem>>) src(%dma_wait3A_416 : memref<1024x32xf32, #tpu.memory_space<vmem>>) dst(%dma_wait3A_422 : memref<10112x32xf32, #tpu.memory_space<vmem_shared>>)
      tpu.yield
    }) : () -> ()
    %dma_wait3A_320 = arith.constant 7 : i32
    %dma_wait3A_321 = arith.constant 1 : i32
    %dma_wait3A_322 = arith.constant 1 : i32
    %dma_wait3A_323 = arith.constant 0 : i32
    %dma_wait3A_324 = arith.constant 0 : i32
    %dma_wait3A_325 = tpu.memref_slice %arg8[%dma_wait3A_321, %dma_wait3A_323, %dma_wait3A_324] : memref<2x1024x32xf32, #tpu.memory_space<vmem>> -> memref<1x1024x32xf32, #tpu.memory_space<vmem>>
    %dma_wait3A_326 = tpu.memref_squeeze %dma_wait3A_325 : memref<1x1024x32xf32, #tpu.memory_space<vmem>> -> memref<1024x32xf32, #tpu.memory_space<vmem>>
    %dma_wait3A_327 = arith.constant 0 : i32
    %dma_wait3A_328 = tpu.memref_slice %arg6[%dma_wait3A_320, %dma_wait3A_327] : memref<10x1024xi32, #tpu.memory_space<vmem>> -> memref<1x1024xi32, #tpu.memory_space<vmem>>
    %dma_wait3A_329 = tpu.memref_squeeze %dma_wait3A_328 : memref<1x1024xi32, #tpu.memory_space<vmem>> -> memref<1024xi32, #tpu.memory_space<vmem>>
    %dma_wait3A_330 = arith.constant 0 : i32
    %dma_wait3A_331 = arith.constant 0 : i32
    %dma_wait3A_332 = tpu.memref_slice %arg10[%dma_wait3A_330, %dma_wait3A_331] : memref<10112x32xf32, #tpu.memory_space<vmem_shared>> -> memref<10112x32xf32, #tpu.memory_space<vmem_shared>>
    %dma_wait3A_333 = tpu.memref_slice %arg11[%dma_wait3A_322] : memref<3x!tpu.dma_semaphore, #tpu.memory_space<semaphore_mem>> -> memref<1x!tpu.dma_semaphore, #tpu.memory_space<semaphore_mem>>
    %dma_wait3A_334 = tpu.memref_squeeze %dma_wait3A_333 : memref<1x!tpu.dma_semaphore, #tpu.memory_space<semaphore_mem>> -> memref<!tpu.dma_semaphore, #tpu.memory_space<semaphore_mem>>
    tpu.wait_indirect_dma semaphore(%dma_wait3A_334 : memref<!tpu.dma_semaphore, #tpu.memory_space<semaphore_mem>>) src(%dma_wait3A_332 : memref<10112x32xf32, #tpu.memory_space<vmem_shared>>) dst(%dma_wait3A_326 : memref<1024x32xf32, #tpu.memory_space<vmem>>)
    %dma_start3A_335 = arith.constant 8 : i32
    %dma_start3A_336 = arith.constant 0 : i32
    %dma_start3A_337 = arith.constant 0 : i32
    %dma_start3A_338 = arith.constant 0 : i32
    %dma_start3A_339 = arith.constant 0 : i32
    %dma_start3A_340 = tpu.memref_slice %arg8[%dma_start3A_336, %dma_start3A_338, %dma_start3A_339] : memref<2x1024x32xf32, #tpu.memory_space<vmem>> -> memref<1x1024x32xf32, #tpu.memory_space<vmem>>
    %dma_start3A_341 = tpu.memref_squeeze %dma_start3A_340 : memref<1x1024x32xf32, #tpu.memory_space<vmem>> -> memref<1024x32xf32, #tpu.memory_space<vmem>>
    %dma_start3A_342 = arith.constant 0 : i32
    %dma_start3A_343 = tpu.memref_slice %arg6[%dma_start3A_335, %dma_start3A_342] : memref<10x1024xi32, #tpu.memory_space<vmem>> -> memref<1x1024xi32, #tpu.memory_space<vmem>>
    %dma_start3A_344 = tpu.memref_squeeze %dma_start3A_343 : memref<1x1024xi32, #tpu.memory_space<vmem>> -> memref<1024xi32, #tpu.memory_space<vmem>>
    %dma_start3A_345 = arith.constant 0 : i32
    %dma_start3A_346 = arith.constant 0 : i32
    %dma_start3A_347 = tpu.memref_slice %arg10[%dma_start3A_345, %dma_start3A_346] : memref<10112x32xf32, #tpu.memory_space<vmem_shared>> -> memref<10112x32xf32, #tpu.memory_space<vmem_shared>>
    %dma_start3A_348 = tpu.memref_slice %arg11[%dma_start3A_337] : memref<3x!tpu.dma_semaphore, #tpu.memory_space<semaphore_mem>> -> memref<1x!tpu.dma_semaphore, #tpu.memory_space<semaphore_mem>>
    %dma_start3A_349 = tpu.memref_squeeze %dma_start3A_348 : memref<1x!tpu.dma_semaphore, #tpu.memory_space<semaphore_mem>> -> memref<!tpu.dma_semaphore, #tpu.memory_space<semaphore_mem>>
    tpu.enqueue_indirect_dma source(%dma_start3A_347 : memref<10112x32xf32, #tpu.memory_space<vmem_shared>>) target(%dma_start3A_341 : memref<1024x32xf32, #tpu.memory_space<vmem>>) offsets(%dma_start3A_344 : memref<1024xi32, #tpu.memory_space<vmem>>) semaphore(%dma_start3A_349 : memref<!tpu.dma_semaphore, #tpu.memory_space<semaphore_mem>>)
    %run_scoped3A_350 = arith.constant 1 : i32
    %run_scoped3A_351 = arith.constant 7 : i32
    "tpu.region"() ({
      %run_scoped3A_402 = tpu.sem_alloc : memref<!tpu.dma_semaphore, #tpu.memory_space<semaphore_mem>>
      %dma_start3A_403 = arith.constant 0 : i32
      %dma_start3A_404 = arith.constant 0 : i32
      %dma_start3A_405 = tpu.memref_slice %arg8[%run_scoped3A_350, %dma_start3A_403, %dma_start3A_404] : memref<2x1024x32xf32, #tpu.memory_space<vmem>> -> memref<1x1024x32xf32, #tpu.memory_space<vmem>>
      %dma_start3A_406 = tpu.memref_squeeze %dma_start3A_405 : memref<1x1024x32xf32, #tpu.memory_space<vmem>> -> memref<1024x32xf32, #tpu.memory_space<vmem>>
      %dma_start3A_407 = arith.constant 0 : i32
      %dma_start3A_408 = tpu.memref_slice %arg7[%run_scoped3A_351, %dma_start3A_407] : memref<10x1024xi32, #tpu.memory_space<vmem>> -> memref<1x1024xi32, #tpu.memory_space<vmem>>
      %dma_start3A_409 = tpu.memref_squeeze %dma_start3A_408 : memref<1x1024xi32, #tpu.memory_space<vmem>> -> memref<1024xi32, #tpu.memory_space<vmem>>
      %dma_start3A_410 = arith.constant 0 : i32
      %dma_start3A_411 = arith.constant 0 : i32
      %dma_start3A_412 = tpu.memref_slice %arg9[%dma_start3A_410, %dma_start3A_411] : memref<10112x32xf32, #tpu.memory_space<vmem_shared>> -> memref<10112x32xf32, #tpu.memory_space<vmem_shared>>
      tpu.enqueue_indirect_dma source(%dma_start3A_406 : memref<1024x32xf32, #tpu.memory_space<vmem>>) target(%dma_start3A_412 : memref<10112x32xf32, #tpu.memory_space<vmem_shared>>) offsets(%dma_start3A_409 : memref<1024xi32, #tpu.memory_space<vmem>>) semaphore(%run_scoped3A_402 : memref<!tpu.dma_semaphore, #tpu.memory_space<semaphore_mem>>) {add = true}
      %dma_wait3A_413 = arith.constant 0 : i32
      %dma_wait3A_414 = arith.constant 0 : i32
      %dma_wait3A_415 = tpu.memref_slice %arg8[%run_scoped3A_350, %dma_wait3A_413, %dma_wait3A_414] : memref<2x1024x32xf32, #tpu.memory_space<vmem>> -> memref<1x1024x32xf32, #tpu.memory_space<vmem>>
      %dma_wait3A_416 = tpu.memref_squeeze %dma_wait3A_415 : memref<1x1024x32xf32, #tpu.memory_space<vmem>> -> memref<1024x32xf32, #tpu.memory_space<vmem>>
      %dma_wait3A_417 = arith.constant 0 : i32
      %dma_wait3A_418 = tpu.memref_slice %arg7[%run_scoped3A_351, %dma_wait3A_417] : memref<10x1024xi32, #tpu.memory_space<vmem>> -> memref<1x1024xi32, #tpu.memory_space<vmem>>
      %dma_wait3A_419 = tpu.memref_squeeze %dma_wait3A_418 : memref<1x1024xi32, #tpu.memory_space<vmem>> -> memref<1024xi32, #tpu.memory_space<vmem>>
      %dma_wait3A_420 = arith.constant 0 : i32
      %dma_wait3A_421 = arith.constant 0 : i32
      %dma_wait3A_422 = tpu.memref_slice %arg9[%dma_wait3A_420, %dma_wait3A_421] : memref<10112x32xf32, #tpu.memory_space<vmem_shared>> -> memref<10112x32xf32, #tpu.memory_space<vmem_shared>>
      tpu.wait_indirect_dma semaphore(%run_scoped3A_402 : memref<!tpu.dma_semaphore, #tpu.memory_space<semaphore_mem>>) src(%dma_wait3A_416 : memref<1024x32xf32, #tpu.memory_space<vmem>>) dst(%dma_wait3A_422 : memref<10112x32xf32, #tpu.memory_space<vmem_shared>>)
      tpu.yield
    }) : () -> ()
    %dma_wait3A_352 = arith.constant 8 : i32
    %dma_wait3A_353 = arith.constant 0 : i32
    %dma_wait3A_354 = arith.constant 0 : i32
    %dma_wait3A_355 = arith.constant 0 : i32
    %dma_wait3A_356 = arith.constant 0 : i32
    %dma_wait3A_357 = tpu.memref_slice %arg8[%dma_wait3A_353, %dma_wait3A_355, %dma_wait3A_356] : memref<2x1024x32xf32, #tpu.memory_space<vmem>> -> memref<1x1024x32xf32, #tpu.memory_space<vmem>>
    %dma_wait3A_358 = tpu.memref_squeeze %dma_wait3A_357 : memref<1x1024x32xf32, #tpu.memory_space<vmem>> -> memref<1024x32xf32, #tpu.memory_space<vmem>>
    %dma_wait3A_359 = arith.constant 0 : i32
    %dma_wait3A_360 = tpu.memref_slice %arg6[%dma_wait3A_352, %dma_wait3A_359] : memref<10x1024xi32, #tpu.memory_space<vmem>> -> memref<1x1024xi32, #tpu.memory_space<vmem>>
    %dma_wait3A_361 = tpu.memref_squeeze %dma_wait3A_360 : memref<1x1024xi32, #tpu.memory_space<vmem>> -> memref<1024xi32, #tpu.memory_space<vmem>>
    %dma_wait3A_362 = arith.constant 0 : i32
    %dma_wait3A_363 = arith.constant 0 : i32
    %dma_wait3A_364 = tpu.memref_slice %arg10[%dma_wait3A_362, %dma_wait3A_363] : memref<10112x32xf32, #tpu.memory_space<vmem_shared>> -> memref<10112x32xf32, #tpu.memory_space<vmem_shared>>
    %dma_wait3A_365 = tpu.memref_slice %arg11[%dma_wait3A_354] : memref<3x!tpu.dma_semaphore, #tpu.memory_space<semaphore_mem>> -> memref<1x!tpu.dma_semaphore, #tpu.memory_space<semaphore_mem>>
    %dma_wait3A_366 = tpu.memref_squeeze %dma_wait3A_365 : memref<1x!tpu.dma_semaphore, #tpu.memory_space<semaphore_mem>> -> memref<!tpu.dma_semaphore, #tpu.memory_space<semaphore_mem>>
    tpu.wait_indirect_dma semaphore(%dma_wait3A_366 : memref<!tpu.dma_semaphore, #tpu.memory_space<semaphore_mem>>) src(%dma_wait3A_364 : memref<10112x32xf32, #tpu.memory_space<vmem_shared>>) dst(%dma_wait3A_358 : memref<1024x32xf32, #tpu.memory_space<vmem>>)
    %dma_start3A_367 = arith.constant 9 : i32
    %dma_start3A_368 = arith.constant 1 : i32
    %dma_start3A_369 = arith.constant 1 : i32
    %dma_start3A_370 = arith.constant 0 : i32
    %dma_start3A_371 = arith.constant 0 : i32
    %dma_start3A_372 = tpu.memref_slice %arg8[%dma_start3A_368, %dma_start3A_370, %dma_start3A_371] : memref<2x1024x32xf32, #tpu.memory_space<vmem>> -> memref<1x1024x32xf32, #tpu.memory_space<vmem>>
    %dma_start3A_373 = tpu.memref_squeeze %dma_start3A_372 : memref<1x1024x32xf32, #tpu.memory_space<vmem>> -> memref<1024x32xf32, #tpu.memory_space<vmem>>
    %dma_start3A_374 = arith.constant 0 : i32
    %dma_start3A_375 = tpu.memref_slice %arg6[%dma_start3A_367, %dma_start3A_374] : memref<10x1024xi32, #tpu.memory_space<vmem>> -> memref<1x1024xi32, #tpu.memory_space<vmem>>
    %dma_start3A_376 = tpu.memref_squeeze %dma_start3A_375 : memref<1x1024xi32, #tpu.memory_space<vmem>> -> memref<1024xi32, #tpu.memory_space<vmem>>
    %dma_start3A_377 = arith.constant 0 : i32
    %dma_start3A_378 = arith.constant 0 : i32
    %dma_start3A_379 = tpu.memref_slice %arg10[%dma_start3A_377, %dma_start3A_378] : memref<10112x32xf32, #tpu.memory_space<vmem_shared>> -> memref<10112x32xf32, #tpu.memory_space<vmem_shared>>
    %dma_start3A_380 = tpu.memref_slice %arg11[%dma_start3A_369] : memref<3x!tpu.dma_semaphore, #tpu.memory_space<semaphore_mem>> -> memref<1x!tpu.dma_semaphore, #tpu.memory_space<semaphore_mem>>
    %dma_start3A_381 = tpu.memref_squeeze %dma_start3A_380 : memref<1x!tpu.dma_semaphore, #tpu.memory_space<semaphore_mem>> -> memref<!tpu.dma_semaphore, #tpu.memory_space<semaphore_mem>>
    tpu.enqueue_indirect_dma source(%dma_start3A_379 : memref<10112x32xf32, #tpu.memory_space<vmem_shared>>) target(%dma_start3A_373 : memref<1024x32xf32, #tpu.memory_space<vmem>>) offsets(%dma_start3A_376 : memref<1024xi32, #tpu.memory_space<vmem>>) semaphore(%dma_start3A_381 : memref<!tpu.dma_semaphore, #tpu.memory_space<semaphore_mem>>)
    %run_scoped3A_382 = arith.constant 0 : i32
    %run_scoped3A_383 = arith.constant 8 : i32
    "tpu.region"() ({
      %run_scoped3A_402 = tpu.sem_alloc : memref<!tpu.dma_semaphore, #tpu.memory_space<semaphore_mem>>
      %dma_start3A_403 = arith.constant 0 : i32
      %dma_start3A_404 = arith.constant 0 : i32
      %dma_start3A_405 = tpu.memref_slice %arg8[%run_scoped3A_382, %dma_start3A_403, %dma_start3A_404] : memref<2x1024x32xf32, #tpu.memory_space<vmem>> -> memref<1x1024x32xf32, #tpu.memory_space<vmem>>
      %dma_start3A_406 = tpu.memref_squeeze %dma_start3A_405 : memref<1x1024x32xf32, #tpu.memory_space<vmem>> -> memref<1024x32xf32, #tpu.memory_space<vmem>>
      %dma_start3A_407 = arith.constant 0 : i32
      %dma_start3A_408 = tpu.memref_slice %arg7[%run_scoped3A_383, %dma_start3A_407] : memref<10x1024xi32, #tpu.memory_space<vmem>> -> memref<1x1024xi32, #tpu.memory_space<vmem>>
      %dma_start3A_409 = tpu.memref_squeeze %dma_start3A_408 : memref<1x1024xi32, #tpu.memory_space<vmem>> -> memref<1024xi32, #tpu.memory_space<vmem>>
      %dma_start3A_410 = arith.constant 0 : i32
      %dma_start3A_411 = arith.constant 0 : i32
      %dma_start3A_412 = tpu.memref_slice %arg9[%dma_start3A_410, %dma_start3A_411] : memref<10112x32xf32, #tpu.memory_space<vmem_shared>> -> memref<10112x32xf32, #tpu.memory_space<vmem_shared>>
      tpu.enqueue_indirect_dma source(%dma_start3A_406 : memref<1024x32xf32, #tpu.memory_space<vmem>>) target(%dma_start3A_412 : memref<10112x32xf32, #tpu.memory_space<vmem_shared>>) offsets(%dma_start3A_409 : memref<1024xi32, #tpu.memory_space<vmem>>) semaphore(%run_scoped3A_402 : memref<!tpu.dma_semaphore, #tpu.memory_space<semaphore_mem>>) {add = true}
      %dma_wait3A_413 = arith.constant 0 : i32
      %dma_wait3A_414 = arith.constant 0 : i32
      %dma_wait3A_415 = tpu.memref_slice %arg8[%run_scoped3A_382, %dma_wait3A_413, %dma_wait3A_414] : memref<2x1024x32xf32, #tpu.memory_space<vmem>> -> memref<1x1024x32xf32, #tpu.memory_space<vmem>>
      %dma_wait3A_416 = tpu.memref_squeeze %dma_wait3A_415 : memref<1x1024x32xf32, #tpu.memory_space<vmem>> -> memref<1024x32xf32, #tpu.memory_space<vmem>>
      %dma_wait3A_417 = arith.constant 0 : i32
      %dma_wait3A_418 = tpu.memref_slice %arg7[%run_scoped3A_383, %dma_wait3A_417] : memref<10x1024xi32, #tpu.memory_space<vmem>> -> memref<1x1024xi32, #tpu.memory_space<vmem>>
      %dma_wait3A_419 = tpu.memref_squeeze %dma_wait3A_418 : memref<1x1024xi32, #tpu.memory_space<vmem>> -> memref<1024xi32, #tpu.memory_space<vmem>>
      %dma_wait3A_420 = arith.constant 0 : i32
      %dma_wait3A_421 = arith.constant 0 : i32
      %dma_wait3A_422 = tpu.memref_slice %arg9[%dma_wait3A_420, %dma_wait3A_421] : memref<10112x32xf32, #tpu.memory_space<vmem_shared>> -> memref<10112x32xf32, #tpu.memory_space<vmem_shared>>
      tpu.wait_indirect_dma semaphore(%run_scoped3A_402 : memref<!tpu.dma_semaphore, #tpu.memory_space<semaphore_mem>>) src(%dma_wait3A_416 : memref<1024x32xf32, #tpu.memory_space<vmem>>) dst(%dma_wait3A_422 : memref<10112x32xf32, #tpu.memory_space<vmem_shared>>)
      tpu.yield
    }) : () -> ()
    %dma_wait3A_384 = arith.constant 9 : i32
    %dma_wait3A_385 = arith.constant 1 : i32
    %dma_wait3A_386 = arith.constant 1 : i32
    %dma_wait3A_387 = arith.constant 0 : i32
    %dma_wait3A_388 = arith.constant 0 : i32
    %dma_wait3A_389 = tpu.memref_slice %arg8[%dma_wait3A_385, %dma_wait3A_387, %dma_wait3A_388] : memref<2x1024x32xf32, #tpu.memory_space<vmem>> -> memref<1x1024x32xf32, #tpu.memory_space<vmem>>
    %dma_wait3A_390 = tpu.memref_squeeze %dma_wait3A_389 : memref<1x1024x32xf32, #tpu.memory_space<vmem>> -> memref<1024x32xf32, #tpu.memory_space<vmem>>
    %dma_wait3A_391 = arith.constant 0 : i32
    %dma_wait3A_392 = tpu.memref_slice %arg6[%dma_wait3A_384, %dma_wait3A_391] : memref<10x1024xi32, #tpu.memory_space<vmem>> -> memref<1x1024xi32, #tpu.memory_space<vmem>>
    %dma_wait3A_393 = tpu.memref_squeeze %dma_wait3A_392 : memref<1x1024xi32, #tpu.memory_space<vmem>> -> memref<1024xi32, #tpu.memory_space<vmem>>
    %dma_wait3A_394 = arith.constant 0 : i32
    %dma_wait3A_395 = arith.constant 0 : i32
    %dma_wait3A_396 = tpu.memref_slice %arg10[%dma_wait3A_394, %dma_wait3A_395] : memref<10112x32xf32, #tpu.memory_space<vmem_shared>> -> memref<10112x32xf32, #tpu.memory_space<vmem_shared>>
    %dma_wait3A_397 = tpu.memref_slice %arg11[%dma_wait3A_386] : memref<3x!tpu.dma_semaphore, #tpu.memory_space<semaphore_mem>> -> memref<1x!tpu.dma_semaphore, #tpu.memory_space<semaphore_mem>>
    %dma_wait3A_398 = tpu.memref_squeeze %dma_wait3A_397 : memref<1x!tpu.dma_semaphore, #tpu.memory_space<semaphore_mem>> -> memref<!tpu.dma_semaphore, #tpu.memory_space<semaphore_mem>>
    tpu.wait_indirect_dma semaphore(%dma_wait3A_398 : memref<!tpu.dma_semaphore, #tpu.memory_space<semaphore_mem>>) src(%dma_wait3A_396 : memref<10112x32xf32, #tpu.memory_space<vmem_shared>>) dst(%dma_wait3A_390 : memref<1024x32xf32, #tpu.memory_space<vmem>>)
    %run_scoped3A_399 = arith.constant 1 : i32
    %run_scoped3A_400 = arith.constant 9 : i32
    "tpu.region"() ({
      %run_scoped3A_402 = tpu.sem_alloc : memref<!tpu.dma_semaphore, #tpu.memory_space<semaphore_mem>>
      %dma_start3A_403 = arith.constant 0 : i32
      %dma_start3A_404 = arith.constant 0 : i32
      %dma_start3A_405 = tpu.memref_slice %arg8[%run_scoped3A_399, %dma_start3A_403, %dma_start3A_404] : memref<2x1024x32xf32, #tpu.memory_space<vmem>> -> memref<1x1024x32xf32, #tpu.memory_space<vmem>>
      %dma_start3A_406 = tpu.memref_squeeze %dma_start3A_405 : memref<1x1024x32xf32, #tpu.memory_space<vmem>> -> memref<1024x32xf32, #tpu.memory_space<vmem>>
      %dma_start3A_407 = arith.constant 0 : i32
      %dma_start3A_408 = tpu.memref_slice %arg7[%run_scoped3A_400, %dma_start3A_407] : memref<10x1024xi32, #tpu.memory_space<vmem>> -> memref<1x1024xi32, #tpu.memory_space<vmem>>
      %dma_start3A_409 = tpu.memref_squeeze %dma_start3A_408 : memref<1x1024xi32, #tpu.memory_space<vmem>> -> memref<1024xi32, #tpu.memory_space<vmem>>
      %dma_start3A_410 = arith.constant 0 : i32
      %dma_start3A_411 = arith.constant 0 : i32
      %dma_start3A_412 = tpu.memref_slice %arg9[%dma_start3A_410, %dma_start3A_411] : memref<10112x32xf32, #tpu.memory_space<vmem_shared>> -> memref<10112x32xf32, #tpu.memory_space<vmem_shared>>
      tpu.enqueue_indirect_dma source(%dma_start3A_406 : memref<1024x32xf32, #tpu.memory_space<vmem>>) target(%dma_start3A_412 : memref<10112x32xf32, #tpu.memory_space<vmem_shared>>) offsets(%dma_start3A_409 : memref<1024xi32, #tpu.memory_space<vmem>>) semaphore(%run_scoped3A_402 : memref<!tpu.dma_semaphore, #tpu.memory_space<semaphore_mem>>) {add = true}
      %dma_wait3A_413 = arith.constant 0 : i32
      %dma_wait3A_414 = arith.constant 0 : i32
      %dma_wait3A_415 = tpu.memref_slice %arg8[%run_scoped3A_399, %dma_wait3A_413, %dma_wait3A_414] : memref<2x1024x32xf32, #tpu.memory_space<vmem>> -> memref<1x1024x32xf32, #tpu.memory_space<vmem>>
      %dma_wait3A_416 = tpu.memref_squeeze %dma_wait3A_415 : memref<1x1024x32xf32, #tpu.memory_space<vmem>> -> memref<1024x32xf32, #tpu.memory_space<vmem>>
      %dma_wait3A_417 = arith.constant 0 : i32
      %dma_wait3A_418 = tpu.memref_slice %arg7[%run_scoped3A_400, %dma_wait3A_417] : memref<10x1024xi32, #tpu.memory_space<vmem>> -> memref<1x1024xi32, #tpu.memory_space<vmem>>
      %dma_wait3A_419 = tpu.memref_squeeze %dma_wait3A_418 : memref<1x1024xi32, #tpu.memory_space<vmem>> -> memref<1024xi32, #tpu.memory_space<vmem>>
      %dma_wait3A_420 = arith.constant 0 : i32
      %dma_wait3A_421 = arith.constant 0 : i32
      %dma_wait3A_422 = tpu.memref_slice %arg9[%dma_wait3A_420, %dma_wait3A_421] : memref<10112x32xf32, #tpu.memory_space<vmem_shared>> -> memref<10112x32xf32, #tpu.memory_space<vmem_shared>>
      tpu.wait_indirect_dma semaphore(%run_scoped3A_402 : memref<!tpu.dma_semaphore, #tpu.memory_space<semaphore_mem>>) src(%dma_wait3A_416 : memref<1024x32xf32, #tpu.memory_space<vmem>>) dst(%dma_wait3A_422 : memref<10112x32xf32, #tpu.memory_space<vmem_shared>>)
      tpu.yield
    }) : () -> ()
    %barrier3A_401 = arith.constant 0 : index
    tpu.barrier barrier_id(%barrier3A_401)
    "tpu.region"() ({
      %run_scoped3A_402 = tpu.sem_alloc : memref<!tpu.dma_semaphore, #tpu.memory_space<semaphore_mem>>
      %dma_start3A_403 = arith.constant 0 : i32
      %dma_start3A_404 = arith.constant 0 : i32
      %dma_start3A_405 = tpu.memref_slice %arg5[%arg0, %dma_start3A_403, %dma_start3A_404] : memref<2x10112x32xf32, #tpu.memory_space<hbm>> -> memref<1x10112x32xf32, #tpu.memory_space<hbm>>
      %dma_start3A_406 = tpu.memref_squeeze %dma_start3A_405 : memref<1x10112x32xf32, #tpu.memory_space<hbm>> -> memref<10112x32xf32, #tpu.memory_space<hbm>>
      %dma_start3A_407 = arith.constant 0 : i32
      %dma_start3A_408 = tpu.memref_slice %dma_start3A_406[%mul3A_0, %dma_start3A_407] : memref<10112x32xf32, #tpu.memory_space<hbm>> -> memref<632x32xf32, #tpu.memory_space<hbm>>
      %dma_start3A_409 = arith.constant 0 : i32
      %dma_start3A_410 = tpu.memref_slice %arg9[%mul3A_0, %dma_start3A_409] : memref<10112x32xf32, #tpu.memory_space<vmem_shared>> -> memref<632x32xf32, #tpu.memory_space<vmem_shared>>
      tpu.enqueue_dma source(%dma_start3A_410 : memref<632x32xf32, #tpu.memory_space<vmem_shared>>) target(%dma_start3A_408 : memref<632x32xf32, #tpu.memory_space<hbm>>) target_semaphore(%run_scoped3A_402 : memref<!tpu.dma_semaphore, #tpu.memory_space<semaphore_mem>>)
      %dma_wait3A_411 = arith.constant 0 : i32
      %dma_wait3A_412 = arith.constant 0 : i32
      %dma_wait3A_413 = tpu.memref_slice %arg5[%arg0, %dma_wait3A_411, %dma_wait3A_412] : memref<2x10112x32xf32, #tpu.memory_space<hbm>> -> memref<1x10112x32xf32, #tpu.memory_space<hbm>>
      %dma_wait3A_414 = tpu.memref_squeeze %dma_wait3A_413 : memref<1x10112x32xf32, #tpu.memory_space<hbm>> -> memref<10112x32xf32, #tpu.memory_space<hbm>>
      %dma_wait3A_415 = arith.constant 0 : i32
      %dma_wait3A_416 = tpu.memref_slice %dma_wait3A_414[%mul3A_0, %dma_wait3A_415] : memref<10112x32xf32, #tpu.memory_space<hbm>> -> memref<632x32xf32, #tpu.memory_space<hbm>>
      %dma_wait3A_417 = arith.constant 0 : i32
      %dma_wait3A_418 = tpu.memref_slice %arg9[%mul3A_0, %dma_wait3A_417] : memref<10112x32xf32, #tpu.memory_space<vmem_shared>> -> memref<632x32xf32, #tpu.memory_space<vmem_shared>>
      tpu.wait_dma2 semaphore(%run_scoped3A_402 : memref<!tpu.dma_semaphore, #tpu.memory_space<semaphore_mem>>) src(%dma_wait3A_418 : memref<632x32xf32, #tpu.memory_space<vmem_shared>>) dst(%dma_wait3A_416 : memref<632x32xf32, #tpu.memory_space<hbm>>)
      tpu.yield
    }) : () -> ()
    return
  }
}

module attributes {stable_mosaic.version = 14 : i64} {
  func.func @_mm_body(%arg0: memref<10112x128xf32, #tpu.memory_space<vmem>>, %arg1: memref<128x32xf32, #tpu.memory_space<vmem>>, %arg2: memref<10112x32xf32, #tpu.memory_space<vmem>>) attributes {dimension_semantics = [], scalar_prefetch = 0 : i64, scratch_operands = 0 : i64, tpu.core_type = #tpu.core_type<tc>} {
    %get3A = arith.constant 0 : index
    %get3A_0 = arith.constant 0 : index
    %get3A_1 = vector.load %arg0[%get3A, %get3A_0] : memref<10112x128xf32, #tpu.memory_space<vmem>>, vector<10112x128xf32>
    %get3A_2 = arith.constant 0 : index
    %get3A_3 = arith.constant 0 : index
    %get3A_4 = vector.load %arg1[%get3A_2, %get3A_3] : memref<128x32xf32, #tpu.memory_space<vmem>>, vector<128x32xf32>
    %dot_general3A = arith.constant dense<0.000000e+00> : vector<10112x32xf32>
    %dot_general3A_5 = tpu.matmul %get3A_1, %get3A_4, %dot_general3A {dimension_numbers = #tpu.dot_dimension_numbers<[1], [0], [0], [1], [0, 0, 1, 1], [], []>, transpose_lhs_hint = false} : vector<10112x128xf32>, vector<128x32xf32>, vector<10112x32xf32> -> vector<10112x32xf32>
    %swap3A = arith.constant 0 : index
    %swap3A_6 = arith.constant 0 : index
    %swap3A_7 = vector.load %arg2[%swap3A, %swap3A_6] : memref<10112x32xf32, #tpu.memory_space<vmem>>, vector<10112x32xf32>
    tpu.vector_store %arg2[%swap3A, %swap3A_6], %dot_general3A_5 {strides = array<i32>} : memref<10112x32xf32, #tpu.memory_space<vmem>>, vector<10112x32xf32>,
    return
  }
}

module attributes {stable_mosaic.version = 14 : i64} {
  func.func @_layer_body(%arg0: memref<10112x32xf32, #tpu.memory_space<vmem>>, %arg1: memref<2x10112x32xf32, #tpu.memory_space<vmem>>, %arg2: memref<1x32xf32, #tpu.memory_space<vmem>>, %arg3: memref<32x32xf32, #tpu.memory_space<vmem>>, %arg4: memref<10112x32xf32, #tpu.memory_space<vmem>>) attributes {dimension_semantics = [], scalar_prefetch = 0 : i64, scratch_operands = 0 : i64, tpu.core_type = #tpu.core_type<tc>} {
    %get3A = arith.constant 0 : index
    %get3A_0 = arith.constant 0 : index
    %get3A_1 = vector.load %arg0[%get3A, %get3A_0] : memref<10112x32xf32, #tpu.memory_space<vmem>>, vector<10112x32xf32>
    %get3A_2 = arith.constant 0 : index
    %get3A_3 = arith.constant 0 : index
    %get3A_4 = arith.constant 0 : index
    %get3A_5 = vector.load %arg1[%get3A_2, %get3A_3, %get3A_4] : memref<2x10112x32xf32, #tpu.memory_space<vmem>>, vector<1x10112x32xf32>
    %get3A_6 = vector.shape_cast %get3A_5 : vector<1x10112x32xf32> to vector<10112x32xf32>
    %add3A = arith.addf %get3A_1, %get3A_6 : vector<10112x32xf32>
    %get3A_7 = arith.constant 1 : index
    %get3A_8 = arith.constant 0 : index
    %get3A_9 = arith.constant 0 : index
    %get3A_10 = vector.load %arg1[%get3A_7, %get3A_8, %get3A_9] : memref<2x10112x32xf32, #tpu.memory_space<vmem>>, vector<1x10112x32xf32>
    %get3A_11 = vector.shape_cast %get3A_10 : vector<1x10112x32xf32> to vector<10112x32xf32>
    %add3A_12 = arith.addf %add3A, %get3A_11 : vector<10112x32xf32>
    %get3A_13 = arith.constant 0 : index
    %get3A_14 = arith.constant 0 : index
    %get3A_15 = vector.load %arg2[%get3A_13, %get3A_14] : memref<1x32xf32, #tpu.memory_space<vmem>>, vector<1x32xf32>
    %add3A_16 = vector.broadcast %get3A_15 : vector<1x32xf32> to vector<10112x32xf32>
    %add3A_17 = arith.addf %add3A_12, %add3A_16 : vector<10112x32xf32>
    %max3A = arith.constant 0.000000e+00 : f32
    %max3A_18 = vector.broadcast %max3A : f32 to vector<10112x32xf32>
    %max3A_19 = arith.maximumf %add3A_17, %max3A_18 : vector<10112x32xf32>
    %iota3A = tpu.iota {dimensions = array<i32: 0>} : vector<10112x32xi32>
    %lt3A = arith.constant 10000 : i32
    %lt3A_20 = vector.broadcast %lt3A : i32 to vector<10112x32xi32>
    %lt3A_21 = arith.cmpi slt, %iota3A, %lt3A_20 : vector<10112x32xi32>
    %jit3A = arith.constant 0.000000e+00 : f32
    %broadcast_in_dim3A = vector.broadcast %jit3A : f32 to vector<10112x32xf32>
    %select_n3A = arith.select %lt3A_21, %max3A_19, %broadcast_in_dim3A : vector<10112x32xi1>, vector<10112x32xf32>
    %get3A_22 = arith.constant 0 : index
    %get3A_23 = arith.constant 0 : index
    %get3A_24 = vector.load %arg3[%get3A_22, %get3A_23] : memref<32x32xf32, #tpu.memory_space<vmem>>, vector<32x32xf32>
    %dot_general3A = arith.constant dense<0.000000e+00> : vector<10112x32xf32>
    %dot_general3A_25 = tpu.matmul %select_n3A, %get3A_24, %dot_general3A {dimension_numbers = #tpu.dot_dimension_numbers<[1], [0], [0], [1], [0, 0, 1, 1], [], []>, transpose_lhs_hint = false} : vector<10112x32xf32>, vector<32x32xf32>, vector<10112x32xf32> -> vector<10112x32xf32>
    %swap3A = arith.constant 0 : index
    %swap3A_26 = arith.constant 0 : index
    %swap3A_27 = vector.load %arg4[%swap3A, %swap3A_26] : memref<10112x32xf32, #tpu.memory_space<vmem>>, vector<10112x32xf32>
    tpu.vector_store %arg4[%swap3A, %swap3A_26], %dot_general3A_25 {strides = array<i32>} : memref<10112x32xf32, #tpu.memory_space<vmem>>, vector<10112x32xf32>,
    return
  }
}

module attributes {stable_mosaic.version = 14 : i64} {
  func.func @_final_body(%arg0: memref<10112x32xf32, #tpu.memory_space<vmem>>, %arg1: memref<2x10112x32xf32, #tpu.memory_space<vmem>>, %arg2: memref<1x32xf32, #tpu.memory_space<vmem>>, %arg3: memref<64x128xf32, #tpu.memory_space<vmem>>, %arg4: memref<1x128xf32, #tpu.memory_space<vmem>>, %arg5: memref<1x128xf32, #tpu.memory_space<vmem>>) attributes {dimension_semantics = [], scalar_prefetch = 0 : i64, scratch_operands = 0 : i64, tpu.core_type = #tpu.core_type<tc>} {
    %get3A = arith.constant 0 : index
    %get3A_0 = arith.constant 0 : index
    %get3A_1 = vector.load %arg0[%get3A, %get3A_0] : memref<10112x32xf32, #tpu.memory_space<vmem>>, vector<10112x32xf32>
    %get3A_2 = arith.constant 0 : index
    %get3A_3 = arith.constant 0 : index
    %get3A_4 = arith.constant 0 : index
    %get3A_5 = vector.load %arg1[%get3A_2, %get3A_3, %get3A_4] : memref<2x10112x32xf32, #tpu.memory_space<vmem>>, vector<1x10112x32xf32>
    %get3A_6 = vector.shape_cast %get3A_5 : vector<1x10112x32xf32> to vector<10112x32xf32>
    %add3A = arith.addf %get3A_1, %get3A_6 : vector<10112x32xf32>
    %get3A_7 = arith.constant 1 : index
    %get3A_8 = arith.constant 0 : index
    %get3A_9 = arith.constant 0 : index
    %get3A_10 = vector.load %arg1[%get3A_7, %get3A_8, %get3A_9] : memref<2x10112x32xf32, #tpu.memory_space<vmem>>, vector<1x10112x32xf32>
    %get3A_11 = vector.shape_cast %get3A_10 : vector<1x10112x32xf32> to vector<10112x32xf32>
    %add3A_12 = arith.addf %add3A, %get3A_11 : vector<10112x32xf32>
    %get3A_13 = arith.constant 0 : index
    %get3A_14 = arith.constant 0 : index
    %get3A_15 = vector.load %arg2[%get3A_13, %get3A_14] : memref<1x32xf32, #tpu.memory_space<vmem>>, vector<1x32xf32>
    %add3A_16 = vector.broadcast %get3A_15 : vector<1x32xf32> to vector<10112x32xf32>
    %add3A_17 = arith.addf %add3A_12, %add3A_16 : vector<10112x32xf32>
    %max3A = arith.constant 0.000000e+00 : f32
    %max3A_18 = vector.broadcast %max3A : f32 to vector<10112x32xf32>
    %max3A_19 = arith.maximumf %add3A_17, %max3A_18 : vector<10112x32xf32>
    %iota3A = tpu.iota {dimensions = array<i32: 0>} : vector<10112x32xi32>
    %lt3A = arith.constant 10000 : i32
    %lt3A_20 = vector.broadcast %lt3A : i32 to vector<10112x32xi32>
    %lt3A_21 = arith.cmpi slt, %iota3A, %lt3A_20 : vector<10112x32xi32>
    %jit3A = arith.constant 0.000000e+00 : f32
    %broadcast_in_dim3A = vector.broadcast %jit3A : f32 to vector<10112x32xf32>
    %select_n3A = arith.select %lt3A_21, %max3A_19, %broadcast_in_dim3A : vector<10112x32xi1>, vector<10112x32xf32>
    %reduce_max3A = arith.constant dense<0xFF800000> : vector<32xf32>
    %reduce_max3A_22 = vector.multi_reduction <maximumf>, %select_n3A, %reduce_max3A [0] : vector<10112x32xf32> to vector<32xf32>
    %broadcast_in_dim3A_23 = vector.shape_cast %reduce_max3A_22 : vector<32xf32> to vector<1x32xf32>
    %reduce_sum3A = arith.constant dense<0.000000e+00> : vector<32xf32>
    %reduce_sum3A_24 = vector.multi_reduction <add>, %select_n3A, %reduce_sum3A [0] : vector<10112x32xf32> to vector<32xf32>
    %broadcast_in_dim3A_25 = vector.shape_cast %reduce_sum3A_24 : vector<32xf32> to vector<1x32xf32>
    %div3A = arith.constant 1.000000e+04 : f32
    %div3A_26 = vector.broadcast %div3A : f32 to vector<1x32xf32>
    %div3A_27 = arith.divf %broadcast_in_dim3A_25, %div3A_26 : vector<1x32xf32>
    %concatenate3A = tpu.concatenate %broadcast_in_dim3A_23, %div3A_27 in 1 : vector<1x32xf32>, vector<1x32xf32> -> vector<1x64xf32>
    %get3A_28 = arith.constant 0 : index
    %get3A_29 = arith.constant 0 : index
    %get3A_30 = vector.load %arg3[%get3A_28, %get3A_29] : memref<64x128xf32, #tpu.memory_space<vmem>>, vector<64x128xf32>
    %dot_general3A = arith.constant dense<0.000000e+00> : vector<1x128xf32>
    %dot_general3A_31 = tpu.matmul %concatenate3A, %get3A_30, %dot_general3A {dimension_numbers = #tpu.dot_dimension_numbers<[1], [0], [0], [1], [0, 0, 1, 1], [], []>, transpose_lhs_hint = false} : vector<1x64xf32>, vector<64x128xf32>, vector<1x128xf32> -> vector<1x128xf32>
    %get3A_32 = arith.constant 0 : index
    %get3A_33 = arith.constant 0 : index
    %get3A_34 = vector.load %arg4[%get3A_32, %get3A_33] : memref<1x128xf32, #tpu.memory_space<vmem>>, vector<1x128xf32>
    %add3A_35 = arith.addf %dot_general3A_31, %get3A_34 : vector<1x128xf32>
    %swap3A = arith.constant 0 : index
    %swap3A_36 = arith.constant 0 : index
    %swap3A_37 = vector.load %arg5[%swap3A, %swap3A_36] : memref<1x128xf32, #tpu.memory_space<vmem>>, vector<1x128xf32>
    tpu.vector_store %arg5[%swap3A, %swap3A_36], %add3A_35 {strides = array<i32>} : memref<1x128xf32, #tpu.memory_space<vmem>>, vector<1x128xf32>,
    return
  }
}

</mosaic_0001>

<sc_bundles>
// kernel: kernel.12.cloned.1.call-start
scs
__scs_entry_jumppad:
0x0: {  	(pc) =	sbr.rel $0x88, $3  }
0x1: {  	(tag) =	ssettag $0x0;
	lr =	simm.s32 $0x1  }
0x2: {  	[smem:$0x3F97] =	sst lr;
	_ =	strace $0xD0000000  }
0x3: {  	_ = 	snop  }
0x4: {  	_ = 	snop  }
0x5: {  	_ = 	snop  }
0x6: {  	_ = 	snop  }
0x7: {  	_ = 	snop  }
__scs_overlays_trampoline_lowered:
0x8: {  	[smem:$0x3FA6] =	sst s0  }
0x9: {  	[smem:$0x3FA7] =	sst s1  }
0xa: {  	[smem:$0x3FA8] =	sst s2  }
0xb: {  	[smem:$0x3FA9] =	sst s3  }
0xc: {  	[smem:$0x3FAA] =	sst s4  }
0xd: {  	[smem:$0x3FAB] =	sst s5  }
0xe: {  	[smem:$0x3FAC] =	sst s6  }
0xf: {  	[smem:$0x3FAD] =	sst s7  }
0x10: {  	[smem:$0x3FAE] =	sst s8  }
0x11: {  	[smem:$0x3FAF] =	sst s9;
	s0 =	simm.s32 @!p0 $0x0  }
0x12: {  	s1 =	sld [smem:$0x3F95];
	s0 =	simm.s32 @p0 $0x1  }
0x13: {  	[smem:$0x3FB0] =	sst s0;
	s0 =	simm.s32 @!p1 $0x0  }
0x14: {  	s2 =	sld [smem:$0x3F94];
	s0 =	simm.s32 @p1 $0x1  }
0x15: {  	[smem:$0x3FB1] =	sst s0;
	s0 =	simm.s32 @!p2 $0x0  }
0x16: {  	s3 =	sld [smem:$0x3FDB];
	s0 =	simm.s32 @p2 $0x1  }
0x17: {  	s4 =	simm.s32 $0x1BF5;
	[smem:$0x3FB3] =	sst s0  }
0x18: {  	s0 =	sld [smem:$0x3F96];
	_ =	swait.ge [sflag:s4], $0x0  }
0x19: {  	s7 =	sld [smem:$0x3F97]  }
0x1a: {  	s8 =	sadd.s32 $0xFFFFE003, lr  }
0x1b: {  	s9 =	sadd.s32 $0xFFFFFEF7, lr;
	s5 =	simm.s32 $0xFFFFFFFF;
	p2 =	slt.u32 s8, $0xFFFFF086  }
0x1c: {  	p1 =	slt.u32 s9, $0xF7A;
	s5 =	simm.s32 @!p2 $0x0  }
0x1d: {  	s5 =	simm.s32 @p1 $0x1;
	p0 =	seq.s32 s7, s2  }
0x1e: {  	s7 =	smul.u32 @!p0 $0xF7A, s2;
	p2 =	seq.s32 @!p0 s5, $0x0  }
0x1f: {  	s9 =	smul.u32 $0xF7A, s1;
	s8 =	simm.s32 @!p0 $0x1BF5;
	p2 =	por !p2, p0  }
0x20: {  	[sflag:s8] =	ssyncset.s32 @!p0 $0xFFFFF086;
	s6 =	sadd.s32 @!p0 s3, s7;
	s7 =	simm.s32 @!p0 $0x108  }
0x21: {  	s3 =	sadd.s32 s3, s9;
	s6 =	sadd.s32 @!p0 $0x88, s6;
	s7 =	simm.s32 @p2 $0x1082  }
0x22: {  	[simem:s7], [sflag:s8] =	dma.local @!p0 [hbm:s6], $0xF7A  }
0x23: {  	s9 =	sor.u32 $0xD0000000, s2;
	s6 =	simm.s32 $0x108;
	_ =	swait.ge @!p0 [sflag:s8], $0x0  }
0x24: {  	s3 =	sadd.s32 $0x88, s3;
	s6 =	simm.s32 @!p1 $0x1082;
	[sflag:s4] =	ssyncset.s32 $0xFFFFF086  }
0x25: {  	[simem:s6], [sflag:s4] =	dma.local [hbm:s3], $0xF7A  }
0x26: {  	[smem:$0x3F97] =	sst s1;
	(tag) =	ssettag s2;
	_ =	strace s9  }
0x27: {  	s1 =	sld [smem:$0x3FA7]  }
0x28: {  	s2 =	sld [smem:$0x3FA8]  }
0x29: {  	s4 =	sld [smem:$0x3FAA]  }
0x2a: {  	p0 =	seq.s32 s5, $0x0;
	s5 =	sld [smem:$0x3FAB]  }
0x2b: {  	s6 =	sld [smem:$0x3FAC]  }
0x2c: {  	s7 =	sld [smem:$0x3FAD]  }
0x2d: {  	s3 =	simm.s32 $0x108;
	s8 =	sld [smem:$0x3FAE]  }
0x2e: {  	s3 =	simm.s32 @!p0 $0x1082;
	s9 =	sld [smem:$0x3FAF]  }
0x2f: {  	lr =	sadd.s32 s0, s3;
	s0 =	sld [smem:$0x3FA6]  }
0x30: {  	s3 =	sld [smem:$0x3FA9]  }
0x31: {  	[smem:$0x3FB2] =	sst s10  }
0x32: {  	s10 =	sld [smem:$0x3FB0];
	_ =	sdelay $0x3  }
0x33: {  	p0 =	seq.s32 s10, $0x1;
	s10 =	sld [smem:$0x3FB2];
	_ =	sdelay $0x3  }
0x34: {  	[smem:$0x3FB2] =	sst s10  }
0x35: {  	s10 =	sld [smem:$0x3FB1];
	_ =	sdelay $0x3  }
0x36: {  	p1 =	seq.s32 s10, $0x1;
	s10 =	sld [smem:$0x3FB2];
	_ =	sdelay $0x3  }
0x37: {  	[smem:$0x3FB2] =	sst s10  }
0x38: {  	s10 =	sld [smem:$0x3FB3]  }
0x39: {  	_ = 	snop;
	(pc) =	sbr.ind lr, $3  }
0x3a: {  	_ = 	snop  }
0x3b: {  	_ = 	snop  }
0x3c: {  	p2 =	seq.s32 s10, $0x1;
	s10 =	sld [smem:$0x3FB2]  }
0x3d: {  	_ =	shalt  }
0x3e: {  	_ =	shalt  }
0x3f: {  	_ =	shalt  }
0x40: {  	_ =	shalt  }
0x41: {  	_ =	shalt  }
0x42: {  	_ =	shalt  }
0x43: {  	_ =	shalt  }
0x44: {  	_ =	shalt  }
0x45: {  	_ =	shalt  }
0x46: {  	_ =	shalt  }
0x47: {  	_ =	shalt  }
0x48: {  	_ =	shalt  }
0x49: {  	_ =	shalt  }
0x4a: {  	_ =	shalt  }
0x4b: {  	_ =	shalt  }
0x4c: {  	_ =	shalt  }
0x4d: {  	_ =	shalt  }
0x4e: {  	_ =	shalt  }
0x4f: {  	_ =	shalt  }
0x50: {  	_ =	shalt  }
0x51: {  	_ =	shalt  }
0x52: {  	_ =	shalt  }
0x53: {  	_ =	shalt  }
0x54: {  	_ =	shalt  }
0x55: {  	_ =	shalt  }
0x56: {  	_ =	shalt  }
0x57: {  	_ =	shalt  }
0x58: {  	_ =	shalt  }
0x59: {  	_ =	shalt  }
0x5a: {  	_ =	shalt  }
0x5b: {  	_ =	shalt  }
0x5c: {  	_ =	shalt  }
0x5d: {  	_ =	shalt  }
0x5e: {  	_ =	shalt  }
0x5f: {  	_ =	shalt  }
0x60: {  	_ =	shalt  }
0x61: {  	_ =	shalt  }
0x62: {  	_ =	shalt  }
0x63: {  	_ =	shalt  }
0x64: {  	_ =	shalt  }
0x65: {  	_ =	shalt  }
0x66: {  	_ =	shalt  }
0x67: {  	_ =	shalt  }
0x68: {  	_ =	shalt  }
0x69: {  	_ =	shalt  }
0x6a: {  	_ =	shalt  }
0x6b: {  	_ =	shalt  }
0x6c: {  	_ =	shalt  }
0x6d: {  	_ =	shalt  }
0x6e: {  	_ =	shalt  }
0x6f: {  	_ =	shalt  }
0x70: {  	_ =	shalt  }
0x71: {  	_ =	shalt  }
0x72: {  	_ =	shalt  }
0x73: {  	_ =	shalt  }
0x74: {  	_ =	shalt  }
0x75: {  	_ =	shalt  }
0x76: {  	_ =	shalt  }
0x77: {  	_ =	shalt  }
0x78: {  	_ =	shalt  }
0x79: {  	_ =	shalt  }
0x7a: {  	_ =	shalt  }
0x7b: {  	_ =	shalt  }
0x7c: {  	_ =	shalt  }
0x7d: {  	_ =	shalt  }
0x7e: {  	_ =	shalt  }
0x7f: {  	_ =	shalt  }
0x80: {  	_ =	shalt  }
0x81: {  	_ =	shalt  }
0x82: {  	_ =	shalt  }
0x83: {  	_ =	shalt  }
0x84: {  	_ =	shalt  }
0x85: {  	_ =	shalt  }
0x86: {  	_ =	shalt  }
0x87: {  	_ =	shalt  }
.Lfunc_end0:
.L_simem_size_0:
called_computation.1_lowered:
.L_overlay_start_0:
0x88: {  	s2 =	sld [smem:$0x3FD9]  }
0x89: {  	s3 =	sld [smem:$0x3FFE];
	_ =	sdelay $0x1  }
0x8a: {  	s1 =	srdreg.scid  }
0x8b: {  	s0 =	sand.u32 $0x1, s1  }
0x8c: {  	s16 =	sshll.u32 s0, $0xA;
	s2 =	sadd.s32 s3, s2  }
0x8d: {  	s2 =	sadd.s32 s2, s16  }
0x8e: {  	[smem:$0x3FBE] =	sst s2  }
0x8f: {  	_ = 	snop  }
0x90: {  	(tm) =	ssettm $0x1  }
0x91: {  	s17 =	sld [smem:$0x3FFB];
	_ =	sdelay $0x3  }
0x92: {  	_ =	strace s17  }
0x93: {  	s2 =	sld [smem:$0x3FFC];
	_ =	sdelay $0x3  }
0x94: {  	_ =	strace s2  }
0x95: {  	s2 =	sld [smem:$0x3FFD];
	_ =	sdelay $0x3  }
0x96: {  	_ =	strace s2  }
0x97: {  	_ =	strace $0x8FFFFFFF  }
0x98: {  	s18 =	sld [smem:$0x3FDB];
	_ =	sdelay $0x1  }
0x99: {  	s19 =	simm.s32 $_scs_section_size  }
0x9a: {  	s4 =	simm.s32 $_size__tile_overlayer_lowered;
	s5 =	simm.s32 $_tile_overlayer_lowered  }
0x9b: {  	s22 =	simm.s32 $0x1BFF;
	s21 =	sshll.u32 s5, $0x1;
	s2 =	sadd.s32 s19, s18  }
0x9c: {  	s6 =	simm.s32 $0x0;
	s20 =	sshll.u32 s4, $0x1;
	s4 =	sadd.s32 s21, s2  }
0x9d: {  	[timem:s6], [sflag:s22] =	dma.local [hbm:s4], s20  }
0x9e: {  	_ =	swait.ge [sflag:s22], s20  }
0x9f: {  	s3 =	ssub.s32 $0x0, s20;
	[sflag:s22] =	ssyncset.done $0x0  }
0xa0: {  	[sflag:s22] =	ssyncadd.s32 s3;
	_ =	sdelay $0x1  }
0xa1: {  	s23 =	simm.s32 $0x1B8B  }
0xa2: {  	_ =	swait.ge [sflag:s23], $0x1  }
0xa3: {  	[sflag:s23] =	ssyncset.done $0x0  }
0xa4: {  	s25 =	simm.s32 $0x1B8E;
	s24 =	sld [smem:$0x3FFE];
	[sflag:s23] =	ssyncadd.s32 $0xFFFFFFFF  }
0xa5: {  	s26 =	simm.s32 $execute0_lowered;
	[smem:$0x3FD2] =	sst s25  }
0xa6: {  	s4 =	sshll.u32 s26, $0x1;
	_ =	strace $0x80000049;
	[dreg:$0x1] =	wrdreg $0xFFFFFFFF  }
0xa7: {  	s28 =	simm.s32 $_size_execute0_lowered;
	s2 =	sadd.s32 s2, s4;
	[dreg:$0x0] =	wrdreg $0x0  }
0xa8: {  	s4 =	sshll.u32 s28, $0x1;
	[dreg:$0x2] =	wrdreg s2  }
0xa9: {  	[dreg:$0x3] =	wrdreg s4  }
0xaa: {  	[dreg:$0x4] =	wrdreg $0xC0  }
0xab: {  	_ =	task [dreg:s6], $0x5FFFF  }
0xac: {  	[dreg:$0x1] =	wrdreg $0xFFFFFFFF  }
0xad: {  	[dreg:$0x0] =	wrdreg $0x60  }
0xae: {  	[dreg:$0x2] =	wrdreg s24  }
0xaf: {  	[dreg:$0x3] =	wrdreg $0x19F000  }
0xb0: {  	[dreg:$0x4] =	wrdreg $0x150000  }
0xb1: {  	[dreg:$0x5] =	wrdreg $0x9  }
0xb2: {  	_ =	task.clear_ibuf [dreg:s6], $0x6FFFF;
	_ =	strace $0x90000049  }
0xb3: {  	s29 =	simm.s32 $0x9;
	_ =	strace $0x8000004B  }
0xb4: {  	_ =	swait.ge [sflag:s29], $0x1  }
0xb5: {  	[sflag:s29] =	ssyncadd.s32 $0xFFFFFFFF  }
0xb6: {  	_ =	strace $0x9000004B  }
0xb7: {  	_ =	sfence  }
0xb8: {  	s30 =	sld [smem:$0x0];
	_ =	sdelay $0x2  }
0xb9: {  	s31 =	sshll.u32 s1, $0xD;
	s1 =	sshrl.u32 s1, $0x2  }
0xba: {  	s3 =	sand.u32 $0x4000, s31;
	s1 =	sadd.s32 s1, s30  }
0xbb: {  	s0 =	sor.u32 s3, s0;
	s1 =	sshll.u32 s1, $0x11  }
0xbc: {  	s0 =	sor.u32 s1, s0  }
0xbd: {  	s0 =	sadd.s32 $0x8F2B, s0  }
0xbe: {  	[sflag:s0] =	ssyncadd.remote.s32 $0x1  }
0xbf: {  	_ =	sfence.sel $0xFFFF  }
0xc0: {  	[dreg:$0x0] =	wrdreg $0xFFFFFFFF;
	(pc) =	sbr.abs _section_cstart, $3  }
0xc1: {  	[dreg:$0x1] =	wrdreg $0xFFFFFFFF  }
0xc2: {  	_ =	task.clear_ibuf [dreg:s6], $0x2FFFF;
	_ =	strace $0x9FFFFFFF  }
0xc3: {  	(tm) =	ssettm $0x7FFFFFFF  }
tec
execute0_lowered:
.L_overlay_start_1:
0x0: {  	(tag) =	ssettag $0x1  }
0x1: {  	s0 =	rddreg [dreg:$0x0]  }
0x2: {  	s2 =	rddreg [dreg:$0x1]  }
0x3: {  	s3 =	rddreg [dreg:$0x2]  }
0x4: {  	s12 =	stileid.u32;
	s4 =	simm.s32 $0x0;
	s5 =	srdreg.scid  }
0x5: {  	s14 =	simm.s32 $0x5000;
	s15 =	simm.s32 $0x4;
	s16 =	simm.s32 $0x1  }
0x6: {  	s17 =	simm.s32 $0x2;
	s18 =	simm.s32 $0x3;
	s19 =	simm.s32 $0x400  }
0x7: {  	s20 =	simm.s32 $0xD000;
	s22 =	simm.s32 $0x2000;
	s23 =	simm.s32 $0x4400  }
0x8: {  	s25 =	simm.s32 $0x2400;
	s26 =	simm.s32 $0x4800;
	s1 =	smul.u32 $0x4F00, s12  }
0x9: {  	s28 =	simm.s32 $0x4C00;
	s6 =	smul.u32 $0xA00, s12;
	s5 =	sand.u32 $0x1, s5  }
0xa: {  	s29 =	simm.s32 $0x0;
	[smem:$0x7FF] =	sst s4;
	s7 =	smul.u32 $0x500, s5  }
0xb: {  	_ =	strace $0x8000004A;
	s8 =	smul.u32 $0x9E00, s5;
	s5 =	ssub.s32 $0x2, s5  }
0xc: {  	s21 =	sshrl.u32 s1, $0x3;
	s6 =	sadd.s32 s6, s0;
	s10 =	sshrl.u32 s5, $0x1  }
0xd: {  	s13 =	sadd.s32 s1, s2;
	s9 =	sadd.s32 s21, s0;
	s6 =	sadd.s32 s7, s6  }
0xe: {  	s0 =	sadd.s32 s8, s0;
	s11 =	ssub.s32 s5, s10;
	s7 =	sshll.u32 s12, $0x6  }
0xf: {  	s10 =	sadd.s32 s1, s3;
	s12 =	simm.s32 $0x2800;
	s13 =	sshrl.u32 s13, $0x3  }
0x10: {  	s1 =	simm.s32 $0x1C00;
	s5 =	sadd.s32 $0xAE00, s6;
	s6 =	sadd.s32 $0x14E00, s6  }
0x11: {  	s8 =	sadd.s32 $0x1000, s9;
	s9 =	sor.u32 $0x1C03, s7;
	s0 =	sadd.s32 $0x1EE00, s0  }
0x12: {  	v0 =	vimm.f32 $0.0e+00;
	s11 =	smax.u32 s11, $0x1;
	s24 =	sadd.s32 s21, s0;
	s21 =	simm.s32 $0x4000  }
.LBB2_1:
0x13: {  	[tilespmem:s4], [sflag:$0x1] =	stream.linear.gather [hbm4b:s5+s4], $0x2800, $0x38;
	[tilespmem:$0x1EE00] =	vst v63  }
0x14: {  	s30 =	simm.s32 $0x80;
	s31 =	simm.s32 $0x0  }
0x15: {  	[tilespmem:s12], [sflag:$0x2] =	stream.linear.gather [hbm4b:s6+s4], $0x2800, $0x38;
	[tilespmem:$0x1EE00] =	vst v63  }
0x16: {  	[spmem:s13], [sflag:s9] =	dma.local [hbm:s8], $0x9E0  }
.LBB2_2:
0x17: {  	p0 =	sne.s32 s30, $0x13B80;
	[tilespmem:s31+$0x5000] =	vst v0;
	s0 =	smov.u32 s30;
	s30 =	sadd.s32 $0x80, s30  }
.Ltmp0:
0x18: {  	[tilespmem:s31+$0x5010] =	vst v0;
	(pc) =	sbr.rel @p0 .LBB2_2-.Ltmp0, $2  }
0x19: {  	_ =	sdelay $0x2  }
0x1a: {  	s31 =	sshra.s32 s0, $0x2  }
0x1b: {  	[tilespmem:s31+$0x5000] =	vst v0  }
0x1c: {  	[tilespmem:s31+$0x5010] =	vst v0  }
0x1d: {  	[spmem:s10] =	stream.linear.scatter [tilespmem:s14], [sflag:$0x4], $0x4F00, $0x38;
	[tilespmem:$0x1EE00] =	vst v63  }
0x1e: {  	_ =	swait.ge [sflag:s15], $0x4F00  }
0x1f: {  	[sflag:s15] =	ssyncset.done $0x0  }
0x20: {  	[sflag:s15] =	ssyncadd.s32 $0xFFFFB100  }
0x21: {  	_ =	swait.ge [sflag:s16], $0x2800  }
0x22: {  	[sflag:s16] =	ssyncset.done $0x0  }
0x23: {  	[sflag:s16] =	ssyncadd.s32 $0xFFFFD800  }
0x24: {  	_ =	swait.ge [sflag:s17], $0x2800  }
0x25: {  	[sflag:s17] =	ssyncset.done $0x0  }
0x26: {  	[sflag:s17] =	ssyncadd.s32 $0xFFFFD800  }
0x27: {  	_ =	swait.ge [sflag:s18], $0x9E0  }
0x28: {  	[sflag:s18] =	ssyncset.done $0x0  }
0x29: {  	[sflag:s18] =	ssyncadd.s32 $0xFFFFF620  }
0x2a: {  	[bflag:$0x0] =	sbarrier.arrive $0xFFFF  }
0x2b: {  	[tilespmem:s14], [sflag:$0x1] =	stream.indirect.gather [spmem:s2], $0x20, s4, s19, $0xb8;
	[tilespmem:$0x1EE00] =	vst v63  }
0x2c: {  	_ =	swait.ge [sflag:s16], $0x8000  }
0x2d: {  	[sflag:s16] =	ssyncset.done $0x0  }
0x2e: {  	[sflag:s16] =	ssyncadd.s32 $0xFFFF8000  }
0x2f: {  	[tilespmem:s20], [sflag:$0x2] =	stream.indirect.gather [spmem:s2], $0x20, s19, s19, $0xb8;
	[tilespmem:$0x1EE00] =	vst v63  }
0x30: {  	_ = 	snop  }
0x31: {  	[spmem:s3] =	stream.indirect.scatter.add.f32 [tilespmem:s14], [sflag:$0x4], $0x20, s12, s19, $0xb8;
	[tilespmem:$0x1EE00] =	vst v63  }
0x32: {  	_ =	swait.ge [sflag:s15], $0x8000  }
0x33: {  	[sflag:s15] =	ssyncset.done $0x0  }
0x34: {  	[sflag:s15] =	ssyncadd.s32 $0xFFFF8000  }
0x35: {  	_ =	swait.ge [sflag:s17], $0x8000  }
0x36: {  	[sflag:s17] =	ssyncset.done $0x0  }
0x37: {  	s0 =	simm.s32 $0x800;
	[sflag:s17] =	ssyncadd.s32 $0xFFFF8000  }
0x38: {  	[tilespmem:s14], [sflag:$0x1] =	stream.indirect.gather [spmem:s2], $0x20, s0, s19, $0xb8;
	[tilespmem:$0x1EE00] =	vst v63  }
0x39: {  	s30 =	simm.s32 $0x2C00  }
0x3a: {  	[spmem:s3] =	stream.indirect.scatter.add.f32 [tilespmem:s20], [sflag:$0x4], $0x20, s30, s19, $0xb8;
	[tilespmem:$0x1EE00] =	vst v63  }
0x3b: {  	_ =	swait.ge [sflag:s15], $0x8000  }
0x3c: {  	[sflag:s15] =	ssyncset.done $0x0  }
0x3d: {  	[sflag:s15] =	ssyncadd.s32 $0xFFFF8000  }
0x3e: {  	_ =	swait.ge [sflag:s16], $0x8000  }
0x3f: {  	[sflag:s16] =	ssyncset.done $0x0  }
0x40: {  	s31 =	simm.s32 $0xC00;
	[sflag:s16] =	ssyncadd.s32 $0xFFFF8000  }
0x41: {  	[tilespmem:s20], [sflag:$0x2] =	stream.indirect.gather [spmem:s2], $0x20, s31, s19, $0xb8;
	[tilespmem:$0x1EE00] =	vst v63  }
0x42: {  	s30 =	simm.s32 $0x3000  }
0x43: {  	[spmem:s3] =	stream.indirect.scatter.add.f32 [tilespmem:s14], [sflag:$0x4], $0x20, s30, s19, $0xb8;
	[tilespmem:$0x1EE00] =	vst v63  }
0x44: {  	_ =	swait.ge [sflag:s15], $0x8000  }
0x45: {  	[sflag:s15] =	ssyncset.done $0x0  }
0x46: {  	[sflag:s15] =	ssyncadd.s32 $0xFFFF8000  }
0x47: {  	_ =	swait.ge [sflag:s17], $0x8000  }
0x48: {  	[sflag:s17] =	ssyncset.done $0x0  }
0x49: {  	s31 =	simm.s32 $0x1000;
	[sflag:s17] =	ssyncadd.s32 $0xFFFF8000  }
0x4a: {  	[tilespmem:s14], [sflag:$0x1] =	stream.indirect.gather [spmem:s2], $0x20, s31, s19, $0xb8;
	[tilespmem:$0x1EE00] =	vst v63  }
0x4b: {  	s30 =	simm.s32 $0x3400  }
0x4c: {  	[spmem:s3] =	stream.indirect.scatter.add.f32 [tilespmem:s20], [sflag:$0x4], $0x20, s30, s19, $0xb8;
	[tilespmem:$0x1EE00] =	vst v63  }
0x4d: {  	_ =	swait.ge [sflag:s15], $0x8000  }
0x4e: {  	[sflag:s15] =	ssyncset.done $0x0  }
0x4f: {  	[sflag:s15] =	ssyncadd.s32 $0xFFFF8000  }
0x50: {  	_ =	swait.ge [sflag:s16], $0x8000  }
0x51: {  	[sflag:s16] =	ssyncset.done $0x0  }
0x52: {  	s31 =	simm.s32 $0x1400;
	[sflag:s16] =	ssyncadd.s32 $0xFFFF8000  }
0x53: {  	[tilespmem:s20], [sflag:$0x2] =	stream.indirect.gather [spmem:s2], $0x20, s31, s19, $0xb8;
	[tilespmem:$0x1EE00] =	vst v63  }
0x54: {  	s30 =	simm.s32 $0x3800  }
0x55: {  	[spmem:s3] =	stream.indirect.scatter.add.f32 [tilespmem:s14], [sflag:$0x4], $0x20, s30, s19, $0xb8;
	[tilespmem:$0x1EE00] =	vst v63  }
0x56: {  	_ =	swait.ge [sflag:s15], $0x8000  }
0x57: {  	[sflag:s15] =	ssyncset.done $0x0  }
0x58: {  	[sflag:s15] =	ssyncadd.s32 $0xFFFF8000  }
0x59: {  	_ =	swait.ge [sflag:s17], $0x8000  }
0x5a: {  	[sflag:s17] =	ssyncset.done $0x0  }
0x5b: {  	s31 =	simm.s32 $0x1800;
	[sflag:s17] =	ssyncadd.s32 $0xFFFF8000  }
0x5c: {  	[tilespmem:s14], [sflag:$0x1] =	stream.indirect.gather [spmem:s2], $0x20, s31, s19, $0xb8;
	[tilespmem:$0x1EE00] =	vst v63  }
0x5d: {  	s30 =	simm.s32 $0x3C00  }
0x5e: {  	[spmem:s3] =	stream.indirect.scatter.add.f32 [tilespmem:s20], [sflag:$0x4], $0x20, s30, s19, $0xb8;
	[tilespmem:$0x1EE00] =	vst v63  }
0x5f: {  	_ =	swait.ge [sflag:s15], $0x8000  }
0x60: {  	[sflag:s15] =	ssyncset.done $0x0  }
0x61: {  	[sflag:s15] =	ssyncadd.s32 $0xFFFF8000  }
0x62: {  	_ =	swait.ge [sflag:s16], $0x8000  }
0x63: {  	[sflag:s16] =	ssyncset.done $0x0  }
0x64: {  	[sflag:s16] =	ssyncadd.s32 $0xFFFF8000  }
0x65: {  	[tilespmem:s20], [sflag:$0x2] =	stream.indirect.gather [spmem:s2], $0x20, s1, s19, $0xb8;
	[tilespmem:$0x1EE00] =	vst v63  }
0x66: {  	_ = 	snop  }
0x67: {  	[spmem:s3] =	stream.indirect.scatter.add.f32 [tilespmem:s14], [sflag:$0x4], $0x20, s21, s19, $0xb8;
	[tilespmem:$0x1EE00] =	vst v63  }
0x68: {  	_ =	swait.ge [sflag:s15], $0x8000  }
0x69: {  	[sflag:s15] =	ssyncset.done $0x0  }
0x6a: {  	[sflag:s15] =	ssyncadd.s32 $0xFFFF8000  }
0x6b: {  	_ =	swait.ge [sflag:s17], $0x8000  }
0x6c: {  	[sflag:s17] =	ssyncset.done $0x0  }
0x6d: {  	[sflag:s17] =	ssyncadd.s32 $0xFFFF8000  }
0x6e: {  	[tilespmem:s14], [sflag:$0x1] =	stream.indirect.gather [spmem:s2], $0x20, s22, s19, $0xb8;
	[tilespmem:$0x1EE00] =	vst v63  }
0x6f: {  	_ = 	snop  }
0x70: {  	[spmem:s3] =	stream.indirect.scatter.add.f32 [tilespmem:s20], [sflag:$0x4], $0x20, s23, s19, $0xb8;
	[tilespmem:$0x1EE00] =	vst v63  }
0x71: {  	_ =	swait.ge [sflag:s15], $0x8000  }
0x72: {  	[sflag:s15] =	ssyncset.done $0x0  }
0x73: {  	[sflag:s15] =	ssyncadd.s32 $0xFFFF8000  }
0x74: {  	_ =	swait.ge [sflag:s16], $0x8000  }
0x75: {  	[sflag:s16] =	ssyncset.done $0x0  }
0x76: {  	[sflag:s16] =	ssyncadd.s32 $0xFFFF8000  }
0x77: {  	[tilespmem:s20], [sflag:$0x2] =	stream.indirect.gather [spmem:s2], $0x20, s25, s19, $0xb8;
	[tilespmem:$0x1EE00] =	vst v63  }
0x78: {  	_ = 	snop  }
0x79: {  	[spmem:s3] =	stream.indirect.scatter.add.f32 [tilespmem:s14], [sflag:$0x4], $0x20, s26, s19, $0xb8;
	[tilespmem:$0x1EE00] =	vst v63  }
0x7a: {  	_ =	swait.ge [sflag:s15], $0x8000  }
0x7b: {  	[sflag:s15] =	ssyncset.done $0x0  }
0x7c: {  	[sflag:s15] =	ssyncadd.s32 $0xFFFF8000  }
0x7d: {  	_ =	swait.ge [sflag:s17], $0x8000  }
0x7e: {  	[sflag:s17] =	ssyncset.done $0x0  }
0x7f: {  	[sflag:s17] =	ssyncadd.s32 $0xFFFF8000  }
0x80: {  	[spmem:s3] =	stream.indirect.scatter.add.f32 [tilespmem:s20], [sflag:$0x4], $0x20, s28, s19, $0xb8;
	[tilespmem:$0x1EE00] =	vst v63  }
0x81: {  	_ =	swait.ge [sflag:s15], $0x8000  }
0x82: {  	s29 =	sadd.s32 $0x1, s29;
	[sflag:s15] =	ssyncset.done $0x0  }
0x83: {  	p0 =	sne.s32 s29, s11;
	s31 =	sor.u32 $0x1C04, s7;
	[sflag:s15] =	ssyncadd.s32 $0xFFFF8000  }
.Ltmp1:
0x84: {  	s30 =	sshrl.u32 s10, $0x3;
	[bflag:$0x0] =	sbarrier.arrive $0xFFFF;
	(pc) =	sbr.rel @p0 .LBB2_1-.Ltmp1, $4  }
0x85: {  	[hbm:s24], [sflag:s31] =	dma.local [spmem:s30], $0x9E0  }
0x86: {  	_ =	swait.ge [sflag:s15], $0x9E0  }
0x87: {  	[sflag:s15] =	ssyncset.done $0x0  }
0x88: {  	[sflag:s15] =	ssyncadd.s32 $0xFFFFF620  }
0x89: {  	_ =	sfence.sel $0x180000  }
0x8a: {  	[bflag:$0x0] =	sbarrier.arrive $0xFFFF  }
0x8b: {  	_ =	strace $0x9000004A  }
0x8c: {  	s0 =	stileid.u32;
	[bflag:$0x2] =	sbarrier.arrive $0xFFFF  }
0x8d: {  	p0 =	sne.s32 s0, $0x0;
	s0 =	rddreg [dreg:$0x3]  }
0x8e: {  	s0 =	sadd.s32 @!p0 $0x100000, s0  }
0x8f: {  	[sflag:s0] =	ssyncadd.tile.s32 @!p0 $0x1;
	_ =	shalt  }
.Lfunc_end2:
_tile_overlayer_lowered:
.L_overlay_start_2:
0x90: {  	(tag) =	ssettag $0x2  }
0x91: {  	s0 =	rddreg [dreg:$0x0];
	s2 =	stileid.u32  }
0x92: {  	s1 =	rddreg [dreg:$0x1];
	p0 =	sne.s32 s2, $0x0  }
0x93: {  	s3 =	rddreg [dreg:$0x2];
	[bflag:$0x3] =	sbarrier.arrive $0xFFFF;
	s2 =	simm.s32 @!p0 $0x1C04  }
0x94: {  	[timem:s3], [sflag:s2] =	dma.local @!p0 [hbm:s0], s1  }
0x95: {  	s0 =	simm.s32 @!p0 $0x4  }
0x96: {  	_ =	swait.ge @!p0 [sflag:s0], s1  }
0x97: {  	s1 =	ssub.s32 @!p0 $0x0, s1;
	[sflag:s0] =	ssyncset.done @!p0 $0x0  }
0x98: {  	[sflag:s0] =	ssyncadd.s32 @!p0 s1  }
0x99: {  	[bflag:$0x3] =	sbarrier.arrive $0xFFFF  }
0x9a: {  	_ =	shalt  }

// kernel: kernel.15.cloned.1.call-start
scs
__scs_entry_jumppad:
0x0: {  	(pc) =	sbr.rel $0x88, $3  }
0x1: {  	(tag) =	ssettag $0x0;
	lr =	simm.s32 $0x1  }
0x2: {  	[smem:$0x3F97] =	sst lr;
	_ =	strace $0xD0000000  }
0x3: {  	_ = 	snop  }
0x4: {  	_ = 	snop  }
0x5: {  	_ = 	snop  }
0x6: {  	_ = 	snop  }
0x7: {  	_ = 	snop  }
__scs_overlays_trampoline_lowered:
0x8: {  	[smem:$0x3FA6] =	sst s0  }
0x9: {  	[smem:$0x3FA7] =	sst s1  }
0xa: {  	[smem:$0x3FA8] =	sst s2  }
0xb: {  	[smem:$0x3FA9] =	sst s3  }
0xc: {  	[smem:$0x3FAA] =	sst s4  }
0xd: {  	[smem:$0x3FAB] =	sst s5  }
0xe: {  	[smem:$0x3FAC] =	sst s6  }
0xf: {  	[smem:$0x3FAD] =	sst s7  }
0x10: {  	[smem:$0x3FAE] =	sst s8  }
0x11: {  	[smem:$0x3FAF] =	sst s9;
	s0 =	simm.s32 @!p0 $0x0  }
0x12: {  	s1 =	sld [smem:$0x3F95];
	s0 =	simm.s32 @p0 $0x1  }
0x13: {  	[smem:$0x3FB0] =	sst s0;
	s0 =	simm.s32 @!p1 $0x0  }
0x14: {  	s2 =	sld [smem:$0x3F94];
	s0 =	simm.s32 @p1 $0x1  }
0x15: {  	[smem:$0x3FB1] =	sst s0;
	s0 =	simm.s32 @!p2 $0x0  }
0x16: {  	s3 =	sld [smem:$0x3FDB];
	s0 =	simm.s32 @p2 $0x1  }
0x17: {  	s4 =	simm.s32 $0x1BF5;
	[smem:$0x3FB3] =	sst s0  }
0x18: {  	s0 =	sld [smem:$0x3F96];
	_ =	swait.ge [sflag:s4], $0x0  }
0x19: {  	s7 =	sld [smem:$0x3F97]  }
0x1a: {  	s8 =	sadd.s32 $0xFFFFE003, lr  }
0x1b: {  	s9 =	sadd.s32 $0xFFFFFEF7, lr;
	s5 =	simm.s32 $0xFFFFFFFF;
	p2 =	slt.u32 s8, $0xFFFFF086  }
0x1c: {  	p1 =	slt.u32 s9, $0xF7A;
	s5 =	simm.s32 @!p2 $0x0  }
0x1d: {  	s5 =	simm.s32 @p1 $0x1;
	p0 =	seq.s32 s7, s2  }
0x1e: {  	s7 =	smul.u32 @!p0 $0xF7A, s2;
	p2 =	seq.s32 @!p0 s5, $0x0  }
0x1f: {  	s9 =	smul.u32 $0xF7A, s1;
	s8 =	simm.s32 @!p0 $0x1BF5;
	p2 =	por !p2, p0  }
0x20: {  	[sflag:s8] =	ssyncset.s32 @!p0 $0xFFFFF086;
	s6 =	sadd.s32 @!p0 s3, s7;
	s7 =	simm.s32 @!p0 $0x108  }
0x21: {  	s3 =	sadd.s32 s3, s9;
	s6 =	sadd.s32 @!p0 $0x88, s6;
	s7 =	simm.s32 @p2 $0x1082  }
0x22: {  	[simem:s7], [sflag:s8] =	dma.local @!p0 [hbm:s6], $0xF7A  }
0x23: {  	s9 =	sor.u32 $0xD0000000, s2;
	s6 =	simm.s32 $0x108;
	_ =	swait.ge @!p0 [sflag:s8], $0x0  }
0x24: {  	s3 =	sadd.s32 $0x88, s3;
	s6 =	simm.s32 @!p1 $0x1082;
	[sflag:s4] =	ssyncset.s32 $0xFFFFF086  }
0x25: {  	[simem:s6], [sflag:s4] =	dma.local [hbm:s3], $0xF7A  }
0x26: {  	[smem:$0x3F97] =	sst s1;
	(tag) =	ssettag s2;
	_ =	strace s9  }
0x27: {  	s1 =	sld [smem:$0x3FA7]  }
0x28: {  	s2 =	sld [smem:$0x3FA8]  }
0x29: {  	s4 =	sld [smem:$0x3FAA]  }
0x2a: {  	p0 =	seq.s32 s5, $0x0;
	s5 =	sld [smem:$0x3FAB]  }
0x2b: {  	s6 =	sld [smem:$0x3FAC]  }
0x2c: {  	s7 =	sld [smem:$0x3FAD]  }
0x2d: {  	s3 =	simm.s32 $0x108;
	s8 =	sld [smem:$0x3FAE]  }
0x2e: {  	s3 =	simm.s32 @!p0 $0x1082;
	s9 =	sld [smem:$0x3FAF]  }
0x2f: {  	lr =	sadd.s32 s0, s3;
	s0 =	sld [smem:$0x3FA6]  }
0x30: {  	s3 =	sld [smem:$0x3FA9]  }
0x31: {  	[smem:$0x3FB2] =	sst s10  }
0x32: {  	s10 =	sld [smem:$0x3FB0];
	_ =	sdelay $0x3  }
0x33: {  	p0 =	seq.s32 s10, $0x1;
	s10 =	sld [smem:$0x3FB2];
	_ =	sdelay $0x3  }
0x34: {  	[smem:$0x3FB2] =	sst s10  }
0x35: {  	s10 =	sld [smem:$0x3FB1];
	_ =	sdelay $0x3  }
0x36: {  	p1 =	seq.s32 s10, $0x1;
	s10 =	sld [smem:$0x3FB2];
	_ =	sdelay $0x3  }
0x37: {  	[smem:$0x3FB2] =	sst s10  }
0x38: {  	s10 =	sld [smem:$0x3FB3]  }
0x39: {  	_ = 	snop;
	(pc) =	sbr.ind lr, $3  }
0x3a: {  	_ = 	snop  }
0x3b: {  	_ = 	snop  }
0x3c: {  	p2 =	seq.s32 s10, $0x1;
	s10 =	sld [smem:$0x3FB2]  }
0x3d: {  	_ =	shalt  }
0x3e: {  	_ =	shalt  }
0x3f: {  	_ =	shalt  }
0x40: {  	_ =	shalt  }
0x41: {  	_ =	shalt  }
0x42: {  	_ =	shalt  }
0x43: {  	_ =	shalt  }
0x44: {  	_ =	shalt  }
0x45: {  	_ =	shalt  }
0x46: {  	_ =	shalt  }
0x47: {  	_ =	shalt  }
0x48: {  	_ =	shalt  }
0x49: {  	_ =	shalt  }
0x4a: {  	_ =	shalt  }
0x4b: {  	_ =	shalt  }
0x4c: {  	_ =	shalt  }
0x4d: {  	_ =	shalt  }
0x4e: {  	_ =	shalt  }
0x4f: {  	_ =	shalt  }
0x50: {  	_ =	shalt  }
0x51: {  	_ =	shalt  }
0x52: {  	_ =	shalt  }
0x53: {  	_ =	shalt  }
0x54: {  	_ =	shalt  }
0x55: {  	_ =	shalt  }
0x56: {  	_ =	shalt  }
0x57: {  	_ =	shalt  }
0x58: {  	_ =	shalt  }
0x59: {  	_ =	shalt  }
0x5a: {  	_ =	shalt  }
0x5b: {  	_ =	shalt  }
0x5c: {  	_ =	shalt  }
0x5d: {  	_ =	shalt  }
0x5e: {  	_ =	shalt  }
0x5f: {  	_ =	shalt  }
0x60: {  	_ =	shalt  }
0x61: {  	_ =	shalt  }
0x62: {  	_ =	shalt  }
0x63: {  	_ =	shalt  }
0x64: {  	_ =	shalt  }
0x65: {  	_ =	shalt  }
0x66: {  	_ =	shalt  }
0x67: {  	_ =	shalt  }
0x68: {  	_ =	shalt  }
0x69: {  	_ =	shalt  }
0x6a: {  	_ =	shalt  }
0x6b: {  	_ =	shalt  }
0x6c: {  	_ =	shalt  }
0x6d: {  	_ =	shalt  }
0x6e: {  	_ =	shalt  }
0x6f: {  	_ =	shalt  }
0x70: {  	_ =	shalt  }
0x71: {  	_ =	shalt  }
0x72: {  	_ =	shalt  }
0x73: {  	_ =	shalt  }
0x74: {  	_ =	shalt  }
0x75: {  	_ =	shalt  }
0x76: {  	_ =	shalt  }
0x77: {  	_ =	shalt  }
0x78: {  	_ =	shalt  }
0x79: {  	_ =	shalt  }
0x7a: {  	_ =	shalt  }
0x7b: {  	_ =	shalt  }
0x7c: {  	_ =	shalt  }
0x7d: {  	_ =	shalt  }
0x7e: {  	_ =	shalt  }
0x7f: {  	_ =	shalt  }
0x80: {  	_ =	shalt  }
0x81: {  	_ =	shalt  }
0x82: {  	_ =	shalt  }
0x83: {  	_ =	shalt  }
0x84: {  	_ =	shalt  }
0x85: {  	_ =	shalt  }
0x86: {  	_ =	shalt  }
0x87: {  	_ =	shalt  }
.Lfunc_end0:
.L_simem_size_0:
called_computation.2_lowered:
.L_overlay_start_0:
0x88: {  	s2 =	sld [smem:$0x3FD9]  }
0x89: {  	s3 =	sld [smem:$0x3FFE];
	_ =	sdelay $0x1  }
0x8a: {  	s1 =	srdreg.scid  }
0x8b: {  	s0 =	sand.u32 $0x1, s1  }
0x8c: {  	s16 =	sshll.u32 s0, $0xA;
	s2 =	sadd.s32 s3, s2  }
0x8d: {  	s2 =	sadd.s32 s2, s16  }
0x8e: {  	[smem:$0x3FBE] =	sst s2  }
0x8f: {  	_ = 	snop  }
0x90: {  	(tm) =	ssettm $0x1  }
0x91: {  	s17 =	sld [smem:$0x3FFB];
	_ =	sdelay $0x3  }
0x92: {  	_ =	strace s17  }
0x93: {  	s2 =	sld [smem:$0x3FFC];
	_ =	sdelay $0x3  }
0x94: {  	_ =	strace s2  }
0x95: {  	s2 =	sld [smem:$0x3FFD];
	_ =	sdelay $0x3  }
0x96: {  	_ =	strace s2  }
0x97: {  	_ =	strace $0x8FFFFFFF  }
0x98: {  	s18 =	sld [smem:$0x3FDB];
	_ =	sdelay $0x1  }
0x99: {  	s19 =	simm.s32 $_scs_section_size  }
0x9a: {  	s4 =	simm.s32 $_size__tile_overlayer_lowered;
	s5 =	simm.s32 $_tile_overlayer_lowered  }
0x9b: {  	s22 =	simm.s32 $0x1BFF;
	s21 =	sshll.u32 s5, $0x1;
	s2 =	sadd.s32 s19, s18  }
0x9c: {  	s6 =	simm.s32 $0x0;
	s20 =	sshll.u32 s4, $0x1;
	s4 =	sadd.s32 s21, s2  }
0x9d: {  	[timem:s6], [sflag:s22] =	dma.local [hbm:s4], s20  }
0x9e: {  	_ =	swait.ge [sflag:s22], s20  }
0x9f: {  	s3 =	ssub.s32 $0x0, s20;
	[sflag:s22] =	ssyncset.done $0x0  }
0xa0: {  	[sflag:s22] =	ssyncadd.s32 s3;
	_ =	sdelay $0x1  }
0xa1: {  	s23 =	simm.s32 $0x1B8B  }
0xa2: {  	_ =	swait.ge [sflag:s23], $0x1  }
0xa3: {  	[sflag:s23] =	ssyncset.done $0x0  }
0xa4: {  	s25 =	simm.s32 $0x1B8E;
	s24 =	sld [smem:$0x3FFE];
	[sflag:s23] =	ssyncadd.s32 $0xFFFFFFFF  }
0xa5: {  	s26 =	simm.s32 $execute0_lowered;
	[smem:$0x3FD2] =	sst s25  }
0xa6: {  	s4 =	sshll.u32 s26, $0x1;
	_ =	strace $0x8000004C;
	[dreg:$0x1] =	wrdreg $0xFFFFFFFF  }
0xa7: {  	s28 =	simm.s32 $_size_execute0_lowered;
	s2 =	sadd.s32 s2, s4;
	[dreg:$0x0] =	wrdreg $0x0  }
0xa8: {  	s4 =	sshll.u32 s28, $0x1;
	[dreg:$0x2] =	wrdreg s2  }
0xa9: {  	[dreg:$0x3] =	wrdreg s4  }
0xaa: {  	[dreg:$0x4] =	wrdreg $0xC0  }
0xab: {  	_ =	task [dreg:s6], $0x5FFFF  }
0xac: {  	[dreg:$0x1] =	wrdreg $0xFFFFFFFF  }
0xad: {  	[dreg:$0x0] =	wrdreg $0x60  }
0xae: {  	[dreg:$0x2] =	wrdreg s24  }
0xaf: {  	[dreg:$0x3] =	wrdreg $0x19F000  }
0xb0: {  	[dreg:$0x4] =	wrdreg $0x150000  }
0xb1: {  	[dreg:$0x5] =	wrdreg $0x9  }
0xb2: {  	_ =	task.clear_ibuf [dreg:s6], $0x6FFFF;
	_ =	strace $0x9000004C  }
0xb3: {  	s29 =	simm.s32 $0x9;
	_ =	strace $0x8000004E  }
0xb4: {  	_ =	swait.ge [sflag:s29], $0x1  }
0xb5: {  	[sflag:s29] =	ssyncadd.s32 $0xFFFFFFFF  }
0xb6: {  	_ =	strace $0x9000004E  }
0xb7: {  	_ =	sfence  }
0xb8: {  	s30 =	sld [smem:$0x0];
	_ =	sdelay $0x2  }
0xb9: {  	s31 =	sshll.u32 s1, $0xD;
	s1 =	sshrl.u32 s1, $0x2  }
0xba: {  	s3 =	sand.u32 $0x4000, s31;
	s1 =	sadd.s32 s1, s30  }
0xbb: {  	s0 =	sor.u32 s3, s0;
	s1 =	sshll.u32 s1, $0x11  }
0xbc: {  	s0 =	sor.u32 s1, s0  }
0xbd: {  	s0 =	sadd.s32 $0x8F2B, s0  }
0xbe: {  	[sflag:s0] =	ssyncadd.remote.s32 $0x1  }
0xbf: {  	_ =	sfence.sel $0xFFFF  }
0xc0: {  	[dreg:$0x0] =	wrdreg $0xFFFFFFFF;
	(pc) =	sbr.abs _section_cstart, $3  }
0xc1: {  	[dreg:$0x1] =	wrdreg $0xFFFFFFFF  }
0xc2: {  	_ =	task.clear_ibuf [dreg:s6], $0x2FFFF;
	_ =	strace $0x9FFFFFFF  }
0xc3: {  	(tm) =	ssettm $0x7FFFFFFF  }
tec
execute0_lowered:
.L_overlay_start_1:
0x0: {  	(tag) =	ssettag $0x1  }
0x1: {  	s0 =	rddreg [dreg:$0x0]  }
0x2: {  	s2 =	rddreg [dreg:$0x1]  }
0x3: {  	s3 =	rddreg [dreg:$0x2]  }
0x4: {  	s12 =	stileid.u32;
	s4 =	simm.s32 $0x0;
	s5 =	srdreg.scid  }
0x5: {  	s14 =	simm.s32 $0x5000;
	s15 =	simm.s32 $0x4;
	s16 =	simm.s32 $0x1  }
0x6: {  	s17 =	simm.s32 $0x2;
	s18 =	simm.s32 $0x3;
	s19 =	simm.s32 $0x400  }
0x7: {  	s20 =	simm.s32 $0xD000;
	s22 =	simm.s32 $0x2000;
	s23 =	simm.s32 $0x4400  }
0x8: {  	s25 =	simm.s32 $0x2400;
	s26 =	simm.s32 $0x4800;
	s1 =	smul.u32 $0x4F00, s12  }
0x9: {  	s28 =	simm.s32 $0x4C00;
	s6 =	smul.u32 $0xA00, s12;
	s5 =	sand.u32 $0x1, s5  }
0xa: {  	s29 =	simm.s32 $0x0;
	[smem:$0x7FF] =	sst s4;
	s7 =	smul.u32 $0x500, s5  }
0xb: {  	_ =	strace $0x8000004D;
	s8 =	smul.u32 $0x9E00, s5;
	s5 =	ssub.s32 $0x2, s5  }
0xc: {  	s21 =	sshrl.u32 s1, $0x3;
	s6 =	sadd.s32 s6, s0;
	s10 =	sshrl.u32 s5, $0x1  }
0xd: {  	s13 =	sadd.s32 s1, s2;
	s9 =	sadd.s32 s21, s0;
	s6 =	sadd.s32 s7, s6  }
0xe: {  	s0 =	sadd.s32 s8, s0;
	s11 =	ssub.s32 s5, s10;
	s7 =	sshll.u32 s12, $0x6  }
0xf: {  	s10 =	sadd.s32 s1, s3;
	s12 =	simm.s32 $0x2800;
	s13 =	sshrl.u32 s13, $0x3  }
0x10: {  	s1 =	simm.s32 $0x1C00;
	s5 =	sadd.s32 $0xAE00, s6;
	s6 =	sadd.s32 $0x14E00, s6  }
0x11: {  	s8 =	sadd.s32 $0x1000, s9;
	s9 =	sor.u32 $0x1C03, s7;
	s0 =	sadd.s32 $0x1EE00, s0  }
0x12: {  	v0 =	vimm.f32 $0.0e+00;
	s11 =	smax.u32 s11, $0x1;
	s24 =	sadd.s32 s21, s0;
	s21 =	simm.s32 $0x4000  }
.LBB2_1:
0x13: {  	[tilespmem:s4], [sflag:$0x1] =	stream.linear.gather [hbm4b:s5+s4], $0x2800, $0x38;
	[tilespmem:$0x1EE00] =	vst v63  }
0x14: {  	s30 =	simm.s32 $0x80;
	s31 =	simm.s32 $0x0  }
0x15: {  	[tilespmem:s12], [sflag:$0x2] =	stream.linear.gather [hbm4b:s6+s4], $0x2800, $0x38;
	[tilespmem:$0x1EE00] =	vst v63  }
0x16: {  	[spmem:s13], [sflag:s9] =	dma.local [hbm:s8], $0x9E0  }
.LBB2_2:
0x17: {  	p0 =	sne.s32 s30, $0x13B80;
	[tilespmem:s31+$0x5000] =	vst v0;
	s0 =	smov.u32 s30;
	s30 =	sadd.s32 $0x80, s30  }
.Ltmp0:
0x18: {  	[tilespmem:s31+$0x5010] =	vst v0;
	(pc) =	sbr.rel @p0 .LBB2_2-.Ltmp0, $2  }
0x19: {  	_ =	sdelay $0x2  }
0x1a: {  	s31 =	sshra.s32 s0, $0x2  }
0x1b: {  	[tilespmem:s31+$0x5000] =	vst v0  }
0x1c: {  	[tilespmem:s31+$0x5010] =	vst v0  }
0x1d: {  	[spmem:s10] =	stream.linear.scatter [tilespmem:s14], [sflag:$0x4], $0x4F00, $0x38;
	[tilespmem:$0x1EE00] =	vst v63  }
0x1e: {  	_ =	swait.ge [sflag:s15], $0x4F00  }
0x1f: {  	[sflag:s15] =	ssyncset.done $0x0  }
0x20: {  	[sflag:s15] =	ssyncadd.s32 $0xFFFFB100  }
0x21: {  	_ =	swait.ge [sflag:s16], $0x2800  }
0x22: {  	[sflag:s16] =	ssyncset.done $0x0  }
0x23: {  	[sflag:s16] =	ssyncadd.s32 $0xFFFFD800  }
0x24: {  	_ =	swait.ge [sflag:s17], $0x2800  }
0x25: {  	[sflag:s17] =	ssyncset.done $0x0  }
0x26: {  	[sflag:s17] =	ssyncadd.s32 $0xFFFFD800  }
0x27: {  	_ =	swait.ge [sflag:s18], $0x9E0  }
0x28: {  	[sflag:s18] =	ssyncset.done $0x0  }
0x29: {  	[sflag:s18] =	ssyncadd.s32 $0xFFFFF620  }
0x2a: {  	[bflag:$0x0] =	sbarrier.arrive $0xFFFF  }
0x2b: {  	[tilespmem:s14], [sflag:$0x1] =	stream.indirect.gather [spmem:s2], $0x20, s4, s19, $0xb8;
	[tilespmem:$0x1EE00] =	vst v63  }
0x2c: {  	_ =	swait.ge [sflag:s16], $0x8000  }
0x2d: {  	[sflag:s16] =	ssyncset.done $0x0  }
0x2e: {  	[sflag:s16] =	ssyncadd.s32 $0xFFFF8000  }
0x2f: {  	[tilespmem:s20], [sflag:$0x2] =	stream.indirect.gather [spmem:s2], $0x20, s19, s19, $0xb8;
	[tilespmem:$0x1EE00] =	vst v63  }
0x30: {  	_ = 	snop  }
0x31: {  	[spmem:s3] =	stream.indirect.scatter.add.f32 [tilespmem:s14], [sflag:$0x4], $0x20, s12, s19, $0xb8;
	[tilespmem:$0x1EE00] =	vst v63  }
0x32: {  	_ =	swait.ge [sflag:s15], $0x8000  }
0x33: {  	[sflag:s15] =	ssyncset.done $0x0  }
0x34: {  	[sflag:s15] =	ssyncadd.s32 $0xFFFF8000  }
0x35: {  	_ =	swait.ge [sflag:s17], $0x8000  }
0x36: {  	[sflag:s17] =	ssyncset.done $0x0  }
0x37: {  	s0 =	simm.s32 $0x800;
	[sflag:s17] =	ssyncadd.s32 $0xFFFF8000  }
0x38: {  	[tilespmem:s14], [sflag:$0x1] =	stream.indirect.gather [spmem:s2], $0x20, s0, s19, $0xb8;
	[tilespmem:$0x1EE00] =	vst v63  }
0x39: {  	s30 =	simm.s32 $0x2C00  }
0x3a: {  	[spmem:s3] =	stream.indirect.scatter.add.f32 [tilespmem:s20], [sflag:$0x4], $0x20, s30, s19, $0xb8;
	[tilespmem:$0x1EE00] =	vst v63  }
0x3b: {  	_ =	swait.ge [sflag:s15], $0x8000  }
0x3c: {  	[sflag:s15] =	ssyncset.done $0x0  }
0x3d: {  	[sflag:s15] =	ssyncadd.s32 $0xFFFF8000  }
0x3e: {  	_ =	swait.ge [sflag:s16], $0x8000  }
0x3f: {  	[sflag:s16] =	ssyncset.done $0x0  }
0x40: {  	s31 =	simm.s32 $0xC00;
	[sflag:s16] =	ssyncadd.s32 $0xFFFF8000  }
0x41: {  	[tilespmem:s20], [sflag:$0x2] =	stream.indirect.gather [spmem:s2], $0x20, s31, s19, $0xb8;
	[tilespmem:$0x1EE00] =	vst v63  }
0x42: {  	s30 =	simm.s32 $0x3000  }
0x43: {  	[spmem:s3] =	stream.indirect.scatter.add.f32 [tilespmem:s14], [sflag:$0x4], $0x20, s30, s19, $0xb8;
	[tilespmem:$0x1EE00] =	vst v63  }
0x44: {  	_ =	swait.ge [sflag:s15], $0x8000  }
0x45: {  	[sflag:s15] =	ssyncset.done $0x0  }
0x46: {  	[sflag:s15] =	ssyncadd.s32 $0xFFFF8000  }
0x47: {  	_ =	swait.ge [sflag:s17], $0x8000  }
0x48: {  	[sflag:s17] =	ssyncset.done $0x0  }
0x49: {  	s31 =	simm.s32 $0x1000;
	[sflag:s17] =	ssyncadd.s32 $0xFFFF8000  }
0x4a: {  	[tilespmem:s14], [sflag:$0x1] =	stream.indirect.gather [spmem:s2], $0x20, s31, s19, $0xb8;
	[tilespmem:$0x1EE00] =	vst v63  }
0x4b: {  	s30 =	simm.s32 $0x3400  }
0x4c: {  	[spmem:s3] =	stream.indirect.scatter.add.f32 [tilespmem:s20], [sflag:$0x4], $0x20, s30, s19, $0xb8;
	[tilespmem:$0x1EE00] =	vst v63  }
0x4d: {  	_ =	swait.ge [sflag:s15], $0x8000  }
0x4e: {  	[sflag:s15] =	ssyncset.done $0x0  }
0x4f: {  	[sflag:s15] =	ssyncadd.s32 $0xFFFF8000  }
0x50: {  	_ =	swait.ge [sflag:s16], $0x8000  }
0x51: {  	[sflag:s16] =	ssyncset.done $0x0  }
0x52: {  	s31 =	simm.s32 $0x1400;
	[sflag:s16] =	ssyncadd.s32 $0xFFFF8000  }
0x53: {  	[tilespmem:s20], [sflag:$0x2] =	stream.indirect.gather [spmem:s2], $0x20, s31, s19, $0xb8;
	[tilespmem:$0x1EE00] =	vst v63  }
0x54: {  	s30 =	simm.s32 $0x3800  }
0x55: {  	[spmem:s3] =	stream.indirect.scatter.add.f32 [tilespmem:s14], [sflag:$0x4], $0x20, s30, s19, $0xb8;
	[tilespmem:$0x1EE00] =	vst v63  }
0x56: {  	_ =	swait.ge [sflag:s15], $0x8000  }
0x57: {  	[sflag:s15] =	ssyncset.done $0x0  }
0x58: {  	[sflag:s15] =	ssyncadd.s32 $0xFFFF8000  }
0x59: {  	_ =	swait.ge [sflag:s17], $0x8000  }
0x5a: {  	[sflag:s17] =	ssyncset.done $0x0  }
0x5b: {  	s31 =	simm.s32 $0x1800;
	[sflag:s17] =	ssyncadd.s32 $0xFFFF8000  }
0x5c: {  	[tilespmem:s14], [sflag:$0x1] =	stream.indirect.gather [spmem:s2], $0x20, s31, s19, $0xb8;
	[tilespmem:$0x1EE00] =	vst v63  }
0x5d: {  	s30 =	simm.s32 $0x3C00  }
0x5e: {  	[spmem:s3] =	stream.indirect.scatter.add.f32 [tilespmem:s20], [sflag:$0x4], $0x20, s30, s19, $0xb8;
	[tilespmem:$0x1EE00] =	vst v63  }
0x5f: {  	_ =	swait.ge [sflag:s15], $0x8000  }
0x60: {  	[sflag:s15] =	ssyncset.done $0x0  }
0x61: {  	[sflag:s15] =	ssyncadd.s32 $0xFFFF8000  }
0x62: {  	_ =	swait.ge [sflag:s16], $0x8000  }
0x63: {  	[sflag:s16] =	ssyncset.done $0x0  }
0x64: {  	[sflag:s16] =	ssyncadd.s32 $0xFFFF8000  }
0x65: {  	[tilespmem:s20], [sflag:$0x2] =	stream.indirect.gather [spmem:s2], $0x20, s1, s19, $0xb8;
	[tilespmem:$0x1EE00] =	vst v63  }
0x66: {  	_ = 	snop  }
0x67: {  	[spmem:s3] =	stream.indirect.scatter.add.f32 [tilespmem:s14], [sflag:$0x4], $0x20, s21, s19, $0xb8;
	[tilespmem:$0x1EE00] =	vst v63  }
0x68: {  	_ =	swait.ge [sflag:s15], $0x8000  }
0x69: {  	[sflag:s15] =	ssyncset.done $0x0  }
0x6a: {  	[sflag:s15] =	ssyncadd.s32 $0xFFFF8000  }
0x6b: {  	_ =	swait.ge [sflag:s17], $0x8000  }
0x6c: {  	[sflag:s17] =	ssyncset.done $0x0  }
0x6d: {  	[sflag:s17] =	ssyncadd.s32 $0xFFFF8000  }
0x6e: {  	[tilespmem:s14], [sflag:$0x1] =	stream.indirect.gather [spmem:s2], $0x20, s22, s19, $0xb8;
	[tilespmem:$0x1EE00] =	vst v63  }
0x6f: {  	_ = 	snop  }
0x70: {  	[spmem:s3] =	stream.indirect.scatter.add.f32 [tilespmem:s20], [sflag:$0x4], $0x20, s23, s19, $0xb8;
	[tilespmem:$0x1EE00] =	vst v63  }
0x71: {  	_ =	swait.ge [sflag:s15], $0x8000  }
0x72: {  	[sflag:s15] =	ssyncset.done $0x0  }
0x73: {  	[sflag:s15] =	ssyncadd.s32 $0xFFFF8000  }
0x74: {  	_ =	swait.ge [sflag:s16], $0x8000  }
0x75: {  	[sflag:s16] =	ssyncset.done $0x0  }
0x76: {  	[sflag:s16] =	ssyncadd.s32 $0xFFFF8000  }
0x77: {  	[tilespmem:s20], [sflag:$0x2] =	stream.indirect.gather [spmem:s2], $0x20, s25, s19, $0xb8;
	[tilespmem:$0x1EE00] =	vst v63  }
0x78: {  	_ = 	snop  }
0x79: {  	[spmem:s3] =	stream.indirect.scatter.add.f32 [tilespmem:s14], [sflag:$0x4], $0x20, s26, s19, $0xb8;
	[tilespmem:$0x1EE00] =	vst v63  }
0x7a: {  	_ =	swait.ge [sflag:s15], $0x8000  }
0x7b: {  	[sflag:s15] =	ssyncset.done $0x0  }
0x7c: {  	[sflag:s15] =	ssyncadd.s32 $0xFFFF8000  }
0x7d: {  	_ =	swait.ge [sflag:s17], $0x8000  }
0x7e: {  	[sflag:s17] =	ssyncset.done $0x0  }
0x7f: {  	[sflag:s17] =	ssyncadd.s32 $0xFFFF8000  }
0x80: {  	[spmem:s3] =	stream.indirect.scatter.add.f32 [tilespmem:s20], [sflag:$0x4], $0x20, s28, s19, $0xb8;
	[tilespmem:$0x1EE00] =	vst v63  }
0x81: {  	_ =	swait.ge [sflag:s15], $0x8000  }
0x82: {  	s29 =	sadd.s32 $0x1, s29;
	[sflag:s15] =	ssyncset.done $0x0  }
0x83: {  	p0 =	sne.s32 s29, s11;
	s31 =	sor.u32 $0x1C04, s7;
	[sflag:s15] =	ssyncadd.s32 $0xFFFF8000  }
.Ltmp1:
0x84: {  	s30 =	sshrl.u32 s10, $0x3;
	[bflag:$0x0] =	sbarrier.arrive $0xFFFF;
	(pc) =	sbr.rel @p0 .LBB2_1-.Ltmp1, $4  }
0x85: {  	[hbm:s24], [sflag:s31] =	dma.local [spmem:s30], $0x9E0  }
0x86: {  	_ =	swait.ge [sflag:s15], $0x9E0  }
0x87: {  	[sflag:s15] =	ssyncset.done $0x0  }
0x88: {  	[sflag:s15] =	ssyncadd.s32 $0xFFFFF620  }
0x89: {  	_ =	sfence.sel $0x180000  }
0x8a: {  	[bflag:$0x0] =	sbarrier.arrive $0xFFFF  }
0x8b: {  	_ =	strace $0x9000004D  }
0x8c: {  	s0 =	stileid.u32;
	[bflag:$0x2] =	sbarrier.arrive $0xFFFF  }
0x8d: {  	p0 =	sne.s32 s0, $0x0;
	s0 =	rddreg [dreg:$0x3]  }
0x8e: {  	s0 =	sadd.s32 @!p0 $0x100000, s0  }
0x8f: {  	[sflag:s0] =	ssyncadd.tile.s32 @!p0 $0x1;
	_ =	shalt  }
.Lfunc_end2:
_tile_overlayer_lowered:
.L_overlay_start_2:
0x90: {  	(tag) =	ssettag $0x2  }
0x91: {  	s0 =	rddreg [dreg:$0x0];
	s2 =	stileid.u32  }
0x92: {  	s1 =	rddreg [dreg:$0x1];
	p0 =	sne.s32 s2, $0x0  }
0x93: {  	s3 =	rddreg [dreg:$0x2];
	[bflag:$0x3] =	sbarrier.arrive $0xFFFF;
	s2 =	simm.s32 @!p0 $0x1C04  }
0x94: {  	[timem:s3], [sflag:s2] =	dma.local @!p0 [hbm:s0], s1  }
0x95: {  	s0 =	simm.s32 @!p0 $0x4  }
0x96: {  	_ =	swait.ge @!p0 [sflag:s0], s1  }
0x97: {  	s1 =	ssub.s32 @!p0 $0x0, s1;
	[sflag:s0] =	ssyncset.done @!p0 $0x0  }
0x98: {  	[sflag:s0] =	ssyncadd.s32 @!p0 s1  }
0x99: {  	[bflag:$0x3] =	sbarrier.arrive $0xFFFF  }
0x9a: {  	_ =	shalt  }

// kernel: kernel.9.cloned.1.call-start
scs
__scs_entry_jumppad:
0x0: {  	(pc) =	sbr.rel $0x88, $3  }
0x1: {  	(tag) =	ssettag $0x0;
	lr =	simm.s32 $0x1  }
0x2: {  	[smem:$0x3F97] =	sst lr;
	_ =	strace $0xD0000000  }
0x3: {  	_ = 	snop  }
0x4: {  	_ = 	snop  }
0x5: {  	_ = 	snop  }
0x6: {  	_ = 	snop  }
0x7: {  	_ = 	snop  }
__scs_overlays_trampoline_lowered:
0x8: {  	[smem:$0x3FA6] =	sst s0  }
0x9: {  	[smem:$0x3FA7] =	sst s1  }
0xa: {  	[smem:$0x3FA8] =	sst s2  }
0xb: {  	[smem:$0x3FA9] =	sst s3  }
0xc: {  	[smem:$0x3FAA] =	sst s4  }
0xd: {  	[smem:$0x3FAB] =	sst s5  }
0xe: {  	[smem:$0x3FAC] =	sst s6  }
0xf: {  	[smem:$0x3FAD] =	sst s7  }
0x10: {  	[smem:$0x3FAE] =	sst s8  }
0x11: {  	[smem:$0x3FAF] =	sst s9;
	s0 =	simm.s32 @!p0 $0x0  }
0x12: {  	s1 =	sld [smem:$0x3F95];
	s0 =	simm.s32 @p0 $0x1  }
0x13: {  	[smem:$0x3FB0] =	sst s0;
	s0 =	simm.s32 @!p1 $0x0  }
0x14: {  	s2 =	sld [smem:$0x3F94];
	s0 =	simm.s32 @p1 $0x1  }
0x15: {  	[smem:$0x3FB1] =	sst s0;
	s0 =	simm.s32 @!p2 $0x0  }
0x16: {  	s3 =	sld [smem:$0x3FDB];
	s0 =	simm.s32 @p2 $0x1  }
0x17: {  	s4 =	simm.s32 $0x1BF5;
	[smem:$0x3FB3] =	sst s0  }
0x18: {  	s0 =	sld [smem:$0x3F96];
	_ =	swait.ge [sflag:s4], $0x0  }
0x19: {  	s7 =	sld [smem:$0x3F97]  }
0x1a: {  	s8 =	sadd.s32 $0xFFFFE003, lr  }
0x1b: {  	s9 =	sadd.s32 $0xFFFFFEF7, lr;
	s5 =	simm.s32 $0xFFFFFFFF;
	p2 =	slt.u32 s8, $0xFFFFF086  }
0x1c: {  	p1 =	slt.u32 s9, $0xF7A;
	s5 =	simm.s32 @!p2 $0x0  }
0x1d: {  	s5 =	simm.s32 @p1 $0x1;
	p0 =	seq.s32 s7, s2  }
0x1e: {  	s7 =	smul.u32 @!p0 $0xF7A, s2;
	p2 =	seq.s32 @!p0 s5, $0x0  }
0x1f: {  	s9 =	smul.u32 $0xF7A, s1;
	s8 =	simm.s32 @!p0 $0x1BF5;
	p2 =	por !p2, p0  }
0x20: {  	[sflag:s8] =	ssyncset.s32 @!p0 $0xFFFFF086;
	s6 =	sadd.s32 @!p0 s3, s7;
	s7 =	simm.s32 @!p0 $0x108  }
0x21: {  	s3 =	sadd.s32 s3, s9;
	s6 =	sadd.s32 @!p0 $0x88, s6;
	s7 =	simm.s32 @p2 $0x1082  }
0x22: {  	[simem:s7], [sflag:s8] =	dma.local @!p0 [hbm:s6], $0xF7A  }
0x23: {  	s9 =	sor.u32 $0xD0000000, s2;
	s6 =	simm.s32 $0x108;
	_ =	swait.ge @!p0 [sflag:s8], $0x0  }
0x24: {  	s3 =	sadd.s32 $0x88, s3;
	s6 =	simm.s32 @!p1 $0x1082;
	[sflag:s4] =	ssyncset.s32 $0xFFFFF086  }
0x25: {  	[simem:s6], [sflag:s4] =	dma.local [hbm:s3], $0xF7A  }
0x26: {  	[smem:$0x3F97] =	sst s1;
	(tag) =	ssettag s2;
	_ =	strace s9  }
0x27: {  	s1 =	sld [smem:$0x3FA7]  }
0x28: {  	s2 =	sld [smem:$0x3FA8]  }
0x29: {  	s4 =	sld [smem:$0x3FAA]  }
0x2a: {  	p0 =	seq.s32 s5, $0x0;
	s5 =	sld [smem:$0x3FAB]  }
0x2b: {  	s6 =	sld [smem:$0x3FAC]  }
0x2c: {  	s7 =	sld [smem:$0x3FAD]  }
0x2d: {  	s3 =	simm.s32 $0x108;
	s8 =	sld [smem:$0x3FAE]  }
0x2e: {  	s3 =	simm.s32 @!p0 $0x1082;
	s9 =	sld [smem:$0x3FAF]  }
0x2f: {  	lr =	sadd.s32 s0, s3;
	s0 =	sld [smem:$0x3FA6]  }
0x30: {  	s3 =	sld [smem:$0x3FA9]  }
0x31: {  	[smem:$0x3FB2] =	sst s10  }
0x32: {  	s10 =	sld [smem:$0x3FB0];
	_ =	sdelay $0x3  }
0x33: {  	p0 =	seq.s32 s10, $0x1;
	s10 =	sld [smem:$0x3FB2];
	_ =	sdelay $0x3  }
0x34: {  	[smem:$0x3FB2] =	sst s10  }
0x35: {  	s10 =	sld [smem:$0x3FB1];
	_ =	sdelay $0x3  }
0x36: {  	p1 =	seq.s32 s10, $0x1;
	s10 =	sld [smem:$0x3FB2];
	_ =	sdelay $0x3  }
0x37: {  	[smem:$0x3FB2] =	sst s10  }
0x38: {  	s10 =	sld [smem:$0x3FB3]  }
0x39: {  	_ = 	snop;
	(pc) =	sbr.ind lr, $3  }
0x3a: {  	_ = 	snop  }
0x3b: {  	_ = 	snop  }
0x3c: {  	p2 =	seq.s32 s10, $0x1;
	s10 =	sld [smem:$0x3FB2]  }
0x3d: {  	_ =	shalt  }
0x3e: {  	_ =	shalt  }
0x3f: {  	_ =	shalt  }
0x40: {  	_ =	shalt  }
0x41: {  	_ =	shalt  }
0x42: {  	_ =	shalt  }
0x43: {  	_ =	shalt  }
0x44: {  	_ =	shalt  }
0x45: {  	_ =	shalt  }
0x46: {  	_ =	shalt  }
0x47: {  	_ =	shalt  }
0x48: {  	_ =	shalt  }
0x49: {  	_ =	shalt  }
0x4a: {  	_ =	shalt  }
0x4b: {  	_ =	shalt  }
0x4c: {  	_ =	shalt  }
0x4d: {  	_ =	shalt  }
0x4e: {  	_ =	shalt  }
0x4f: {  	_ =	shalt  }
0x50: {  	_ =	shalt  }
0x51: {  	_ =	shalt  }
0x52: {  	_ =	shalt  }
0x53: {  	_ =	shalt  }
0x54: {  	_ =	shalt  }
0x55: {  	_ =	shalt  }
0x56: {  	_ =	shalt  }
0x57: {  	_ =	shalt  }
0x58: {  	_ =	shalt  }
0x59: {  	_ =	shalt  }
0x5a: {  	_ =	shalt  }
0x5b: {  	_ =	shalt  }
0x5c: {  	_ =	shalt  }
0x5d: {  	_ =	shalt  }
0x5e: {  	_ =	shalt  }
0x5f: {  	_ =	shalt  }
0x60: {  	_ =	shalt  }
0x61: {  	_ =	shalt  }
0x62: {  	_ =	shalt  }
0x63: {  	_ =	shalt  }
0x64: {  	_ =	shalt  }
0x65: {  	_ =	shalt  }
0x66: {  	_ =	shalt  }
0x67: {  	_ =	shalt  }
0x68: {  	_ =	shalt  }
0x69: {  	_ =	shalt  }
0x6a: {  	_ =	shalt  }
0x6b: {  	_ =	shalt  }
0x6c: {  	_ =	shalt  }
0x6d: {  	_ =	shalt  }
0x6e: {  	_ =	shalt  }
0x6f: {  	_ =	shalt  }
0x70: {  	_ =	shalt  }
0x71: {  	_ =	shalt  }
0x72: {  	_ =	shalt  }
0x73: {  	_ =	shalt  }
0x74: {  	_ =	shalt  }
0x75: {  	_ =	shalt  }
0x76: {  	_ =	shalt  }
0x77: {  	_ =	shalt  }
0x78: {  	_ =	shalt  }
0x79: {  	_ =	shalt  }
0x7a: {  	_ =	shalt  }
0x7b: {  	_ =	shalt  }
0x7c: {  	_ =	shalt  }
0x7d: {  	_ =	shalt  }
0x7e: {  	_ =	shalt  }
0x7f: {  	_ =	shalt  }
0x80: {  	_ =	shalt  }
0x81: {  	_ =	shalt  }
0x82: {  	_ =	shalt  }
0x83: {  	_ =	shalt  }
0x84: {  	_ =	shalt  }
0x85: {  	_ =	shalt  }
0x86: {  	_ =	shalt  }
0x87: {  	_ =	shalt  }
.Lfunc_end0:
.L_simem_size_0:
called_computation_lowered:
.L_overlay_start_0:
0x88: {  	s2 =	sld [smem:$0x3FD9]  }
0x89: {  	s3 =	sld [smem:$0x3FFE];
	_ =	sdelay $0x1  }
0x8a: {  	s1 =	srdreg.scid  }
0x8b: {  	s0 =	sand.u32 $0x1, s1  }
0x8c: {  	s16 =	sshll.u32 s0, $0xA;
	s2 =	sadd.s32 s3, s2  }
0x8d: {  	s2 =	sadd.s32 s2, s16  }
0x8e: {  	[smem:$0x3FBE] =	sst s2  }
0x8f: {  	_ = 	snop  }
0x90: {  	(tm) =	ssettm $0x1  }
0x91: {  	s17 =	sld [smem:$0x3FFB];
	_ =	sdelay $0x3  }
0x92: {  	_ =	strace s17  }
0x93: {  	s2 =	sld [smem:$0x3FFC];
	_ =	sdelay $0x3  }
0x94: {  	_ =	strace s2  }
0x95: {  	s2 =	sld [smem:$0x3FFD];
	_ =	sdelay $0x3  }
0x96: {  	_ =	strace s2  }
0x97: {  	_ =	strace $0x8FFFFFFF  }
0x98: {  	s18 =	sld [smem:$0x3FDB];
	_ =	sdelay $0x1  }
0x99: {  	s19 =	simm.s32 $_scs_section_size  }
0x9a: {  	s4 =	simm.s32 $_size__tile_overlayer_lowered;
	s5 =	simm.s32 $_tile_overlayer_lowered  }
0x9b: {  	s22 =	simm.s32 $0x1BFF;
	s21 =	sshll.u32 s5, $0x1;
	s2 =	sadd.s32 s19, s18  }
0x9c: {  	s6 =	simm.s32 $0x0;
	s20 =	sshll.u32 s4, $0x1;
	s4 =	sadd.s32 s21, s2  }
0x9d: {  	[timem:s6], [sflag:s22] =	dma.local [hbm:s4], s20  }
0x9e: {  	_ =	swait.ge [sflag:s22], s20  }
0x9f: {  	s3 =	ssub.s32 $0x0, s20;
	[sflag:s22] =	ssyncset.done $0x0  }
0xa0: {  	[sflag:s22] =	ssyncadd.s32 s3;
	_ =	sdelay $0x1  }
0xa1: {  	s23 =	simm.s32 $0x1B8B  }
0xa2: {  	_ =	swait.ge [sflag:s23], $0x1  }
0xa3: {  	[sflag:s23] =	ssyncset.done $0x0  }
0xa4: {  	s25 =	simm.s32 $0x1B8E;
	s24 =	sld [smem:$0x3FFE];
	[sflag:s23] =	ssyncadd.s32 $0xFFFFFFFF  }
0xa5: {  	s26 =	simm.s32 $execute0_lowered;
	[smem:$0x3FD2] =	sst s25  }
0xa6: {  	s4 =	sshll.u32 s26, $0x1;
	_ =	strace $0x80000046;
	[dreg:$0x1] =	wrdreg $0xFFFFFFFF  }
0xa7: {  	s28 =	simm.s32 $_size_execute0_lowered;
	s2 =	sadd.s32 s2, s4;
	[dreg:$0x0] =	wrdreg $0x0  }
0xa8: {  	s4 =	sshll.u32 s28, $0x1;
	[dreg:$0x2] =	wrdreg s2  }
0xa9: {  	[dreg:$0x3] =	wrdreg s4  }
0xaa: {  	[dreg:$0x4] =	wrdreg $0xC0  }
0xab: {  	_ =	task [dreg:s6], $0x5FFFF  }
0xac: {  	[dreg:$0x1] =	wrdreg $0xFFFFFFFF  }
0xad: {  	[dreg:$0x0] =	wrdreg $0x60  }
0xae: {  	[dreg:$0x2] =	wrdreg s24  }
0xaf: {  	[dreg:$0x3] =	wrdreg $0x19F000  }
0xb0: {  	[dreg:$0x4] =	wrdreg $0x150000  }
0xb1: {  	[dreg:$0x5] =	wrdreg $0x9  }
0xb2: {  	_ =	task.clear_ibuf [dreg:s6], $0x6FFFF;
	_ =	strace $0x90000046  }
0xb3: {  	s29 =	simm.s32 $0x9;
	_ =	strace $0x80000048  }
0xb4: {  	_ =	swait.ge [sflag:s29], $0x1  }
0xb5: {  	[sflag:s29] =	ssyncadd.s32 $0xFFFFFFFF  }
0xb6: {  	_ =	strace $0x90000048  }
0xb7: {  	_ =	sfence  }
0xb8: {  	s30 =	sld [smem:$0x0];
	_ =	sdelay $0x2  }
0xb9: {  	s31 =	sshll.u32 s1, $0xD;
	s1 =	sshrl.u32 s1, $0x2  }
0xba: {  	s3 =	sand.u32 $0x4000, s31;
	s1 =	sadd.s32 s1, s30  }
0xbb: {  	s0 =	sor.u32 s3, s0;
	s1 =	sshll.u32 s1, $0x11  }
0xbc: {  	s0 =	sor.u32 s1, s0  }
0xbd: {  	s0 =	sadd.s32 $0x8F2B, s0  }
0xbe: {  	[sflag:s0] =	ssyncadd.remote.s32 $0x1  }
0xbf: {  	_ =	sfence.sel $0xFFFF  }
0xc0: {  	[dreg:$0x0] =	wrdreg $0xFFFFFFFF;
	(pc) =	sbr.abs _section_cstart, $3  }
0xc1: {  	[dreg:$0x1] =	wrdreg $0xFFFFFFFF  }
0xc2: {  	_ =	task.clear_ibuf [dreg:s6], $0x2FFFF;
	_ =	strace $0x9FFFFFFF  }
0xc3: {  	(tm) =	ssettm $0x7FFFFFFF  }
tec
execute0_lowered:
.L_overlay_start_1:
0x0: {  	(tag) =	ssettag $0x1  }
0x1: {  	s0 =	rddreg [dreg:$0x0]  }
0x2: {  	s2 =	rddreg [dreg:$0x1]  }
0x3: {  	s3 =	rddreg [dreg:$0x2]  }
0x4: {  	s12 =	stileid.u32;
	s4 =	simm.s32 $0x0;
	s5 =	srdreg.scid  }
0x5: {  	s14 =	simm.s32 $0x5000;
	s15 =	simm.s32 $0x4;
	s16 =	simm.s32 $0x1  }
0x6: {  	s17 =	simm.s32 $0x2;
	s18 =	simm.s32 $0x3;
	s19 =	simm.s32 $0x400  }
0x7: {  	s20 =	simm.s32 $0xD000;
	s22 =	simm.s32 $0x2000;
	s23 =	simm.s32 $0x4400  }
0x8: {  	s25 =	simm.s32 $0x2400;
	s26 =	simm.s32 $0x4800;
	s1 =	smul.u32 $0x4F00, s12  }
0x9: {  	s28 =	simm.s32 $0x4C00;
	s6 =	smul.u32 $0xA00, s12;
	s5 =	sand.u32 $0x1, s5  }
0xa: {  	s29 =	simm.s32 $0x0;
	[smem:$0x7FF] =	sst s4;
	s7 =	smul.u32 $0x500, s5  }
0xb: {  	_ =	strace $0x80000047;
	s8 =	smul.u32 $0x9E00, s5;
	s5 =	ssub.s32 $0x2, s5  }
0xc: {  	s21 =	sshrl.u32 s1, $0x3;
	s6 =	sadd.s32 s6, s0;
	s10 =	sshrl.u32 s5, $0x1  }
0xd: {  	s13 =	sadd.s32 s1, s2;
	s9 =	sadd.s32 s21, s0;
	s6 =	sadd.s32 s7, s6  }
0xe: {  	s0 =	sadd.s32 s8, s0;
	s11 =	ssub.s32 s5, s10;
	s7 =	sshll.u32 s12, $0x6  }
0xf: {  	s10 =	sadd.s32 s1, s3;
	s12 =	simm.s32 $0x2800;
	s13 =	sshrl.u32 s13, $0x3  }
0x10: {  	s1 =	simm.s32 $0x1C00;
	s5 =	sadd.s32 $0xAE00, s6;
	s6 =	sadd.s32 $0x14E00, s6  }
0x11: {  	s8 =	sadd.s32 $0x1000, s9;
	s9 =	sor.u32 $0x1C03, s7;
	s0 =	sadd.s32 $0x1EE00, s0  }
0x12: {  	v0 =	vimm.f32 $0.0e+00;
	s11 =	smax.u32 s11, $0x1;
	s24 =	sadd.s32 s21, s0;
	s21 =	simm.s32 $0x4000  }
.LBB2_1:
0x13: {  	[tilespmem:s4], [sflag:$0x1] =	stream.linear.gather [hbm4b:s5+s4], $0x2800, $0x38;
	[tilespmem:$0x1EE00] =	vst v63  }
0x14: {  	s30 =	simm.s32 $0x80;
	s31 =	simm.s32 $0x0  }
0x15: {  	[tilespmem:s12], [sflag:$0x2] =	stream.linear.gather [hbm4b:s6+s4], $0x2800, $0x38;
	[tilespmem:$0x1EE00] =	vst v63  }
0x16: {  	[spmem:s13], [sflag:s9] =	dma.local [hbm:s8], $0x9E0  }
.LBB2_2:
0x17: {  	p0 =	sne.s32 s30, $0x13B80;
	[tilespmem:s31+$0x5000] =	vst v0;
	s0 =	smov.u32 s30;
	s30 =	sadd.s32 $0x80, s30  }
.Ltmp0:
0x18: {  	[tilespmem:s31+$0x5010] =	vst v0;
	(pc) =	sbr.rel @p0 .LBB2_2-.Ltmp0, $2  }
0x19: {  	_ =	sdelay $0x2  }
0x1a: {  	s31 =	sshra.s32 s0, $0x2  }
0x1b: {  	[tilespmem:s31+$0x5000] =	vst v0  }
0x1c: {  	[tilespmem:s31+$0x5010] =	vst v0  }
0x1d: {  	[spmem:s10] =	stream.linear.scatter [tilespmem:s14], [sflag:$0x4], $0x4F00, $0x38;
	[tilespmem:$0x1EE00] =	vst v63  }
0x1e: {  	_ =	swait.ge [sflag:s15], $0x4F00  }
0x1f: {  	[sflag:s15] =	ssyncset.done $0x0  }
0x20: {  	[sflag:s15] =	ssyncadd.s32 $0xFFFFB100  }
0x21: {  	_ =	swait.ge [sflag:s16], $0x2800  }
0x22: {  	[sflag:s16] =	ssyncset.done $0x0  }
0x23: {  	[sflag:s16] =	ssyncadd.s32 $0xFFFFD800  }
0x24: {  	_ =	swait.ge [sflag:s17], $0x2800  }
0x25: {  	[sflag:s17] =	ssyncset.done $0x0  }
0x26: {  	[sflag:s17] =	ssyncadd.s32 $0xFFFFD800  }
0x27: {  	_ =	swait.ge [sflag:s18], $0x9E0  }
0x28: {  	[sflag:s18] =	ssyncset.done $0x0  }
0x29: {  	[sflag:s18] =	ssyncadd.s32 $0xFFFFF620  }
0x2a: {  	[bflag:$0x0] =	sbarrier.arrive $0xFFFF  }
0x2b: {  	[tilespmem:s14], [sflag:$0x1] =	stream.indirect.gather [spmem:s2], $0x20, s4, s19, $0xb8;
	[tilespmem:$0x1EE00] =	vst v63  }
0x2c: {  	_ =	swait.ge [sflag:s16], $0x8000  }
0x2d: {  	[sflag:s16] =	ssyncset.done $0x0  }
0x2e: {  	[sflag:s16] =	ssyncadd.s32 $0xFFFF8000  }
0x2f: {  	[tilespmem:s20], [sflag:$0x2] =	stream.indirect.gather [spmem:s2], $0x20, s19, s19, $0xb8;
	[tilespmem:$0x1EE00] =	vst v63  }
0x30: {  	_ = 	snop  }
0x31: {  	[spmem:s3] =	stream.indirect.scatter.add.f32 [tilespmem:s14], [sflag:$0x4], $0x20, s12, s19, $0xb8;
	[tilespmem:$0x1EE00] =	vst v63  }
0x32: {  	_ =	swait.ge [sflag:s15], $0x8000  }
0x33: {  	[sflag:s15] =	ssyncset.done $0x0  }
0x34: {  	[sflag:s15] =	ssyncadd.s32 $0xFFFF8000  }
0x35: {  	_ =	swait.ge [sflag:s17], $0x8000  }
0x36: {  	[sflag:s17] =	ssyncset.done $0x0  }
0x37: {  	s0 =	simm.s32 $0x800;
	[sflag:s17] =	ssyncadd.s32 $0xFFFF8000  }
0x38: {  	[tilespmem:s14], [sflag:$0x1] =	stream.indirect.gather [spmem:s2], $0x20, s0, s19, $0xb8;
	[tilespmem:$0x1EE00] =	vst v63  }
0x39: {  	s30 =	simm.s32 $0x2C00  }
0x3a: {  	[spmem:s3] =	stream.indirect.scatter.add.f32 [tilespmem:s20], [sflag:$0x4], $0x20, s30, s19, $0xb8;
	[tilespmem:$0x1EE00] =	vst v63  }
0x3b: {  	_ =	swait.ge [sflag:s15], $0x8000  }
0x3c: {  	[sflag:s15] =	ssyncset.done $0x0  }
0x3d: {  	[sflag:s15] =	ssyncadd.s32 $0xFFFF8000  }
0x3e: {  	_ =	swait.ge [sflag:s16], $0x8000  }
0x3f: {  	[sflag:s16] =	ssyncset.done $0x0  }
0x40: {  	s31 =	simm.s32 $0xC00;
	[sflag:s16] =	ssyncadd.s32 $0xFFFF8000  }
0x41: {  	[tilespmem:s20], [sflag:$0x2] =	stream.indirect.gather [spmem:s2], $0x20, s31, s19, $0xb8;
	[tilespmem:$0x1EE00] =	vst v63  }
0x42: {  	s30 =	simm.s32 $0x3000  }
0x43: {  	[spmem:s3] =	stream.indirect.scatter.add.f32 [tilespmem:s14], [sflag:$0x4], $0x20, s30, s19, $0xb8;
	[tilespmem:$0x1EE00] =	vst v63  }
0x44: {  	_ =	swait.ge [sflag:s15], $0x8000  }
0x45: {  	[sflag:s15] =	ssyncset.done $0x0  }
0x46: {  	[sflag:s15] =	ssyncadd.s32 $0xFFFF8000  }
0x47: {  	_ =	swait.ge [sflag:s17], $0x8000  }
0x48: {  	[sflag:s17] =	ssyncset.done $0x0  }
0x49: {  	s31 =	simm.s32 $0x1000;
	[sflag:s17] =	ssyncadd.s32 $0xFFFF8000  }
0x4a: {  	[tilespmem:s14], [sflag:$0x1] =	stream.indirect.gather [spmem:s2], $0x20, s31, s19, $0xb8;
	[tilespmem:$0x1EE00] =	vst v63  }
0x4b: {  	s30 =	simm.s32 $0x3400  }
0x4c: {  	[spmem:s3] =	stream.indirect.scatter.add.f32 [tilespmem:s20], [sflag:$0x4], $0x20, s30, s19, $0xb8;
	[tilespmem:$0x1EE00] =	vst v63  }
0x4d: {  	_ =	swait.ge [sflag:s15], $0x8000  }
0x4e: {  	[sflag:s15] =	ssyncset.done $0x0  }
0x4f: {  	[sflag:s15] =	ssyncadd.s32 $0xFFFF8000  }
0x50: {  	_ =	swait.ge [sflag:s16], $0x8000  }
0x51: {  	[sflag:s16] =	ssyncset.done $0x0  }
0x52: {  	s31 =	simm.s32 $0x1400;
	[sflag:s16] =	ssyncadd.s32 $0xFFFF8000  }
0x53: {  	[tilespmem:s20], [sflag:$0x2] =	stream.indirect.gather [spmem:s2], $0x20, s31, s19, $0xb8;
	[tilespmem:$0x1EE00] =	vst v63  }
0x54: {  	s30 =	simm.s32 $0x3800  }
0x55: {  	[spmem:s3] =	stream.indirect.scatter.add.f32 [tilespmem:s14], [sflag:$0x4], $0x20, s30, s19, $0xb8;
	[tilespmem:$0x1EE00] =	vst v63  }
0x56: {  	_ =	swait.ge [sflag:s15], $0x8000  }
0x57: {  	[sflag:s15] =	ssyncset.done $0x0  }
0x58: {  	[sflag:s15] =	ssyncadd.s32 $0xFFFF8000  }
0x59: {  	_ =	swait.ge [sflag:s17], $0x8000  }
0x5a: {  	[sflag:s17] =	ssyncset.done $0x0  }
0x5b: {  	s31 =	simm.s32 $0x1800;
	[sflag:s17] =	ssyncadd.s32 $0xFFFF8000  }
0x5c: {  	[tilespmem:s14], [sflag:$0x1] =	stream.indirect.gather [spmem:s2], $0x20, s31, s19, $0xb8;
	[tilespmem:$0x1EE00] =	vst v63  }
0x5d: {  	s30 =	simm.s32 $0x3C00  }
0x5e: {  	[spmem:s3] =	stream.indirect.scatter.add.f32 [tilespmem:s20], [sflag:$0x4], $0x20, s30, s19, $0xb8;
	[tilespmem:$0x1EE00] =	vst v63  }
0x5f: {  	_ =	swait.ge [sflag:s15], $0x8000  }
0x60: {  	[sflag:s15] =	ssyncset.done $0x0  }
0x61: {  	[sflag:s15] =	ssyncadd.s32 $0xFFFF8000  }
0x62: {  	_ =	swait.ge [sflag:s16], $0x8000  }
0x63: {  	[sflag:s16] =	ssyncset.done $0x0  }
0x64: {  	[sflag:s16] =	ssyncadd.s32 $0xFFFF8000  }
0x65: {  	[tilespmem:s20], [sflag:$0x2] =	stream.indirect.gather [spmem:s2], $0x20, s1, s19, $0xb8;
	[tilespmem:$0x1EE00] =	vst v63  }
0x66: {  	_ = 	snop  }
0x67: {  	[spmem:s3] =	stream.indirect.scatter.add.f32 [tilespmem:s14], [sflag:$0x4], $0x20, s21, s19, $0xb8;
	[tilespmem:$0x1EE00] =	vst v63  }
0x68: {  	_ =	swait.ge [sflag:s15], $0x8000  }
0x69: {  	[sflag:s15] =	ssyncset.done $0x0  }
0x6a: {  	[sflag:s15] =	ssyncadd.s32 $0xFFFF8000  }
0x6b: {  	_ =	swait.ge [sflag:s17], $0x8000  }
0x6c: {  	[sflag:s17] =	ssyncset.done $0x0  }
0x6d: {  	[sflag:s17] =	ssyncadd.s32 $0xFFFF8000  }
0x6e: {  	[tilespmem:s14], [sflag:$0x1] =	stream.indirect.gather [spmem:s2], $0x20, s22, s19, $0xb8;
	[tilespmem:$0x1EE00] =	vst v63  }
0x6f: {  	_ = 	snop  }
0x70: {  	[spmem:s3] =	stream.indirect.scatter.add.f32 [tilespmem:s20], [sflag:$0x4], $0x20, s23, s19, $0xb8;
	[tilespmem:$0x1EE00] =	vst v63  }
0x71: {  	_ =	swait.ge [sflag:s15], $0x8000  }
0x72: {  	[sflag:s15] =	ssyncset.done $0x0  }
0x73: {  	[sflag:s15] =	ssyncadd.s32 $0xFFFF8000  }
0x74: {  	_ =	swait.ge [sflag:s16], $0x8000  }
0x75: {  	[sflag:s16] =	ssyncset.done $0x0  }
0x76: {  	[sflag:s16] =	ssyncadd.s32 $0xFFFF8000  }
0x77: {  	[tilespmem:s20], [sflag:$0x2] =	stream.indirect.gather [spmem:s2], $0x20, s25, s19, $0xb8;
	[tilespmem:$0x1EE00] =	vst v63  }
0x78: {  	_ = 	snop  }
0x79: {  	[spmem:s3] =	stream.indirect.scatter.add.f32 [tilespmem:s14], [sflag:$0x4], $0x20, s26, s19, $0xb8;
	[tilespmem:$0x1EE00] =	vst v63  }
0x7a: {  	_ =	swait.ge [sflag:s15], $0x8000  }
0x7b: {  	[sflag:s15] =	ssyncset.done $0x0  }
0x7c: {  	[sflag:s15] =	ssyncadd.s32 $0xFFFF8000  }
0x7d: {  	_ =	swait.ge [sflag:s17], $0x8000  }
0x7e: {  	[sflag:s17] =	ssyncset.done $0x0  }
0x7f: {  	[sflag:s17] =	ssyncadd.s32 $0xFFFF8000  }
0x80: {  	[spmem:s3] =	stream.indirect.scatter.add.f32 [tilespmem:s20], [sflag:$0x4], $0x20, s28, s19, $0xb8;
	[tilespmem:$0x1EE00] =	vst v63  }
0x81: {  	_ =	swait.ge [sflag:s15], $0x8000  }
0x82: {  	s29 =	sadd.s32 $0x1, s29;
	[sflag:s15] =	ssyncset.done $0x0  }
0x83: {  	p0 =	sne.s32 s29, s11;
	s31 =	sor.u32 $0x1C04, s7;
	[sflag:s15] =	ssyncadd.s32 $0xFFFF8000  }
.Ltmp1:
0x84: {  	s30 =	sshrl.u32 s10, $0x3;
	[bflag:$0x0] =	sbarrier.arrive $0xFFFF;
	(pc) =	sbr.rel @p0 .LBB2_1-.Ltmp1, $4  }
0x85: {  	[hbm:s24], [sflag:s31] =	dma.local [spmem:s30], $0x9E0  }
0x86: {  	_ =	swait.ge [sflag:s15], $0x9E0  }
0x87: {  	[sflag:s15] =	ssyncset.done $0x0  }
0x88: {  	[sflag:s15] =	ssyncadd.s32 $0xFFFFF620  }
0x89: {  	_ =	sfence.sel $0x180000  }
0x8a: {  	[bflag:$0x0] =	sbarrier.arrive $0xFFFF  }
0x8b: {  	_ =	strace $0x90000047  }
0x8c: {  	s0 =	stileid.u32;
	[bflag:$0x2] =	sbarrier.arrive $0xFFFF  }
0x8d: {  	p0 =	sne.s32 s0, $0x0;
	s0 =	rddreg [dreg:$0x3]  }
0x8e: {  	s0 =	sadd.s32 @!p0 $0x100000, s0  }
0x8f: {  	[sflag:s0] =	ssyncadd.tile.s32 @!p0 $0x1;
	_ =	shalt  }
.Lfunc_end2:
_tile_overlayer_lowered:
.L_overlay_start_2:
0x90: {  	(tag) =	ssettag $0x2  }
0x91: {  	s0 =	rddreg [dreg:$0x0];
	s2 =	stileid.u32  }
0x92: {  	s1 =	rddreg [dreg:$0x1];
	p0 =	sne.s32 s2, $0x0  }
0x93: {  	s3 =	rddreg [dreg:$0x2];
	[bflag:$0x3] =	sbarrier.arrive $0xFFFF;
	s2 =	simm.s32 @!p0 $0x1C04  }
0x94: {  	[timem:s3], [sflag:s2] =	dma.local @!p0 [hbm:s0], s1  }
0x95: {  	s0 =	simm.s32 @!p0 $0x4  }
0x96: {  	_ =	swait.ge @!p0 [sflag:s0], s1  }
0x97: {  	s1 =	ssub.s32 @!p0 $0x0, s1;
	[sflag:s0] =	ssyncset.done @!p0 $0x0  }
0x98: {  	[sflag:s0] =	ssyncadd.s32 @!p0 s1  }
0x99: {  	[bflag:$0x3] =	sbarrier.arrive $0xFFFF  }
0x9a: {  	_ =	shalt  }

</sc_bundles>
